<compile_context>
chip_gen: v7x
topology: tpu7x:2x2x1
jax: 0.10.2.dev20260603
libtpu: 0.0.44.dev20260713+nightly
codegen_flags: <defaults>
</compile_context>

<pallas_src>
import functools

import jax
import jax.numpy as jnp
from jax import lax
from jax.experimental import pallas as pl
from jax.experimental.pallas import tpu as pltpu
from jax.experimental.pallas import tpu_sc as plsc

N = 10000
NP = 10240
E = 320000
NC, NS = 2, 16
NW = NC * NS
KD = 128
CHD = 80
K = 128
CH = 80
NPASS = 2
EPW = CH * K
EP = NW * EPW
RPT = NP // NS
ZR = 16
BM = 2000
GRID = N // BM
RPO = N // NS

_mesh = plsc.VectorSubcoreMesh(
    core_axis_name="c", subcore_axis_name="s", num_cores=NC, num_subcores=NS)


@functools.partial(
    pl.kernel,
    out_type=jax.ShapeDtypeStruct((NC * NP,), jnp.float32),
    mesh=_mesh,
    scratch_types=[
        pltpu.VMEM((CHD, KD), jnp.int32),
        pltpu.VMEM((KD,), jnp.float32),
        pltpu.VMEM((NP // NS,), jnp.float32),
        pltpu.VMEM_SHARED((NP,), jnp.float32),
    ],
)
def _sc_degree(dst_hbm, out_hbm, didx, ones, zbuf, dacc):
    cid = lax.axis_index("c")
    sid = lax.axis_index("s")
    wid = sid * NC + cid
    epr = NP // NS

    for i in range(KD // 16):
        ones[pl.ds(i * 16, 16)] = jnp.ones((16,), jnp.float32)
    for i in range(epr // 16):
        zbuf[pl.ds(i * 16, 16)] = jnp.zeros((16,), jnp.float32)

    pltpu.sync_copy(zbuf, dacc.at[pl.ds(sid * epr, epr)])
    pltpu.sync_copy(dst_hbm.at[wid], didx)
    plsc.subcore_barrier()

    def body(c, _):
        pltpu.sync_copy(ones, dacc.at[didx.at[c]], add=True)
        return _
    lax.fori_loop(0, CHD, body, None)
    plsc.subcore_barrier()
    pltpu.sync_copy(dacc.at[pl.ds(sid * epr, epr)],
                    out_hbm.at[pl.ds(cid * NP + sid * epr, epr)])


PCH = CH // NPASS


@functools.partial(
    pl.kernel,
    out_type=jax.ShapeDtypeStruct((NC, N, 128), jnp.float32),
    mesh=_mesh,
    scratch_types=[
        pltpu.VMEM((PCH, K), jnp.int32),
        pltpu.VMEM((PCH, K), jnp.int32),
        pltpu.VMEM((K, 128), jnp.float32),
        pltpu.VMEM((K, 128), jnp.float32),
        pltpu.VMEM_SHARED((NP, 128), jnp.float32),
        pltpu.SemaphoreType.DMA,
        pltpu.SemaphoreType.DMA,
    ],
)
def _sc_aggregate(y_hbm, src_hbm, dst_hbm, out_hbm,
                  sidx, didx, rows0, rows1, acc, g0, g1):
    cid = lax.axis_index("c")
    sid = lax.axis_index("s")
    wid = sid * NC + cid

    pltpu.async_copy(src_hbm.at[wid, 0], sidx, g0)
    pltpu.async_copy(dst_hbm.at[wid, 0], didx, g1)

    def zfill(i, _):
        r = i // 8
        col = (i % 8) * 16
        rows0[r, pl.ds(col, 16)] = jnp.zeros((16,), jnp.float32)
        return _
    lax.fori_loop(0, K * 8, zfill, None)
    zbase = sid * (NP // NS)
    for rep in range(NP // NS // K):
        pltpu.sync_copy(rows0, acc.at[pl.ds(zbase + rep * K, K)])
    pltpu.make_async_copy(src_hbm.at[wid, 0], sidx, g0).wait()
    pltpu.make_async_copy(dst_hbm.at[wid, 0], didx, g1).wait()
    plsc.subcore_barrier()

    gdummy = y_hbm.at[pl.ds(0, K)]
    for p in range(NPASS):
        if p > 0:
            pltpu.sync_copy(src_hbm.at[wid, p], sidx)
            pltpu.sync_copy(dst_hbm.at[wid, p], didx)
        pltpu.async_copy(y_hbm.at[sidx.at[0]], rows0, g0)

        def body(g, _):
            c = g * 2
            pltpu.async_copy(y_hbm.at[sidx.at[c + 1]], rows1, g1)
            pltpu.make_async_copy(gdummy, rows0, g0).wait()
            pltpu.sync_copy(rows0, acc.at[didx.at[c]], add=True)

            @pl.when(c + 2 < PCH)
            def _():
                pltpu.async_copy(y_hbm.at[sidx.at[c + 2]], rows0, g0)

            pltpu.make_async_copy(gdummy, rows1, g1).wait()
            pltpu.sync_copy(rows1, acc.at[didx.at[c + 1]], add=True)
            return _
        lax.fori_loop(0, PCH // 2, body, None)
    plsc.subcore_barrier()

    @pl.when(sid < 14)
    def _():
        pltpu.sync_copy(acc.at[pl.ds(sid * 632, 632)],
                        out_hbm.at[cid, pl.ds(sid * 632, 632)])

    @pl.when(sid >= 14)
    def _():
        base = 14 * 632 + (sid - 14) * 576
        pltpu.sync_copy(acc.at[pl.ds(base, 576)],
                        out_hbm.at[cid, pl.ds(base, 576)])


def _tc_first_body(degp_ref, x_ref, w_ref, dinv_ref, y_ref):
    deg = degp_ref[0] + degp_ref[1] + 1.0
    dinv = lax.rsqrt(deg)
    dinv_ref[...] = dinv
    y_ref[...] = dinv * jnp.dot(x_ref[...], w_ref[...],
                                preferred_element_type=jnp.float32)


def _tc_first(degp, x, w):
    return pl.pallas_call(
        _tc_first_body,
        grid=(GRID,),
        in_specs=[
            pl.BlockSpec((NC, BM, 1), lambda i: (0, i, 0)),
            pl.BlockSpec((BM, 128), lambda i: (i, 0)),
            pl.BlockSpec((128, 128), lambda i: (0, 0)),
        ],
        out_specs=[
            pl.BlockSpec((BM, 1), lambda i: (i, 0)),
            pl.BlockSpec((BM, 128), lambda i: (i, 0)),
        ],
        out_shape=[
            jax.ShapeDtypeStruct((N, 1), jnp.float32),
            jax.ShapeDtypeStruct((N, 128), jnp.float32),
        ],
    )(degp, x, w)


def _tc_mid_body(sp_ref, y_ref, dinv_ref, b_ref, w_ref, ynext_ref, csum_ref):
    i = pl.program_id(0)
    s = sp_ref[0] + sp_ref[1] + y_ref[...]
    h = jnp.maximum(s * dinv_ref[...] + b_ref[...], 0.0)
    psum = jnp.broadcast_to(jnp.sum(h, axis=0, keepdims=True), (8, 128))

    @pl.when(i == 0)
    def _():
        csum_ref[...] = psum

    @pl.when(i > 0)
    def _():
        csum_ref[...] += psum

    ynext_ref[...] = dinv_ref[...] * jnp.dot(
        h, w_ref[...], preferred_element_type=jnp.float32)


def _tc_mid(sp, y, dinv, b, w):
    return pl.pallas_call(
        _tc_mid_body,
        grid=(GRID,),
        in_specs=[
            pl.BlockSpec((NC, BM, 128), lambda i: (0, i, 0)),
            pl.BlockSpec((BM, 128), lambda i: (i, 0)),
            pl.BlockSpec((BM, 1), lambda i: (i, 0)),
            pl.BlockSpec((1, 128), lambda i: (0, 0)),
            pl.BlockSpec((128, 128), lambda i: (0, 0)),
        ],
        out_specs=[
            pl.BlockSpec((BM, 128), lambda i: (i, 0)),
            pl.BlockSpec((8, 128), lambda i: (0, 0)),
        ],
        out_shape=[
            jax.ShapeDtypeStruct((N, 128), jnp.float32),
            jax.ShapeDtypeStruct((8, 128), jnp.float32),
        ],
    )(sp, y, dinv, b, w)


def _tc_last_body(sp_ref, y_ref, dinv_ref, b_ref, c1_ref, c2_ref,
                  a1_ref, a2_ref, a3_ref, l1b_ref, l2w_ref, l2b_ref,
                  out_ref, acc_ref):
    i = pl.program_id(0)
    s = sp_ref[0] + sp_ref[1] + y_ref[...]
    h = jnp.maximum(s * dinv_ref[...] + b_ref[...], 0.0)
    psum = jnp.broadcast_to(jnp.sum(h, axis=0, keepdims=True), (8, 128))

    @pl.when(i == 0)
    def _():
        acc_ref[...] = psum

    @pl.when(i > 0)
    def _():
        acc_ref[...] += psum

    @pl.when(i == GRID - 1)
    def _():
        inv = jnp.float32(1.0 / N)
        p1 = c1_ref[...] * inv
        p2 = c2_ref[...] * inv
        p3 = acc_ref[...] * inv
        t = (jnp.dot(p1, a1_ref[...], preferred_element_type=jnp.float32)
             + jnp.dot(p2, a2_ref[...], preferred_element_type=jnp.float32)
             + jnp.dot(p3, a3_ref[...], preferred_element_type=jnp.float32)
             + l1b_ref[...])
        t = jnp.maximum(t, 0.0)
        o = jnp.dot(t, l2w_ref[...], preferred_element_type=jnp.float32) \
            + l2b_ref[...]
        out_ref[...] = o[0:1, 0:16]


def _tc_last(sp, y, dinv, b, c1, c2, a1, a2, a3, l1b, l2w_pad, l2b_pad):
    return pl.pallas_call(
        _tc_last_body,
        grid=(GRID,),
        in_specs=[
            pl.BlockSpec((NC, BM, 128), lambda i: (0, i, 0)),
            pl.BlockSpec((BM, 128), lambda i: (i, 0)),
            pl.BlockSpec((BM, 1), lambda i: (i, 0)),
            pl.BlockSpec((1, 128), lambda i: (0, 0)),
            pl.BlockSpec((8, 128), lambda i: (0, 0)),
            pl.BlockSpec((8, 128), lambda i: (0, 0)),
            pl.BlockSpec((128, 128), lambda i: (0, 0)),
            pl.BlockSpec((128, 128), lambda i: (0, 0)),
            pl.BlockSpec((128, 128), lambda i: (0, 0)),
            pl.BlockSpec((1, 128), lambda i: (0, 0)),
            pl.BlockSpec((128, 128), lambda i: (0, 0)),
            pl.BlockSpec((1, 128), lambda i: (0, 0)),
        ],
        out_specs=pl.BlockSpec((1, 16), lambda i: (0, 0)),
        out_shape=jax.ShapeDtypeStruct((1, 16), jnp.float32),
        scratch_shapes=[pltpu.VMEM((8, 128), jnp.float32)],
    )(sp, y, dinv, b, c1, c2, a1, a2, a3, l1b, l2w_pad, l2b_pad)


def kernel(x, edge_index, batch, W1, b1, W2, b2, W3, b3,
           lin1_W, lin1_b, lin2_W, lin2_b):
    src = edge_index[0].astype(jnp.int32)
    dst = edge_index[1].astype(jnp.int32)
    pad = EP - E
    fill = jnp.arange(pad, dtype=jnp.int32)
    src_pad = jnp.concatenate([src, fill % 16])
    dst_pad = jnp.concatenate([dst, N + fill % (NP - N)])
    src3 = src_pad.reshape(NW, NPASS, PCH, K)
    dst3 = dst_pad.reshape(NW, NPASS, PCH, K)
    dst3d = dst_pad.reshape(NW, CHD, KD)

    degp = _sc_degree(dst3d).reshape(NC, NP)[:, :N, None]
    dinv, y1 = _tc_first(degp, x, W1)

    s1 = _sc_aggregate(y1, src3, dst3)
    y2, c1 = _tc_mid(s1, y1, dinv, b1.reshape(1, 128), W2)

    s2 = _sc_aggregate(y2, src3, dst3)
    y3, c2 = _tc_mid(s2, y2, dinv, b2.reshape(1, 128), W3)

    s3 = _sc_aggregate(y3, src3, dst3)
    a1, a2, a3 = (lin1_W[0:128], lin1_W[128:256], lin1_W[256:384])
    l2w_pad = jnp.pad(lin2_W, ((0, 0), (0, 112)))
    l2b_pad = jnp.pad(lin2_b, (0, 112)).reshape(1, 128)
    out = _tc_last(s3, y3, dinv, b3.reshape(1, 128), c1, c2,
                   a1, a2, a3, lin1_b.reshape(1, 128), l2w_pad, l2b_pad)
    return out

# --- scband reference (transcript-rebuilt; emitter-appended) ---
"""Pipeline reference for scband-gcn-54331336295017 (READ-ONLY COPY).

The authoritative reference and input builder live on the scoring server;
editing this copy changes nothing except your own understanding.
"""

import jax, jax.numpy as jnp
import numpy as np

N = 10000
E = 320000
F_IN = 128
H = 128
C = 16
NUM_LAYERS = 3


def glorot(key, shape):
    fan_in, fan_out = shape[0], shape[1]
    limit = np.sqrt(6.0 / (fan_in + fan_out))
    return jax.random.uniform(key, shape, jnp.float32, -limit, limit)


def gcn_conv(x, edge_index, W, b):
    num_nodes = x.shape[0]
    src = edge_index[0]
    dst = edge_index[1]
    # add self-loops (PyG GCNConv default)
    loop = jnp.arange(num_nodes, dtype=src.dtype)
    src = jnp.concatenate([src, loop])
    dst = jnp.concatenate([dst, loop])
    # symmetric normalization D^{-1/2} (A+I) D^{-1/2}
    deg = jnp.zeros((num_nodes,), jnp.float32).at[dst].add(1.0)
    dinv = jnp.where(deg > 0, deg ** -0.5, 0.0)
    norm = dinv[src] * dinv[dst]
    xw = x @ W
    msg = xw[src] * norm[:, None]
    out = jnp.zeros((num_nodes, W.shape[1]), jnp.float32).at[dst].add(msg)
    return out + b


def setup_inputs(seed: int = 0) -> dict:
    key = jax.random.key(seed)
    ks = jax.random.split(key, 16)
    x = jax.random.normal(ks[0], (N, F_IN), jnp.float32)
    edge_index = jax.random.randint(ks[1], (2, E), 0, N)
    batch = jnp.zeros((N,), jnp.int32)
    W1 = glorot(ks[2], (F_IN, H)); b1 = jnp.zeros((H,), jnp.float32)
    W2 = glorot(ks[3], (H, H)); b2 = jnp.zeros((H,), jnp.float32)
    W3 = glorot(ks[4], (H, H)); b3 = jnp.zeros((H,), jnp.float32)
    lin1_W = glorot(ks[5], (NUM_LAYERS * H, H)); lin1_b = jnp.zeros((H,), jnp.float32)
    lin2_W = glorot(ks[6], (H, C)); lin2_b = jnp.zeros((C,), jnp.float32)
    return {
        "x": x, "edge_index": edge_index, "batch": batch,
        "W1": W1, "b1": b1, "W2": W2, "b2": b2, "W3": W3, "b3": b3,
        "lin1_W": lin1_W, "lin1_b": lin1_b, "lin2_W": lin2_W, "lin2_b": lin2_b,
    }


def reference(x, edge_index, batch, W1, b1, W2, b2, W3, b3, lin1_W, lin1_b, lin2_W, lin2_b):
    num_nodes = x.shape[0]
    h1 = jax.nn.relu(gcn_conv(x, edge_index, W1, b1))
    h2 = jax.nn.relu(gcn_conv(h1, edge_index, W2, b2))
    h3 = jax.nn.relu(gcn_conv(h2, edge_index, W3, b3))
    xcat = jnp.concatenate([h1, h2, h3], axis=1)
    num_graphs = 1
    sums = jax.ops.segment_sum(xcat, batch, num_segments=num_graphs)
    counts = jax.ops.segment_sum(jnp.ones((num_nodes,), jnp.float32), batch, num_segments=num_graphs)
    pooled = sums / jnp.maximum(counts, 1.0)[:, None]
    out = jax.nn.relu(pooled @ lin1_W + lin1_b)
    # dropout p=0.5 is identity in eval mode
    out = out @ lin2_W + lin2_b
    return out

if __name__ == "__main__":
    import jax
    _d = setup_inputs()
    print(jax.jit(kernel)(*tuple(_d.values())))

</pallas_src>

<mosaic_0001>
#map = affine_map<(d0, d1) -> (0, 0)>
#map1 = affine_map<(d0, d1) -> (0, 0, 0, 0)>
#map2 = affine_map<(d0, d1) -> (0, 0, 0)>
module attributes {stable_mosaic.version = 14 : i64} {
  func.func @_sc_aggregate(%arg0: i32, %arg1: i32, %arg2: memref<10000x128xf32, #tpu.memory_space<hbm>>, %arg3: memref<32x2x40x128xi32, #tpu.memory_space<hbm>>, %arg4: memref<32x2x40x128xi32, #tpu.memory_space<hbm>>, %arg5: memref<2x10000x128xf32, #tpu.memory_space<hbm>>, %arg6: memref<40x128xi32, #tpu.memory_space<vmem>>, %arg7: memref<40x128xi32, #tpu.memory_space<vmem>>, %arg8: memref<128x128xf32, #tpu.memory_space<vmem>>, %arg9: memref<128x128xf32, #tpu.memory_space<vmem>>, %arg10: memref<10240x128xf32, #tpu.memory_space<vmem_shared>>, %arg11: memref<!tpu.dma_semaphore, #tpu.memory_space<semaphore_mem>>, %arg12: memref<!tpu.dma_semaphore, #tpu.memory_space<semaphore_mem>>) attributes {dimension_semantics = [#tpu.dimension_semantics<core_parallel>, #tpu.dimension_semantics<subcore_parallel>], iteration_bounds = array<i64: 2, 16>, scalar_prefetch = 0 : i64, scratch_operands = 7 : i64, tpu.core_type = #tpu.core_type<sc_vector_subcore>, window_params = [{transform_indices = #map}, {transform_indices = #map1}, {transform_indices = #map1}, {transform_indices = #map2}]} {
    %mul3A = arith.constant 2 : i32
    %mul3A_0 = arith.muli %arg1, %mul3A : i32
    %add3A = arith.addi %mul3A_0, %arg0 : i32
    %dma_start3A = arith.constant 0 : i32
    %dma_start3A_1 = arith.constant 0 : i32
    %dma_start3A_2 = arith.constant 0 : i32
    %dma_start3A_3 = tpu.memref_slice %arg3[%add3A, %dma_start3A, %dma_start3A_1, %dma_start3A_2] : memref<32x2x40x128xi32, #tpu.memory_space<hbm>> -> memref<1x1x40x128xi32, #tpu.memory_space<hbm>>
    %dma_start3A_4 = tpu.memref_squeeze %dma_start3A_3 : memref<1x1x40x128xi32, #tpu.memory_space<hbm>> -> memref<40x128xi32, #tpu.memory_space<hbm>>
    %dma_start3A_5 = arith.constant 0 : i32
    %dma_start3A_6 = arith.constant 0 : i32
    %dma_start3A_7 = tpu.memref_slice %arg3[%add3A, %dma_start3A, %dma_start3A_5, %dma_start3A_6] : memref<32x2x40x128xi32, #tpu.memory_space<hbm>> -> memref<1x1x40x128xi32, #tpu.memory_space<hbm>>
    %dma_start3A_8 = tpu.memref_squeeze %dma_start3A_7 : memref<1x1x40x128xi32, #tpu.memory_space<hbm>> -> memref<40x128xi32, #tpu.memory_space<hbm>>
    tpu.enqueue_dma source(%dma_start3A_8 : memref<40x128xi32, #tpu.memory_space<hbm>>) target(%arg6 : memref<40x128xi32, #tpu.memory_space<vmem>>) target_semaphore(%arg11 : memref<!tpu.dma_semaphore, #tpu.memory_space<semaphore_mem>>)
    %dma_start3A_9 = arith.constant 0 : i32
    %dma_start3A_10 = arith.constant 0 : i32
    %dma_start3A_11 = arith.constant 0 : i32
    %dma_start3A_12 = tpu.memref_slice %arg4[%add3A, %dma_start3A_9, %dma_start3A_10, %dma_start3A_11] : memref<32x2x40x128xi32, #tpu.memory_space<hbm>> -> memref<1x1x40x128xi32, #tpu.memory_space<hbm>>
    %dma_start3A_13 = tpu.memref_squeeze %dma_start3A_12 : memref<1x1x40x128xi32, #tpu.memory_space<hbm>> -> memref<40x128xi32, #tpu.memory_space<hbm>>
    %dma_start3A_14 = arith.constant 0 : i32
    %dma_start3A_15 = arith.constant 0 : i32
    %dma_start3A_16 = tpu.memref_slice %arg4[%add3A, %dma_start3A_9, %dma_start3A_14, %dma_start3A_15] : memref<32x2x40x128xi32, #tpu.memory_space<hbm>> -> memref<1x1x40x128xi32, #tpu.memory_space<hbm>>
    %dma_start3A_17 = tpu.memref_squeeze %dma_start3A_16 : memref<1x1x40x128xi32, #tpu.memory_space<hbm>> -> memref<40x128xi32, #tpu.memory_space<hbm>>
    tpu.enqueue_dma source(%dma_start3A_17 : memref<40x128xi32, #tpu.memory_space<hbm>>) target(%arg7 : memref<40x128xi32, #tpu.memory_space<vmem>>) target_semaphore(%arg12 : memref<!tpu.dma_semaphore, #tpu.memory_space<semaphore_mem>>)
    %scan3A = arith.constant 0 : i32
    %scan3A_18 = arith.constant 1024 : i32
    %scan3A_19 = arith.addi %scan3A, %scan3A_18 : i32
    %scan3A_20 = arith.constant 1 : i32
    scf.for %scan3A_83 = %scan3A to %scan3A_19 step %scan3A_20  : i32 {
      %jit3A = arith.constant 8 : i32
      %div3A = arith.divsi %scan3A_83, %jit3A : i32
      %sign3A = arith.constant 0 : i32
      %sign3A_84 = arith.cmpi sgt, %scan3A_83, %sign3A : i32
      %sign3A_85 = arith.extui %sign3A_84 : i1 to i32
      %sign3A_86 = arith.constant 0 : i32
      %sign3A_87 = arith.cmpi slt, %scan3A_83, %sign3A_86 : i32
      %sign3A_88 = arith.extui %sign3A_87 : i1 to i32
      %sign3A_89 = arith.subi %sign3A_85, %sign3A_88 : i32
      %sign3A_90 = arith.constant 0 : i32
      %sign3A_91 = arith.cmpi sgt, %jit3A, %sign3A_90 : i32
      %sign3A_92 = arith.extui %sign3A_91 : i1 to i32
      %sign3A_93 = arith.constant 0 : i32
      %sign3A_94 = arith.cmpi slt, %jit3A, %sign3A_93 : i32
      %sign3A_95 = arith.extui %sign3A_94 : i1 to i32
      %sign3A_96 = arith.subi %sign3A_92, %sign3A_95 : i32
      %ne3A = arith.cmpi ne, %sign3A_89, %sign3A_96 : i32
      %rem3A = arith.remsi %scan3A_83, %jit3A : i32
      %ne3A_97 = arith.constant 0 : i32
      %ne3A_98 = arith.cmpi ne, %rem3A, %ne3A_97 : i32
      %and3A = arith.andi %ne3A, %ne3A_98 : i1
      %sub3A = arith.constant 1 : i32
      %sub3A_99 = arith.subi %div3A, %sub3A : i32
      %select_n3A = arith.select %and3A, %sub3A_99, %div3A : i32
      %jit3A_100 = arith.constant 8 : i32
      %eq3A = arith.constant 0 : i32
      %eq3A_101 = arith.cmpi eq, %jit3A_100, %eq3A : i32
      %jit3A_102 = arith.constant 1 : i32
      %select_n3A_103 = arith.select %eq3A_101, %jit3A_102, %jit3A_100 : i32
      %rem3A_104 = arith.remsi %scan3A_83, %select_n3A_103 : i32
      %ne3A_105 = arith.constant 0 : i32
      %ne3A_106 = arith.cmpi ne, %rem3A_104, %ne3A_105 : i32
      %lt3A_107 = arith.constant 0 : i32
      %lt3A_108 = arith.cmpi slt, %rem3A_104, %lt3A_107 : i32
      %lt3A_109 = arith.constant 0 : i32
      %lt3A_110 = arith.cmpi slt, %select_n3A_103, %lt3A_109 : i32
      %ne3A_111 = arith.xori %lt3A_108, %lt3A_110 : i1
      %and3A_112 = arith.andi %ne3A_111, %ne3A_106 : i1
      %add3A_113 = arith.addi %rem3A_104, %select_n3A_103 : i32
      %select_n3A_114 = arith.select %and3A_112, %add3A_113, %rem3A_104 : i32
      %mul3A_115 = arith.constant 16 : i32
      %mul3A_116 = arith.muli %select_n3A_114, %mul3A_115 : i32
      %broadcast_in_dim3A = arith.constant 0.000000e+00 : f32
      %broadcast_in_dim3A_117 = vector.broadcast %broadcast_in_dim3A : f32 to vector<16xf32>
      %swap3A = arith.index_cast %select_n3A : i32 to index
      %swap3A_118 = arith.index_cast %mul3A_116 : i32 to index
      %swap3A_119 = tpu.vector_load %arg8[%swap3A, %swap3A_118] {strides = array<i32>} : memref<128x128xf32, #tpu.memory_space<vmem>>, vector<1x16xf32>,
      %swap3A_120 = vector.shape_cast %swap3A_119 : vector<1x16xf32> to vector<16xf32>
      %swap3A_121 = vector.shape_cast %broadcast_in_dim3A_117 : vector<16xf32> to vector<1x16xf32>
      tpu.vector_store %arg8[%swap3A, %swap3A_118], %swap3A_121 {strides = array<i32>} : memref<128x128xf32, #tpu.memory_space<vmem>>, vector<1x16xf32>,
    }
    %scan3A_21 = arith.constant 1024 : i32
    %mul3A_22 = arith.constant 640 : i32
    %mul3A_23 = arith.muli %arg1, %mul3A_22 : i32
    %add3A_24 = arith.constant 0 : i32
    %add3A_25 = arith.addi %mul3A_23, %add3A_24 : i32
    "tpu.region"() ({
      %run_scoped3A_83 = tpu.sem_alloc : memref<!tpu.dma_semaphore, #tpu.memory_space<semaphore_mem>>
      %dma_start3A_84 = arith.constant 0 : i32
      %dma_start3A_85 = tpu.memref_slice %arg10[%add3A_25, %dma_start3A_84] : memref<10240x128xf32, #tpu.memory_space<vmem_shared>> -> memref<128x128xf32, #tpu.memory_space<vmem_shared>>
      %dma_start3A_86 = arith.constant 0 : i32
      %dma_start3A_87 = tpu.memref_slice %arg10[%add3A_25, %dma_start3A_86] : memref<10240x128xf32, #tpu.memory_space<vmem_shared>> -> memref<128x128xf32, #tpu.memory_space<vmem_shared>>
      tpu.enqueue_dma source(%arg8 : memref<128x128xf32, #tpu.memory_space<vmem>>) target(%dma_start3A_87 : memref<128x128xf32, #tpu.memory_space<vmem_shared>>) target_semaphore(%run_scoped3A_83 : memref<!tpu.dma_semaphore, #tpu.memory_space<semaphore_mem>>)
      %dma_wait3A_88 = arith.constant 0 : i32
      %dma_wait3A_89 = tpu.memref_slice %arg10[%add3A_25, %dma_wait3A_88] : memref<10240x128xf32, #tpu.memory_space<vmem_shared>> -> memref<128x128xf32, #tpu.memory_space<vmem_shared>>
      %dma_wait3A_90 = arith.constant 0 : i32
      %dma_wait3A_91 = tpu.memref_slice %arg10[%add3A_25, %dma_wait3A_90] : memref<10240x128xf32, #tpu.memory_space<vmem_shared>> -> memref<128x128xf32, #tpu.memory_space<vmem_shared>>
      tpu.wait_dma2 semaphore(%run_scoped3A_83 : memref<!tpu.dma_semaphore, #tpu.memory_space<semaphore_mem>>) src(%arg8 : memref<128x128xf32, #tpu.memory_space<vmem>>) dst(%dma_wait3A_91 : memref<128x128xf32, #tpu.memory_space<vmem_shared>>)
      tpu.yield
    }) : () -> ()
    %add3A_26 = arith.constant 128 : i32
    %add3A_27 = arith.addi %mul3A_23, %add3A_26 : i32
    "tpu.region"() ({
      %run_scoped3A_83 = tpu.sem_alloc : memref<!tpu.dma_semaphore, #tpu.memory_space<semaphore_mem>>
      %dma_start3A_84 = arith.constant 0 : i32
      %dma_start3A_85 = tpu.memref_slice %arg10[%add3A_27, %dma_start3A_84] : memref<10240x128xf32, #tpu.memory_space<vmem_shared>> -> memref<128x128xf32, #tpu.memory_space<vmem_shared>>
      %dma_start3A_86 = arith.constant 0 : i32
      %dma_start3A_87 = tpu.memref_slice %arg10[%add3A_27, %dma_start3A_86] : memref<10240x128xf32, #tpu.memory_space<vmem_shared>> -> memref<128x128xf32, #tpu.memory_space<vmem_shared>>
      tpu.enqueue_dma source(%arg8 : memref<128x128xf32, #tpu.memory_space<vmem>>) target(%dma_start3A_87 : memref<128x128xf32, #tpu.memory_space<vmem_shared>>) target_semaphore(%run_scoped3A_83 : memref<!tpu.dma_semaphore, #tpu.memory_space<semaphore_mem>>)
      %dma_wait3A_88 = arith.constant 0 : i32
      %dma_wait3A_89 = tpu.memref_slice %arg10[%add3A_27, %dma_wait3A_88] : memref<10240x128xf32, #tpu.memory_space<vmem_shared>> -> memref<128x128xf32, #tpu.memory_space<vmem_shared>>
      %dma_wait3A_90 = arith.constant 0 : i32
      %dma_wait3A_91 = tpu.memref_slice %arg10[%add3A_27, %dma_wait3A_90] : memref<10240x128xf32, #tpu.memory_space<vmem_shared>> -> memref<128x128xf32, #tpu.memory_space<vmem_shared>>
      tpu.wait_dma2 semaphore(%run_scoped3A_83 : memref<!tpu.dma_semaphore, #tpu.memory_space<semaphore_mem>>) src(%arg8 : memref<128x128xf32, #tpu.memory_space<vmem>>) dst(%dma_wait3A_91 : memref<128x128xf32, #tpu.memory_space<vmem_shared>>)
      tpu.yield
    }) : () -> ()
    %add3A_28 = arith.constant 256 : i32
    %add3A_29 = arith.addi %mul3A_23, %add3A_28 : i32
    "tpu.region"() ({
      %run_scoped3A_83 = tpu.sem_alloc : memref<!tpu.dma_semaphore, #tpu.memory_space<semaphore_mem>>
      %dma_start3A_84 = arith.constant 0 : i32
      %dma_start3A_85 = tpu.memref_slice %arg10[%add3A_29, %dma_start3A_84] : memref<10240x128xf32, #tpu.memory_space<vmem_shared>> -> memref<128x128xf32, #tpu.memory_space<vmem_shared>>
      %dma_start3A_86 = arith.constant 0 : i32
      %dma_start3A_87 = tpu.memref_slice %arg10[%add3A_29, %dma_start3A_86] : memref<10240x128xf32, #tpu.memory_space<vmem_shared>> -> memref<128x128xf32, #tpu.memory_space<vmem_shared>>
      tpu.enqueue_dma source(%arg8 : memref<128x128xf32, #tpu.memory_space<vmem>>) target(%dma_start3A_87 : memref<128x128xf32, #tpu.memory_space<vmem_shared>>) target_semaphore(%run_scoped3A_83 : memref<!tpu.dma_semaphore, #tpu.memory_space<semaphore_mem>>)
      %dma_wait3A_88 = arith.constant 0 : i32
      %dma_wait3A_89 = tpu.memref_slice %arg10[%add3A_29, %dma_wait3A_88] : memref<10240x128xf32, #tpu.memory_space<vmem_shared>> -> memref<128x128xf32, #tpu.memory_space<vmem_shared>>
      %dma_wait3A_90 = arith.constant 0 : i32
      %dma_wait3A_91 = tpu.memref_slice %arg10[%add3A_29, %dma_wait3A_90] : memref<10240x128xf32, #tpu.memory_space<vmem_shared>> -> memref<128x128xf32, #tpu.memory_space<vmem_shared>>
      tpu.wait_dma2 semaphore(%run_scoped3A_83 : memref<!tpu.dma_semaphore, #tpu.memory_space<semaphore_mem>>) src(%arg8 : memref<128x128xf32, #tpu.memory_space<vmem>>) dst(%dma_wait3A_91 : memref<128x128xf32, #tpu.memory_space<vmem_shared>>)
      tpu.yield
    }) : () -> ()
    %add3A_30 = arith.constant 384 : i32
    %add3A_31 = arith.addi %mul3A_23, %add3A_30 : i32
    "tpu.region"() ({
      %run_scoped3A_83 = tpu.sem_alloc : memref<!tpu.dma_semaphore, #tpu.memory_space<semaphore_mem>>
      %dma_start3A_84 = arith.constant 0 : i32
      %dma_start3A_85 = tpu.memref_slice %arg10[%add3A_31, %dma_start3A_84] : memref<10240x128xf32, #tpu.memory_space<vmem_shared>> -> memref<128x128xf32, #tpu.memory_space<vmem_shared>>
      %dma_start3A_86 = arith.constant 0 : i32
      %dma_start3A_87 = tpu.memref_slice %arg10[%add3A_31, %dma_start3A_86] : memref<10240x128xf32, #tpu.memory_space<vmem_shared>> -> memref<128x128xf32, #tpu.memory_space<vmem_shared>>
      tpu.enqueue_dma source(%arg8 : memref<128x128xf32, #tpu.memory_space<vmem>>) target(%dma_start3A_87 : memref<128x128xf32, #tpu.memory_space<vmem_shared>>) target_semaphore(%run_scoped3A_83 : memref<!tpu.dma_semaphore, #tpu.memory_space<semaphore_mem>>)
      %dma_wait3A_88 = arith.constant 0 : i32
      %dma_wait3A_89 = tpu.memref_slice %arg10[%add3A_31, %dma_wait3A_88] : memref<10240x128xf32, #tpu.memory_space<vmem_shared>> -> memref<128x128xf32, #tpu.memory_space<vmem_shared>>
      %dma_wait3A_90 = arith.constant 0 : i32
      %dma_wait3A_91 = tpu.memref_slice %arg10[%add3A_31, %dma_wait3A_90] : memref<10240x128xf32, #tpu.memory_space<vmem_shared>> -> memref<128x128xf32, #tpu.memory_space<vmem_shared>>
      tpu.wait_dma2 semaphore(%run_scoped3A_83 : memref<!tpu.dma_semaphore, #tpu.memory_space<semaphore_mem>>) src(%arg8 : memref<128x128xf32, #tpu.memory_space<vmem>>) dst(%dma_wait3A_91 : memref<128x128xf32, #tpu.memory_space<vmem_shared>>)
      tpu.yield
    }) : () -> ()
    %add3A_32 = arith.constant 512 : i32
    %add3A_33 = arith.addi %mul3A_23, %add3A_32 : i32
    "tpu.region"() ({
      %run_scoped3A_83 = tpu.sem_alloc : memref<!tpu.dma_semaphore, #tpu.memory_space<semaphore_mem>>
      %dma_start3A_84 = arith.constant 0 : i32
      %dma_start3A_85 = tpu.memref_slice %arg10[%add3A_33, %dma_start3A_84] : memref<10240x128xf32, #tpu.memory_space<vmem_shared>> -> memref<128x128xf32, #tpu.memory_space<vmem_shared>>
      %dma_start3A_86 = arith.constant 0 : i32
      %dma_start3A_87 = tpu.memref_slice %arg10[%add3A_33, %dma_start3A_86] : memref<10240x128xf32, #tpu.memory_space<vmem_shared>> -> memref<128x128xf32, #tpu.memory_space<vmem_shared>>
      tpu.enqueue_dma source(%arg8 : memref<128x128xf32, #tpu.memory_space<vmem>>) target(%dma_start3A_87 : memref<128x128xf32, #tpu.memory_space<vmem_shared>>) target_semaphore(%run_scoped3A_83 : memref<!tpu.dma_semaphore, #tpu.memory_space<semaphore_mem>>)
      %dma_wait3A_88 = arith.constant 0 : i32
      %dma_wait3A_89 = tpu.memref_slice %arg10[%add3A_33, %dma_wait3A_88] : memref<10240x128xf32, #tpu.memory_space<vmem_shared>> -> memref<128x128xf32, #tpu.memory_space<vmem_shared>>
      %dma_wait3A_90 = arith.constant 0 : i32
      %dma_wait3A_91 = tpu.memref_slice %arg10[%add3A_33, %dma_wait3A_90] : memref<10240x128xf32, #tpu.memory_space<vmem_shared>> -> memref<128x128xf32, #tpu.memory_space<vmem_shared>>
      tpu.wait_dma2 semaphore(%run_scoped3A_83 : memref<!tpu.dma_semaphore, #tpu.memory_space<semaphore_mem>>) src(%arg8 : memref<128x128xf32, #tpu.memory_space<vmem>>) dst(%dma_wait3A_91 : memref<128x128xf32, #tpu.memory_space<vmem_shared>>)
      tpu.yield
    }) : () -> ()
    %dma_wait3A = arith.constant 0 : i32
    %dma_wait3A_34 = arith.constant 0 : i32
    %dma_wait3A_35 = arith.constant 0 : i32
    %dma_wait3A_36 = tpu.memref_slice %arg3[%add3A, %dma_wait3A, %dma_wait3A_34, %dma_wait3A_35] : memref<32x2x40x128xi32, #tpu.memory_space<hbm>> -> memref<1x1x40x128xi32, #tpu.memory_space<hbm>>
    %dma_wait3A_37 = tpu.memref_squeeze %dma_wait3A_36 : memref<1x1x40x128xi32, #tpu.memory_space<hbm>> -> memref<40x128xi32, #tpu.memory_space<hbm>>
    %dma_wait3A_38 = arith.constant 0 : i32
    %dma_wait3A_39 = arith.constant 0 : i32
    %dma_wait3A_40 = tpu.memref_slice %arg3[%add3A, %dma_wait3A, %dma_wait3A_38, %dma_wait3A_39] : memref<32x2x40x128xi32, #tpu.memory_space<hbm>> -> memref<1x1x40x128xi32, #tpu.memory_space<hbm>>
    %dma_wait3A_41 = tpu.memref_squeeze %dma_wait3A_40 : memref<1x1x40x128xi32, #tpu.memory_space<hbm>> -> memref<40x128xi32, #tpu.memory_space<hbm>>
    tpu.wait_dma2 semaphore(%arg11 : memref<!tpu.dma_semaphore, #tpu.memory_space<semaphore_mem>>) src(%dma_wait3A_41 : memref<40x128xi32, #tpu.memory_space<hbm>>) dst(%arg6 : memref<40x128xi32, #tpu.memory_space<vmem>>)
    %dma_wait3A_42 = arith.constant 0 : i32
    %dma_wait3A_43 = arith.constant 0 : i32
    %dma_wait3A_44 = arith.constant 0 : i32
    %dma_wait3A_45 = tpu.memref_slice %arg4[%add3A, %dma_wait3A_42, %dma_wait3A_43, %dma_wait3A_44] : memref<32x2x40x128xi32, #tpu.memory_space<hbm>> -> memref<1x1x40x128xi32, #tpu.memory_space<hbm>>
    %dma_wait3A_46 = tpu.memref_squeeze %dma_wait3A_45 : memref<1x1x40x128xi32, #tpu.memory_space<hbm>> -> memref<40x128xi32, #tpu.memory_space<hbm>>
    %dma_wait3A_47 = arith.constant 0 : i32
    %dma_wait3A_48 = arith.constant 0 : i32
    %dma_wait3A_49 = tpu.memref_slice %arg4[%add3A, %dma_wait3A_42, %dma_wait3A_47, %dma_wait3A_48] : memref<32x2x40x128xi32, #tpu.memory_space<hbm>> -> memref<1x1x40x128xi32, #tpu.memory_space<hbm>>
    %dma_wait3A_50 = tpu.memref_squeeze %dma_wait3A_49 : memref<1x1x40x128xi32, #tpu.memory_space<hbm>> -> memref<40x128xi32, #tpu.memory_space<hbm>>
    tpu.wait_dma2 semaphore(%arg12 : memref<!tpu.dma_semaphore, #tpu.memory_space<semaphore_mem>>) src(%dma_wait3A_50 : memref<40x128xi32, #tpu.memory_space<hbm>>) dst(%arg7 : memref<40x128xi32, #tpu.memory_space<vmem>>)
    %barrier3A = arith.constant 0 : index
    tpu.barrier barrier_id(%barrier3A)
    %dma_start3A_51 = arith.constant 0 : i32
    %dma_start3A_52 = arith.constant 0 : i32
    %dma_start3A_53 = tpu.memref_slice %arg6[%dma_start3A_51, %dma_start3A_52] : memref<40x128xi32, #tpu.memory_space<vmem>> -> memref<1x128xi32, #tpu.memory_space<vmem>>
    %dma_start3A_54 = tpu.memref_squeeze %dma_start3A_53 : memref<1x128xi32, #tpu.memory_space<vmem>> -> memref<128xi32, #tpu.memory_space<vmem>>
    %dma_start3A_55 = arith.constant 0 : i32
    %dma_start3A_56 = arith.constant 0 : i32
    %dma_start3A_57 = tpu.memref_slice %arg2[%dma_start3A_55, %dma_start3A_56] : memref<10000x128xf32, #tpu.memory_space<hbm>> -> memref<10000x128xf32, #tpu.memory_space<hbm>>
    tpu.enqueue_indirect_dma source(%dma_start3A_57 : memref<10000x128xf32, #tpu.memory_space<hbm>>) target(%arg8 : memref<128x128xf32, #tpu.memory_space<vmem>>) offsets(%dma_start3A_54 : memref<128xi32, #tpu.memory_space<vmem>>) semaphore(%arg11 : memref<!tpu.dma_semaphore, #tpu.memory_space<semaphore_mem>>)
    %scan3A_58 = arith.constant 0 : i32
    %scan3A_59 = arith.constant 20 : i32
    %scan3A_60 = arith.addi %scan3A_58, %scan3A_59 : i32
    %scan3A_61 = arith.constant 1 : i32
    scf.for %scan3A_83 = %scan3A_58 to %scan3A_60 step %scan3A_61  : i32 {
      %mul3A_84 = arith.constant 2 : i32
      %mul3A_85 = arith.muli %scan3A_83, %mul3A_84 : i32
      %add3A_86 = arith.constant 1 : i32
      %add3A_87 = arith.addi %mul3A_85, %add3A_86 : i32
      %dma_start3A_88 = arith.constant 0 : i32
      %dma_start3A_89 = tpu.memref_slice %arg6[%add3A_87, %dma_start3A_88] : memref<40x128xi32, #tpu.memory_space<vmem>> -> memref<1x128xi32, #tpu.memory_space<vmem>>
      %dma_start3A_90 = tpu.memref_squeeze %dma_start3A_89 : memref<1x128xi32, #tpu.memory_space<vmem>> -> memref<128xi32, #tpu.memory_space<vmem>>
      %dma_start3A_91 = arith.constant 0 : i32
      %dma_start3A_92 = arith.constant 0 : i32
      %dma_start3A_93 = tpu.memref_slice %arg2[%dma_start3A_91, %dma_start3A_92] : memref<10000x128xf32, #tpu.memory_space<hbm>> -> memref<10000x128xf32, #tpu.memory_space<hbm>>
      tpu.enqueue_indirect_dma source(%dma_start3A_93 : memref<10000x128xf32, #tpu.memory_space<hbm>>) target(%arg9 : memref<128x128xf32, #tpu.memory_space<vmem>>) offsets(%dma_start3A_90 : memref<128xi32, #tpu.memory_space<vmem>>) semaphore(%arg12 : memref<!tpu.dma_semaphore, #tpu.memory_space<semaphore_mem>>)
      %dma_wait3A_94 = arith.constant 0 : i32
      %dma_wait3A_95 = arith.constant 0 : i32
      %dma_wait3A_96 = tpu.memref_slice %arg2[%dma_wait3A_94, %dma_wait3A_95] : memref<10000x128xf32, #tpu.memory_space<hbm>> -> memref<128x128xf32, #tpu.memory_space<hbm>>
      %dma_wait3A_97 = arith.constant 0 : i32
      %dma_wait3A_98 = arith.constant 0 : i32
      %dma_wait3A_99 = tpu.memref_slice %arg2[%dma_wait3A_97, %dma_wait3A_98] : memref<10000x128xf32, #tpu.memory_space<hbm>> -> memref<128x128xf32, #tpu.memory_space<hbm>>
      tpu.wait_dma2 semaphore(%arg11 : memref<!tpu.dma_semaphore, #tpu.memory_space<semaphore_mem>>) src(%dma_wait3A_99 : memref<128x128xf32, #tpu.memory_space<hbm>>) dst(%arg8 : memref<128x128xf32, #tpu.memory_space<vmem>>)
      "tpu.region"() ({
        %run_scoped3A_115 = tpu.sem_alloc : memref<!tpu.dma_semaphore, #tpu.memory_space<semaphore_mem>>
        %dma_start3A_116 = arith.constant 0 : i32
        %dma_start3A_117 = tpu.memref_slice %arg7[%mul3A_85, %dma_start3A_116] : memref<40x128xi32, #tpu.memory_space<vmem>> -> memref<1x128xi32, #tpu.memory_space<vmem>>
        %dma_start3A_118 = tpu.memref_squeeze %dma_start3A_117 : memref<1x128xi32, #tpu.memory_space<vmem>> -> memref<128xi32, #tpu.memory_space<vmem>>
        %dma_start3A_119 = arith.constant 0 : i32
        %dma_start3A_120 = arith.constant 0 : i32
        %dma_start3A_121 = tpu.memref_slice %arg10[%dma_start3A_119, %dma_start3A_120] : memref<10240x128xf32, #tpu.memory_space<vmem_shared>> -> memref<10240x128xf32, #tpu.memory_space<vmem_shared>>
        tpu.enqueue_indirect_dma source(%arg8 : memref<128x128xf32, #tpu.memory_space<vmem>>) target(%dma_start3A_121 : memref<10240x128xf32, #tpu.memory_space<vmem_shared>>) offsets(%dma_start3A_118 : memref<128xi32, #tpu.memory_space<vmem>>) semaphore(%run_scoped3A_115 : memref<!tpu.dma_semaphore, #tpu.memory_space<semaphore_mem>>) {add = true}
        %dma_wait3A_122 = arith.constant 0 : i32
        %dma_wait3A_123 = tpu.memref_slice %arg7[%mul3A_85, %dma_wait3A_122] : memref<40x128xi32, #tpu.memory_space<vmem>> -> memref<1x128xi32, #tpu.memory_space<vmem>>
        %dma_wait3A_124 = tpu.memref_squeeze %dma_wait3A_123 : memref<1x128xi32, #tpu.memory_space<vmem>> -> memref<128xi32, #tpu.memory_space<vmem>>
        %dma_wait3A_125 = arith.constant 0 : i32
        %dma_wait3A_126 = arith.constant 0 : i32
        %dma_wait3A_127 = tpu.memref_slice %arg10[%dma_wait3A_125, %dma_wait3A_126] : memref<10240x128xf32, #tpu.memory_space<vmem_shared>> -> memref<10240x128xf32, #tpu.memory_space<vmem_shared>>
        tpu.wait_indirect_dma semaphore(%run_scoped3A_115 : memref<!tpu.dma_semaphore, #tpu.memory_space<semaphore_mem>>) src(%arg8 : memref<128x128xf32, #tpu.memory_space<vmem>>) dst(%dma_wait3A_127 : memref<10240x128xf32, #tpu.memory_space<vmem_shared>>)
        tpu.yield
      }) : () -> ()
      %add3A_100 = arith.constant 2 : i32
      %add3A_101 = arith.addi %mul3A_85, %add3A_100 : i32
      %lt3A_102 = arith.constant 40 : i32
      %lt3A_103 = arith.cmpi slt, %add3A_101, %lt3A_102 : i32
      %convert_element_type3A_104 = arith.extui %lt3A_103 : i1 to i32
      %cond3A_105 = arith.constant 0 : i32
      %cond3A_106 = arith.cmpi ne, %convert_element_type3A_104, %cond3A_105 : i32
      scf.if %cond3A_106 {
        %add3A_115 = arith.constant 2 : i32
        %add3A_116 = arith.addi %mul3A_85, %add3A_115 : i32
        %dma_start3A_117 = arith.constant 0 : i32
        %dma_start3A_118 = tpu.memref_slice %arg6[%add3A_116, %dma_start3A_117] : memref<40x128xi32, #tpu.memory_space<vmem>> -> memref<1x128xi32, #tpu.memory_space<vmem>>
        %dma_start3A_119 = tpu.memref_squeeze %dma_start3A_118 : memref<1x128xi32, #tpu.memory_space<vmem>> -> memref<128xi32, #tpu.memory_space<vmem>>
        %dma_start3A_120 = arith.constant 0 : i32
        %dma_start3A_121 = arith.constant 0 : i32
        %dma_start3A_122 = tpu.memref_slice %arg2[%dma_start3A_120, %dma_start3A_121] : memref<10000x128xf32, #tpu.memory_space<hbm>> -> memref<10000x128xf32, #tpu.memory_space<hbm>>
        tpu.enqueue_indirect_dma source(%dma_start3A_122 : memref<10000x128xf32, #tpu.memory_space<hbm>>) target(%arg8 : memref<128x128xf32, #tpu.memory_space<vmem>>) offsets(%dma_start3A_119 : memref<128xi32, #tpu.memory_space<vmem>>) semaphore(%arg11 : memref<!tpu.dma_semaphore, #tpu.memory_space<semaphore_mem>>)
      } else {
      }
      %dma_wait3A_107 = arith.constant 0 : i32
      %dma_wait3A_108 = arith.constant 0 : i32
      %dma_wait3A_109 = tpu.memref_slice %arg2[%dma_wait3A_107, %dma_wait3A_108] : memref<10000x128xf32, #tpu.memory_space<hbm>> -> memref<128x128xf32, #tpu.memory_space<hbm>>
      %dma_wait3A_110 = arith.constant 0 : i32
      %dma_wait3A_111 = arith.constant 0 : i32
      %dma_wait3A_112 = tpu.memref_slice %arg2[%dma_wait3A_110, %dma_wait3A_111] : memref<10000x128xf32, #tpu.memory_space<hbm>> -> memref<128x128xf32, #tpu.memory_space<hbm>>
      tpu.wait_dma2 semaphore(%arg12 : memref<!tpu.dma_semaphore, #tpu.memory_space<semaphore_mem>>) src(%dma_wait3A_112 : memref<128x128xf32, #tpu.memory_space<hbm>>) dst(%arg9 : memref<128x128xf32, #tpu.memory_space<vmem>>)
      %add3A_113 = arith.constant 1 : i32
      %add3A_114 = arith.addi %mul3A_85, %add3A_113 : i32
      "tpu.region"() ({
        %run_scoped3A_115 = tpu.sem_alloc : memref<!tpu.dma_semaphore, #tpu.memory_space<semaphore_mem>>
        %dma_start3A_116 = arith.constant 0 : i32
        %dma_start3A_117 = tpu.memref_slice %arg7[%add3A_114, %dma_start3A_116] : memref<40x128xi32, #tpu.memory_space<vmem>> -> memref<1x128xi32, #tpu.memory_space<vmem>>
        %dma_start3A_118 = tpu.memref_squeeze %dma_start3A_117 : memref<1x128xi32, #tpu.memory_space<vmem>> -> memref<128xi32, #tpu.memory_space<vmem>>
        %dma_start3A_119 = arith.constant 0 : i32
        %dma_start3A_120 = arith.constant 0 : i32
        %dma_start3A_121 = tpu.memref_slice %arg10[%dma_start3A_119, %dma_start3A_120] : memref<10240x128xf32, #tpu.memory_space<vmem_shared>> -> memref<10240x128xf32, #tpu.memory_space<vmem_shared>>
        tpu.enqueue_indirect_dma source(%arg9 : memref<128x128xf32, #tpu.memory_space<vmem>>) target(%dma_start3A_121 : memref<10240x128xf32, #tpu.memory_space<vmem_shared>>) offsets(%dma_start3A_118 : memref<128xi32, #tpu.memory_space<vmem>>) semaphore(%run_scoped3A_115 : memref<!tpu.dma_semaphore, #tpu.memory_space<semaphore_mem>>) {add = true}
        %dma_wait3A_122 = arith.constant 0 : i32
        %dma_wait3A_123 = tpu.memref_slice %arg7[%add3A_114, %dma_wait3A_122] : memref<40x128xi32, #tpu.memory_space<vmem>> -> memref<1x128xi32, #tpu.memory_space<vmem>>
        %dma_wait3A_124 = tpu.memref_squeeze %dma_wait3A_123 : memref<1x128xi32, #tpu.memory_space<vmem>> -> memref<128xi32, #tpu.memory_space<vmem>>
        %dma_wait3A_125 = arith.constant 0 : i32
        %dma_wait3A_126 = arith.constant 0 : i32
        %dma_wait3A_127 = tpu.memref_slice %arg10[%dma_wait3A_125, %dma_wait3A_126] : memref<10240x128xf32, #tpu.memory_space<vmem_shared>> -> memref<10240x128xf32, #tpu.memory_space<vmem_shared>>
        tpu.wait_indirect_dma semaphore(%run_scoped3A_115 : memref<!tpu.dma_semaphore, #tpu.memory_space<semaphore_mem>>) src(%arg9 : memref<128x128xf32, #tpu.memory_space<vmem>>) dst(%dma_wait3A_127 : memref<10240x128xf32, #tpu.memory_space<vmem_shared>>)
        tpu.yield
      }) : () -> ()
    }
    %scan3A_62 = arith.constant 20 : i32
    %run_scoped3A = arith.constant 1 : i32
    "tpu.region"() ({
      %run_scoped3A_83 = tpu.sem_alloc : memref<!tpu.dma_semaphore, #tpu.memory_space<semaphore_mem>>
      %dma_start3A_84 = arith.constant 0 : i32
      %dma_start3A_85 = arith.constant 0 : i32
      %dma_start3A_86 = tpu.memref_slice %arg3[%add3A, %run_scoped3A, %dma_start3A_84, %dma_start3A_85] : memref<32x2x40x128xi32, #tpu.memory_space<hbm>> -> memref<1x1x40x128xi32, #tpu.memory_space<hbm>>
      %dma_start3A_87 = tpu.memref_squeeze %dma_start3A_86 : memref<1x1x40x128xi32, #tpu.memory_space<hbm>> -> memref<40x128xi32, #tpu.memory_space<hbm>>
      %dma_start3A_88 = arith.constant 0 : i32
      %dma_start3A_89 = arith.constant 0 : i32
      %dma_start3A_90 = tpu.memref_slice %arg3[%add3A, %run_scoped3A, %dma_start3A_88, %dma_start3A_89] : memref<32x2x40x128xi32, #tpu.memory_space<hbm>> -> memref<1x1x40x128xi32, #tpu.memory_space<hbm>>
      %dma_start3A_91 = tpu.memref_squeeze %dma_start3A_90 : memref<1x1x40x128xi32, #tpu.memory_space<hbm>> -> memref<40x128xi32, #tpu.memory_space<hbm>>
      tpu.enqueue_dma source(%dma_start3A_91 : memref<40x128xi32, #tpu.memory_space<hbm>>) target(%arg6 : memref<40x128xi32, #tpu.memory_space<vmem>>) target_semaphore(%run_scoped3A_83 : memref<!tpu.dma_semaphore, #tpu.memory_space<semaphore_mem>>)
      %dma_wait3A_92 = arith.constant 0 : i32
      %dma_wait3A_93 = arith.constant 0 : i32
      %dma_wait3A_94 = tpu.memref_slice %arg3[%add3A, %run_scoped3A, %dma_wait3A_92, %dma_wait3A_93] : memref<32x2x40x128xi32, #tpu.memory_space<hbm>> -> memref<1x1x40x128xi32, #tpu.memory_space<hbm>>
      %dma_wait3A_95 = tpu.memref_squeeze %dma_wait3A_94 : memref<1x1x40x128xi32, #tpu.memory_space<hbm>> -> memref<40x128xi32, #tpu.memory_space<hbm>>
      %dma_wait3A_96 = arith.constant 0 : i32
      %dma_wait3A_97 = arith.constant 0 : i32
      %dma_wait3A_98 = tpu.memref_slice %arg3[%add3A, %run_scoped3A, %dma_wait3A_96, %dma_wait3A_97] : memref<32x2x40x128xi32, #tpu.memory_space<hbm>> -> memref<1x1x40x128xi32, #tpu.memory_space<hbm>>
      %dma_wait3A_99 = tpu.memref_squeeze %dma_wait3A_98 : memref<1x1x40x128xi32, #tpu.memory_space<hbm>> -> memref<40x128xi32, #tpu.memory_space<hbm>>
      tpu.wait_dma2 semaphore(%run_scoped3A_83 : memref<!tpu.dma_semaphore, #tpu.memory_space<semaphore_mem>>) src(%dma_wait3A_99 : memref<40x128xi32, #tpu.memory_space<hbm>>) dst(%arg6 : memref<40x128xi32, #tpu.memory_space<vmem>>)
      tpu.yield
    }) : () -> ()
    %run_scoped3A_63 = arith.constant 1 : i32
    "tpu.region"() ({
      %run_scoped3A_83 = tpu.sem_alloc : memref<!tpu.dma_semaphore, #tpu.memory_space<semaphore_mem>>
      %dma_start3A_84 = arith.constant 0 : i32
      %dma_start3A_85 = arith.constant 0 : i32
      %dma_start3A_86 = tpu.memref_slice %arg4[%add3A, %run_scoped3A_63, %dma_start3A_84, %dma_start3A_85] : memref<32x2x40x128xi32, #tpu.memory_space<hbm>> -> memref<1x1x40x128xi32, #tpu.memory_space<hbm>>
      %dma_start3A_87 = tpu.memref_squeeze %dma_start3A_86 : memref<1x1x40x128xi32, #tpu.memory_space<hbm>> -> memref<40x128xi32, #tpu.memory_space<hbm>>
      %dma_start3A_88 = arith.constant 0 : i32
      %dma_start3A_89 = arith.constant 0 : i32
      %dma_start3A_90 = tpu.memref_slice %arg4[%add3A, %run_scoped3A_63, %dma_start3A_88, %dma_start3A_89] : memref<32x2x40x128xi32, #tpu.memory_space<hbm>> -> memref<1x1x40x128xi32, #tpu.memory_space<hbm>>
      %dma_start3A_91 = tpu.memref_squeeze %dma_start3A_90 : memref<1x1x40x128xi32, #tpu.memory_space<hbm>> -> memref<40x128xi32, #tpu.memory_space<hbm>>
      tpu.enqueue_dma source(%dma_start3A_91 : memref<40x128xi32, #tpu.memory_space<hbm>>) target(%arg7 : memref<40x128xi32, #tpu.memory_space<vmem>>) target_semaphore(%run_scoped3A_83 : memref<!tpu.dma_semaphore, #tpu.memory_space<semaphore_mem>>)
      %dma_wait3A_92 = arith.constant 0 : i32
      %dma_wait3A_93 = arith.constant 0 : i32
      %dma_wait3A_94 = tpu.memref_slice %arg4[%add3A, %run_scoped3A_63, %dma_wait3A_92, %dma_wait3A_93] : memref<32x2x40x128xi32, #tpu.memory_space<hbm>> -> memref<1x1x40x128xi32, #tpu.memory_space<hbm>>
      %dma_wait3A_95 = tpu.memref_squeeze %dma_wait3A_94 : memref<1x1x40x128xi32, #tpu.memory_space<hbm>> -> memref<40x128xi32, #tpu.memory_space<hbm>>
      %dma_wait3A_96 = arith.constant 0 : i32
      %dma_wait3A_97 = arith.constant 0 : i32
      %dma_wait3A_98 = tpu.memref_slice %arg4[%add3A, %run_scoped3A_63, %dma_wait3A_96, %dma_wait3A_97] : memref<32x2x40x128xi32, #tpu.memory_space<hbm>> -> memref<1x1x40x128xi32, #tpu.memory_space<hbm>>
      %dma_wait3A_99 = tpu.memref_squeeze %dma_wait3A_98 : memref<1x1x40x128xi32, #tpu.memory_space<hbm>> -> memref<40x128xi32, #tpu.memory_space<hbm>>
      tpu.wait_dma2 semaphore(%run_scoped3A_83 : memref<!tpu.dma_semaphore, #tpu.memory_space<semaphore_mem>>) src(%dma_wait3A_99 : memref<40x128xi32, #tpu.memory_space<hbm>>) dst(%arg7 : memref<40x128xi32, #tpu.memory_space<vmem>>)
      tpu.yield
    }) : () -> ()
    %dma_start3A_64 = arith.constant 0 : i32
    %dma_start3A_65 = arith.constant 0 : i32
    %dma_start3A_66 = tpu.memref_slice %arg6[%dma_start3A_64, %dma_start3A_65] : memref<40x128xi32, #tpu.memory_space<vmem>> -> memref<1x128xi32, #tpu.memory_space<vmem>>
    %dma_start3A_67 = tpu.memref_squeeze %dma_start3A_66 : memref<1x128xi32, #tpu.memory_space<vmem>> -> memref<128xi32, #tpu.memory_space<vmem>>
    %dma_start3A_68 = arith.constant 0 : i32
    %dma_start3A_69 = arith.constant 0 : i32
    %dma_start3A_70 = tpu.memref_slice %arg2[%dma_start3A_68, %dma_start3A_69] : memref<10000x128xf32, #tpu.memory_space<hbm>> -> memref<10000x128xf32, #tpu.memory_space<hbm>>
    tpu.enqueue_indirect_dma source(%dma_start3A_70 : memref<10000x128xf32, #tpu.memory_space<hbm>>) target(%arg8 : memref<128x128xf32, #tpu.memory_space<vmem>>) offsets(%dma_start3A_67 : memref<128xi32, #tpu.memory_space<vmem>>) semaphore(%arg11 : memref<!tpu.dma_semaphore, #tpu.memory_space<semaphore_mem>>)
    %scan3A_71 = arith.constant 0 : i32
    %scan3A_72 = arith.constant 20 : i32
    %scan3A_73 = arith.addi %scan3A_71, %scan3A_72 : i32
    %scan3A_74 = arith.constant 1 : i32
    scf.for %scan3A_83 = %scan3A_71 to %scan3A_73 step %scan3A_74  : i32 {
      %mul3A_84 = arith.constant 2 : i32
      %mul3A_85 = arith.muli %scan3A_83, %mul3A_84 : i32
      %add3A_86 = arith.constant 1 : i32
      %add3A_87 = arith.addi %mul3A_85, %add3A_86 : i32
      %dma_start3A_88 = arith.constant 0 : i32
      %dma_start3A_89 = tpu.memref_slice %arg6[%add3A_87, %dma_start3A_88] : memref<40x128xi32, #tpu.memory_space<vmem>> -> memref<1x128xi32, #tpu.memory_space<vmem>>
      %dma_start3A_90 = tpu.memref_squeeze %dma_start3A_89 : memref<1x128xi32, #tpu.memory_space<vmem>> -> memref<128xi32, #tpu.memory_space<vmem>>
      %dma_start3A_91 = arith.constant 0 : i32
      %dma_start3A_92 = arith.constant 0 : i32
      %dma_start3A_93 = tpu.memref_slice %arg2[%dma_start3A_91, %dma_start3A_92] : memref<10000x128xf32, #tpu.memory_space<hbm>> -> memref<10000x128xf32, #tpu.memory_space<hbm>>
      tpu.enqueue_indirect_dma source(%dma_start3A_93 : memref<10000x128xf32, #tpu.memory_space<hbm>>) target(%arg9 : memref<128x128xf32, #tpu.memory_space<vmem>>) offsets(%dma_start3A_90 : memref<128xi32, #tpu.memory_space<vmem>>) semaphore(%arg12 : memref<!tpu.dma_semaphore, #tpu.memory_space<semaphore_mem>>)
      %dma_wait3A_94 = arith.constant 0 : i32
      %dma_wait3A_95 = arith.constant 0 : i32
      %dma_wait3A_96 = tpu.memref_slice %arg2[%dma_wait3A_94, %dma_wait3A_95] : memref<10000x128xf32, #tpu.memory_space<hbm>> -> memref<128x128xf32, #tpu.memory_space<hbm>>
      %dma_wait3A_97 = arith.constant 0 : i32
      %dma_wait3A_98 = arith.constant 0 : i32
      %dma_wait3A_99 = tpu.memref_slice %arg2[%dma_wait3A_97, %dma_wait3A_98] : memref<10000x128xf32, #tpu.memory_space<hbm>> -> memref<128x128xf32, #tpu.memory_space<hbm>>
      tpu.wait_dma2 semaphore(%arg11 : memref<!tpu.dma_semaphore, #tpu.memory_space<semaphore_mem>>) src(%dma_wait3A_99 : memref<128x128xf32, #tpu.memory_space<hbm>>) dst(%arg8 : memref<128x128xf32, #tpu.memory_space<vmem>>)
      "tpu.region"() ({
        %run_scoped3A_115 = tpu.sem_alloc : memref<!tpu.dma_semaphore, #tpu.memory_space<semaphore_mem>>
        %dma_start3A_116 = arith.constant 0 : i32
        %dma_start3A_117 = tpu.memref_slice %arg7[%mul3A_85, %dma_start3A_116] : memref<40x128xi32, #tpu.memory_space<vmem>> -> memref<1x128xi32, #tpu.memory_space<vmem>>
        %dma_start3A_118 = tpu.memref_squeeze %dma_start3A_117 : memref<1x128xi32, #tpu.memory_space<vmem>> -> memref<128xi32, #tpu.memory_space<vmem>>
        %dma_start3A_119 = arith.constant 0 : i32
        %dma_start3A_120 = arith.constant 0 : i32
        %dma_start3A_121 = tpu.memref_slice %arg10[%dma_start3A_119, %dma_start3A_120] : memref<10240x128xf32, #tpu.memory_space<vmem_shared>> -> memref<10240x128xf32, #tpu.memory_space<vmem_shared>>
        tpu.enqueue_indirect_dma source(%arg8 : memref<128x128xf32, #tpu.memory_space<vmem>>) target(%dma_start3A_121 : memref<10240x128xf32, #tpu.memory_space<vmem_shared>>) offsets(%dma_start3A_118 : memref<128xi32, #tpu.memory_space<vmem>>) semaphore(%run_scoped3A_115 : memref<!tpu.dma_semaphore, #tpu.memory_space<semaphore_mem>>) {add = true}
        %dma_wait3A_122 = arith.constant 0 : i32
        %dma_wait3A_123 = tpu.memref_slice %arg7[%mul3A_85, %dma_wait3A_122] : memref<40x128xi32, #tpu.memory_space<vmem>> -> memref<1x128xi32, #tpu.memory_space<vmem>>
        %dma_wait3A_124 = tpu.memref_squeeze %dma_wait3A_123 : memref<1x128xi32, #tpu.memory_space<vmem>> -> memref<128xi32, #tpu.memory_space<vmem>>
        %dma_wait3A_125 = arith.constant 0 : i32
        %dma_wait3A_126 = arith.constant 0 : i32
        %dma_wait3A_127 = tpu.memref_slice %arg10[%dma_wait3A_125, %dma_wait3A_126] : memref<10240x128xf32, #tpu.memory_space<vmem_shared>> -> memref<10240x128xf32, #tpu.memory_space<vmem_shared>>
        tpu.wait_indirect_dma semaphore(%run_scoped3A_115 : memref<!tpu.dma_semaphore, #tpu.memory_space<semaphore_mem>>) src(%arg8 : memref<128x128xf32, #tpu.memory_space<vmem>>) dst(%dma_wait3A_127 : memref<10240x128xf32, #tpu.memory_space<vmem_shared>>)
        tpu.yield
      }) : () -> ()
      %add3A_100 = arith.constant 2 : i32
      %add3A_101 = arith.addi %mul3A_85, %add3A_100 : i32
      %lt3A_102 = arith.constant 40 : i32
      %lt3A_103 = arith.cmpi slt, %add3A_101, %lt3A_102 : i32
      %convert_element_type3A_104 = arith.extui %lt3A_103 : i1 to i32
      %cond3A_105 = arith.constant 0 : i32
      %cond3A_106 = arith.cmpi ne, %convert_element_type3A_104, %cond3A_105 : i32
      scf.if %cond3A_106 {
        %add3A_115 = arith.constant 2 : i32
        %add3A_116 = arith.addi %mul3A_85, %add3A_115 : i32
        %dma_start3A_117 = arith.constant 0 : i32
        %dma_start3A_118 = tpu.memref_slice %arg6[%add3A_116, %dma_start3A_117] : memref<40x128xi32, #tpu.memory_space<vmem>> -> memref<1x128xi32, #tpu.memory_space<vmem>>
        %dma_start3A_119 = tpu.memref_squeeze %dma_start3A_118 : memref<1x128xi32, #tpu.memory_space<vmem>> -> memref<128xi32, #tpu.memory_space<vmem>>
        %dma_start3A_120 = arith.constant 0 : i32
        %dma_start3A_121 = arith.constant 0 : i32
        %dma_start3A_122 = tpu.memref_slice %arg2[%dma_start3A_120, %dma_start3A_121] : memref<10000x128xf32, #tpu.memory_space<hbm>> -> memref<10000x128xf32, #tpu.memory_space<hbm>>
        tpu.enqueue_indirect_dma source(%dma_start3A_122 : memref<10000x128xf32, #tpu.memory_space<hbm>>) target(%arg8 : memref<128x128xf32, #tpu.memory_space<vmem>>) offsets(%dma_start3A_119 : memref<128xi32, #tpu.memory_space<vmem>>) semaphore(%arg11 : memref<!tpu.dma_semaphore, #tpu.memory_space<semaphore_mem>>)
      } else {
      }
      %dma_wait3A_107 = arith.constant 0 : i32
      %dma_wait3A_108 = arith.constant 0 : i32
      %dma_wait3A_109 = tpu.memref_slice %arg2[%dma_wait3A_107, %dma_wait3A_108] : memref<10000x128xf32, #tpu.memory_space<hbm>> -> memref<128x128xf32, #tpu.memory_space<hbm>>
      %dma_wait3A_110 = arith.constant 0 : i32
      %dma_wait3A_111 = arith.constant 0 : i32
      %dma_wait3A_112 = tpu.memref_slice %arg2[%dma_wait3A_110, %dma_wait3A_111] : memref<10000x128xf32, #tpu.memory_space<hbm>> -> memref<128x128xf32, #tpu.memory_space<hbm>>
      tpu.wait_dma2 semaphore(%arg12 : memref<!tpu.dma_semaphore, #tpu.memory_space<semaphore_mem>>) src(%dma_wait3A_112 : memref<128x128xf32, #tpu.memory_space<hbm>>) dst(%arg9 : memref<128x128xf32, #tpu.memory_space<vmem>>)
      %add3A_113 = arith.constant 1 : i32
      %add3A_114 = arith.addi %mul3A_85, %add3A_113 : i32
      "tpu.region"() ({
        %run_scoped3A_115 = tpu.sem_alloc : memref<!tpu.dma_semaphore, #tpu.memory_space<semaphore_mem>>
        %dma_start3A_116 = arith.constant 0 : i32
        %dma_start3A_117 = tpu.memref_slice %arg7[%add3A_114, %dma_start3A_116] : memref<40x128xi32, #tpu.memory_space<vmem>> -> memref<1x128xi32, #tpu.memory_space<vmem>>
        %dma_start3A_118 = tpu.memref_squeeze %dma_start3A_117 : memref<1x128xi32, #tpu.memory_space<vmem>> -> memref<128xi32, #tpu.memory_space<vmem>>
        %dma_start3A_119 = arith.constant 0 : i32
        %dma_start3A_120 = arith.constant 0 : i32
        %dma_start3A_121 = tpu.memref_slice %arg10[%dma_start3A_119, %dma_start3A_120] : memref<10240x128xf32, #tpu.memory_space<vmem_shared>> -> memref<10240x128xf32, #tpu.memory_space<vmem_shared>>
        tpu.enqueue_indirect_dma source(%arg9 : memref<128x128xf32, #tpu.memory_space<vmem>>) target(%dma_start3A_121 : memref<10240x128xf32, #tpu.memory_space<vmem_shared>>) offsets(%dma_start3A_118 : memref<128xi32, #tpu.memory_space<vmem>>) semaphore(%run_scoped3A_115 : memref<!tpu.dma_semaphore, #tpu.memory_space<semaphore_mem>>) {add = true}
        %dma_wait3A_122 = arith.constant 0 : i32
        %dma_wait3A_123 = tpu.memref_slice %arg7[%add3A_114, %dma_wait3A_122] : memref<40x128xi32, #tpu.memory_space<vmem>> -> memref<1x128xi32, #tpu.memory_space<vmem>>
        %dma_wait3A_124 = tpu.memref_squeeze %dma_wait3A_123 : memref<1x128xi32, #tpu.memory_space<vmem>> -> memref<128xi32, #tpu.memory_space<vmem>>
        %dma_wait3A_125 = arith.constant 0 : i32
        %dma_wait3A_126 = arith.constant 0 : i32
        %dma_wait3A_127 = tpu.memref_slice %arg10[%dma_wait3A_125, %dma_wait3A_126] : memref<10240x128xf32, #tpu.memory_space<vmem_shared>> -> memref<10240x128xf32, #tpu.memory_space<vmem_shared>>
        tpu.wait_indirect_dma semaphore(%run_scoped3A_115 : memref<!tpu.dma_semaphore, #tpu.memory_space<semaphore_mem>>) src(%arg9 : memref<128x128xf32, #tpu.memory_space<vmem>>) dst(%dma_wait3A_127 : memref<10240x128xf32, #tpu.memory_space<vmem_shared>>)
        tpu.yield
      }) : () -> ()
    }
    %scan3A_75 = arith.constant 20 : i32
    %barrier3A_76 = arith.constant 0 : index
    tpu.barrier barrier_id(%barrier3A_76)
    %lt3A = arith.constant 14 : i32
    %lt3A_77 = arith.cmpi slt, %arg1, %lt3A : i32
    %convert_element_type3A = arith.extui %lt3A_77 : i1 to i32
    %cond3A = arith.constant 0 : i32
    %cond3A_78 = arith.cmpi ne, %convert_element_type3A, %cond3A : i32
    scf.if %cond3A_78 {
      %mul3A_83 = arith.constant 632 : i32
      %mul3A_84 = arith.muli %arg1, %mul3A_83 : i32
      %mul3A_85 = arith.constant 632 : i32
      %mul3A_86 = arith.muli %arg1, %mul3A_85 : i32
      "tpu.region"() ({
        %run_scoped3A_87 = tpu.sem_alloc : memref<!tpu.dma_semaphore, #tpu.memory_space<semaphore_mem>>
        %dma_start3A_88 = arith.constant 0 : i32
        %dma_start3A_89 = tpu.memref_slice %arg5[%arg0, %mul3A_86, %dma_start3A_88] : memref<2x10000x128xf32, #tpu.memory_space<hbm>> -> memref<1x632x128xf32, #tpu.memory_space<hbm>>
        %dma_start3A_90 = tpu.memref_squeeze %dma_start3A_89 : memref<1x632x128xf32, #tpu.memory_space<hbm>> -> memref<632x128xf32, #tpu.memory_space<hbm>>
        %dma_start3A_91 = arith.constant 0 : i32
        %dma_start3A_92 = tpu.memref_slice %arg10[%mul3A_84, %dma_start3A_91] : memref<10240x128xf32, #tpu.memory_space<vmem_shared>> -> memref<632x128xf32, #tpu.memory_space<vmem_shared>>
        tpu.enqueue_dma source(%dma_start3A_92 : memref<632x128xf32, #tpu.memory_space<vmem_shared>>) target(%dma_start3A_90 : memref<632x128xf32, #tpu.memory_space<hbm>>) target_semaphore(%run_scoped3A_87 : memref<!tpu.dma_semaphore, #tpu.memory_space<semaphore_mem>>)
        %dma_wait3A_93 = arith.constant 0 : i32
        %dma_wait3A_94 = tpu.memref_slice %arg5[%arg0, %mul3A_86, %dma_wait3A_93] : memref<2x10000x128xf32, #tpu.memory_space<hbm>> -> memref<1x632x128xf32, #tpu.memory_space<hbm>>
        %dma_wait3A_95 = tpu.memref_squeeze %dma_wait3A_94 : memref<1x632x128xf32, #tpu.memory_space<hbm>> -> memref<632x128xf32, #tpu.memory_space<hbm>>
        %dma_wait3A_96 = arith.constant 0 : i32
        %dma_wait3A_97 = tpu.memref_slice %arg10[%mul3A_84, %dma_wait3A_96] : memref<10240x128xf32, #tpu.memory_space<vmem_shared>> -> memref<632x128xf32, #tpu.memory_space<vmem_shared>>
        tpu.wait_dma2 semaphore(%run_scoped3A_87 : memref<!tpu.dma_semaphore, #tpu.memory_space<semaphore_mem>>) src(%dma_wait3A_97 : memref<632x128xf32, #tpu.memory_space<vmem_shared>>) dst(%dma_wait3A_95 : memref<632x128xf32, #tpu.memory_space<hbm>>)
        tpu.yield
      }) : () -> ()
    } else {
    }
    %ge3A = arith.constant 14 : i32
    %ge3A_79 = arith.cmpi sge, %arg1, %ge3A : i32
    %convert_element_type3A_80 = arith.extui %ge3A_79 : i1 to i32
    %cond3A_81 = arith.constant 0 : i32
    %cond3A_82 = arith.cmpi ne, %convert_element_type3A_80, %cond3A_81 : i32
    scf.if %cond3A_82 {
      %sub3A = arith.constant 14 : i32
      %sub3A_83 = arith.subi %arg1, %sub3A : i32
      %mul3A_84 = arith.constant 576 : i32
      %mul3A_85 = arith.muli %sub3A_83, %mul3A_84 : i32
      %add3A_86 = arith.constant 8848 : i32
      %add3A_87 = arith.addi %add3A_86, %mul3A_85 : i32
      "tpu.region"() ({
        %run_scoped3A_88 = tpu.sem_alloc : memref<!tpu.dma_semaphore, #tpu.memory_space<semaphore_mem>>
        %dma_start3A_89 = arith.constant 0 : i32
        %dma_start3A_90 = tpu.memref_slice %arg5[%arg0, %add3A_87, %dma_start3A_89] : memref<2x10000x128xf32, #tpu.memory_space<hbm>> -> memref<1x576x128xf32, #tpu.memory_space<hbm>>
        %dma_start3A_91 = tpu.memref_squeeze %dma_start3A_90 : memref<1x576x128xf32, #tpu.memory_space<hbm>> -> memref<576x128xf32, #tpu.memory_space<hbm>>
        %dma_start3A_92 = arith.constant 0 : i32
        %dma_start3A_93 = tpu.memref_slice %arg10[%add3A_87, %dma_start3A_92] : memref<10240x128xf32, #tpu.memory_space<vmem_shared>> -> memref<576x128xf32, #tpu.memory_space<vmem_shared>>
        tpu.enqueue_dma source(%dma_start3A_93 : memref<576x128xf32, #tpu.memory_space<vmem_shared>>) target(%dma_start3A_91 : memref<576x128xf32, #tpu.memory_space<hbm>>) target_semaphore(%run_scoped3A_88 : memref<!tpu.dma_semaphore, #tpu.memory_space<semaphore_mem>>)
        %dma_wait3A_94 = arith.constant 0 : i32
        %dma_wait3A_95 = tpu.memref_slice %arg5[%arg0, %add3A_87, %dma_wait3A_94] : memref<2x10000x128xf32, #tpu.memory_space<hbm>> -> memref<1x576x128xf32, #tpu.memory_space<hbm>>
        %dma_wait3A_96 = tpu.memref_squeeze %dma_wait3A_95 : memref<1x576x128xf32, #tpu.memory_space<hbm>> -> memref<576x128xf32, #tpu.memory_space<hbm>>
        %dma_wait3A_97 = arith.constant 0 : i32
        %dma_wait3A_98 = tpu.memref_slice %arg10[%add3A_87, %dma_wait3A_97] : memref<10240x128xf32, #tpu.memory_space<vmem_shared>> -> memref<576x128xf32, #tpu.memory_space<vmem_shared>>
        tpu.wait_dma2 semaphore(%run_scoped3A_88 : memref<!tpu.dma_semaphore, #tpu.memory_space<semaphore_mem>>) src(%dma_wait3A_98 : memref<576x128xf32, #tpu.memory_space<vmem_shared>>) dst(%dma_wait3A_96 : memref<576x128xf32, #tpu.memory_space<hbm>>)
        tpu.yield
      }) : () -> ()
    } else {
    }
    return
  }
}

#map = affine_map<(d0, d1) -> (0, 0, 0)>
#map1 = affine_map<(d0, d1) -> (0)>
module attributes {stable_mosaic.version = 14 : i64} {
  func.func @_sc_degree(%arg0: i32, %arg1: i32, %arg2: memref<32x80x128xi32, #tpu.memory_space<hbm>>, %arg3: memref<20480xf32, #tpu.memory_space<hbm>>, %arg4: memref<80x128xi32, #tpu.memory_space<vmem>>, %arg5: memref<128xf32, #tpu.memory_space<vmem>>, %arg6: memref<640xf32, #tpu.memory_space<vmem>>, %arg7: memref<10240xf32, #tpu.memory_space<vmem_shared>>) attributes {dimension_semantics = [#tpu.dimension_semantics<core_parallel>, #tpu.dimension_semantics<subcore_parallel>], iteration_bounds = array<i64: 2, 16>, scalar_prefetch = 0 : i64, scratch_operands = 4 : i64, tpu.core_type = #tpu.core_type<sc_vector_subcore>, window_params = [{transform_indices = #map}, {transform_indices = #map1}]} {
    %mul3A = arith.constant 2 : i32
    %mul3A_0 = arith.muli %arg1, %mul3A : i32
    %add3A = arith.addi %mul3A_0, %arg0 : i32
    %broadcast_in_dim3A = arith.constant 1.000000e+00 : f32
    %broadcast_in_dim3A_1 = vector.broadcast %broadcast_in_dim3A : f32 to vector<16xf32>
    %swap3A = arith.constant 0 : index
    %swap3A_2 = tpu.vector_load %arg5[%swap3A] {strides = array<i32>} : memref<128xf32, #tpu.memory_space<vmem>>, vector<16xf32>,
    %swap3A_3 = vector.shape_cast %swap3A_2 : vector<16xf32> to vector<16xf32>
    %swap3A_4 = vector.shape_cast %broadcast_in_dim3A_1 : vector<16xf32> to vector<16xf32>
    tpu.vector_store %arg5[%swap3A], %swap3A_4 {strides = array<i32>} : memref<128xf32, #tpu.memory_space<vmem>>, vector<16xf32>,
    %broadcast_in_dim3A_5 = arith.constant 1.000000e+00 : f32
    %broadcast_in_dim3A_6 = vector.broadcast %broadcast_in_dim3A_5 : f32 to vector<16xf32>
    %swap3A_7 = arith.constant 16 : index
    %swap3A_8 = tpu.vector_load %arg5[%swap3A_7] {strides = array<i32>} : memref<128xf32, #tpu.memory_space<vmem>>, vector<16xf32>,
    %swap3A_9 = vector.shape_cast %swap3A_8 : vector<16xf32> to vector<16xf32>
    %swap3A_10 = vector.shape_cast %broadcast_in_dim3A_6 : vector<16xf32> to vector<16xf32>
    tpu.vector_store %arg5[%swap3A_7], %swap3A_10 {strides = array<i32>} : memref<128xf32, #tpu.memory_space<vmem>>, vector<16xf32>,
    %broadcast_in_dim3A_11 = arith.constant 1.000000e+00 : f32
    %broadcast_in_dim3A_12 = vector.broadcast %broadcast_in_dim3A_11 : f32 to vector<16xf32>
    %swap3A_13 = arith.constant 32 : index
    %swap3A_14 = tpu.vector_load %arg5[%swap3A_13] {strides = array<i32>} : memref<128xf32, #tpu.memory_space<vmem>>, vector<16xf32>,
    %swap3A_15 = vector.shape_cast %swap3A_14 : vector<16xf32> to vector<16xf32>
    %swap3A_16 = vector.shape_cast %broadcast_in_dim3A_12 : vector<16xf32> to vector<16xf32>
    tpu.vector_store %arg5[%swap3A_13], %swap3A_16 {strides = array<i32>} : memref<128xf32, #tpu.memory_space<vmem>>, vector<16xf32>,
    %broadcast_in_dim3A_17 = arith.constant 1.000000e+00 : f32
    %broadcast_in_dim3A_18 = vector.broadcast %broadcast_in_dim3A_17 : f32 to vector<16xf32>
    %swap3A_19 = arith.constant 48 : index
    %swap3A_20 = tpu.vector_load %arg5[%swap3A_19] {strides = array<i32>} : memref<128xf32, #tpu.memory_space<vmem>>, vector<16xf32>,
    %swap3A_21 = vector.shape_cast %swap3A_20 : vector<16xf32> to vector<16xf32>
    %swap3A_22 = vector.shape_cast %broadcast_in_dim3A_18 : vector<16xf32> to vector<16xf32>
    tpu.vector_store %arg5[%swap3A_19], %swap3A_22 {strides = array<i32>} : memref<128xf32, #tpu.memory_space<vmem>>, vector<16xf32>,
    %broadcast_in_dim3A_23 = arith.constant 1.000000e+00 : f32
    %broadcast_in_dim3A_24 = vector.broadcast %broadcast_in_dim3A_23 : f32 to vector<16xf32>
    %swap3A_25 = arith.constant 64 : index
    %swap3A_26 = tpu.vector_load %arg5[%swap3A_25] {strides = array<i32>} : memref<128xf32, #tpu.memory_space<vmem>>, vector<16xf32>,
    %swap3A_27 = vector.shape_cast %swap3A_26 : vector<16xf32> to vector<16xf32>
    %swap3A_28 = vector.shape_cast %broadcast_in_dim3A_24 : vector<16xf32> to vector<16xf32>
    tpu.vector_store %arg5[%swap3A_25], %swap3A_28 {strides = array<i32>} : memref<128xf32, #tpu.memory_space<vmem>>, vector<16xf32>,
    %broadcast_in_dim3A_29 = arith.constant 1.000000e+00 : f32
    %broadcast_in_dim3A_30 = vector.broadcast %broadcast_in_dim3A_29 : f32 to vector<16xf32>
    %swap3A_31 = arith.constant 80 : index
    %swap3A_32 = tpu.vector_load %arg5[%swap3A_31] {strides = array<i32>} : memref<128xf32, #tpu.memory_space<vmem>>, vector<16xf32>,
    %swap3A_33 = vector.shape_cast %swap3A_32 : vector<16xf32> to vector<16xf32>
    %swap3A_34 = vector.shape_cast %broadcast_in_dim3A_30 : vector<16xf32> to vector<16xf32>
    tpu.vector_store %arg5[%swap3A_31], %swap3A_34 {strides = array<i32>} : memref<128xf32, #tpu.memory_space<vmem>>, vector<16xf32>,
    %broadcast_in_dim3A_35 = arith.constant 1.000000e+00 : f32
    %broadcast_in_dim3A_36 = vector.broadcast %broadcast_in_dim3A_35 : f32 to vector<16xf32>
    %swap3A_37 = arith.constant 96 : index
    %swap3A_38 = tpu.vector_load %arg5[%swap3A_37] {strides = array<i32>} : memref<128xf32, #tpu.memory_space<vmem>>, vector<16xf32>,
    %swap3A_39 = vector.shape_cast %swap3A_38 : vector<16xf32> to vector<16xf32>
    %swap3A_40 = vector.shape_cast %broadcast_in_dim3A_36 : vector<16xf32> to vector<16xf32>
    tpu.vector_store %arg5[%swap3A_37], %swap3A_40 {strides = array<i32>} : memref<128xf32, #tpu.memory_space<vmem>>, vector<16xf32>,
    %broadcast_in_dim3A_41 = arith.constant 1.000000e+00 : f32
    %broadcast_in_dim3A_42 = vector.broadcast %broadcast_in_dim3A_41 : f32 to vector<16xf32>
    %swap3A_43 = arith.constant 112 : index
    %swap3A_44 = tpu.vector_load %arg5[%swap3A_43] {strides = array<i32>} : memref<128xf32, #tpu.memory_space<vmem>>, vector<16xf32>,
    %swap3A_45 = vector.shape_cast %swap3A_44 : vector<16xf32> to vector<16xf32>
    %swap3A_46 = vector.shape_cast %broadcast_in_dim3A_42 : vector<16xf32> to vector<16xf32>
    tpu.vector_store %arg5[%swap3A_43], %swap3A_46 {strides = array<i32>} : memref<128xf32, #tpu.memory_space<vmem>>, vector<16xf32>,
    %broadcast_in_dim3A_47 = arith.constant 0.000000e+00 : f32
    %broadcast_in_dim3A_48 = vector.broadcast %broadcast_in_dim3A_47 : f32 to vector<16xf32>
    %swap3A_49 = arith.constant 0 : index
    %swap3A_50 = tpu.vector_load %arg6[%swap3A_49] {strides = array<i32>} : memref<640xf32, #tpu.memory_space<vmem>>, vector<16xf32>,
    %swap3A_51 = vector.shape_cast %swap3A_50 : vector<16xf32> to vector<16xf32>
    %swap3A_52 = vector.shape_cast %broadcast_in_dim3A_48 : vector<16xf32> to vector<16xf32>
    tpu.vector_store %arg6[%swap3A_49], %swap3A_52 {strides = array<i32>} : memref<640xf32, #tpu.memory_space<vmem>>, vector<16xf32>,
    %broadcast_in_dim3A_53 = arith.constant 0.000000e+00 : f32
    %broadcast_in_dim3A_54 = vector.broadcast %broadcast_in_dim3A_53 : f32 to vector<16xf32>
    %swap3A_55 = arith.constant 16 : index
    %swap3A_56 = tpu.vector_load %arg6[%swap3A_55] {strides = array<i32>} : memref<640xf32, #tpu.memory_space<vmem>>, vector<16xf32>,
    %swap3A_57 = vector.shape_cast %swap3A_56 : vector<16xf32> to vector<16xf32>
    %swap3A_58 = vector.shape_cast %broadcast_in_dim3A_54 : vector<16xf32> to vector<16xf32>
    tpu.vector_store %arg6[%swap3A_55], %swap3A_58 {strides = array<i32>} : memref<640xf32, #tpu.memory_space<vmem>>, vector<16xf32>,
    %broadcast_in_dim3A_59 = arith.constant 0.000000e+00 : f32
    %broadcast_in_dim3A_60 = vector.broadcast %broadcast_in_dim3A_59 : f32 to vector<16xf32>
    %swap3A_61 = arith.constant 32 : index
    %swap3A_62 = tpu.vector_load %arg6[%swap3A_61] {strides = array<i32>} : memref<640xf32, #tpu.memory_space<vmem>>, vector<16xf32>,
    %swap3A_63 = vector.shape_cast %swap3A_62 : vector<16xf32> to vector<16xf32>
    %swap3A_64 = vector.shape_cast %broadcast_in_dim3A_60 : vector<16xf32> to vector<16xf32>
    tpu.vector_store %arg6[%swap3A_61], %swap3A_64 {strides = array<i32>} : memref<640xf32, #tpu.memory_space<vmem>>, vector<16xf32>,
    %broadcast_in_dim3A_65 = arith.constant 0.000000e+00 : f32
    %broadcast_in_dim3A_66 = vector.broadcast %broadcast_in_dim3A_65 : f32 to vector<16xf32>
    %swap3A_67 = arith.constant 48 : index
    %swap3A_68 = tpu.vector_load %arg6[%swap3A_67] {strides = array<i32>} : memref<640xf32, #tpu.memory_space<vmem>>, vector<16xf32>,
    %swap3A_69 = vector.shape_cast %swap3A_68 : vector<16xf32> to vector<16xf32>
    %swap3A_70 = vector.shape_cast %broadcast_in_dim3A_66 : vector<16xf32> to vector<16xf32>
    tpu.vector_store %arg6[%swap3A_67], %swap3A_70 {strides = array<i32>} : memref<640xf32, #tpu.memory_space<vmem>>, vector<16xf32>,
    %broadcast_in_dim3A_71 = arith.constant 0.000000e+00 : f32
    %broadcast_in_dim3A_72 = vector.broadcast %broadcast_in_dim3A_71 : f32 to vector<16xf32>
    %swap3A_73 = arith.constant 64 : index
    %swap3A_74 = tpu.vector_load %arg6[%swap3A_73] {strides = array<i32>} : memref<640xf32, #tpu.memory_space<vmem>>, vector<16xf32>,
    %swap3A_75 = vector.shape_cast %swap3A_74 : vector<16xf32> to vector<16xf32>
    %swap3A_76 = vector.shape_cast %broadcast_in_dim3A_72 : vector<16xf32> to vector<16xf32>
    tpu.vector_store %arg6[%swap3A_73], %swap3A_76 {strides = array<i32>} : memref<640xf32, #tpu.memory_space<vmem>>, vector<16xf32>,
    %broadcast_in_dim3A_77 = arith.constant 0.000000e+00 : f32
    %broadcast_in_dim3A_78 = vector.broadcast %broadcast_in_dim3A_77 : f32 to vector<16xf32>
    %swap3A_79 = arith.constant 80 : index
    %swap3A_80 = tpu.vector_load %arg6[%swap3A_79] {strides = array<i32>} : memref<640xf32, #tpu.memory_space<vmem>>, vector<16xf32>,
    %swap3A_81 = vector.shape_cast %swap3A_80 : vector<16xf32> to vector<16xf32>
    %swap3A_82 = vector.shape_cast %broadcast_in_dim3A_78 : vector<16xf32> to vector<16xf32>
    tpu.vector_store %arg6[%swap3A_79], %swap3A_82 {strides = array<i32>} : memref<640xf32, #tpu.memory_space<vmem>>, vector<16xf32>,
    %broadcast_in_dim3A_83 = arith.constant 0.000000e+00 : f32
    %broadcast_in_dim3A_84 = vector.broadcast %broadcast_in_dim3A_83 : f32 to vector<16xf32>
    %swap3A_85 = arith.constant 96 : index
    %swap3A_86 = tpu.vector_load %arg6[%swap3A_85] {strides = array<i32>} : memref<640xf32, #tpu.memory_space<vmem>>, vector<16xf32>,
    %swap3A_87 = vector.shape_cast %swap3A_86 : vector<16xf32> to vector<16xf32>
    %swap3A_88 = vector.shape_cast %broadcast_in_dim3A_84 : vector<16xf32> to vector<16xf32>
    tpu.vector_store %arg6[%swap3A_85], %swap3A_88 {strides = array<i32>} : memref<640xf32, #tpu.memory_space<vmem>>, vector<16xf32>,
    %broadcast_in_dim3A_89 = arith.constant 0.000000e+00 : f32
    %broadcast_in_dim3A_90 = vector.broadcast %broadcast_in_dim3A_89 : f32 to vector<16xf32>
    %swap3A_91 = arith.constant 112 : index
    %swap3A_92 = tpu.vector_load %arg6[%swap3A_91] {strides = array<i32>} : memref<640xf32, #tpu.memory_space<vmem>>, vector<16xf32>,
    %swap3A_93 = vector.shape_cast %swap3A_92 : vector<16xf32> to vector<16xf32>
    %swap3A_94 = vector.shape_cast %broadcast_in_dim3A_90 : vector<16xf32> to vector<16xf32>
    tpu.vector_store %arg6[%swap3A_91], %swap3A_94 {strides = array<i32>} : memref<640xf32, #tpu.memory_space<vmem>>, vector<16xf32>,
    %broadcast_in_dim3A_95 = arith.constant 0.000000e+00 : f32
    %broadcast_in_dim3A_96 = vector.broadcast %broadcast_in_dim3A_95 : f32 to vector<16xf32>
    %swap3A_97 = arith.constant 128 : index
    %swap3A_98 = tpu.vector_load %arg6[%swap3A_97] {strides = array<i32>} : memref<640xf32, #tpu.memory_space<vmem>>, vector<16xf32>,
    %swap3A_99 = vector.shape_cast %swap3A_98 : vector<16xf32> to vector<16xf32>
    %swap3A_100 = vector.shape_cast %broadcast_in_dim3A_96 : vector<16xf32> to vector<16xf32>
    tpu.vector_store %arg6[%swap3A_97], %swap3A_100 {strides = array<i32>} : memref<640xf32, #tpu.memory_space<vmem>>, vector<16xf32>,
    %broadcast_in_dim3A_101 = arith.constant 0.000000e+00 : f32
    %broadcast_in_dim3A_102 = vector.broadcast %broadcast_in_dim3A_101 : f32 to vector<16xf32>
    %swap3A_103 = arith.constant 144 : index
    %swap3A_104 = tpu.vector_load %arg6[%swap3A_103] {strides = array<i32>} : memref<640xf32, #tpu.memory_space<vmem>>, vector<16xf32>,
    %swap3A_105 = vector.shape_cast %swap3A_104 : vector<16xf32> to vector<16xf32>
    %swap3A_106 = vector.shape_cast %broadcast_in_dim3A_102 : vector<16xf32> to vector<16xf32>
    tpu.vector_store %arg6[%swap3A_103], %swap3A_106 {strides = array<i32>} : memref<640xf32, #tpu.memory_space<vmem>>, vector<16xf32>,
    %broadcast_in_dim3A_107 = arith.constant 0.000000e+00 : f32
    %broadcast_in_dim3A_108 = vector.broadcast %broadcast_in_dim3A_107 : f32 to vector<16xf32>
    %swap3A_109 = arith.constant 160 : index
    %swap3A_110 = tpu.vector_load %arg6[%swap3A_109] {strides = array<i32>} : memref<640xf32, #tpu.memory_space<vmem>>, vector<16xf32>,
    %swap3A_111 = vector.shape_cast %swap3A_110 : vector<16xf32> to vector<16xf32>
    %swap3A_112 = vector.shape_cast %broadcast_in_dim3A_108 : vector<16xf32> to vector<16xf32>
    tpu.vector_store %arg6[%swap3A_109], %swap3A_112 {strides = array<i32>} : memref<640xf32, #tpu.memory_space<vmem>>, vector<16xf32>,
    %broadcast_in_dim3A_113 = arith.constant 0.000000e+00 : f32
    %broadcast_in_dim3A_114 = vector.broadcast %broadcast_in_dim3A_113 : f32 to vector<16xf32>
    %swap3A_115 = arith.constant 176 : index
    %swap3A_116 = tpu.vector_load %arg6[%swap3A_115] {strides = array<i32>} : memref<640xf32, #tpu.memory_space<vmem>>, vector<16xf32>,
    %swap3A_117 = vector.shape_cast %swap3A_116 : vector<16xf32> to vector<16xf32>
    %swap3A_118 = vector.shape_cast %broadcast_in_dim3A_114 : vector<16xf32> to vector<16xf32>
    tpu.vector_store %arg6[%swap3A_115], %swap3A_118 {strides = array<i32>} : memref<640xf32, #tpu.memory_space<vmem>>, vector<16xf32>,
    %broadcast_in_dim3A_119 = arith.constant 0.000000e+00 : f32
    %broadcast_in_dim3A_120 = vector.broadcast %broadcast_in_dim3A_119 : f32 to vector<16xf32>
    %swap3A_121 = arith.constant 192 : index
    %swap3A_122 = tpu.vector_load %arg6[%swap3A_121] {strides = array<i32>} : memref<640xf32, #tpu.memory_space<vmem>>, vector<16xf32>,
    %swap3A_123 = vector.shape_cast %swap3A_122 : vector<16xf32> to vector<16xf32>
    %swap3A_124 = vector.shape_cast %broadcast_in_dim3A_120 : vector<16xf32> to vector<16xf32>
    tpu.vector_store %arg6[%swap3A_121], %swap3A_124 {strides = array<i32>} : memref<640xf32, #tpu.memory_space<vmem>>, vector<16xf32>,
    %broadcast_in_dim3A_125 = arith.constant 0.000000e+00 : f32
    %broadcast_in_dim3A_126 = vector.broadcast %broadcast_in_dim3A_125 : f32 to vector<16xf32>
    %swap3A_127 = arith.constant 208 : index
    %swap3A_128 = tpu.vector_load %arg6[%swap3A_127] {strides = array<i32>} : memref<640xf32, #tpu.memory_space<vmem>>, vector<16xf32>,
    %swap3A_129 = vector.shape_cast %swap3A_128 : vector<16xf32> to vector<16xf32>
    %swap3A_130 = vector.shape_cast %broadcast_in_dim3A_126 : vector<16xf32> to vector<16xf32>
    tpu.vector_store %arg6[%swap3A_127], %swap3A_130 {strides = array<i32>} : memref<640xf32, #tpu.memory_space<vmem>>, vector<16xf32>,
    %broadcast_in_dim3A_131 = arith.constant 0.000000e+00 : f32
    %broadcast_in_dim3A_132 = vector.broadcast %broadcast_in_dim3A_131 : f32 to vector<16xf32>
    %swap3A_133 = arith.constant 224 : index
    %swap3A_134 = tpu.vector_load %arg6[%swap3A_133] {strides = array<i32>} : memref<640xf32, #tpu.memory_space<vmem>>, vector<16xf32>,
    %swap3A_135 = vector.shape_cast %swap3A_134 : vector<16xf32> to vector<16xf32>
    %swap3A_136 = vector.shape_cast %broadcast_in_dim3A_132 : vector<16xf32> to vector<16xf32>
    tpu.vector_store %arg6[%swap3A_133], %swap3A_136 {strides = array<i32>} : memref<640xf32, #tpu.memory_space<vmem>>, vector<16xf32>,
    %broadcast_in_dim3A_137 = arith.constant 0.000000e+00 : f32
    %broadcast_in_dim3A_138 = vector.broadcast %broadcast_in_dim3A_137 : f32 to vector<16xf32>
    %swap3A_139 = arith.constant 240 : index
    %swap3A_140 = tpu.vector_load %arg6[%swap3A_139] {strides = array<i32>} : memref<640xf32, #tpu.memory_space<vmem>>, vector<16xf32>,
    %swap3A_141 = vector.shape_cast %swap3A_140 : vector<16xf32> to vector<16xf32>
    %swap3A_142 = vector.shape_cast %broadcast_in_dim3A_138 : vector<16xf32> to vector<16xf32>
    tpu.vector_store %arg6[%swap3A_139], %swap3A_142 {strides = array<i32>} : memref<640xf32, #tpu.memory_space<vmem>>, vector<16xf32>,
    %broadcast_in_dim3A_143 = arith.constant 0.000000e+00 : f32
    %broadcast_in_dim3A_144 = vector.broadcast %broadcast_in_dim3A_143 : f32 to vector<16xf32>
    %swap3A_145 = arith.constant 256 : index
    %swap3A_146 = tpu.vector_load %arg6[%swap3A_145] {strides = array<i32>} : memref<640xf32, #tpu.memory_space<vmem>>, vector<16xf32>,
    %swap3A_147 = vector.shape_cast %swap3A_146 : vector<16xf32> to vector<16xf32>
    %swap3A_148 = vector.shape_cast %broadcast_in_dim3A_144 : vector<16xf32> to vector<16xf32>
    tpu.vector_store %arg6[%swap3A_145], %swap3A_148 {strides = array<i32>} : memref<640xf32, #tpu.memory_space<vmem>>, vector<16xf32>,
    %broadcast_in_dim3A_149 = arith.constant 0.000000e+00 : f32
    %broadcast_in_dim3A_150 = vector.broadcast %broadcast_in_dim3A_149 : f32 to vector<16xf32>
    %swap3A_151 = arith.constant 272 : index
    %swap3A_152 = tpu.vector_load %arg6[%swap3A_151] {strides = array<i32>} : memref<640xf32, #tpu.memory_space<vmem>>, vector<16xf32>,
    %swap3A_153 = vector.shape_cast %swap3A_152 : vector<16xf32> to vector<16xf32>
    %swap3A_154 = vector.shape_cast %broadcast_in_dim3A_150 : vector<16xf32> to vector<16xf32>
    tpu.vector_store %arg6[%swap3A_151], %swap3A_154 {strides = array<i32>} : memref<640xf32, #tpu.memory_space<vmem>>, vector<16xf32>,
    %broadcast_in_dim3A_155 = arith.constant 0.000000e+00 : f32
    %broadcast_in_dim3A_156 = vector.broadcast %broadcast_in_dim3A_155 : f32 to vector<16xf32>
    %swap3A_157 = arith.constant 288 : index
    %swap3A_158 = tpu.vector_load %arg6[%swap3A_157] {strides = array<i32>} : memref<640xf32, #tpu.memory_space<vmem>>, vector<16xf32>,
    %swap3A_159 = vector.shape_cast %swap3A_158 : vector<16xf32> to vector<16xf32>
    %swap3A_160 = vector.shape_cast %broadcast_in_dim3A_156 : vector<16xf32> to vector<16xf32>
    tpu.vector_store %arg6[%swap3A_157], %swap3A_160 {strides = array<i32>} : memref<640xf32, #tpu.memory_space<vmem>>, vector<16xf32>,
    %broadcast_in_dim3A_161 = arith.constant 0.000000e+00 : f32
    %broadcast_in_dim3A_162 = vector.broadcast %broadcast_in_dim3A_161 : f32 to vector<16xf32>
    %swap3A_163 = arith.constant 304 : index
    %swap3A_164 = tpu.vector_load %arg6[%swap3A_163] {strides = array<i32>} : memref<640xf32, #tpu.memory_space<vmem>>, vector<16xf32>,
    %swap3A_165 = vector.shape_cast %swap3A_164 : vector<16xf32> to vector<16xf32>
    %swap3A_166 = vector.shape_cast %broadcast_in_dim3A_162 : vector<16xf32> to vector<16xf32>
    tpu.vector_store %arg6[%swap3A_163], %swap3A_166 {strides = array<i32>} : memref<640xf32, #tpu.memory_space<vmem>>, vector<16xf32>,
    %broadcast_in_dim3A_167 = arith.constant 0.000000e+00 : f32
    %broadcast_in_dim3A_168 = vector.broadcast %broadcast_in_dim3A_167 : f32 to vector<16xf32>
    %swap3A_169 = arith.constant 320 : index
    %swap3A_170 = tpu.vector_load %arg6[%swap3A_169] {strides = array<i32>} : memref<640xf32, #tpu.memory_space<vmem>>, vector<16xf32>,
    %swap3A_171 = vector.shape_cast %swap3A_170 : vector<16xf32> to vector<16xf32>
    %swap3A_172 = vector.shape_cast %broadcast_in_dim3A_168 : vector<16xf32> to vector<16xf32>
    tpu.vector_store %arg6[%swap3A_169], %swap3A_172 {strides = array<i32>} : memref<640xf32, #tpu.memory_space<vmem>>, vector<16xf32>,
    %broadcast_in_dim3A_173 = arith.constant 0.000000e+00 : f32
    %broadcast_in_dim3A_174 = vector.broadcast %broadcast_in_dim3A_173 : f32 to vector<16xf32>
    %swap3A_175 = arith.constant 336 : index
    %swap3A_176 = tpu.vector_load %arg6[%swap3A_175] {strides = array<i32>} : memref<640xf32, #tpu.memory_space<vmem>>, vector<16xf32>,
    %swap3A_177 = vector.shape_cast %swap3A_176 : vector<16xf32> to vector<16xf32>
    %swap3A_178 = vector.shape_cast %broadcast_in_dim3A_174 : vector<16xf32> to vector<16xf32>
    tpu.vector_store %arg6[%swap3A_175], %swap3A_178 {strides = array<i32>} : memref<640xf32, #tpu.memory_space<vmem>>, vector<16xf32>,
    %broadcast_in_dim3A_179 = arith.constant 0.000000e+00 : f32
    %broadcast_in_dim3A_180 = vector.broadcast %broadcast_in_dim3A_179 : f32 to vector<16xf32>
    %swap3A_181 = arith.constant 352 : index
    %swap3A_182 = tpu.vector_load %arg6[%swap3A_181] {strides = array<i32>} : memref<640xf32, #tpu.memory_space<vmem>>, vector<16xf32>,
    %swap3A_183 = vector.shape_cast %swap3A_182 : vector<16xf32> to vector<16xf32>
    %swap3A_184 = vector.shape_cast %broadcast_in_dim3A_180 : vector<16xf32> to vector<16xf32>
    tpu.vector_store %arg6[%swap3A_181], %swap3A_184 {strides = array<i32>} : memref<640xf32, #tpu.memory_space<vmem>>, vector<16xf32>,
    %broadcast_in_dim3A_185 = arith.constant 0.000000e+00 : f32
    %broadcast_in_dim3A_186 = vector.broadcast %broadcast_in_dim3A_185 : f32 to vector<16xf32>
    %swap3A_187 = arith.constant 368 : index
    %swap3A_188 = tpu.vector_load %arg6[%swap3A_187] {strides = array<i32>} : memref<640xf32, #tpu.memory_space<vmem>>, vector<16xf32>,
    %swap3A_189 = vector.shape_cast %swap3A_188 : vector<16xf32> to vector<16xf32>
    %swap3A_190 = vector.shape_cast %broadcast_in_dim3A_186 : vector<16xf32> to vector<16xf32>
    tpu.vector_store %arg6[%swap3A_187], %swap3A_190 {strides = array<i32>} : memref<640xf32, #tpu.memory_space<vmem>>, vector<16xf32>,
    %broadcast_in_dim3A_191 = arith.constant 0.000000e+00 : f32
    %broadcast_in_dim3A_192 = vector.broadcast %broadcast_in_dim3A_191 : f32 to vector<16xf32>
    %swap3A_193 = arith.constant 384 : index
    %swap3A_194 = tpu.vector_load %arg6[%swap3A_193] {strides = array<i32>} : memref<640xf32, #tpu.memory_space<vmem>>, vector<16xf32>,
    %swap3A_195 = vector.shape_cast %swap3A_194 : vector<16xf32> to vector<16xf32>
    %swap3A_196 = vector.shape_cast %broadcast_in_dim3A_192 : vector<16xf32> to vector<16xf32>
    tpu.vector_store %arg6[%swap3A_193], %swap3A_196 {strides = array<i32>} : memref<640xf32, #tpu.memory_space<vmem>>, vector<16xf32>,
    %broadcast_in_dim3A_197 = arith.constant 0.000000e+00 : f32
    %broadcast_in_dim3A_198 = vector.broadcast %broadcast_in_dim3A_197 : f32 to vector<16xf32>
    %swap3A_199 = arith.constant 400 : index
    %swap3A_200 = tpu.vector_load %arg6[%swap3A_199] {strides = array<i32>} : memref<640xf32, #tpu.memory_space<vmem>>, vector<16xf32>,
    %swap3A_201 = vector.shape_cast %swap3A_200 : vector<16xf32> to vector<16xf32>
    %swap3A_202 = vector.shape_cast %broadcast_in_dim3A_198 : vector<16xf32> to vector<16xf32>
    tpu.vector_store %arg6[%swap3A_199], %swap3A_202 {strides = array<i32>} : memref<640xf32, #tpu.memory_space<vmem>>, vector<16xf32>,
    %broadcast_in_dim3A_203 = arith.constant 0.000000e+00 : f32
    %broadcast_in_dim3A_204 = vector.broadcast %broadcast_in_dim3A_203 : f32 to vector<16xf32>
    %swap3A_205 = arith.constant 416 : index
    %swap3A_206 = tpu.vector_load %arg6[%swap3A_205] {strides = array<i32>} : memref<640xf32, #tpu.memory_space<vmem>>, vector<16xf32>,
    %swap3A_207 = vector.shape_cast %swap3A_206 : vector<16xf32> to vector<16xf32>
    %swap3A_208 = vector.shape_cast %broadcast_in_dim3A_204 : vector<16xf32> to vector<16xf32>
    tpu.vector_store %arg6[%swap3A_205], %swap3A_208 {strides = array<i32>} : memref<640xf32, #tpu.memory_space<vmem>>, vector<16xf32>,
    %broadcast_in_dim3A_209 = arith.constant 0.000000e+00 : f32
    %broadcast_in_dim3A_210 = vector.broadcast %broadcast_in_dim3A_209 : f32 to vector<16xf32>
    %swap3A_211 = arith.constant 432 : index
    %swap3A_212 = tpu.vector_load %arg6[%swap3A_211] {strides = array<i32>} : memref<640xf32, #tpu.memory_space<vmem>>, vector<16xf32>,
    %swap3A_213 = vector.shape_cast %swap3A_212 : vector<16xf32> to vector<16xf32>
    %swap3A_214 = vector.shape_cast %broadcast_in_dim3A_210 : vector<16xf32> to vector<16xf32>
    tpu.vector_store %arg6[%swap3A_211], %swap3A_214 {strides = array<i32>} : memref<640xf32, #tpu.memory_space<vmem>>, vector<16xf32>,
    %broadcast_in_dim3A_215 = arith.constant 0.000000e+00 : f32
    %broadcast_in_dim3A_216 = vector.broadcast %broadcast_in_dim3A_215 : f32 to vector<16xf32>
    %swap3A_217 = arith.constant 448 : index
    %swap3A_218 = tpu.vector_load %arg6[%swap3A_217] {strides = array<i32>} : memref<640xf32, #tpu.memory_space<vmem>>, vector<16xf32>,
    %swap3A_219 = vector.shape_cast %swap3A_218 : vector<16xf32> to vector<16xf32>
    %swap3A_220 = vector.shape_cast %broadcast_in_dim3A_216 : vector<16xf32> to vector<16xf32>
    tpu.vector_store %arg6[%swap3A_217], %swap3A_220 {strides = array<i32>} : memref<640xf32, #tpu.memory_space<vmem>>, vector<16xf32>,
    %broadcast_in_dim3A_221 = arith.constant 0.000000e+00 : f32
    %broadcast_in_dim3A_222 = vector.broadcast %broadcast_in_dim3A_221 : f32 to vector<16xf32>
    %swap3A_223 = arith.constant 464 : index
    %swap3A_224 = tpu.vector_load %arg6[%swap3A_223] {strides = array<i32>} : memref<640xf32, #tpu.memory_space<vmem>>, vector<16xf32>,
    %swap3A_225 = vector.shape_cast %swap3A_224 : vector<16xf32> to vector<16xf32>
    %swap3A_226 = vector.shape_cast %broadcast_in_dim3A_222 : vector<16xf32> to vector<16xf32>
    tpu.vector_store %arg6[%swap3A_223], %swap3A_226 {strides = array<i32>} : memref<640xf32, #tpu.memory_space<vmem>>, vector<16xf32>,
    %broadcast_in_dim3A_227 = arith.constant 0.000000e+00 : f32
    %broadcast_in_dim3A_228 = vector.broadcast %broadcast_in_dim3A_227 : f32 to vector<16xf32>
    %swap3A_229 = arith.constant 480 : index
    %swap3A_230 = tpu.vector_load %arg6[%swap3A_229] {strides = array<i32>} : memref<640xf32, #tpu.memory_space<vmem>>, vector<16xf32>,
    %swap3A_231 = vector.shape_cast %swap3A_230 : vector<16xf32> to vector<16xf32>
    %swap3A_232 = vector.shape_cast %broadcast_in_dim3A_228 : vector<16xf32> to vector<16xf32>
    tpu.vector_store %arg6[%swap3A_229], %swap3A_232 {strides = array<i32>} : memref<640xf32, #tpu.memory_space<vmem>>, vector<16xf32>,
    %broadcast_in_dim3A_233 = arith.constant 0.000000e+00 : f32
    %broadcast_in_dim3A_234 = vector.broadcast %broadcast_in_dim3A_233 : f32 to vector<16xf32>
    %swap3A_235 = arith.constant 496 : index
    %swap3A_236 = tpu.vector_load %arg6[%swap3A_235] {strides = array<i32>} : memref<640xf32, #tpu.memory_space<vmem>>, vector<16xf32>,
    %swap3A_237 = vector.shape_cast %swap3A_236 : vector<16xf32> to vector<16xf32>
    %swap3A_238 = vector.shape_cast %broadcast_in_dim3A_234 : vector<16xf32> to vector<16xf32>
    tpu.vector_store %arg6[%swap3A_235], %swap3A_238 {strides = array<i32>} : memref<640xf32, #tpu.memory_space<vmem>>, vector<16xf32>,
    %broadcast_in_dim3A_239 = arith.constant 0.000000e+00 : f32
    %broadcast_in_dim3A_240 = vector.broadcast %broadcast_in_dim3A_239 : f32 to vector<16xf32>
    %swap3A_241 = arith.constant 512 : index
    %swap3A_242 = tpu.vector_load %arg6[%swap3A_241] {strides = array<i32>} : memref<640xf32, #tpu.memory_space<vmem>>, vector<16xf32>,
    %swap3A_243 = vector.shape_cast %swap3A_242 : vector<16xf32> to vector<16xf32>
    %swap3A_244 = vector.shape_cast %broadcast_in_dim3A_240 : vector<16xf32> to vector<16xf32>
    tpu.vector_store %arg6[%swap3A_241], %swap3A_244 {strides = array<i32>} : memref<640xf32, #tpu.memory_space<vmem>>, vector<16xf32>,
    %broadcast_in_dim3A_245 = arith.constant 0.000000e+00 : f32
    %broadcast_in_dim3A_246 = vector.broadcast %broadcast_in_dim3A_245 : f32 to vector<16xf32>
    %swap3A_247 = arith.constant 528 : index
    %swap3A_248 = tpu.vector_load %arg6[%swap3A_247] {strides = array<i32>} : memref<640xf32, #tpu.memory_space<vmem>>, vector<16xf32>,
    %swap3A_249 = vector.shape_cast %swap3A_248 : vector<16xf32> to vector<16xf32>
    %swap3A_250 = vector.shape_cast %broadcast_in_dim3A_246 : vector<16xf32> to vector<16xf32>
    tpu.vector_store %arg6[%swap3A_247], %swap3A_250 {strides = array<i32>} : memref<640xf32, #tpu.memory_space<vmem>>, vector<16xf32>,
    %broadcast_in_dim3A_251 = arith.constant 0.000000e+00 : f32
    %broadcast_in_dim3A_252 = vector.broadcast %broadcast_in_dim3A_251 : f32 to vector<16xf32>
    %swap3A_253 = arith.constant 544 : index
    %swap3A_254 = tpu.vector_load %arg6[%swap3A_253] {strides = array<i32>} : memref<640xf32, #tpu.memory_space<vmem>>, vector<16xf32>,
    %swap3A_255 = vector.shape_cast %swap3A_254 : vector<16xf32> to vector<16xf32>
    %swap3A_256 = vector.shape_cast %broadcast_in_dim3A_252 : vector<16xf32> to vector<16xf32>
    tpu.vector_store %arg6[%swap3A_253], %swap3A_256 {strides = array<i32>} : memref<640xf32, #tpu.memory_space<vmem>>, vector<16xf32>,
    %broadcast_in_dim3A_257 = arith.constant 0.000000e+00 : f32
    %broadcast_in_dim3A_258 = vector.broadcast %broadcast_in_dim3A_257 : f32 to vector<16xf32>
    %swap3A_259 = arith.constant 560 : index
    %swap3A_260 = tpu.vector_load %arg6[%swap3A_259] {strides = array<i32>} : memref<640xf32, #tpu.memory_space<vmem>>, vector<16xf32>,
    %swap3A_261 = vector.shape_cast %swap3A_260 : vector<16xf32> to vector<16xf32>
    %swap3A_262 = vector.shape_cast %broadcast_in_dim3A_258 : vector<16xf32> to vector<16xf32>
    tpu.vector_store %arg6[%swap3A_259], %swap3A_262 {strides = array<i32>} : memref<640xf32, #tpu.memory_space<vmem>>, vector<16xf32>,
    %broadcast_in_dim3A_263 = arith.constant 0.000000e+00 : f32
    %broadcast_in_dim3A_264 = vector.broadcast %broadcast_in_dim3A_263 : f32 to vector<16xf32>
    %swap3A_265 = arith.constant 576 : index
    %swap3A_266 = tpu.vector_load %arg6[%swap3A_265] {strides = array<i32>} : memref<640xf32, #tpu.memory_space<vmem>>, vector<16xf32>,
    %swap3A_267 = vector.shape_cast %swap3A_266 : vector<16xf32> to vector<16xf32>
    %swap3A_268 = vector.shape_cast %broadcast_in_dim3A_264 : vector<16xf32> to vector<16xf32>
    tpu.vector_store %arg6[%swap3A_265], %swap3A_268 {strides = array<i32>} : memref<640xf32, #tpu.memory_space<vmem>>, vector<16xf32>,
    %broadcast_in_dim3A_269 = arith.constant 0.000000e+00 : f32
    %broadcast_in_dim3A_270 = vector.broadcast %broadcast_in_dim3A_269 : f32 to vector<16xf32>
    %swap3A_271 = arith.constant 592 : index
    %swap3A_272 = tpu.vector_load %arg6[%swap3A_271] {strides = array<i32>} : memref<640xf32, #tpu.memory_space<vmem>>, vector<16xf32>,
    %swap3A_273 = vector.shape_cast %swap3A_272 : vector<16xf32> to vector<16xf32>
    %swap3A_274 = vector.shape_cast %broadcast_in_dim3A_270 : vector<16xf32> to vector<16xf32>
    tpu.vector_store %arg6[%swap3A_271], %swap3A_274 {strides = array<i32>} : memref<640xf32, #tpu.memory_space<vmem>>, vector<16xf32>,
    %broadcast_in_dim3A_275 = arith.constant 0.000000e+00 : f32
    %broadcast_in_dim3A_276 = vector.broadcast %broadcast_in_dim3A_275 : f32 to vector<16xf32>
    %swap3A_277 = arith.constant 608 : index
    %swap3A_278 = tpu.vector_load %arg6[%swap3A_277] {strides = array<i32>} : memref<640xf32, #tpu.memory_space<vmem>>, vector<16xf32>,
    %swap3A_279 = vector.shape_cast %swap3A_278 : vector<16xf32> to vector<16xf32>
    %swap3A_280 = vector.shape_cast %broadcast_in_dim3A_276 : vector<16xf32> to vector<16xf32>
    tpu.vector_store %arg6[%swap3A_277], %swap3A_280 {strides = array<i32>} : memref<640xf32, #tpu.memory_space<vmem>>, vector<16xf32>,
    %broadcast_in_dim3A_281 = arith.constant 0.000000e+00 : f32
    %broadcast_in_dim3A_282 = vector.broadcast %broadcast_in_dim3A_281 : f32 to vector<16xf32>
    %swap3A_283 = arith.constant 624 : index
    %swap3A_284 = tpu.vector_load %arg6[%swap3A_283] {strides = array<i32>} : memref<640xf32, #tpu.memory_space<vmem>>, vector<16xf32>,
    %swap3A_285 = vector.shape_cast %swap3A_284 : vector<16xf32> to vector<16xf32>
    %swap3A_286 = vector.shape_cast %broadcast_in_dim3A_282 : vector<16xf32> to vector<16xf32>
    tpu.vector_store %arg6[%swap3A_283], %swap3A_286 {strides = array<i32>} : memref<640xf32, #tpu.memory_space<vmem>>, vector<16xf32>,
    %mul3A_287 = arith.constant 640 : i32
    %mul3A_288 = arith.muli %arg1, %mul3A_287 : i32
    "tpu.region"() ({
      %run_scoped3A = tpu.sem_alloc : memref<!tpu.dma_semaphore, #tpu.memory_space<semaphore_mem>>
      %dma_start3A = tpu.memref_slice %arg7[%mul3A_288] : memref<10240xf32, #tpu.memory_space<vmem_shared>> -> memref<640xf32, #tpu.memory_space<vmem_shared>>
      %dma_start3A_301 = tpu.memref_slice %arg7[%mul3A_288] : memref<10240xf32, #tpu.memory_space<vmem_shared>> -> memref<640xf32, #tpu.memory_space<vmem_shared>>
      tpu.enqueue_dma source(%arg6 : memref<640xf32, #tpu.memory_space<vmem>>) target(%dma_start3A_301 : memref<640xf32, #tpu.memory_space<vmem_shared>>) target_semaphore(%run_scoped3A : memref<!tpu.dma_semaphore, #tpu.memory_space<semaphore_mem>>)
      %dma_wait3A = tpu.memref_slice %arg7[%mul3A_288] : memref<10240xf32, #tpu.memory_space<vmem_shared>> -> memref<640xf32, #tpu.memory_space<vmem_shared>>
      %dma_wait3A_302 = tpu.memref_slice %arg7[%mul3A_288] : memref<10240xf32, #tpu.memory_space<vmem_shared>> -> memref<640xf32, #tpu.memory_space<vmem_shared>>
      tpu.wait_dma2 semaphore(%run_scoped3A : memref<!tpu.dma_semaphore, #tpu.memory_space<semaphore_mem>>) src(%arg6 : memref<640xf32, #tpu.memory_space<vmem>>) dst(%dma_wait3A_302 : memref<640xf32, #tpu.memory_space<vmem_shared>>)
      tpu.yield
    }) : () -> ()
    "tpu.region"() ({
      %run_scoped3A = tpu.sem_alloc : memref<!tpu.dma_semaphore, #tpu.memory_space<semaphore_mem>>
      %dma_start3A = arith.constant 0 : i32
      %dma_start3A_301 = arith.constant 0 : i32
      %dma_start3A_302 = tpu.memref_slice %arg2[%add3A, %dma_start3A, %dma_start3A_301] : memref<32x80x128xi32, #tpu.memory_space<hbm>> -> memref<1x80x128xi32, #tpu.memory_space<hbm>>
      %dma_start3A_303 = tpu.memref_squeeze %dma_start3A_302 : memref<1x80x128xi32, #tpu.memory_space<hbm>> -> memref<80x128xi32, #tpu.memory_space<hbm>>
      %dma_start3A_304 = arith.constant 0 : i32
      %dma_start3A_305 = arith.constant 0 : i32
      %dma_start3A_306 = tpu.memref_slice %arg2[%add3A, %dma_start3A_304, %dma_start3A_305] : memref<32x80x128xi32, #tpu.memory_space<hbm>> -> memref<1x80x128xi32, #tpu.memory_space<hbm>>
      %dma_start3A_307 = tpu.memref_squeeze %dma_start3A_306 : memref<1x80x128xi32, #tpu.memory_space<hbm>> -> memref<80x128xi32, #tpu.memory_space<hbm>>
      tpu.enqueue_dma source(%dma_start3A_307 : memref<80x128xi32, #tpu.memory_space<hbm>>) target(%arg4 : memref<80x128xi32, #tpu.memory_space<vmem>>) target_semaphore(%run_scoped3A : memref<!tpu.dma_semaphore, #tpu.memory_space<semaphore_mem>>)
      %dma_wait3A = arith.constant 0 : i32
      %dma_wait3A_308 = arith.constant 0 : i32
      %dma_wait3A_309 = tpu.memref_slice %arg2[%add3A, %dma_wait3A, %dma_wait3A_308] : memref<32x80x128xi32, #tpu.memory_space<hbm>> -> memref<1x80x128xi32, #tpu.memory_space<hbm>>
      %dma_wait3A_310 = tpu.memref_squeeze %dma_wait3A_309 : memref<1x80x128xi32, #tpu.memory_space<hbm>> -> memref<80x128xi32, #tpu.memory_space<hbm>>
      %dma_wait3A_311 = arith.constant 0 : i32
      %dma_wait3A_312 = arith.constant 0 : i32
      %dma_wait3A_313 = tpu.memref_slice %arg2[%add3A, %dma_wait3A_311, %dma_wait3A_312] : memref<32x80x128xi32, #tpu.memory_space<hbm>> -> memref<1x80x128xi32, #tpu.memory_space<hbm>>
      %dma_wait3A_314 = tpu.memref_squeeze %dma_wait3A_313 : memref<1x80x128xi32, #tpu.memory_space<hbm>> -> memref<80x128xi32, #tpu.memory_space<hbm>>
      tpu.wait_dma2 semaphore(%run_scoped3A : memref<!tpu.dma_semaphore, #tpu.memory_space<semaphore_mem>>) src(%dma_wait3A_314 : memref<80x128xi32, #tpu.memory_space<hbm>>) dst(%arg4 : memref<80x128xi32, #tpu.memory_space<vmem>>)
      tpu.yield
    }) : () -> ()
    %barrier3A = arith.constant 0 : index
    tpu.barrier barrier_id(%barrier3A)
    %scan3A = arith.constant 0 : i32
    %scan3A_289 = arith.constant 80 : i32
    %scan3A_290 = arith.addi %scan3A, %scan3A_289 : i32
    %scan3A_291 = arith.constant 1 : i32
    scf.for %scan3A_301 = %scan3A to %scan3A_290 step %scan3A_291  : i32 {
      "tpu.region"() ({
        %run_scoped3A = tpu.sem_alloc : memref<!tpu.dma_semaphore, #tpu.memory_space<semaphore_mem>>
        %dma_start3A = arith.constant 0 : i32
        %dma_start3A_302 = tpu.memref_slice %arg4[%scan3A_301, %dma_start3A] : memref<80x128xi32, #tpu.memory_space<vmem>> -> memref<1x128xi32, #tpu.memory_space<vmem>>
        %dma_start3A_303 = tpu.memref_squeeze %dma_start3A_302 : memref<1x128xi32, #tpu.memory_space<vmem>> -> memref<128xi32, #tpu.memory_space<vmem>>
        %dma_start3A_304 = arith.constant 0 : i32
        %dma_start3A_305 = tpu.memref_slice %arg7[%dma_start3A_304] : memref<10240xf32, #tpu.memory_space<vmem_shared>> -> memref<10240xf32, #tpu.memory_space<vmem_shared>>
        tpu.enqueue_indirect_dma source(%arg5 : memref<128xf32, #tpu.memory_space<vmem>>) target(%dma_start3A_305 : memref<10240xf32, #tpu.memory_space<vmem_shared>>) offsets(%dma_start3A_303 : memref<128xi32, #tpu.memory_space<vmem>>) semaphore(%run_scoped3A : memref<!tpu.dma_semaphore, #tpu.memory_space<semaphore_mem>>) {add = true}
        %dma_wait3A = arith.constant 0 : i32
        %dma_wait3A_306 = tpu.memref_slice %arg4[%scan3A_301, %dma_wait3A] : memref<80x128xi32, #tpu.memory_space<vmem>> -> memref<1x128xi32, #tpu.memory_space<vmem>>
        %dma_wait3A_307 = tpu.memref_squeeze %dma_wait3A_306 : memref<1x128xi32, #tpu.memory_space<vmem>> -> memref<128xi32, #tpu.memory_space<vmem>>
        %dma_wait3A_308 = arith.constant 0 : i32
        %dma_wait3A_309 = tpu.memref_slice %arg7[%dma_wait3A_308] : memref<10240xf32, #tpu.memory_space<vmem_shared>> -> memref<10240xf32, #tpu.memory_space<vmem_shared>>
        tpu.wait_indirect_dma semaphore(%run_scoped3A : memref<!tpu.dma_semaphore, #tpu.memory_space<semaphore_mem>>) src(%arg5 : memref<128xf32, #tpu.memory_space<vmem>>) dst(%dma_wait3A_309 : memref<10240xf32, #tpu.memory_space<vmem_shared>>)
        tpu.yield
      }) : () -> ()
    }
    %scan3A_292 = arith.constant 80 : i32
    %barrier3A_293 = arith.constant 0 : index
    tpu.barrier barrier_id(%barrier3A_293)
    %mul3A_294 = arith.constant 640 : i32
    %mul3A_295 = arith.muli %arg1, %mul3A_294 : i32
    %mul3A_296 = arith.constant 10240 : i32
    %mul3A_297 = arith.muli %arg0, %mul3A_296 : i32
    %mul3A_298 = arith.constant 640 : i32
    %mul3A_299 = arith.muli %arg1, %mul3A_298 : i32
    %add3A_300 = arith.addi %mul3A_297, %mul3A_299 : i32
    "tpu.region"() ({
      %run_scoped3A = tpu.sem_alloc : memref<!tpu.dma_semaphore, #tpu.memory_space<semaphore_mem>>
      %dma_start3A = tpu.memref_slice %arg3[%add3A_300] : memref<20480xf32, #tpu.memory_space<hbm>> -> memref<640xf32, #tpu.memory_space<hbm>>
      %dma_start3A_301 = tpu.memref_slice %arg7[%mul3A_295] : memref<10240xf32, #tpu.memory_space<vmem_shared>> -> memref<640xf32, #tpu.memory_space<vmem_shared>>
      tpu.enqueue_dma source(%dma_start3A_301 : memref<640xf32, #tpu.memory_space<vmem_shared>>) target(%dma_start3A : memref<640xf32, #tpu.memory_space<hbm>>) target_semaphore(%run_scoped3A : memref<!tpu.dma_semaphore, #tpu.memory_space<semaphore_mem>>)
      %dma_wait3A = tpu.memref_slice %arg3[%add3A_300] : memref<20480xf32, #tpu.memory_space<hbm>> -> memref<640xf32, #tpu.memory_space<hbm>>
      %dma_wait3A_302 = tpu.memref_slice %arg7[%mul3A_295] : memref<10240xf32, #tpu.memory_space<vmem_shared>> -> memref<640xf32, #tpu.memory_space<vmem_shared>>
      tpu.wait_dma2 semaphore(%run_scoped3A : memref<!tpu.dma_semaphore, #tpu.memory_space<semaphore_mem>>) src(%dma_wait3A_302 : memref<640xf32, #tpu.memory_space<vmem_shared>>) dst(%dma_wait3A : memref<640xf32, #tpu.memory_space<hbm>>)
      tpu.yield
    }) : () -> ()
    return
  }
}

#map = affine_map<(d0, d1) -> (0, 0)>
#map1 = affine_map<(d0, d1) -> (0, 0, 0, 0)>
#map2 = affine_map<(d0, d1) -> (0, 0, 0)>
module attributes {stable_mosaic.version = 14 : i64} {
  func.func @_sc_aggregate(%arg0: i32, %arg1: i32, %arg2: memref<10000x128xf32, #tpu.memory_space<hbm>>, %arg3: memref<32x2x40x128xi32, #tpu.memory_space<hbm>>, %arg4: memref<32x2x40x128xi32, #tpu.memory_space<hbm>>, %arg5: memref<2x10000x128xf32, #tpu.memory_space<hbm>>, %arg6: memref<40x128xi32, #tpu.memory_space<vmem>>, %arg7: memref<40x128xi32, #tpu.memory_space<vmem>>, %arg8: memref<128x128xf32, #tpu.memory_space<vmem>>, %arg9: memref<128x128xf32, #tpu.memory_space<vmem>>, %arg10: memref<10240x128xf32, #tpu.memory_space<vmem_shared>>, %arg11: memref<!tpu.dma_semaphore, #tpu.memory_space<semaphore_mem>>, %arg12: memref<!tpu.dma_semaphore, #tpu.memory_space<semaphore_mem>>) attributes {dimension_semantics = [#tpu.dimension_semantics<core_parallel>, #tpu.dimension_semantics<subcore_parallel>], iteration_bounds = array<i64: 2, 16>, scalar_prefetch = 0 : i64, scratch_operands = 7 : i64, tpu.core_type = #tpu.core_type<sc_vector_subcore>, window_params = [{transform_indices = #map}, {transform_indices = #map1}, {transform_indices = #map1}, {transform_indices = #map2}]} {
    %mul3A = arith.constant 2 : i32
    %mul3A_0 = arith.muli %arg1, %mul3A : i32
    %add3A = arith.addi %mul3A_0, %arg0 : i32
    %dma_start3A = arith.constant 0 : i32
    %dma_start3A_1 = arith.constant 0 : i32
    %dma_start3A_2 = arith.constant 0 : i32
    %dma_start3A_3 = tpu.memref_slice %arg3[%add3A, %dma_start3A, %dma_start3A_1, %dma_start3A_2] : memref<32x2x40x128xi32, #tpu.memory_space<hbm>> -> memref<1x1x40x128xi32, #tpu.memory_space<hbm>>
    %dma_start3A_4 = tpu.memref_squeeze %dma_start3A_3 : memref<1x1x40x128xi32, #tpu.memory_space<hbm>> -> memref<40x128xi32, #tpu.memory_space<hbm>>
    %dma_start3A_5 = arith.constant 0 : i32
    %dma_start3A_6 = arith.constant 0 : i32
    %dma_start3A_7 = tpu.memref_slice %arg3[%add3A, %dma_start3A, %dma_start3A_5, %dma_start3A_6] : memref<32x2x40x128xi32, #tpu.memory_space<hbm>> -> memref<1x1x40x128xi32, #tpu.memory_space<hbm>>
    %dma_start3A_8 = tpu.memref_squeeze %dma_start3A_7 : memref<1x1x40x128xi32, #tpu.memory_space<hbm>> -> memref<40x128xi32, #tpu.memory_space<hbm>>
    tpu.enqueue_dma source(%dma_start3A_8 : memref<40x128xi32, #tpu.memory_space<hbm>>) target(%arg6 : memref<40x128xi32, #tpu.memory_space<vmem>>) target_semaphore(%arg11 : memref<!tpu.dma_semaphore, #tpu.memory_space<semaphore_mem>>)
    %dma_start3A_9 = arith.constant 0 : i32
    %dma_start3A_10 = arith.constant 0 : i32
    %dma_start3A_11 = arith.constant 0 : i32
    %dma_start3A_12 = tpu.memref_slice %arg4[%add3A, %dma_start3A_9, %dma_start3A_10, %dma_start3A_11] : memref<32x2x40x128xi32, #tpu.memory_space<hbm>> -> memref<1x1x40x128xi32, #tpu.memory_space<hbm>>
    %dma_start3A_13 = tpu.memref_squeeze %dma_start3A_12 : memref<1x1x40x128xi32, #tpu.memory_space<hbm>> -> memref<40x128xi32, #tpu.memory_space<hbm>>
    %dma_start3A_14 = arith.constant 0 : i32
    %dma_start3A_15 = arith.constant 0 : i32
    %dma_start3A_16 = tpu.memref_slice %arg4[%add3A, %dma_start3A_9, %dma_start3A_14, %dma_start3A_15] : memref<32x2x40x128xi32, #tpu.memory_space<hbm>> -> memref<1x1x40x128xi32, #tpu.memory_space<hbm>>
    %dma_start3A_17 = tpu.memref_squeeze %dma_start3A_16 : memref<1x1x40x128xi32, #tpu.memory_space<hbm>> -> memref<40x128xi32, #tpu.memory_space<hbm>>
    tpu.enqueue_dma source(%dma_start3A_17 : memref<40x128xi32, #tpu.memory_space<hbm>>) target(%arg7 : memref<40x128xi32, #tpu.memory_space<vmem>>) target_semaphore(%arg12 : memref<!tpu.dma_semaphore, #tpu.memory_space<semaphore_mem>>)
    %scan3A = arith.constant 0 : i32
    %scan3A_18 = arith.constant 1024 : i32
    %scan3A_19 = arith.addi %scan3A, %scan3A_18 : i32
    %scan3A_20 = arith.constant 1 : i32
    scf.for %scan3A_83 = %scan3A to %scan3A_19 step %scan3A_20  : i32 {
      %jit3A = arith.constant 8 : i32
      %div3A = arith.divsi %scan3A_83, %jit3A : i32
      %sign3A = arith.constant 0 : i32
      %sign3A_84 = arith.cmpi sgt, %scan3A_83, %sign3A : i32
      %sign3A_85 = arith.extui %sign3A_84 : i1 to i32
      %sign3A_86 = arith.constant 0 : i32
      %sign3A_87 = arith.cmpi slt, %scan3A_83, %sign3A_86 : i32
      %sign3A_88 = arith.extui %sign3A_87 : i1 to i32
      %sign3A_89 = arith.subi %sign3A_85, %sign3A_88 : i32
      %sign3A_90 = arith.constant 0 : i32
      %sign3A_91 = arith.cmpi sgt, %jit3A, %sign3A_90 : i32
      %sign3A_92 = arith.extui %sign3A_91 : i1 to i32
      %sign3A_93 = arith.constant 0 : i32
      %sign3A_94 = arith.cmpi slt, %jit3A, %sign3A_93 : i32
      %sign3A_95 = arith.extui %sign3A_94 : i1 to i32
      %sign3A_96 = arith.subi %sign3A_92, %sign3A_95 : i32
      %ne3A = arith.cmpi ne, %sign3A_89, %sign3A_96 : i32
      %rem3A = arith.remsi %scan3A_83, %jit3A : i32
      %ne3A_97 = arith.constant 0 : i32
      %ne3A_98 = arith.cmpi ne, %rem3A, %ne3A_97 : i32
      %and3A = arith.andi %ne3A, %ne3A_98 : i1
      %sub3A = arith.constant 1 : i32
      %sub3A_99 = arith.subi %div3A, %sub3A : i32
      %select_n3A = arith.select %and3A, %sub3A_99, %div3A : i32
      %jit3A_100 = arith.constant 8 : i32
      %eq3A = arith.constant 0 : i32
      %eq3A_101 = arith.cmpi eq, %jit3A_100, %eq3A : i32
      %jit3A_102 = arith.constant 1 : i32
      %select_n3A_103 = arith.select %eq3A_101, %jit3A_102, %jit3A_100 : i32
      %rem3A_104 = arith.remsi %scan3A_83, %select_n3A_103 : i32
      %ne3A_105 = arith.constant 0 : i32
      %ne3A_106 = arith.cmpi ne, %rem3A_104, %ne3A_105 : i32
      %lt3A_107 = arith.constant 0 : i32
      %lt3A_108 = arith.cmpi slt, %rem3A_104, %lt3A_107 : i32
      %lt3A_109 = arith.constant 0 : i32
      %lt3A_110 = arith.cmpi slt, %select_n3A_103, %lt3A_109 : i32
      %ne3A_111 = arith.xori %lt3A_108, %lt3A_110 : i1
      %and3A_112 = arith.andi %ne3A_111, %ne3A_106 : i1
      %add3A_113 = arith.addi %rem3A_104, %select_n3A_103 : i32
      %select_n3A_114 = arith.select %and3A_112, %add3A_113, %rem3A_104 : i32
      %mul3A_115 = arith.constant 16 : i32
      %mul3A_116 = arith.muli %select_n3A_114, %mul3A_115 : i32
      %broadcast_in_dim3A = arith.constant 0.000000e+00 : f32
      %broadcast_in_dim3A_117 = vector.broadcast %broadcast_in_dim3A : f32 to vector<16xf32>
      %swap3A = arith.index_cast %select_n3A : i32 to index
      %swap3A_118 = arith.index_cast %mul3A_116 : i32 to index
      %swap3A_119 = tpu.vector_load %arg8[%swap3A, %swap3A_118] {strides = array<i32>} : memref<128x128xf32, #tpu.memory_space<vmem>>, vector<1x16xf32>,
      %swap3A_120 = vector.shape_cast %swap3A_119 : vector<1x16xf32> to vector<16xf32>
      %swap3A_121 = vector.shape_cast %broadcast_in_dim3A_117 : vector<16xf32> to vector<1x16xf32>
      tpu.vector_store %arg8[%swap3A, %swap3A_118], %swap3A_121 {strides = array<i32>} : memref<128x128xf32, #tpu.memory_space<vmem>>, vector<1x16xf32>,
    }
    %scan3A_21 = arith.constant 1024 : i32
    %mul3A_22 = arith.constant 640 : i32
    %mul3A_23 = arith.muli %arg1, %mul3A_22 : i32
    %add3A_24 = arith.constant 0 : i32
    %add3A_25 = arith.addi %mul3A_23, %add3A_24 : i32
    "tpu.region"() ({
      %run_scoped3A_83 = tpu.sem_alloc : memref<!tpu.dma_semaphore, #tpu.memory_space<semaphore_mem>>
      %dma_start3A_84 = arith.constant 0 : i32
      %dma_start3A_85 = tpu.memref_slice %arg10[%add3A_25, %dma_start3A_84] : memref<10240x128xf32, #tpu.memory_space<vmem_shared>> -> memref<128x128xf32, #tpu.memory_space<vmem_shared>>
      %dma_start3A_86 = arith.constant 0 : i32
      %dma_start3A_87 = tpu.memref_slice %arg10[%add3A_25, %dma_start3A_86] : memref<10240x128xf32, #tpu.memory_space<vmem_shared>> -> memref<128x128xf32, #tpu.memory_space<vmem_shared>>
      tpu.enqueue_dma source(%arg8 : memref<128x128xf32, #tpu.memory_space<vmem>>) target(%dma_start3A_87 : memref<128x128xf32, #tpu.memory_space<vmem_shared>>) target_semaphore(%run_scoped3A_83 : memref<!tpu.dma_semaphore, #tpu.memory_space<semaphore_mem>>)
      %dma_wait3A_88 = arith.constant 0 : i32
      %dma_wait3A_89 = tpu.memref_slice %arg10[%add3A_25, %dma_wait3A_88] : memref<10240x128xf32, #tpu.memory_space<vmem_shared>> -> memref<128x128xf32, #tpu.memory_space<vmem_shared>>
      %dma_wait3A_90 = arith.constant 0 : i32
      %dma_wait3A_91 = tpu.memref_slice %arg10[%add3A_25, %dma_wait3A_90] : memref<10240x128xf32, #tpu.memory_space<vmem_shared>> -> memref<128x128xf32, #tpu.memory_space<vmem_shared>>
      tpu.wait_dma2 semaphore(%run_scoped3A_83 : memref<!tpu.dma_semaphore, #tpu.memory_space<semaphore_mem>>) src(%arg8 : memref<128x128xf32, #tpu.memory_space<vmem>>) dst(%dma_wait3A_91 : memref<128x128xf32, #tpu.memory_space<vmem_shared>>)
      tpu.yield
    }) : () -> ()
    %add3A_26 = arith.constant 128 : i32
    %add3A_27 = arith.addi %mul3A_23, %add3A_26 : i32
    "tpu.region"() ({
      %run_scoped3A_83 = tpu.sem_alloc : memref<!tpu.dma_semaphore, #tpu.memory_space<semaphore_mem>>
      %dma_start3A_84 = arith.constant 0 : i32
      %dma_start3A_85 = tpu.memref_slice %arg10[%add3A_27, %dma_start3A_84] : memref<10240x128xf32, #tpu.memory_space<vmem_shared>> -> memref<128x128xf32, #tpu.memory_space<vmem_shared>>
      %dma_start3A_86 = arith.constant 0 : i32
      %dma_start3A_87 = tpu.memref_slice %arg10[%add3A_27, %dma_start3A_86] : memref<10240x128xf32, #tpu.memory_space<vmem_shared>> -> memref<128x128xf32, #tpu.memory_space<vmem_shared>>
      tpu.enqueue_dma source(%arg8 : memref<128x128xf32, #tpu.memory_space<vmem>>) target(%dma_start3A_87 : memref<128x128xf32, #tpu.memory_space<vmem_shared>>) target_semaphore(%run_scoped3A_83 : memref<!tpu.dma_semaphore, #tpu.memory_space<semaphore_mem>>)
      %dma_wait3A_88 = arith.constant 0 : i32
      %dma_wait3A_89 = tpu.memref_slice %arg10[%add3A_27, %dma_wait3A_88] : memref<10240x128xf32, #tpu.memory_space<vmem_shared>> -> memref<128x128xf32, #tpu.memory_space<vmem_shared>>
      %dma_wait3A_90 = arith.constant 0 : i32
      %dma_wait3A_91 = tpu.memref_slice %arg10[%add3A_27, %dma_wait3A_90] : memref<10240x128xf32, #tpu.memory_space<vmem_shared>> -> memref<128x128xf32, #tpu.memory_space<vmem_shared>>
      tpu.wait_dma2 semaphore(%run_scoped3A_83 : memref<!tpu.dma_semaphore, #tpu.memory_space<semaphore_mem>>) src(%arg8 : memref<128x128xf32, #tpu.memory_space<vmem>>) dst(%dma_wait3A_91 : memref<128x128xf32, #tpu.memory_space<vmem_shared>>)
      tpu.yield
    }) : () -> ()
    %add3A_28 = arith.constant 256 : i32
    %add3A_29 = arith.addi %mul3A_23, %add3A_28 : i32
    "tpu.region"() ({
      %run_scoped3A_83 = tpu.sem_alloc : memref<!tpu.dma_semaphore, #tpu.memory_space<semaphore_mem>>
      %dma_start3A_84 = arith.constant 0 : i32
      %dma_start3A_85 = tpu.memref_slice %arg10[%add3A_29, %dma_start3A_84] : memref<10240x128xf32, #tpu.memory_space<vmem_shared>> -> memref<128x128xf32, #tpu.memory_space<vmem_shared>>
      %dma_start3A_86 = arith.constant 0 : i32
      %dma_start3A_87 = tpu.memref_slice %arg10[%add3A_29, %dma_start3A_86] : memref<10240x128xf32, #tpu.memory_space<vmem_shared>> -> memref<128x128xf32, #tpu.memory_space<vmem_shared>>
      tpu.enqueue_dma source(%arg8 : memref<128x128xf32, #tpu.memory_space<vmem>>) target(%dma_start3A_87 : memref<128x128xf32, #tpu.memory_space<vmem_shared>>) target_semaphore(%run_scoped3A_83 : memref<!tpu.dma_semaphore, #tpu.memory_space<semaphore_mem>>)
      %dma_wait3A_88 = arith.constant 0 : i32
      %dma_wait3A_89 = tpu.memref_slice %arg10[%add3A_29, %dma_wait3A_88] : memref<10240x128xf32, #tpu.memory_space<vmem_shared>> -> memref<128x128xf32, #tpu.memory_space<vmem_shared>>
      %dma_wait3A_90 = arith.constant 0 : i32
      %dma_wait3A_91 = tpu.memref_slice %arg10[%add3A_29, %dma_wait3A_90] : memref<10240x128xf32, #tpu.memory_space<vmem_shared>> -> memref<128x128xf32, #tpu.memory_space<vmem_shared>>
      tpu.wait_dma2 semaphore(%run_scoped3A_83 : memref<!tpu.dma_semaphore, #tpu.memory_space<semaphore_mem>>) src(%arg8 : memref<128x128xf32, #tpu.memory_space<vmem>>) dst(%dma_wait3A_91 : memref<128x128xf32, #tpu.memory_space<vmem_shared>>)
      tpu.yield
    }) : () -> ()
    %add3A_30 = arith.constant 384 : i32
    %add3A_31 = arith.addi %mul3A_23, %add3A_30 : i32
    "tpu.region"() ({
      %run_scoped3A_83 = tpu.sem_alloc : memref<!tpu.dma_semaphore, #tpu.memory_space<semaphore_mem>>
      %dma_start3A_84 = arith.constant 0 : i32
      %dma_start3A_85 = tpu.memref_slice %arg10[%add3A_31, %dma_start3A_84] : memref<10240x128xf32, #tpu.memory_space<vmem_shared>> -> memref<128x128xf32, #tpu.memory_space<vmem_shared>>
      %dma_start3A_86 = arith.constant 0 : i32
      %dma_start3A_87 = tpu.memref_slice %arg10[%add3A_31, %dma_start3A_86] : memref<10240x128xf32, #tpu.memory_space<vmem_shared>> -> memref<128x128xf32, #tpu.memory_space<vmem_shared>>
      tpu.enqueue_dma source(%arg8 : memref<128x128xf32, #tpu.memory_space<vmem>>) target(%dma_start3A_87 : memref<128x128xf32, #tpu.memory_space<vmem_shared>>) target_semaphore(%run_scoped3A_83 : memref<!tpu.dma_semaphore, #tpu.memory_space<semaphore_mem>>)
      %dma_wait3A_88 = arith.constant 0 : i32
      %dma_wait3A_89 = tpu.memref_slice %arg10[%add3A_31, %dma_wait3A_88] : memref<10240x128xf32, #tpu.memory_space<vmem_shared>> -> memref<128x128xf32, #tpu.memory_space<vmem_shared>>
      %dma_wait3A_90 = arith.constant 0 : i32
      %dma_wait3A_91 = tpu.memref_slice %arg10[%add3A_31, %dma_wait3A_90] : memref<10240x128xf32, #tpu.memory_space<vmem_shared>> -> memref<128x128xf32, #tpu.memory_space<vmem_shared>>
      tpu.wait_dma2 semaphore(%run_scoped3A_83 : memref<!tpu.dma_semaphore, #tpu.memory_space<semaphore_mem>>) src(%arg8 : memref<128x128xf32, #tpu.memory_space<vmem>>) dst(%dma_wait3A_91 : memref<128x128xf32, #tpu.memory_space<vmem_shared>>)
      tpu.yield
    }) : () -> ()
    %add3A_32 = arith.constant 512 : i32
    %add3A_33 = arith.addi %mul3A_23, %add3A_32 : i32
    "tpu.region"() ({
      %run_scoped3A_83 = tpu.sem_alloc : memref<!tpu.dma_semaphore, #tpu.memory_space<semaphore_mem>>
      %dma_start3A_84 = arith.constant 0 : i32
      %dma_start3A_85 = tpu.memref_slice %arg10[%add3A_33, %dma_start3A_84] : memref<10240x128xf32, #tpu.memory_space<vmem_shared>> -> memref<128x128xf32, #tpu.memory_space<vmem_shared>>
      %dma_start3A_86 = arith.constant 0 : i32
      %dma_start3A_87 = tpu.memref_slice %arg10[%add3A_33, %dma_start3A_86] : memref<10240x128xf32, #tpu.memory_space<vmem_shared>> -> memref<128x128xf32, #tpu.memory_space<vmem_shared>>
      tpu.enqueue_dma source(%arg8 : memref<128x128xf32, #tpu.memory_space<vmem>>) target(%dma_start3A_87 : memref<128x128xf32, #tpu.memory_space<vmem_shared>>) target_semaphore(%run_scoped3A_83 : memref<!tpu.dma_semaphore, #tpu.memory_space<semaphore_mem>>)
      %dma_wait3A_88 = arith.constant 0 : i32
      %dma_wait3A_89 = tpu.memref_slice %arg10[%add3A_33, %dma_wait3A_88] : memref<10240x128xf32, #tpu.memory_space<vmem_shared>> -> memref<128x128xf32, #tpu.memory_space<vmem_shared>>
      %dma_wait3A_90 = arith.constant 0 : i32
      %dma_wait3A_91 = tpu.memref_slice %arg10[%add3A_33, %dma_wait3A_90] : memref<10240x128xf32, #tpu.memory_space<vmem_shared>> -> memref<128x128xf32, #tpu.memory_space<vmem_shared>>
      tpu.wait_dma2 semaphore(%run_scoped3A_83 : memref<!tpu.dma_semaphore, #tpu.memory_space<semaphore_mem>>) src(%arg8 : memref<128x128xf32, #tpu.memory_space<vmem>>) dst(%dma_wait3A_91 : memref<128x128xf32, #tpu.memory_space<vmem_shared>>)
      tpu.yield
    }) : () -> ()
    %dma_wait3A = arith.constant 0 : i32
    %dma_wait3A_34 = arith.constant 0 : i32
    %dma_wait3A_35 = arith.constant 0 : i32
    %dma_wait3A_36 = tpu.memref_slice %arg3[%add3A, %dma_wait3A, %dma_wait3A_34, %dma_wait3A_35] : memref<32x2x40x128xi32, #tpu.memory_space<hbm>> -> memref<1x1x40x128xi32, #tpu.memory_space<hbm>>
    %dma_wait3A_37 = tpu.memref_squeeze %dma_wait3A_36 : memref<1x1x40x128xi32, #tpu.memory_space<hbm>> -> memref<40x128xi32, #tpu.memory_space<hbm>>
    %dma_wait3A_38 = arith.constant 0 : i32
    %dma_wait3A_39 = arith.constant 0 : i32
    %dma_wait3A_40 = tpu.memref_slice %arg3[%add3A, %dma_wait3A, %dma_wait3A_38, %dma_wait3A_39] : memref<32x2x40x128xi32, #tpu.memory_space<hbm>> -> memref<1x1x40x128xi32, #tpu.memory_space<hbm>>
    %dma_wait3A_41 = tpu.memref_squeeze %dma_wait3A_40 : memref<1x1x40x128xi32, #tpu.memory_space<hbm>> -> memref<40x128xi32, #tpu.memory_space<hbm>>
    tpu.wait_dma2 semaphore(%arg11 : memref<!tpu.dma_semaphore, #tpu.memory_space<semaphore_mem>>) src(%dma_wait3A_41 : memref<40x128xi32, #tpu.memory_space<hbm>>) dst(%arg6 : memref<40x128xi32, #tpu.memory_space<vmem>>)
    %dma_wait3A_42 = arith.constant 0 : i32
    %dma_wait3A_43 = arith.constant 0 : i32
    %dma_wait3A_44 = arith.constant 0 : i32
    %dma_wait3A_45 = tpu.memref_slice %arg4[%add3A, %dma_wait3A_42, %dma_wait3A_43, %dma_wait3A_44] : memref<32x2x40x128xi32, #tpu.memory_space<hbm>> -> memref<1x1x40x128xi32, #tpu.memory_space<hbm>>
    %dma_wait3A_46 = tpu.memref_squeeze %dma_wait3A_45 : memref<1x1x40x128xi32, #tpu.memory_space<hbm>> -> memref<40x128xi32, #tpu.memory_space<hbm>>
    %dma_wait3A_47 = arith.constant 0 : i32
    %dma_wait3A_48 = arith.constant 0 : i32
    %dma_wait3A_49 = tpu.memref_slice %arg4[%add3A, %dma_wait3A_42, %dma_wait3A_47, %dma_wait3A_48] : memref<32x2x40x128xi32, #tpu.memory_space<hbm>> -> memref<1x1x40x128xi32, #tpu.memory_space<hbm>>
    %dma_wait3A_50 = tpu.memref_squeeze %dma_wait3A_49 : memref<1x1x40x128xi32, #tpu.memory_space<hbm>> -> memref<40x128xi32, #tpu.memory_space<hbm>>
    tpu.wait_dma2 semaphore(%arg12 : memref<!tpu.dma_semaphore, #tpu.memory_space<semaphore_mem>>) src(%dma_wait3A_50 : memref<40x128xi32, #tpu.memory_space<hbm>>) dst(%arg7 : memref<40x128xi32, #tpu.memory_space<vmem>>)
    %barrier3A = arith.constant 0 : index
    tpu.barrier barrier_id(%barrier3A)
    %dma_start3A_51 = arith.constant 0 : i32
    %dma_start3A_52 = arith.constant 0 : i32
    %dma_start3A_53 = tpu.memref_slice %arg6[%dma_start3A_51, %dma_start3A_52] : memref<40x128xi32, #tpu.memory_space<vmem>> -> memref<1x128xi32, #tpu.memory_space<vmem>>
    %dma_start3A_54 = tpu.memref_squeeze %dma_start3A_53 : memref<1x128xi32, #tpu.memory_space<vmem>> -> memref<128xi32, #tpu.memory_space<vmem>>
    %dma_start3A_55 = arith.constant 0 : i32
    %dma_start3A_56 = arith.constant 0 : i32
    %dma_start3A_57 = tpu.memref_slice %arg2[%dma_start3A_55, %dma_start3A_56] : memref<10000x128xf32, #tpu.memory_space<hbm>> -> memref<10000x128xf32, #tpu.memory_space<hbm>>
    tpu.enqueue_indirect_dma source(%dma_start3A_57 : memref<10000x128xf32, #tpu.memory_space<hbm>>) target(%arg8 : memref<128x128xf32, #tpu.memory_space<vmem>>) offsets(%dma_start3A_54 : memref<128xi32, #tpu.memory_space<vmem>>) semaphore(%arg11 : memref<!tpu.dma_semaphore, #tpu.memory_space<semaphore_mem>>)
    %scan3A_58 = arith.constant 0 : i32
    %scan3A_59 = arith.constant 20 : i32
    %scan3A_60 = arith.addi %scan3A_58, %scan3A_59 : i32
    %scan3A_61 = arith.constant 1 : i32
    scf.for %scan3A_83 = %scan3A_58 to %scan3A_60 step %scan3A_61  : i32 {
      %mul3A_84 = arith.constant 2 : i32
      %mul3A_85 = arith.muli %scan3A_83, %mul3A_84 : i32
      %add3A_86 = arith.constant 1 : i32
      %add3A_87 = arith.addi %mul3A_85, %add3A_86 : i32
      %dma_start3A_88 = arith.constant 0 : i32
      %dma_start3A_89 = tpu.memref_slice %arg6[%add3A_87, %dma_start3A_88] : memref<40x128xi32, #tpu.memory_space<vmem>> -> memref<1x128xi32, #tpu.memory_space<vmem>>
      %dma_start3A_90 = tpu.memref_squeeze %dma_start3A_89 : memref<1x128xi32, #tpu.memory_space<vmem>> -> memref<128xi32, #tpu.memory_space<vmem>>
      %dma_start3A_91 = arith.constant 0 : i32
      %dma_start3A_92 = arith.constant 0 : i32
      %dma_start3A_93 = tpu.memref_slice %arg2[%dma_start3A_91, %dma_start3A_92] : memref<10000x128xf32, #tpu.memory_space<hbm>> -> memref<10000x128xf32, #tpu.memory_space<hbm>>
      tpu.enqueue_indirect_dma source(%dma_start3A_93 : memref<10000x128xf32, #tpu.memory_space<hbm>>) target(%arg9 : memref<128x128xf32, #tpu.memory_space<vmem>>) offsets(%dma_start3A_90 : memref<128xi32, #tpu.memory_space<vmem>>) semaphore(%arg12 : memref<!tpu.dma_semaphore, #tpu.memory_space<semaphore_mem>>)
      %dma_wait3A_94 = arith.constant 0 : i32
      %dma_wait3A_95 = arith.constant 0 : i32
      %dma_wait3A_96 = tpu.memref_slice %arg2[%dma_wait3A_94, %dma_wait3A_95] : memref<10000x128xf32, #tpu.memory_space<hbm>> -> memref<128x128xf32, #tpu.memory_space<hbm>>
      %dma_wait3A_97 = arith.constant 0 : i32
      %dma_wait3A_98 = arith.constant 0 : i32
      %dma_wait3A_99 = tpu.memref_slice %arg2[%dma_wait3A_97, %dma_wait3A_98] : memref<10000x128xf32, #tpu.memory_space<hbm>> -> memref<128x128xf32, #tpu.memory_space<hbm>>
      tpu.wait_dma2 semaphore(%arg11 : memref<!tpu.dma_semaphore, #tpu.memory_space<semaphore_mem>>) src(%dma_wait3A_99 : memref<128x128xf32, #tpu.memory_space<hbm>>) dst(%arg8 : memref<128x128xf32, #tpu.memory_space<vmem>>)
      "tpu.region"() ({
        %run_scoped3A_115 = tpu.sem_alloc : memref<!tpu.dma_semaphore, #tpu.memory_space<semaphore_mem>>
        %dma_start3A_116 = arith.constant 0 : i32
        %dma_start3A_117 = tpu.memref_slice %arg7[%mul3A_85, %dma_start3A_116] : memref<40x128xi32, #tpu.memory_space<vmem>> -> memref<1x128xi32, #tpu.memory_space<vmem>>
        %dma_start3A_118 = tpu.memref_squeeze %dma_start3A_117 : memref<1x128xi32, #tpu.memory_space<vmem>> -> memref<128xi32, #tpu.memory_space<vmem>>
        %dma_start3A_119 = arith.constant 0 : i32
        %dma_start3A_120 = arith.constant 0 : i32
        %dma_start3A_121 = tpu.memref_slice %arg10[%dma_start3A_119, %dma_start3A_120] : memref<10240x128xf32, #tpu.memory_space<vmem_shared>> -> memref<10240x128xf32, #tpu.memory_space<vmem_shared>>
        tpu.enqueue_indirect_dma source(%arg8 : memref<128x128xf32, #tpu.memory_space<vmem>>) target(%dma_start3A_121 : memref<10240x128xf32, #tpu.memory_space<vmem_shared>>) offsets(%dma_start3A_118 : memref<128xi32, #tpu.memory_space<vmem>>) semaphore(%run_scoped3A_115 : memref<!tpu.dma_semaphore, #tpu.memory_space<semaphore_mem>>) {add = true}
        %dma_wait3A_122 = arith.constant 0 : i32
        %dma_wait3A_123 = tpu.memref_slice %arg7[%mul3A_85, %dma_wait3A_122] : memref<40x128xi32, #tpu.memory_space<vmem>> -> memref<1x128xi32, #tpu.memory_space<vmem>>
        %dma_wait3A_124 = tpu.memref_squeeze %dma_wait3A_123 : memref<1x128xi32, #tpu.memory_space<vmem>> -> memref<128xi32, #tpu.memory_space<vmem>>
        %dma_wait3A_125 = arith.constant 0 : i32
        %dma_wait3A_126 = arith.constant 0 : i32
        %dma_wait3A_127 = tpu.memref_slice %arg10[%dma_wait3A_125, %dma_wait3A_126] : memref<10240x128xf32, #tpu.memory_space<vmem_shared>> -> memref<10240x128xf32, #tpu.memory_space<vmem_shared>>
        tpu.wait_indirect_dma semaphore(%run_scoped3A_115 : memref<!tpu.dma_semaphore, #tpu.memory_space<semaphore_mem>>) src(%arg8 : memref<128x128xf32, #tpu.memory_space<vmem>>) dst(%dma_wait3A_127 : memref<10240x128xf32, #tpu.memory_space<vmem_shared>>)
        tpu.yield
      }) : () -> ()
      %add3A_100 = arith.constant 2 : i32
      %add3A_101 = arith.addi %mul3A_85, %add3A_100 : i32
      %lt3A_102 = arith.constant 40 : i32
      %lt3A_103 = arith.cmpi slt, %add3A_101, %lt3A_102 : i32
      %convert_element_type3A_104 = arith.extui %lt3A_103 : i1 to i32
      %cond3A_105 = arith.constant 0 : i32
      %cond3A_106 = arith.cmpi ne, %convert_element_type3A_104, %cond3A_105 : i32
      scf.if %cond3A_106 {
        %add3A_115 = arith.constant 2 : i32
        %add3A_116 = arith.addi %mul3A_85, %add3A_115 : i32
        %dma_start3A_117 = arith.constant 0 : i32
        %dma_start3A_118 = tpu.memref_slice %arg6[%add3A_116, %dma_start3A_117] : memref<40x128xi32, #tpu.memory_space<vmem>> -> memref<1x128xi32, #tpu.memory_space<vmem>>
        %dma_start3A_119 = tpu.memref_squeeze %dma_start3A_118 : memref<1x128xi32, #tpu.memory_space<vmem>> -> memref<128xi32, #tpu.memory_space<vmem>>
        %dma_start3A_120 = arith.constant 0 : i32
        %dma_start3A_121 = arith.constant 0 : i32
        %dma_start3A_122 = tpu.memref_slice %arg2[%dma_start3A_120, %dma_start3A_121] : memref<10000x128xf32, #tpu.memory_space<hbm>> -> memref<10000x128xf32, #tpu.memory_space<hbm>>
        tpu.enqueue_indirect_dma source(%dma_start3A_122 : memref<10000x128xf32, #tpu.memory_space<hbm>>) target(%arg8 : memref<128x128xf32, #tpu.memory_space<vmem>>) offsets(%dma_start3A_119 : memref<128xi32, #tpu.memory_space<vmem>>) semaphore(%arg11 : memref<!tpu.dma_semaphore, #tpu.memory_space<semaphore_mem>>)
      } else {
      }
      %dma_wait3A_107 = arith.constant 0 : i32
      %dma_wait3A_108 = arith.constant 0 : i32
      %dma_wait3A_109 = tpu.memref_slice %arg2[%dma_wait3A_107, %dma_wait3A_108] : memref<10000x128xf32, #tpu.memory_space<hbm>> -> memref<128x128xf32, #tpu.memory_space<hbm>>
      %dma_wait3A_110 = arith.constant 0 : i32
      %dma_wait3A_111 = arith.constant 0 : i32
      %dma_wait3A_112 = tpu.memref_slice %arg2[%dma_wait3A_110, %dma_wait3A_111] : memref<10000x128xf32, #tpu.memory_space<hbm>> -> memref<128x128xf32, #tpu.memory_space<hbm>>
      tpu.wait_dma2 semaphore(%arg12 : memref<!tpu.dma_semaphore, #tpu.memory_space<semaphore_mem>>) src(%dma_wait3A_112 : memref<128x128xf32, #tpu.memory_space<hbm>>) dst(%arg9 : memref<128x128xf32, #tpu.memory_space<vmem>>)
      %add3A_113 = arith.constant 1 : i32
      %add3A_114 = arith.addi %mul3A_85, %add3A_113 : i32
      "tpu.region"() ({
        %run_scoped3A_115 = tpu.sem_alloc : memref<!tpu.dma_semaphore, #tpu.memory_space<semaphore_mem>>
        %dma_start3A_116 = arith.constant 0 : i32
        %dma_start3A_117 = tpu.memref_slice %arg7[%add3A_114, %dma_start3A_116] : memref<40x128xi32, #tpu.memory_space<vmem>> -> memref<1x128xi32, #tpu.memory_space<vmem>>
        %dma_start3A_118 = tpu.memref_squeeze %dma_start3A_117 : memref<1x128xi32, #tpu.memory_space<vmem>> -> memref<128xi32, #tpu.memory_space<vmem>>
        %dma_start3A_119 = arith.constant 0 : i32
        %dma_start3A_120 = arith.constant 0 : i32
        %dma_start3A_121 = tpu.memref_slice %arg10[%dma_start3A_119, %dma_start3A_120] : memref<10240x128xf32, #tpu.memory_space<vmem_shared>> -> memref<10240x128xf32, #tpu.memory_space<vmem_shared>>
        tpu.enqueue_indirect_dma source(%arg9 : memref<128x128xf32, #tpu.memory_space<vmem>>) target(%dma_start3A_121 : memref<10240x128xf32, #tpu.memory_space<vmem_shared>>) offsets(%dma_start3A_118 : memref<128xi32, #tpu.memory_space<vmem>>) semaphore(%run_scoped3A_115 : memref<!tpu.dma_semaphore, #tpu.memory_space<semaphore_mem>>) {add = true}
        %dma_wait3A_122 = arith.constant 0 : i32
        %dma_wait3A_123 = tpu.memref_slice %arg7[%add3A_114, %dma_wait3A_122] : memref<40x128xi32, #tpu.memory_space<vmem>> -> memref<1x128xi32, #tpu.memory_space<vmem>>
        %dma_wait3A_124 = tpu.memref_squeeze %dma_wait3A_123 : memref<1x128xi32, #tpu.memory_space<vmem>> -> memref<128xi32, #tpu.memory_space<vmem>>
        %dma_wait3A_125 = arith.constant 0 : i32
        %dma_wait3A_126 = arith.constant 0 : i32
        %dma_wait3A_127 = tpu.memref_slice %arg10[%dma_wait3A_125, %dma_wait3A_126] : memref<10240x128xf32, #tpu.memory_space<vmem_shared>> -> memref<10240x128xf32, #tpu.memory_space<vmem_shared>>
        tpu.wait_indirect_dma semaphore(%run_scoped3A_115 : memref<!tpu.dma_semaphore, #tpu.memory_space<semaphore_mem>>) src(%arg9 : memref<128x128xf32, #tpu.memory_space<vmem>>) dst(%dma_wait3A_127 : memref<10240x128xf32, #tpu.memory_space<vmem_shared>>)
        tpu.yield
      }) : () -> ()
    }
    %scan3A_62 = arith.constant 20 : i32
    %run_scoped3A = arith.constant 1 : i32
    "tpu.region"() ({
      %run_scoped3A_83 = tpu.sem_alloc : memref<!tpu.dma_semaphore, #tpu.memory_space<semaphore_mem>>
      %dma_start3A_84 = arith.constant 0 : i32
      %dma_start3A_85 = arith.constant 0 : i32
      %dma_start3A_86 = tpu.memref_slice %arg3[%add3A, %run_scoped3A, %dma_start3A_84, %dma_start3A_85] : memref<32x2x40x128xi32, #tpu.memory_space<hbm>> -> memref<1x1x40x128xi32, #tpu.memory_space<hbm>>
      %dma_start3A_87 = tpu.memref_squeeze %dma_start3A_86 : memref<1x1x40x128xi32, #tpu.memory_space<hbm>> -> memref<40x128xi32, #tpu.memory_space<hbm>>
      %dma_start3A_88 = arith.constant 0 : i32
      %dma_start3A_89 = arith.constant 0 : i32
      %dma_start3A_90 = tpu.memref_slice %arg3[%add3A, %run_scoped3A, %dma_start3A_88, %dma_start3A_89] : memref<32x2x40x128xi32, #tpu.memory_space<hbm>> -> memref<1x1x40x128xi32, #tpu.memory_space<hbm>>
      %dma_start3A_91 = tpu.memref_squeeze %dma_start3A_90 : memref<1x1x40x128xi32, #tpu.memory_space<hbm>> -> memref<40x128xi32, #tpu.memory_space<hbm>>
      tpu.enqueue_dma source(%dma_start3A_91 : memref<40x128xi32, #tpu.memory_space<hbm>>) target(%arg6 : memref<40x128xi32, #tpu.memory_space<vmem>>) target_semaphore(%run_scoped3A_83 : memref<!tpu.dma_semaphore, #tpu.memory_space<semaphore_mem>>)
      %dma_wait3A_92 = arith.constant 0 : i32
      %dma_wait3A_93 = arith.constant 0 : i32
      %dma_wait3A_94 = tpu.memref_slice %arg3[%add3A, %run_scoped3A, %dma_wait3A_92, %dma_wait3A_93] : memref<32x2x40x128xi32, #tpu.memory_space<hbm>> -> memref<1x1x40x128xi32, #tpu.memory_space<hbm>>
      %dma_wait3A_95 = tpu.memref_squeeze %dma_wait3A_94 : memref<1x1x40x128xi32, #tpu.memory_space<hbm>> -> memref<40x128xi32, #tpu.memory_space<hbm>>
      %dma_wait3A_96 = arith.constant 0 : i32
      %dma_wait3A_97 = arith.constant 0 : i32
      %dma_wait3A_98 = tpu.memref_slice %arg3[%add3A, %run_scoped3A, %dma_wait3A_96, %dma_wait3A_97] : memref<32x2x40x128xi32, #tpu.memory_space<hbm>> -> memref<1x1x40x128xi32, #tpu.memory_space<hbm>>
      %dma_wait3A_99 = tpu.memref_squeeze %dma_wait3A_98 : memref<1x1x40x128xi32, #tpu.memory_space<hbm>> -> memref<40x128xi32, #tpu.memory_space<hbm>>
      tpu.wait_dma2 semaphore(%run_scoped3A_83 : memref<!tpu.dma_semaphore, #tpu.memory_space<semaphore_mem>>) src(%dma_wait3A_99 : memref<40x128xi32, #tpu.memory_space<hbm>>) dst(%arg6 : memref<40x128xi32, #tpu.memory_space<vmem>>)
      tpu.yield
    }) : () -> ()
    %run_scoped3A_63 = arith.constant 1 : i32
    "tpu.region"() ({
      %run_scoped3A_83 = tpu.sem_alloc : memref<!tpu.dma_semaphore, #tpu.memory_space<semaphore_mem>>
      %dma_start3A_84 = arith.constant 0 : i32
      %dma_start3A_85 = arith.constant 0 : i32
      %dma_start3A_86 = tpu.memref_slice %arg4[%add3A, %run_scoped3A_63, %dma_start3A_84, %dma_start3A_85] : memref<32x2x40x128xi32, #tpu.memory_space<hbm>> -> memref<1x1x40x128xi32, #tpu.memory_space<hbm>>
      %dma_start3A_87 = tpu.memref_squeeze %dma_start3A_86 : memref<1x1x40x128xi32, #tpu.memory_space<hbm>> -> memref<40x128xi32, #tpu.memory_space<hbm>>
      %dma_start3A_88 = arith.constant 0 : i32
      %dma_start3A_89 = arith.constant 0 : i32
      %dma_start3A_90 = tpu.memref_slice %arg4[%add3A, %run_scoped3A_63, %dma_start3A_88, %dma_start3A_89] : memref<32x2x40x128xi32, #tpu.memory_space<hbm>> -> memref<1x1x40x128xi32, #tpu.memory_space<hbm>>
      %dma_start3A_91 = tpu.memref_squeeze %dma_start3A_90 : memref<1x1x40x128xi32, #tpu.memory_space<hbm>> -> memref<40x128xi32, #tpu.memory_space<hbm>>
      tpu.enqueue_dma source(%dma_start3A_91 : memref<40x128xi32, #tpu.memory_space<hbm>>) target(%arg7 : memref<40x128xi32, #tpu.memory_space<vmem>>) target_semaphore(%run_scoped3A_83 : memref<!tpu.dma_semaphore, #tpu.memory_space<semaphore_mem>>)
      %dma_wait3A_92 = arith.constant 0 : i32
      %dma_wait3A_93 = arith.constant 0 : i32
      %dma_wait3A_94 = tpu.memref_slice %arg4[%add3A, %run_scoped3A_63, %dma_wait3A_92, %dma_wait3A_93] : memref<32x2x40x128xi32, #tpu.memory_space<hbm>> -> memref<1x1x40x128xi32, #tpu.memory_space<hbm>>
      %dma_wait3A_95 = tpu.memref_squeeze %dma_wait3A_94 : memref<1x1x40x128xi32, #tpu.memory_space<hbm>> -> memref<40x128xi32, #tpu.memory_space<hbm>>
      %dma_wait3A_96 = arith.constant 0 : i32
      %dma_wait3A_97 = arith.constant 0 : i32
      %dma_wait3A_98 = tpu.memref_slice %arg4[%add3A, %run_scoped3A_63, %dma_wait3A_96, %dma_wait3A_97] : memref<32x2x40x128xi32, #tpu.memory_space<hbm>> -> memref<1x1x40x128xi32, #tpu.memory_space<hbm>>
      %dma_wait3A_99 = tpu.memref_squeeze %dma_wait3A_98 : memref<1x1x40x128xi32, #tpu.memory_space<hbm>> -> memref<40x128xi32, #tpu.memory_space<hbm>>
      tpu.wait_dma2 semaphore(%run_scoped3A_83 : memref<!tpu.dma_semaphore, #tpu.memory_space<semaphore_mem>>) src(%dma_wait3A_99 : memref<40x128xi32, #tpu.memory_space<hbm>>) dst(%arg7 : memref<40x128xi32, #tpu.memory_space<vmem>>)
      tpu.yield
    }) : () -> ()
    %dma_start3A_64 = arith.constant 0 : i32
    %dma_start3A_65 = arith.constant 0 : i32
    %dma_start3A_66 = tpu.memref_slice %arg6[%dma_start3A_64, %dma_start3A_65] : memref<40x128xi32, #tpu.memory_space<vmem>> -> memref<1x128xi32, #tpu.memory_space<vmem>>
    %dma_start3A_67 = tpu.memref_squeeze %dma_start3A_66 : memref<1x128xi32, #tpu.memory_space<vmem>> -> memref<128xi32, #tpu.memory_space<vmem>>
    %dma_start3A_68 = arith.constant 0 : i32
    %dma_start3A_69 = arith.constant 0 : i32
    %dma_start3A_70 = tpu.memref_slice %arg2[%dma_start3A_68, %dma_start3A_69] : memref<10000x128xf32, #tpu.memory_space<hbm>> -> memref<10000x128xf32, #tpu.memory_space<hbm>>
    tpu.enqueue_indirect_dma source(%dma_start3A_70 : memref<10000x128xf32, #tpu.memory_space<hbm>>) target(%arg8 : memref<128x128xf32, #tpu.memory_space<vmem>>) offsets(%dma_start3A_67 : memref<128xi32, #tpu.memory_space<vmem>>) semaphore(%arg11 : memref<!tpu.dma_semaphore, #tpu.memory_space<semaphore_mem>>)
    %scan3A_71 = arith.constant 0 : i32
    %scan3A_72 = arith.constant 20 : i32
    %scan3A_73 = arith.addi %scan3A_71, %scan3A_72 : i32
    %scan3A_74 = arith.constant 1 : i32
    scf.for %scan3A_83 = %scan3A_71 to %scan3A_73 step %scan3A_74  : i32 {
      %mul3A_84 = arith.constant 2 : i32
      %mul3A_85 = arith.muli %scan3A_83, %mul3A_84 : i32
      %add3A_86 = arith.constant 1 : i32
      %add3A_87 = arith.addi %mul3A_85, %add3A_86 : i32
      %dma_start3A_88 = arith.constant 0 : i32
      %dma_start3A_89 = tpu.memref_slice %arg6[%add3A_87, %dma_start3A_88] : memref<40x128xi32, #tpu.memory_space<vmem>> -> memref<1x128xi32, #tpu.memory_space<vmem>>
      %dma_start3A_90 = tpu.memref_squeeze %dma_start3A_89 : memref<1x128xi32, #tpu.memory_space<vmem>> -> memref<128xi32, #tpu.memory_space<vmem>>
      %dma_start3A_91 = arith.constant 0 : i32
      %dma_start3A_92 = arith.constant 0 : i32
      %dma_start3A_93 = tpu.memref_slice %arg2[%dma_start3A_91, %dma_start3A_92] : memref<10000x128xf32, #tpu.memory_space<hbm>> -> memref<10000x128xf32, #tpu.memory_space<hbm>>
      tpu.enqueue_indirect_dma source(%dma_start3A_93 : memref<10000x128xf32, #tpu.memory_space<hbm>>) target(%arg9 : memref<128x128xf32, #tpu.memory_space<vmem>>) offsets(%dma_start3A_90 : memref<128xi32, #tpu.memory_space<vmem>>) semaphore(%arg12 : memref<!tpu.dma_semaphore, #tpu.memory_space<semaphore_mem>>)
      %dma_wait3A_94 = arith.constant 0 : i32
      %dma_wait3A_95 = arith.constant 0 : i32
      %dma_wait3A_96 = tpu.memref_slice %arg2[%dma_wait3A_94, %dma_wait3A_95] : memref<10000x128xf32, #tpu.memory_space<hbm>> -> memref<128x128xf32, #tpu.memory_space<hbm>>
      %dma_wait3A_97 = arith.constant 0 : i32
      %dma_wait3A_98 = arith.constant 0 : i32
      %dma_wait3A_99 = tpu.memref_slice %arg2[%dma_wait3A_97, %dma_wait3A_98] : memref<10000x128xf32, #tpu.memory_space<hbm>> -> memref<128x128xf32, #tpu.memory_space<hbm>>
      tpu.wait_dma2 semaphore(%arg11 : memref<!tpu.dma_semaphore, #tpu.memory_space<semaphore_mem>>) src(%dma_wait3A_99 : memref<128x128xf32, #tpu.memory_space<hbm>>) dst(%arg8 : memref<128x128xf32, #tpu.memory_space<vmem>>)
      "tpu.region"() ({
        %run_scoped3A_115 = tpu.sem_alloc : memref<!tpu.dma_semaphore, #tpu.memory_space<semaphore_mem>>
        %dma_start3A_116 = arith.constant 0 : i32
        %dma_start3A_117 = tpu.memref_slice %arg7[%mul3A_85, %dma_start3A_116] : memref<40x128xi32, #tpu.memory_space<vmem>> -> memref<1x128xi32, #tpu.memory_space<vmem>>
        %dma_start3A_118 = tpu.memref_squeeze %dma_start3A_117 : memref<1x128xi32, #tpu.memory_space<vmem>> -> memref<128xi32, #tpu.memory_space<vmem>>
        %dma_start3A_119 = arith.constant 0 : i32
        %dma_start3A_120 = arith.constant 0 : i32
        %dma_start3A_121 = tpu.memref_slice %arg10[%dma_start3A_119, %dma_start3A_120] : memref<10240x128xf32, #tpu.memory_space<vmem_shared>> -> memref<10240x128xf32, #tpu.memory_space<vmem_shared>>
        tpu.enqueue_indirect_dma source(%arg8 : memref<128x128xf32, #tpu.memory_space<vmem>>) target(%dma_start3A_121 : memref<10240x128xf32, #tpu.memory_space<vmem_shared>>) offsets(%dma_start3A_118 : memref<128xi32, #tpu.memory_space<vmem>>) semaphore(%run_scoped3A_115 : memref<!tpu.dma_semaphore, #tpu.memory_space<semaphore_mem>>) {add = true}
        %dma_wait3A_122 = arith.constant 0 : i32
        %dma_wait3A_123 = tpu.memref_slice %arg7[%mul3A_85, %dma_wait3A_122] : memref<40x128xi32, #tpu.memory_space<vmem>> -> memref<1x128xi32, #tpu.memory_space<vmem>>
        %dma_wait3A_124 = tpu.memref_squeeze %dma_wait3A_123 : memref<1x128xi32, #tpu.memory_space<vmem>> -> memref<128xi32, #tpu.memory_space<vmem>>
        %dma_wait3A_125 = arith.constant 0 : i32
        %dma_wait3A_126 = arith.constant 0 : i32
        %dma_wait3A_127 = tpu.memref_slice %arg10[%dma_wait3A_125, %dma_wait3A_126] : memref<10240x128xf32, #tpu.memory_space<vmem_shared>> -> memref<10240x128xf32, #tpu.memory_space<vmem_shared>>
        tpu.wait_indirect_dma semaphore(%run_scoped3A_115 : memref<!tpu.dma_semaphore, #tpu.memory_space<semaphore_mem>>) src(%arg8 : memref<128x128xf32, #tpu.memory_space<vmem>>) dst(%dma_wait3A_127 : memref<10240x128xf32, #tpu.memory_space<vmem_shared>>)
        tpu.yield
      }) : () -> ()
      %add3A_100 = arith.constant 2 : i32
      %add3A_101 = arith.addi %mul3A_85, %add3A_100 : i32
      %lt3A_102 = arith.constant 40 : i32
      %lt3A_103 = arith.cmpi slt, %add3A_101, %lt3A_102 : i32
      %convert_element_type3A_104 = arith.extui %lt3A_103 : i1 to i32
      %cond3A_105 = arith.constant 0 : i32
      %cond3A_106 = arith.cmpi ne, %convert_element_type3A_104, %cond3A_105 : i32
      scf.if %cond3A_106 {
        %add3A_115 = arith.constant 2 : i32
        %add3A_116 = arith.addi %mul3A_85, %add3A_115 : i32
        %dma_start3A_117 = arith.constant 0 : i32
        %dma_start3A_118 = tpu.memref_slice %arg6[%add3A_116, %dma_start3A_117] : memref<40x128xi32, #tpu.memory_space<vmem>> -> memref<1x128xi32, #tpu.memory_space<vmem>>
        %dma_start3A_119 = tpu.memref_squeeze %dma_start3A_118 : memref<1x128xi32, #tpu.memory_space<vmem>> -> memref<128xi32, #tpu.memory_space<vmem>>
        %dma_start3A_120 = arith.constant 0 : i32
        %dma_start3A_121 = arith.constant 0 : i32
        %dma_start3A_122 = tpu.memref_slice %arg2[%dma_start3A_120, %dma_start3A_121] : memref<10000x128xf32, #tpu.memory_space<hbm>> -> memref<10000x128xf32, #tpu.memory_space<hbm>>
        tpu.enqueue_indirect_dma source(%dma_start3A_122 : memref<10000x128xf32, #tpu.memory_space<hbm>>) target(%arg8 : memref<128x128xf32, #tpu.memory_space<vmem>>) offsets(%dma_start3A_119 : memref<128xi32, #tpu.memory_space<vmem>>) semaphore(%arg11 : memref<!tpu.dma_semaphore, #tpu.memory_space<semaphore_mem>>)
      } else {
      }
      %dma_wait3A_107 = arith.constant 0 : i32
      %dma_wait3A_108 = arith.constant 0 : i32
      %dma_wait3A_109 = tpu.memref_slice %arg2[%dma_wait3A_107, %dma_wait3A_108] : memref<10000x128xf32, #tpu.memory_space<hbm>> -> memref<128x128xf32, #tpu.memory_space<hbm>>
      %dma_wait3A_110 = arith.constant 0 : i32
      %dma_wait3A_111 = arith.constant 0 : i32
      %dma_wait3A_112 = tpu.memref_slice %arg2[%dma_wait3A_110, %dma_wait3A_111] : memref<10000x128xf32, #tpu.memory_space<hbm>> -> memref<128x128xf32, #tpu.memory_space<hbm>>
      tpu.wait_dma2 semaphore(%arg12 : memref<!tpu.dma_semaphore, #tpu.memory_space<semaphore_mem>>) src(%dma_wait3A_112 : memref<128x128xf32, #tpu.memory_space<hbm>>) dst(%arg9 : memref<128x128xf32, #tpu.memory_space<vmem>>)
      %add3A_113 = arith.constant 1 : i32
      %add3A_114 = arith.addi %mul3A_85, %add3A_113 : i32
      "tpu.region"() ({
        %run_scoped3A_115 = tpu.sem_alloc : memref<!tpu.dma_semaphore, #tpu.memory_space<semaphore_mem>>
        %dma_start3A_116 = arith.constant 0 : i32
        %dma_start3A_117 = tpu.memref_slice %arg7[%add3A_114, %dma_start3A_116] : memref<40x128xi32, #tpu.memory_space<vmem>> -> memref<1x128xi32, #tpu.memory_space<vmem>>
        %dma_start3A_118 = tpu.memref_squeeze %dma_start3A_117 : memref<1x128xi32, #tpu.memory_space<vmem>> -> memref<128xi32, #tpu.memory_space<vmem>>
        %dma_start3A_119 = arith.constant 0 : i32
        %dma_start3A_120 = arith.constant 0 : i32
        %dma_start3A_121 = tpu.memref_slice %arg10[%dma_start3A_119, %dma_start3A_120] : memref<10240x128xf32, #tpu.memory_space<vmem_shared>> -> memref<10240x128xf32, #tpu.memory_space<vmem_shared>>
        tpu.enqueue_indirect_dma source(%arg9 : memref<128x128xf32, #tpu.memory_space<vmem>>) target(%dma_start3A_121 : memref<10240x128xf32, #tpu.memory_space<vmem_shared>>) offsets(%dma_start3A_118 : memref<128xi32, #tpu.memory_space<vmem>>) semaphore(%run_scoped3A_115 : memref<!tpu.dma_semaphore, #tpu.memory_space<semaphore_mem>>) {add = true}
        %dma_wait3A_122 = arith.constant 0 : i32
        %dma_wait3A_123 = tpu.memref_slice %arg7[%add3A_114, %dma_wait3A_122] : memref<40x128xi32, #tpu.memory_space<vmem>> -> memref<1x128xi32, #tpu.memory_space<vmem>>
        %dma_wait3A_124 = tpu.memref_squeeze %dma_wait3A_123 : memref<1x128xi32, #tpu.memory_space<vmem>> -> memref<128xi32, #tpu.memory_space<vmem>>
        %dma_wait3A_125 = arith.constant 0 : i32
        %dma_wait3A_126 = arith.constant 0 : i32
        %dma_wait3A_127 = tpu.memref_slice %arg10[%dma_wait3A_125, %dma_wait3A_126] : memref<10240x128xf32, #tpu.memory_space<vmem_shared>> -> memref<10240x128xf32, #tpu.memory_space<vmem_shared>>
        tpu.wait_indirect_dma semaphore(%run_scoped3A_115 : memref<!tpu.dma_semaphore, #tpu.memory_space<semaphore_mem>>) src(%arg9 : memref<128x128xf32, #tpu.memory_space<vmem>>) dst(%dma_wait3A_127 : memref<10240x128xf32, #tpu.memory_space<vmem_shared>>)
        tpu.yield
      }) : () -> ()
    }
    %scan3A_75 = arith.constant 20 : i32
    %barrier3A_76 = arith.constant 0 : index
    tpu.barrier barrier_id(%barrier3A_76)
    %lt3A = arith.constant 14 : i32
    %lt3A_77 = arith.cmpi slt, %arg1, %lt3A : i32
    %convert_element_type3A = arith.extui %lt3A_77 : i1 to i32
    %cond3A = arith.constant 0 : i32
    %cond3A_78 = arith.cmpi ne, %convert_element_type3A, %cond3A : i32
    scf.if %cond3A_78 {
      %mul3A_83 = arith.constant 632 : i32
      %mul3A_84 = arith.muli %arg1, %mul3A_83 : i32
      %mul3A_85 = arith.constant 632 : i32
      %mul3A_86 = arith.muli %arg1, %mul3A_85 : i32
      "tpu.region"() ({
        %run_scoped3A_87 = tpu.sem_alloc : memref<!tpu.dma_semaphore, #tpu.memory_space<semaphore_mem>>
        %dma_start3A_88 = arith.constant 0 : i32
        %dma_start3A_89 = tpu.memref_slice %arg5[%arg0, %mul3A_86, %dma_start3A_88] : memref<2x10000x128xf32, #tpu.memory_space<hbm>> -> memref<1x632x128xf32, #tpu.memory_space<hbm>>
        %dma_start3A_90 = tpu.memref_squeeze %dma_start3A_89 : memref<1x632x128xf32, #tpu.memory_space<hbm>> -> memref<632x128xf32, #tpu.memory_space<hbm>>
        %dma_start3A_91 = arith.constant 0 : i32
        %dma_start3A_92 = tpu.memref_slice %arg10[%mul3A_84, %dma_start3A_91] : memref<10240x128xf32, #tpu.memory_space<vmem_shared>> -> memref<632x128xf32, #tpu.memory_space<vmem_shared>>
        tpu.enqueue_dma source(%dma_start3A_92 : memref<632x128xf32, #tpu.memory_space<vmem_shared>>) target(%dma_start3A_90 : memref<632x128xf32, #tpu.memory_space<hbm>>) target_semaphore(%run_scoped3A_87 : memref<!tpu.dma_semaphore, #tpu.memory_space<semaphore_mem>>)
        %dma_wait3A_93 = arith.constant 0 : i32
        %dma_wait3A_94 = tpu.memref_slice %arg5[%arg0, %mul3A_86, %dma_wait3A_93] : memref<2x10000x128xf32, #tpu.memory_space<hbm>> -> memref<1x632x128xf32, #tpu.memory_space<hbm>>
        %dma_wait3A_95 = tpu.memref_squeeze %dma_wait3A_94 : memref<1x632x128xf32, #tpu.memory_space<hbm>> -> memref<632x128xf32, #tpu.memory_space<hbm>>
        %dma_wait3A_96 = arith.constant 0 : i32
        %dma_wait3A_97 = tpu.memref_slice %arg10[%mul3A_84, %dma_wait3A_96] : memref<10240x128xf32, #tpu.memory_space<vmem_shared>> -> memref<632x128xf32, #tpu.memory_space<vmem_shared>>
        tpu.wait_dma2 semaphore(%run_scoped3A_87 : memref<!tpu.dma_semaphore, #tpu.memory_space<semaphore_mem>>) src(%dma_wait3A_97 : memref<632x128xf32, #tpu.memory_space<vmem_shared>>) dst(%dma_wait3A_95 : memref<632x128xf32, #tpu.memory_space<hbm>>)
        tpu.yield
      }) : () -> ()
    } else {
    }
    %ge3A = arith.constant 14 : i32
    %ge3A_79 = arith.cmpi sge, %arg1, %ge3A : i32
    %convert_element_type3A_80 = arith.extui %ge3A_79 : i1 to i32
    %cond3A_81 = arith.constant 0 : i32
    %cond3A_82 = arith.cmpi ne, %convert_element_type3A_80, %cond3A_81 : i32
    scf.if %cond3A_82 {
      %sub3A = arith.constant 14 : i32
      %sub3A_83 = arith.subi %arg1, %sub3A : i32
      %mul3A_84 = arith.constant 576 : i32
      %mul3A_85 = arith.muli %sub3A_83, %mul3A_84 : i32
      %add3A_86 = arith.constant 8848 : i32
      %add3A_87 = arith.addi %add3A_86, %mul3A_85 : i32
      "tpu.region"() ({
        %run_scoped3A_88 = tpu.sem_alloc : memref<!tpu.dma_semaphore, #tpu.memory_space<semaphore_mem>>
        %dma_start3A_89 = arith.constant 0 : i32
        %dma_start3A_90 = tpu.memref_slice %arg5[%arg0, %add3A_87, %dma_start3A_89] : memref<2x10000x128xf32, #tpu.memory_space<hbm>> -> memref<1x576x128xf32, #tpu.memory_space<hbm>>
        %dma_start3A_91 = tpu.memref_squeeze %dma_start3A_90 : memref<1x576x128xf32, #tpu.memory_space<hbm>> -> memref<576x128xf32, #tpu.memory_space<hbm>>
        %dma_start3A_92 = arith.constant 0 : i32
        %dma_start3A_93 = tpu.memref_slice %arg10[%add3A_87, %dma_start3A_92] : memref<10240x128xf32, #tpu.memory_space<vmem_shared>> -> memref<576x128xf32, #tpu.memory_space<vmem_shared>>
        tpu.enqueue_dma source(%dma_start3A_93 : memref<576x128xf32, #tpu.memory_space<vmem_shared>>) target(%dma_start3A_91 : memref<576x128xf32, #tpu.memory_space<hbm>>) target_semaphore(%run_scoped3A_88 : memref<!tpu.dma_semaphore, #tpu.memory_space<semaphore_mem>>)
        %dma_wait3A_94 = arith.constant 0 : i32
        %dma_wait3A_95 = tpu.memref_slice %arg5[%arg0, %add3A_87, %dma_wait3A_94] : memref<2x10000x128xf32, #tpu.memory_space<hbm>> -> memref<1x576x128xf32, #tpu.memory_space<hbm>>
        %dma_wait3A_96 = tpu.memref_squeeze %dma_wait3A_95 : memref<1x576x128xf32, #tpu.memory_space<hbm>> -> memref<576x128xf32, #tpu.memory_space<hbm>>
        %dma_wait3A_97 = arith.constant 0 : i32
        %dma_wait3A_98 = tpu.memref_slice %arg10[%add3A_87, %dma_wait3A_97] : memref<10240x128xf32, #tpu.memory_space<vmem_shared>> -> memref<576x128xf32, #tpu.memory_space<vmem_shared>>
        tpu.wait_dma2 semaphore(%run_scoped3A_88 : memref<!tpu.dma_semaphore, #tpu.memory_space<semaphore_mem>>) src(%dma_wait3A_98 : memref<576x128xf32, #tpu.memory_space<vmem_shared>>) dst(%dma_wait3A_96 : memref<576x128xf32, #tpu.memory_space<hbm>>)
        tpu.yield
      }) : () -> ()
    } else {
    }
    return
  }
}

#map = affine_map<(d0, d1) -> (0, 0)>
#map1 = affine_map<(d0, d1) -> (0, 0, 0, 0)>
#map2 = affine_map<(d0, d1) -> (0, 0, 0)>
module attributes {stable_mosaic.version = 14 : i64} {
  func.func @_sc_aggregate(%arg0: i32, %arg1: i32, %arg2: memref<10000x128xf32, #tpu.memory_space<hbm>>, %arg3: memref<32x2x40x128xi32, #tpu.memory_space<hbm>>, %arg4: memref<32x2x40x128xi32, #tpu.memory_space<hbm>>, %arg5: memref<2x10000x128xf32, #tpu.memory_space<hbm>>, %arg6: memref<40x128xi32, #tpu.memory_space<vmem>>, %arg7: memref<40x128xi32, #tpu.memory_space<vmem>>, %arg8: memref<128x128xf32, #tpu.memory_space<vmem>>, %arg9: memref<128x128xf32, #tpu.memory_space<vmem>>, %arg10: memref<10240x128xf32, #tpu.memory_space<vmem_shared>>, %arg11: memref<!tpu.dma_semaphore, #tpu.memory_space<semaphore_mem>>, %arg12: memref<!tpu.dma_semaphore, #tpu.memory_space<semaphore_mem>>) attributes {dimension_semantics = [#tpu.dimension_semantics<core_parallel>, #tpu.dimension_semantics<subcore_parallel>], iteration_bounds = array<i64: 2, 16>, scalar_prefetch = 0 : i64, scratch_operands = 7 : i64, tpu.core_type = #tpu.core_type<sc_vector_subcore>, window_params = [{transform_indices = #map}, {transform_indices = #map1}, {transform_indices = #map1}, {transform_indices = #map2}]} {
    %mul3A = arith.constant 2 : i32
    %mul3A_0 = arith.muli %arg1, %mul3A : i32
    %add3A = arith.addi %mul3A_0, %arg0 : i32
    %dma_start3A = arith.constant 0 : i32
    %dma_start3A_1 = arith.constant 0 : i32
    %dma_start3A_2 = arith.constant 0 : i32
    %dma_start3A_3 = tpu.memref_slice %arg3[%add3A, %dma_start3A, %dma_start3A_1, %dma_start3A_2] : memref<32x2x40x128xi32, #tpu.memory_space<hbm>> -> memref<1x1x40x128xi32, #tpu.memory_space<hbm>>
    %dma_start3A_4 = tpu.memref_squeeze %dma_start3A_3 : memref<1x1x40x128xi32, #tpu.memory_space<hbm>> -> memref<40x128xi32, #tpu.memory_space<hbm>>
    %dma_start3A_5 = arith.constant 0 : i32
    %dma_start3A_6 = arith.constant 0 : i32
    %dma_start3A_7 = tpu.memref_slice %arg3[%add3A, %dma_start3A, %dma_start3A_5, %dma_start3A_6] : memref<32x2x40x128xi32, #tpu.memory_space<hbm>> -> memref<1x1x40x128xi32, #tpu.memory_space<hbm>>
    %dma_start3A_8 = tpu.memref_squeeze %dma_start3A_7 : memref<1x1x40x128xi32, #tpu.memory_space<hbm>> -> memref<40x128xi32, #tpu.memory_space<hbm>>
    tpu.enqueue_dma source(%dma_start3A_8 : memref<40x128xi32, #tpu.memory_space<hbm>>) target(%arg6 : memref<40x128xi32, #tpu.memory_space<vmem>>) target_semaphore(%arg11 : memref<!tpu.dma_semaphore, #tpu.memory_space<semaphore_mem>>)
    %dma_start3A_9 = arith.constant 0 : i32
    %dma_start3A_10 = arith.constant 0 : i32
    %dma_start3A_11 = arith.constant 0 : i32
    %dma_start3A_12 = tpu.memref_slice %arg4[%add3A, %dma_start3A_9, %dma_start3A_10, %dma_start3A_11] : memref<32x2x40x128xi32, #tpu.memory_space<hbm>> -> memref<1x1x40x128xi32, #tpu.memory_space<hbm>>
    %dma_start3A_13 = tpu.memref_squeeze %dma_start3A_12 : memref<1x1x40x128xi32, #tpu.memory_space<hbm>> -> memref<40x128xi32, #tpu.memory_space<hbm>>
    %dma_start3A_14 = arith.constant 0 : i32
    %dma_start3A_15 = arith.constant 0 : i32
    %dma_start3A_16 = tpu.memref_slice %arg4[%add3A, %dma_start3A_9, %dma_start3A_14, %dma_start3A_15] : memref<32x2x40x128xi32, #tpu.memory_space<hbm>> -> memref<1x1x40x128xi32, #tpu.memory_space<hbm>>
    %dma_start3A_17 = tpu.memref_squeeze %dma_start3A_16 : memref<1x1x40x128xi32, #tpu.memory_space<hbm>> -> memref<40x128xi32, #tpu.memory_space<hbm>>
    tpu.enqueue_dma source(%dma_start3A_17 : memref<40x128xi32, #tpu.memory_space<hbm>>) target(%arg7 : memref<40x128xi32, #tpu.memory_space<vmem>>) target_semaphore(%arg12 : memref<!tpu.dma_semaphore, #tpu.memory_space<semaphore_mem>>)
    %scan3A = arith.constant 0 : i32
    %scan3A_18 = arith.constant 1024 : i32
    %scan3A_19 = arith.addi %scan3A, %scan3A_18 : i32
    %scan3A_20 = arith.constant 1 : i32
    scf.for %scan3A_83 = %scan3A to %scan3A_19 step %scan3A_20  : i32 {
      %jit3A = arith.constant 8 : i32
      %div3A = arith.divsi %scan3A_83, %jit3A : i32
      %sign3A = arith.constant 0 : i32
      %sign3A_84 = arith.cmpi sgt, %scan3A_83, %sign3A : i32
      %sign3A_85 = arith.extui %sign3A_84 : i1 to i32
      %sign3A_86 = arith.constant 0 : i32
      %sign3A_87 = arith.cmpi slt, %scan3A_83, %sign3A_86 : i32
      %sign3A_88 = arith.extui %sign3A_87 : i1 to i32
      %sign3A_89 = arith.subi %sign3A_85, %sign3A_88 : i32
      %sign3A_90 = arith.constant 0 : i32
      %sign3A_91 = arith.cmpi sgt, %jit3A, %sign3A_90 : i32
      %sign3A_92 = arith.extui %sign3A_91 : i1 to i32
      %sign3A_93 = arith.constant 0 : i32
      %sign3A_94 = arith.cmpi slt, %jit3A, %sign3A_93 : i32
      %sign3A_95 = arith.extui %sign3A_94 : i1 to i32
      %sign3A_96 = arith.subi %sign3A_92, %sign3A_95 : i32
      %ne3A = arith.cmpi ne, %sign3A_89, %sign3A_96 : i32
      %rem3A = arith.remsi %scan3A_83, %jit3A : i32
      %ne3A_97 = arith.constant 0 : i32
      %ne3A_98 = arith.cmpi ne, %rem3A, %ne3A_97 : i32
      %and3A = arith.andi %ne3A, %ne3A_98 : i1
      %sub3A = arith.constant 1 : i32
      %sub3A_99 = arith.subi %div3A, %sub3A : i32
      %select_n3A = arith.select %and3A, %sub3A_99, %div3A : i32
      %jit3A_100 = arith.constant 8 : i32
      %eq3A = arith.constant 0 : i32
      %eq3A_101 = arith.cmpi eq, %jit3A_100, %eq3A : i32
      %jit3A_102 = arith.constant 1 : i32
      %select_n3A_103 = arith.select %eq3A_101, %jit3A_102, %jit3A_100 : i32
      %rem3A_104 = arith.remsi %scan3A_83, %select_n3A_103 : i32
      %ne3A_105 = arith.constant 0 : i32
      %ne3A_106 = arith.cmpi ne, %rem3A_104, %ne3A_105 : i32
      %lt3A_107 = arith.constant 0 : i32
      %lt3A_108 = arith.cmpi slt, %rem3A_104, %lt3A_107 : i32
      %lt3A_109 = arith.constant 0 : i32
      %lt3A_110 = arith.cmpi slt, %select_n3A_103, %lt3A_109 : i32
      %ne3A_111 = arith.xori %lt3A_108, %lt3A_110 : i1
      %and3A_112 = arith.andi %ne3A_111, %ne3A_106 : i1
      %add3A_113 = arith.addi %rem3A_104, %select_n3A_103 : i32
      %select_n3A_114 = arith.select %and3A_112, %add3A_113, %rem3A_104 : i32
      %mul3A_115 = arith.constant 16 : i32
      %mul3A_116 = arith.muli %select_n3A_114, %mul3A_115 : i32
      %broadcast_in_dim3A = arith.constant 0.000000e+00 : f32
      %broadcast_in_dim3A_117 = vector.broadcast %broadcast_in_dim3A : f32 to vector<16xf32>
      %swap3A = arith.index_cast %select_n3A : i32 to index
      %swap3A_118 = arith.index_cast %mul3A_116 : i32 to index
      %swap3A_119 = tpu.vector_load %arg8[%swap3A, %swap3A_118] {strides = array<i32>} : memref<128x128xf32, #tpu.memory_space<vmem>>, vector<1x16xf32>,
      %swap3A_120 = vector.shape_cast %swap3A_119 : vector<1x16xf32> to vector<16xf32>
      %swap3A_121 = vector.shape_cast %broadcast_in_dim3A_117 : vector<16xf32> to vector<1x16xf32>
      tpu.vector_store %arg8[%swap3A, %swap3A_118], %swap3A_121 {strides = array<i32>} : memref<128x128xf32, #tpu.memory_space<vmem>>, vector<1x16xf32>,
    }
    %scan3A_21 = arith.constant 1024 : i32
    %mul3A_22 = arith.constant 640 : i32
    %mul3A_23 = arith.muli %arg1, %mul3A_22 : i32
    %add3A_24 = arith.constant 0 : i32
    %add3A_25 = arith.addi %mul3A_23, %add3A_24 : i32
    "tpu.region"() ({
      %run_scoped3A_83 = tpu.sem_alloc : memref<!tpu.dma_semaphore, #tpu.memory_space<semaphore_mem>>
      %dma_start3A_84 = arith.constant 0 : i32
      %dma_start3A_85 = tpu.memref_slice %arg10[%add3A_25, %dma_start3A_84] : memref<10240x128xf32, #tpu.memory_space<vmem_shared>> -> memref<128x128xf32, #tpu.memory_space<vmem_shared>>
      %dma_start3A_86 = arith.constant 0 : i32
      %dma_start3A_87 = tpu.memref_slice %arg10[%add3A_25, %dma_start3A_86] : memref<10240x128xf32, #tpu.memory_space<vmem_shared>> -> memref<128x128xf32, #tpu.memory_space<vmem_shared>>
      tpu.enqueue_dma source(%arg8 : memref<128x128xf32, #tpu.memory_space<vmem>>) target(%dma_start3A_87 : memref<128x128xf32, #tpu.memory_space<vmem_shared>>) target_semaphore(%run_scoped3A_83 : memref<!tpu.dma_semaphore, #tpu.memory_space<semaphore_mem>>)
      %dma_wait3A_88 = arith.constant 0 : i32
      %dma_wait3A_89 = tpu.memref_slice %arg10[%add3A_25, %dma_wait3A_88] : memref<10240x128xf32, #tpu.memory_space<vmem_shared>> -> memref<128x128xf32, #tpu.memory_space<vmem_shared>>
      %dma_wait3A_90 = arith.constant 0 : i32
      %dma_wait3A_91 = tpu.memref_slice %arg10[%add3A_25, %dma_wait3A_90] : memref<10240x128xf32, #tpu.memory_space<vmem_shared>> -> memref<128x128xf32, #tpu.memory_space<vmem_shared>>
      tpu.wait_dma2 semaphore(%run_scoped3A_83 : memref<!tpu.dma_semaphore, #tpu.memory_space<semaphore_mem>>) src(%arg8 : memref<128x128xf32, #tpu.memory_space<vmem>>) dst(%dma_wait3A_91 : memref<128x128xf32, #tpu.memory_space<vmem_shared>>)
      tpu.yield
    }) : () -> ()
    %add3A_26 = arith.constant 128 : i32
    %add3A_27 = arith.addi %mul3A_23, %add3A_26 : i32
    "tpu.region"() ({
      %run_scoped3A_83 = tpu.sem_alloc : memref<!tpu.dma_semaphore, #tpu.memory_space<semaphore_mem>>
      %dma_start3A_84 = arith.constant 0 : i32
      %dma_start3A_85 = tpu.memref_slice %arg10[%add3A_27, %dma_start3A_84] : memref<10240x128xf32, #tpu.memory_space<vmem_shared>> -> memref<128x128xf32, #tpu.memory_space<vmem_shared>>
      %dma_start3A_86 = arith.constant 0 : i32
      %dma_start3A_87 = tpu.memref_slice %arg10[%add3A_27, %dma_start3A_86] : memref<10240x128xf32, #tpu.memory_space<vmem_shared>> -> memref<128x128xf32, #tpu.memory_space<vmem_shared>>
      tpu.enqueue_dma source(%arg8 : memref<128x128xf32, #tpu.memory_space<vmem>>) target(%dma_start3A_87 : memref<128x128xf32, #tpu.memory_space<vmem_shared>>) target_semaphore(%run_scoped3A_83 : memref<!tpu.dma_semaphore, #tpu.memory_space<semaphore_mem>>)
      %dma_wait3A_88 = arith.constant 0 : i32
      %dma_wait3A_89 = tpu.memref_slice %arg10[%add3A_27, %dma_wait3A_88] : memref<10240x128xf32, #tpu.memory_space<vmem_shared>> -> memref<128x128xf32, #tpu.memory_space<vmem_shared>>
      %dma_wait3A_90 = arith.constant 0 : i32
      %dma_wait3A_91 = tpu.memref_slice %arg10[%add3A_27, %dma_wait3A_90] : memref<10240x128xf32, #tpu.memory_space<vmem_shared>> -> memref<128x128xf32, #tpu.memory_space<vmem_shared>>
      tpu.wait_dma2 semaphore(%run_scoped3A_83 : memref<!tpu.dma_semaphore, #tpu.memory_space<semaphore_mem>>) src(%arg8 : memref<128x128xf32, #tpu.memory_space<vmem>>) dst(%dma_wait3A_91 : memref<128x128xf32, #tpu.memory_space<vmem_shared>>)
      tpu.yield
    }) : () -> ()
    %add3A_28 = arith.constant 256 : i32
    %add3A_29 = arith.addi %mul3A_23, %add3A_28 : i32
    "tpu.region"() ({
      %run_scoped3A_83 = tpu.sem_alloc : memref<!tpu.dma_semaphore, #tpu.memory_space<semaphore_mem>>
      %dma_start3A_84 = arith.constant 0 : i32
      %dma_start3A_85 = tpu.memref_slice %arg10[%add3A_29, %dma_start3A_84] : memref<10240x128xf32, #tpu.memory_space<vmem_shared>> -> memref<128x128xf32, #tpu.memory_space<vmem_shared>>
      %dma_start3A_86 = arith.constant 0 : i32
      %dma_start3A_87 = tpu.memref_slice %arg10[%add3A_29, %dma_start3A_86] : memref<10240x128xf32, #tpu.memory_space<vmem_shared>> -> memref<128x128xf32, #tpu.memory_space<vmem_shared>>
      tpu.enqueue_dma source(%arg8 : memref<128x128xf32, #tpu.memory_space<vmem>>) target(%dma_start3A_87 : memref<128x128xf32, #tpu.memory_space<vmem_shared>>) target_semaphore(%run_scoped3A_83 : memref<!tpu.dma_semaphore, #tpu.memory_space<semaphore_mem>>)
      %dma_wait3A_88 = arith.constant 0 : i32
      %dma_wait3A_89 = tpu.memref_slice %arg10[%add3A_29, %dma_wait3A_88] : memref<10240x128xf32, #tpu.memory_space<vmem_shared>> -> memref<128x128xf32, #tpu.memory_space<vmem_shared>>
      %dma_wait3A_90 = arith.constant 0 : i32
      %dma_wait3A_91 = tpu.memref_slice %arg10[%add3A_29, %dma_wait3A_90] : memref<10240x128xf32, #tpu.memory_space<vmem_shared>> -> memref<128x128xf32, #tpu.memory_space<vmem_shared>>
      tpu.wait_dma2 semaphore(%run_scoped3A_83 : memref<!tpu.dma_semaphore, #tpu.memory_space<semaphore_mem>>) src(%arg8 : memref<128x128xf32, #tpu.memory_space<vmem>>) dst(%dma_wait3A_91 : memref<128x128xf32, #tpu.memory_space<vmem_shared>>)
      tpu.yield
    }) : () -> ()
    %add3A_30 = arith.constant 384 : i32
    %add3A_31 = arith.addi %mul3A_23, %add3A_30 : i32
    "tpu.region"() ({
      %run_scoped3A_83 = tpu.sem_alloc : memref<!tpu.dma_semaphore, #tpu.memory_space<semaphore_mem>>
      %dma_start3A_84 = arith.constant 0 : i32
      %dma_start3A_85 = tpu.memref_slice %arg10[%add3A_31, %dma_start3A_84] : memref<10240x128xf32, #tpu.memory_space<vmem_shared>> -> memref<128x128xf32, #tpu.memory_space<vmem_shared>>
      %dma_start3A_86 = arith.constant 0 : i32
      %dma_start3A_87 = tpu.memref_slice %arg10[%add3A_31, %dma_start3A_86] : memref<10240x128xf32, #tpu.memory_space<vmem_shared>> -> memref<128x128xf32, #tpu.memory_space<vmem_shared>>
      tpu.enqueue_dma source(%arg8 : memref<128x128xf32, #tpu.memory_space<vmem>>) target(%dma_start3A_87 : memref<128x128xf32, #tpu.memory_space<vmem_shared>>) target_semaphore(%run_scoped3A_83 : memref<!tpu.dma_semaphore, #tpu.memory_space<semaphore_mem>>)
      %dma_wait3A_88 = arith.constant 0 : i32
      %dma_wait3A_89 = tpu.memref_slice %arg10[%add3A_31, %dma_wait3A_88] : memref<10240x128xf32, #tpu.memory_space<vmem_shared>> -> memref<128x128xf32, #tpu.memory_space<vmem_shared>>
      %dma_wait3A_90 = arith.constant 0 : i32
      %dma_wait3A_91 = tpu.memref_slice %arg10[%add3A_31, %dma_wait3A_90] : memref<10240x128xf32, #tpu.memory_space<vmem_shared>> -> memref<128x128xf32, #tpu.memory_space<vmem_shared>>
      tpu.wait_dma2 semaphore(%run_scoped3A_83 : memref<!tpu.dma_semaphore, #tpu.memory_space<semaphore_mem>>) src(%arg8 : memref<128x128xf32, #tpu.memory_space<vmem>>) dst(%dma_wait3A_91 : memref<128x128xf32, #tpu.memory_space<vmem_shared>>)
      tpu.yield
    }) : () -> ()
    %add3A_32 = arith.constant 512 : i32
    %add3A_33 = arith.addi %mul3A_23, %add3A_32 : i32
    "tpu.region"() ({
      %run_scoped3A_83 = tpu.sem_alloc : memref<!tpu.dma_semaphore, #tpu.memory_space<semaphore_mem>>
      %dma_start3A_84 = arith.constant 0 : i32
      %dma_start3A_85 = tpu.memref_slice %arg10[%add3A_33, %dma_start3A_84] : memref<10240x128xf32, #tpu.memory_space<vmem_shared>> -> memref<128x128xf32, #tpu.memory_space<vmem_shared>>
      %dma_start3A_86 = arith.constant 0 : i32
      %dma_start3A_87 = tpu.memref_slice %arg10[%add3A_33, %dma_start3A_86] : memref<10240x128xf32, #tpu.memory_space<vmem_shared>> -> memref<128x128xf32, #tpu.memory_space<vmem_shared>>
      tpu.enqueue_dma source(%arg8 : memref<128x128xf32, #tpu.memory_space<vmem>>) target(%dma_start3A_87 : memref<128x128xf32, #tpu.memory_space<vmem_shared>>) target_semaphore(%run_scoped3A_83 : memref<!tpu.dma_semaphore, #tpu.memory_space<semaphore_mem>>)
      %dma_wait3A_88 = arith.constant 0 : i32
      %dma_wait3A_89 = tpu.memref_slice %arg10[%add3A_33, %dma_wait3A_88] : memref<10240x128xf32, #tpu.memory_space<vmem_shared>> -> memref<128x128xf32, #tpu.memory_space<vmem_shared>>
      %dma_wait3A_90 = arith.constant 0 : i32
      %dma_wait3A_91 = tpu.memref_slice %arg10[%add3A_33, %dma_wait3A_90] : memref<10240x128xf32, #tpu.memory_space<vmem_shared>> -> memref<128x128xf32, #tpu.memory_space<vmem_shared>>
      tpu.wait_dma2 semaphore(%run_scoped3A_83 : memref<!tpu.dma_semaphore, #tpu.memory_space<semaphore_mem>>) src(%arg8 : memref<128x128xf32, #tpu.memory_space<vmem>>) dst(%dma_wait3A_91 : memref<128x128xf32, #tpu.memory_space<vmem_shared>>)
      tpu.yield
    }) : () -> ()
    %dma_wait3A = arith.constant 0 : i32
    %dma_wait3A_34 = arith.constant 0 : i32
    %dma_wait3A_35 = arith.constant 0 : i32
    %dma_wait3A_36 = tpu.memref_slice %arg3[%add3A, %dma_wait3A, %dma_wait3A_34, %dma_wait3A_35] : memref<32x2x40x128xi32, #tpu.memory_space<hbm>> -> memref<1x1x40x128xi32, #tpu.memory_space<hbm>>
    %dma_wait3A_37 = tpu.memref_squeeze %dma_wait3A_36 : memref<1x1x40x128xi32, #tpu.memory_space<hbm>> -> memref<40x128xi32, #tpu.memory_space<hbm>>
    %dma_wait3A_38 = arith.constant 0 : i32
    %dma_wait3A_39 = arith.constant 0 : i32
    %dma_wait3A_40 = tpu.memref_slice %arg3[%add3A, %dma_wait3A, %dma_wait3A_38, %dma_wait3A_39] : memref<32x2x40x128xi32, #tpu.memory_space<hbm>> -> memref<1x1x40x128xi32, #tpu.memory_space<hbm>>
    %dma_wait3A_41 = tpu.memref_squeeze %dma_wait3A_40 : memref<1x1x40x128xi32, #tpu.memory_space<hbm>> -> memref<40x128xi32, #tpu.memory_space<hbm>>
    tpu.wait_dma2 semaphore(%arg11 : memref<!tpu.dma_semaphore, #tpu.memory_space<semaphore_mem>>) src(%dma_wait3A_41 : memref<40x128xi32, #tpu.memory_space<hbm>>) dst(%arg6 : memref<40x128xi32, #tpu.memory_space<vmem>>)
    %dma_wait3A_42 = arith.constant 0 : i32
    %dma_wait3A_43 = arith.constant 0 : i32
    %dma_wait3A_44 = arith.constant 0 : i32
    %dma_wait3A_45 = tpu.memref_slice %arg4[%add3A, %dma_wait3A_42, %dma_wait3A_43, %dma_wait3A_44] : memref<32x2x40x128xi32, #tpu.memory_space<hbm>> -> memref<1x1x40x128xi32, #tpu.memory_space<hbm>>
    %dma_wait3A_46 = tpu.memref_squeeze %dma_wait3A_45 : memref<1x1x40x128xi32, #tpu.memory_space<hbm>> -> memref<40x128xi32, #tpu.memory_space<hbm>>
    %dma_wait3A_47 = arith.constant 0 : i32
    %dma_wait3A_48 = arith.constant 0 : i32
    %dma_wait3A_49 = tpu.memref_slice %arg4[%add3A, %dma_wait3A_42, %dma_wait3A_47, %dma_wait3A_48] : memref<32x2x40x128xi32, #tpu.memory_space<hbm>> -> memref<1x1x40x128xi32, #tpu.memory_space<hbm>>
    %dma_wait3A_50 = tpu.memref_squeeze %dma_wait3A_49 : memref<1x1x40x128xi32, #tpu.memory_space<hbm>> -> memref<40x128xi32, #tpu.memory_space<hbm>>
    tpu.wait_dma2 semaphore(%arg12 : memref<!tpu.dma_semaphore, #tpu.memory_space<semaphore_mem>>) src(%dma_wait3A_50 : memref<40x128xi32, #tpu.memory_space<hbm>>) dst(%arg7 : memref<40x128xi32, #tpu.memory_space<vmem>>)
    %barrier3A = arith.constant 0 : index
    tpu.barrier barrier_id(%barrier3A)
    %dma_start3A_51 = arith.constant 0 : i32
    %dma_start3A_52 = arith.constant 0 : i32
    %dma_start3A_53 = tpu.memref_slice %arg6[%dma_start3A_51, %dma_start3A_52] : memref<40x128xi32, #tpu.memory_space<vmem>> -> memref<1x128xi32, #tpu.memory_space<vmem>>
    %dma_start3A_54 = tpu.memref_squeeze %dma_start3A_53 : memref<1x128xi32, #tpu.memory_space<vmem>> -> memref<128xi32, #tpu.memory_space<vmem>>
    %dma_start3A_55 = arith.constant 0 : i32
    %dma_start3A_56 = arith.constant 0 : i32
    %dma_start3A_57 = tpu.memref_slice %arg2[%dma_start3A_55, %dma_start3A_56] : memref<10000x128xf32, #tpu.memory_space<hbm>> -> memref<10000x128xf32, #tpu.memory_space<hbm>>
    tpu.enqueue_indirect_dma source(%dma_start3A_57 : memref<10000x128xf32, #tpu.memory_space<hbm>>) target(%arg8 : memref<128x128xf32, #tpu.memory_space<vmem>>) offsets(%dma_start3A_54 : memref<128xi32, #tpu.memory_space<vmem>>) semaphore(%arg11 : memref<!tpu.dma_semaphore, #tpu.memory_space<semaphore_mem>>)
    %scan3A_58 = arith.constant 0 : i32
    %scan3A_59 = arith.constant 20 : i32
    %scan3A_60 = arith.addi %scan3A_58, %scan3A_59 : i32
    %scan3A_61 = arith.constant 1 : i32
    scf.for %scan3A_83 = %scan3A_58 to %scan3A_60 step %scan3A_61  : i32 {
      %mul3A_84 = arith.constant 2 : i32
      %mul3A_85 = arith.muli %scan3A_83, %mul3A_84 : i32
      %add3A_86 = arith.constant 1 : i32
      %add3A_87 = arith.addi %mul3A_85, %add3A_86 : i32
      %dma_start3A_88 = arith.constant 0 : i32
      %dma_start3A_89 = tpu.memref_slice %arg6[%add3A_87, %dma_start3A_88] : memref<40x128xi32, #tpu.memory_space<vmem>> -> memref<1x128xi32, #tpu.memory_space<vmem>>
      %dma_start3A_90 = tpu.memref_squeeze %dma_start3A_89 : memref<1x128xi32, #tpu.memory_space<vmem>> -> memref<128xi32, #tpu.memory_space<vmem>>
      %dma_start3A_91 = arith.constant 0 : i32
      %dma_start3A_92 = arith.constant 0 : i32
      %dma_start3A_93 = tpu.memref_slice %arg2[%dma_start3A_91, %dma_start3A_92] : memref<10000x128xf32, #tpu.memory_space<hbm>> -> memref<10000x128xf32, #tpu.memory_space<hbm>>
      tpu.enqueue_indirect_dma source(%dma_start3A_93 : memref<10000x128xf32, #tpu.memory_space<hbm>>) target(%arg9 : memref<128x128xf32, #tpu.memory_space<vmem>>) offsets(%dma_start3A_90 : memref<128xi32, #tpu.memory_space<vmem>>) semaphore(%arg12 : memref<!tpu.dma_semaphore, #tpu.memory_space<semaphore_mem>>)
      %dma_wait3A_94 = arith.constant 0 : i32
      %dma_wait3A_95 = arith.constant 0 : i32
      %dma_wait3A_96 = tpu.memref_slice %arg2[%dma_wait3A_94, %dma_wait3A_95] : memref<10000x128xf32, #tpu.memory_space<hbm>> -> memref<128x128xf32, #tpu.memory_space<hbm>>
      %dma_wait3A_97 = arith.constant 0 : i32
      %dma_wait3A_98 = arith.constant 0 : i32
      %dma_wait3A_99 = tpu.memref_slice %arg2[%dma_wait3A_97, %dma_wait3A_98] : memref<10000x128xf32, #tpu.memory_space<hbm>> -> memref<128x128xf32, #tpu.memory_space<hbm>>
      tpu.wait_dma2 semaphore(%arg11 : memref<!tpu.dma_semaphore, #tpu.memory_space<semaphore_mem>>) src(%dma_wait3A_99 : memref<128x128xf32, #tpu.memory_space<hbm>>) dst(%arg8 : memref<128x128xf32, #tpu.memory_space<vmem>>)
      "tpu.region"() ({
        %run_scoped3A_115 = tpu.sem_alloc : memref<!tpu.dma_semaphore, #tpu.memory_space<semaphore_mem>>
        %dma_start3A_116 = arith.constant 0 : i32
        %dma_start3A_117 = tpu.memref_slice %arg7[%mul3A_85, %dma_start3A_116] : memref<40x128xi32, #tpu.memory_space<vmem>> -> memref<1x128xi32, #tpu.memory_space<vmem>>
        %dma_start3A_118 = tpu.memref_squeeze %dma_start3A_117 : memref<1x128xi32, #tpu.memory_space<vmem>> -> memref<128xi32, #tpu.memory_space<vmem>>
        %dma_start3A_119 = arith.constant 0 : i32
        %dma_start3A_120 = arith.constant 0 : i32
        %dma_start3A_121 = tpu.memref_slice %arg10[%dma_start3A_119, %dma_start3A_120] : memref<10240x128xf32, #tpu.memory_space<vmem_shared>> -> memref<10240x128xf32, #tpu.memory_space<vmem_shared>>
        tpu.enqueue_indirect_dma source(%arg8 : memref<128x128xf32, #tpu.memory_space<vmem>>) target(%dma_start3A_121 : memref<10240x128xf32, #tpu.memory_space<vmem_shared>>) offsets(%dma_start3A_118 : memref<128xi32, #tpu.memory_space<vmem>>) semaphore(%run_scoped3A_115 : memref<!tpu.dma_semaphore, #tpu.memory_space<semaphore_mem>>) {add = true}
        %dma_wait3A_122 = arith.constant 0 : i32
        %dma_wait3A_123 = tpu.memref_slice %arg7[%mul3A_85, %dma_wait3A_122] : memref<40x128xi32, #tpu.memory_space<vmem>> -> memref<1x128xi32, #tpu.memory_space<vmem>>
        %dma_wait3A_124 = tpu.memref_squeeze %dma_wait3A_123 : memref<1x128xi32, #tpu.memory_space<vmem>> -> memref<128xi32, #tpu.memory_space<vmem>>
        %dma_wait3A_125 = arith.constant 0 : i32
        %dma_wait3A_126 = arith.constant 0 : i32
        %dma_wait3A_127 = tpu.memref_slice %arg10[%dma_wait3A_125, %dma_wait3A_126] : memref<10240x128xf32, #tpu.memory_space<vmem_shared>> -> memref<10240x128xf32, #tpu.memory_space<vmem_shared>>
        tpu.wait_indirect_dma semaphore(%run_scoped3A_115 : memref<!tpu.dma_semaphore, #tpu.memory_space<semaphore_mem>>) src(%arg8 : memref<128x128xf32, #tpu.memory_space<vmem>>) dst(%dma_wait3A_127 : memref<10240x128xf32, #tpu.memory_space<vmem_shared>>)
        tpu.yield
      }) : () -> ()
      %add3A_100 = arith.constant 2 : i32
      %add3A_101 = arith.addi %mul3A_85, %add3A_100 : i32
      %lt3A_102 = arith.constant 40 : i32
      %lt3A_103 = arith.cmpi slt, %add3A_101, %lt3A_102 : i32
      %convert_element_type3A_104 = arith.extui %lt3A_103 : i1 to i32
      %cond3A_105 = arith.constant 0 : i32
      %cond3A_106 = arith.cmpi ne, %convert_element_type3A_104, %cond3A_105 : i32
      scf.if %cond3A_106 {
        %add3A_115 = arith.constant 2 : i32
        %add3A_116 = arith.addi %mul3A_85, %add3A_115 : i32
        %dma_start3A_117 = arith.constant 0 : i32
        %dma_start3A_118 = tpu.memref_slice %arg6[%add3A_116, %dma_start3A_117] : memref<40x128xi32, #tpu.memory_space<vmem>> -> memref<1x128xi32, #tpu.memory_space<vmem>>
        %dma_start3A_119 = tpu.memref_squeeze %dma_start3A_118 : memref<1x128xi32, #tpu.memory_space<vmem>> -> memref<128xi32, #tpu.memory_space<vmem>>
        %dma_start3A_120 = arith.constant 0 : i32
        %dma_start3A_121 = arith.constant 0 : i32
        %dma_start3A_122 = tpu.memref_slice %arg2[%dma_start3A_120, %dma_start3A_121] : memref<10000x128xf32, #tpu.memory_space<hbm>> -> memref<10000x128xf32, #tpu.memory_space<hbm>>
        tpu.enqueue_indirect_dma source(%dma_start3A_122 : memref<10000x128xf32, #tpu.memory_space<hbm>>) target(%arg8 : memref<128x128xf32, #tpu.memory_space<vmem>>) offsets(%dma_start3A_119 : memref<128xi32, #tpu.memory_space<vmem>>) semaphore(%arg11 : memref<!tpu.dma_semaphore, #tpu.memory_space<semaphore_mem>>)
      } else {
      }
      %dma_wait3A_107 = arith.constant 0 : i32
      %dma_wait3A_108 = arith.constant 0 : i32
      %dma_wait3A_109 = tpu.memref_slice %arg2[%dma_wait3A_107, %dma_wait3A_108] : memref<10000x128xf32, #tpu.memory_space<hbm>> -> memref<128x128xf32, #tpu.memory_space<hbm>>
      %dma_wait3A_110 = arith.constant 0 : i32
      %dma_wait3A_111 = arith.constant 0 : i32
      %dma_wait3A_112 = tpu.memref_slice %arg2[%dma_wait3A_110, %dma_wait3A_111] : memref<10000x128xf32, #tpu.memory_space<hbm>> -> memref<128x128xf32, #tpu.memory_space<hbm>>
      tpu.wait_dma2 semaphore(%arg12 : memref<!tpu.dma_semaphore, #tpu.memory_space<semaphore_mem>>) src(%dma_wait3A_112 : memref<128x128xf32, #tpu.memory_space<hbm>>) dst(%arg9 : memref<128x128xf32, #tpu.memory_space<vmem>>)
      %add3A_113 = arith.constant 1 : i32
      %add3A_114 = arith.addi %mul3A_85, %add3A_113 : i32
      "tpu.region"() ({
        %run_scoped3A_115 = tpu.sem_alloc : memref<!tpu.dma_semaphore, #tpu.memory_space<semaphore_mem>>
        %dma_start3A_116 = arith.constant 0 : i32
        %dma_start3A_117 = tpu.memref_slice %arg7[%add3A_114, %dma_start3A_116] : memref<40x128xi32, #tpu.memory_space<vmem>> -> memref<1x128xi32, #tpu.memory_space<vmem>>
        %dma_start3A_118 = tpu.memref_squeeze %dma_start3A_117 : memref<1x128xi32, #tpu.memory_space<vmem>> -> memref<128xi32, #tpu.memory_space<vmem>>
        %dma_start3A_119 = arith.constant 0 : i32
        %dma_start3A_120 = arith.constant 0 : i32
        %dma_start3A_121 = tpu.memref_slice %arg10[%dma_start3A_119, %dma_start3A_120] : memref<10240x128xf32, #tpu.memory_space<vmem_shared>> -> memref<10240x128xf32, #tpu.memory_space<vmem_shared>>
        tpu.enqueue_indirect_dma source(%arg9 : memref<128x128xf32, #tpu.memory_space<vmem>>) target(%dma_start3A_121 : memref<10240x128xf32, #tpu.memory_space<vmem_shared>>) offsets(%dma_start3A_118 : memref<128xi32, #tpu.memory_space<vmem>>) semaphore(%run_scoped3A_115 : memref<!tpu.dma_semaphore, #tpu.memory_space<semaphore_mem>>) {add = true}
        %dma_wait3A_122 = arith.constant 0 : i32
        %dma_wait3A_123 = tpu.memref_slice %arg7[%add3A_114, %dma_wait3A_122] : memref<40x128xi32, #tpu.memory_space<vmem>> -> memref<1x128xi32, #tpu.memory_space<vmem>>
        %dma_wait3A_124 = tpu.memref_squeeze %dma_wait3A_123 : memref<1x128xi32, #tpu.memory_space<vmem>> -> memref<128xi32, #tpu.memory_space<vmem>>
        %dma_wait3A_125 = arith.constant 0 : i32
        %dma_wait3A_126 = arith.constant 0 : i32
        %dma_wait3A_127 = tpu.memref_slice %arg10[%dma_wait3A_125, %dma_wait3A_126] : memref<10240x128xf32, #tpu.memory_space<vmem_shared>> -> memref<10240x128xf32, #tpu.memory_space<vmem_shared>>
        tpu.wait_indirect_dma semaphore(%run_scoped3A_115 : memref<!tpu.dma_semaphore, #tpu.memory_space<semaphore_mem>>) src(%arg9 : memref<128x128xf32, #tpu.memory_space<vmem>>) dst(%dma_wait3A_127 : memref<10240x128xf32, #tpu.memory_space<vmem_shared>>)
        tpu.yield
      }) : () -> ()
    }
    %scan3A_62 = arith.constant 20 : i32
    %run_scoped3A = arith.constant 1 : i32
    "tpu.region"() ({
      %run_scoped3A_83 = tpu.sem_alloc : memref<!tpu.dma_semaphore, #tpu.memory_space<semaphore_mem>>
      %dma_start3A_84 = arith.constant 0 : i32
      %dma_start3A_85 = arith.constant 0 : i32
      %dma_start3A_86 = tpu.memref_slice %arg3[%add3A, %run_scoped3A, %dma_start3A_84, %dma_start3A_85] : memref<32x2x40x128xi32, #tpu.memory_space<hbm>> -> memref<1x1x40x128xi32, #tpu.memory_space<hbm>>
      %dma_start3A_87 = tpu.memref_squeeze %dma_start3A_86 : memref<1x1x40x128xi32, #tpu.memory_space<hbm>> -> memref<40x128xi32, #tpu.memory_space<hbm>>
      %dma_start3A_88 = arith.constant 0 : i32
      %dma_start3A_89 = arith.constant 0 : i32
      %dma_start3A_90 = tpu.memref_slice %arg3[%add3A, %run_scoped3A, %dma_start3A_88, %dma_start3A_89] : memref<32x2x40x128xi32, #tpu.memory_space<hbm>> -> memref<1x1x40x128xi32, #tpu.memory_space<hbm>>
      %dma_start3A_91 = tpu.memref_squeeze %dma_start3A_90 : memref<1x1x40x128xi32, #tpu.memory_space<hbm>> -> memref<40x128xi32, #tpu.memory_space<hbm>>
      tpu.enqueue_dma source(%dma_start3A_91 : memref<40x128xi32, #tpu.memory_space<hbm>>) target(%arg6 : memref<40x128xi32, #tpu.memory_space<vmem>>) target_semaphore(%run_scoped3A_83 : memref<!tpu.dma_semaphore, #tpu.memory_space<semaphore_mem>>)
      %dma_wait3A_92 = arith.constant 0 : i32
      %dma_wait3A_93 = arith.constant 0 : i32
      %dma_wait3A_94 = tpu.memref_slice %arg3[%add3A, %run_scoped3A, %dma_wait3A_92, %dma_wait3A_93] : memref<32x2x40x128xi32, #tpu.memory_space<hbm>> -> memref<1x1x40x128xi32, #tpu.memory_space<hbm>>
      %dma_wait3A_95 = tpu.memref_squeeze %dma_wait3A_94 : memref<1x1x40x128xi32, #tpu.memory_space<hbm>> -> memref<40x128xi32, #tpu.memory_space<hbm>>
      %dma_wait3A_96 = arith.constant 0 : i32
      %dma_wait3A_97 = arith.constant 0 : i32
      %dma_wait3A_98 = tpu.memref_slice %arg3[%add3A, %run_scoped3A, %dma_wait3A_96, %dma_wait3A_97] : memref<32x2x40x128xi32, #tpu.memory_space<hbm>> -> memref<1x1x40x128xi32, #tpu.memory_space<hbm>>
      %dma_wait3A_99 = tpu.memref_squeeze %dma_wait3A_98 : memref<1x1x40x128xi32, #tpu.memory_space<hbm>> -> memref<40x128xi32, #tpu.memory_space<hbm>>
      tpu.wait_dma2 semaphore(%run_scoped3A_83 : memref<!tpu.dma_semaphore, #tpu.memory_space<semaphore_mem>>) src(%dma_wait3A_99 : memref<40x128xi32, #tpu.memory_space<hbm>>) dst(%arg6 : memref<40x128xi32, #tpu.memory_space<vmem>>)
      tpu.yield
    }) : () -> ()
    %run_scoped3A_63 = arith.constant 1 : i32
    "tpu.region"() ({
      %run_scoped3A_83 = tpu.sem_alloc : memref<!tpu.dma_semaphore, #tpu.memory_space<semaphore_mem>>
      %dma_start3A_84 = arith.constant 0 : i32
      %dma_start3A_85 = arith.constant 0 : i32
      %dma_start3A_86 = tpu.memref_slice %arg4[%add3A, %run_scoped3A_63, %dma_start3A_84, %dma_start3A_85] : memref<32x2x40x128xi32, #tpu.memory_space<hbm>> -> memref<1x1x40x128xi32, #tpu.memory_space<hbm>>
      %dma_start3A_87 = tpu.memref_squeeze %dma_start3A_86 : memref<1x1x40x128xi32, #tpu.memory_space<hbm>> -> memref<40x128xi32, #tpu.memory_space<hbm>>
      %dma_start3A_88 = arith.constant 0 : i32
      %dma_start3A_89 = arith.constant 0 : i32
      %dma_start3A_90 = tpu.memref_slice %arg4[%add3A, %run_scoped3A_63, %dma_start3A_88, %dma_start3A_89] : memref<32x2x40x128xi32, #tpu.memory_space<hbm>> -> memref<1x1x40x128xi32, #tpu.memory_space<hbm>>
      %dma_start3A_91 = tpu.memref_squeeze %dma_start3A_90 : memref<1x1x40x128xi32, #tpu.memory_space<hbm>> -> memref<40x128xi32, #tpu.memory_space<hbm>>
      tpu.enqueue_dma source(%dma_start3A_91 : memref<40x128xi32, #tpu.memory_space<hbm>>) target(%arg7 : memref<40x128xi32, #tpu.memory_space<vmem>>) target_semaphore(%run_scoped3A_83 : memref<!tpu.dma_semaphore, #tpu.memory_space<semaphore_mem>>)
      %dma_wait3A_92 = arith.constant 0 : i32
      %dma_wait3A_93 = arith.constant 0 : i32
      %dma_wait3A_94 = tpu.memref_slice %arg4[%add3A, %run_scoped3A_63, %dma_wait3A_92, %dma_wait3A_93] : memref<32x2x40x128xi32, #tpu.memory_space<hbm>> -> memref<1x1x40x128xi32, #tpu.memory_space<hbm>>
      %dma_wait3A_95 = tpu.memref_squeeze %dma_wait3A_94 : memref<1x1x40x128xi32, #tpu.memory_space<hbm>> -> memref<40x128xi32, #tpu.memory_space<hbm>>
      %dma_wait3A_96 = arith.constant 0 : i32
      %dma_wait3A_97 = arith.constant 0 : i32
      %dma_wait3A_98 = tpu.memref_slice %arg4[%add3A, %run_scoped3A_63, %dma_wait3A_96, %dma_wait3A_97] : memref<32x2x40x128xi32, #tpu.memory_space<hbm>> -> memref<1x1x40x128xi32, #tpu.memory_space<hbm>>
      %dma_wait3A_99 = tpu.memref_squeeze %dma_wait3A_98 : memref<1x1x40x128xi32, #tpu.memory_space<hbm>> -> memref<40x128xi32, #tpu.memory_space<hbm>>
      tpu.wait_dma2 semaphore(%run_scoped3A_83 : memref<!tpu.dma_semaphore, #tpu.memory_space<semaphore_mem>>) src(%dma_wait3A_99 : memref<40x128xi32, #tpu.memory_space<hbm>>) dst(%arg7 : memref<40x128xi32, #tpu.memory_space<vmem>>)
      tpu.yield
    }) : () -> ()
    %dma_start3A_64 = arith.constant 0 : i32
    %dma_start3A_65 = arith.constant 0 : i32
    %dma_start3A_66 = tpu.memref_slice %arg6[%dma_start3A_64, %dma_start3A_65] : memref<40x128xi32, #tpu.memory_space<vmem>> -> memref<1x128xi32, #tpu.memory_space<vmem>>
    %dma_start3A_67 = tpu.memref_squeeze %dma_start3A_66 : memref<1x128xi32, #tpu.memory_space<vmem>> -> memref<128xi32, #tpu.memory_space<vmem>>
    %dma_start3A_68 = arith.constant 0 : i32
    %dma_start3A_69 = arith.constant 0 : i32
    %dma_start3A_70 = tpu.memref_slice %arg2[%dma_start3A_68, %dma_start3A_69] : memref<10000x128xf32, #tpu.memory_space<hbm>> -> memref<10000x128xf32, #tpu.memory_space<hbm>>
    tpu.enqueue_indirect_dma source(%dma_start3A_70 : memref<10000x128xf32, #tpu.memory_space<hbm>>) target(%arg8 : memref<128x128xf32, #tpu.memory_space<vmem>>) offsets(%dma_start3A_67 : memref<128xi32, #tpu.memory_space<vmem>>) semaphore(%arg11 : memref<!tpu.dma_semaphore, #tpu.memory_space<semaphore_mem>>)
    %scan3A_71 = arith.constant 0 : i32
    %scan3A_72 = arith.constant 20 : i32
    %scan3A_73 = arith.addi %scan3A_71, %scan3A_72 : i32
    %scan3A_74 = arith.constant 1 : i32
    scf.for %scan3A_83 = %scan3A_71 to %scan3A_73 step %scan3A_74  : i32 {
      %mul3A_84 = arith.constant 2 : i32
      %mul3A_85 = arith.muli %scan3A_83, %mul3A_84 : i32
      %add3A_86 = arith.constant 1 : i32
      %add3A_87 = arith.addi %mul3A_85, %add3A_86 : i32
      %dma_start3A_88 = arith.constant 0 : i32
      %dma_start3A_89 = tpu.memref_slice %arg6[%add3A_87, %dma_start3A_88] : memref<40x128xi32, #tpu.memory_space<vmem>> -> memref<1x128xi32, #tpu.memory_space<vmem>>
      %dma_start3A_90 = tpu.memref_squeeze %dma_start3A_89 : memref<1x128xi32, #tpu.memory_space<vmem>> -> memref<128xi32, #tpu.memory_space<vmem>>
      %dma_start3A_91 = arith.constant 0 : i32
      %dma_start3A_92 = arith.constant 0 : i32
      %dma_start3A_93 = tpu.memref_slice %arg2[%dma_start3A_91, %dma_start3A_92] : memref<10000x128xf32, #tpu.memory_space<hbm>> -> memref<10000x128xf32, #tpu.memory_space<hbm>>
      tpu.enqueue_indirect_dma source(%dma_start3A_93 : memref<10000x128xf32, #tpu.memory_space<hbm>>) target(%arg9 : memref<128x128xf32, #tpu.memory_space<vmem>>) offsets(%dma_start3A_90 : memref<128xi32, #tpu.memory_space<vmem>>) semaphore(%arg12 : memref<!tpu.dma_semaphore, #tpu.memory_space<semaphore_mem>>)
      %dma_wait3A_94 = arith.constant 0 : i32
      %dma_wait3A_95 = arith.constant 0 : i32
      %dma_wait3A_96 = tpu.memref_slice %arg2[%dma_wait3A_94, %dma_wait3A_95] : memref<10000x128xf32, #tpu.memory_space<hbm>> -> memref<128x128xf32, #tpu.memory_space<hbm>>
      %dma_wait3A_97 = arith.constant 0 : i32
      %dma_wait3A_98 = arith.constant 0 : i32
      %dma_wait3A_99 = tpu.memref_slice %arg2[%dma_wait3A_97, %dma_wait3A_98] : memref<10000x128xf32, #tpu.memory_space<hbm>> -> memref<128x128xf32, #tpu.memory_space<hbm>>
      tpu.wait_dma2 semaphore(%arg11 : memref<!tpu.dma_semaphore, #tpu.memory_space<semaphore_mem>>) src(%dma_wait3A_99 : memref<128x128xf32, #tpu.memory_space<hbm>>) dst(%arg8 : memref<128x128xf32, #tpu.memory_space<vmem>>)
      "tpu.region"() ({
        %run_scoped3A_115 = tpu.sem_alloc : memref<!tpu.dma_semaphore, #tpu.memory_space<semaphore_mem>>
        %dma_start3A_116 = arith.constant 0 : i32
        %dma_start3A_117 = tpu.memref_slice %arg7[%mul3A_85, %dma_start3A_116] : memref<40x128xi32, #tpu.memory_space<vmem>> -> memref<1x128xi32, #tpu.memory_space<vmem>>
        %dma_start3A_118 = tpu.memref_squeeze %dma_start3A_117 : memref<1x128xi32, #tpu.memory_space<vmem>> -> memref<128xi32, #tpu.memory_space<vmem>>
        %dma_start3A_119 = arith.constant 0 : i32
        %dma_start3A_120 = arith.constant 0 : i32
        %dma_start3A_121 = tpu.memref_slice %arg10[%dma_start3A_119, %dma_start3A_120] : memref<10240x128xf32, #tpu.memory_space<vmem_shared>> -> memref<10240x128xf32, #tpu.memory_space<vmem_shared>>
        tpu.enqueue_indirect_dma source(%arg8 : memref<128x128xf32, #tpu.memory_space<vmem>>) target(%dma_start3A_121 : memref<10240x128xf32, #tpu.memory_space<vmem_shared>>) offsets(%dma_start3A_118 : memref<128xi32, #tpu.memory_space<vmem>>) semaphore(%run_scoped3A_115 : memref<!tpu.dma_semaphore, #tpu.memory_space<semaphore_mem>>) {add = true}
        %dma_wait3A_122 = arith.constant 0 : i32
        %dma_wait3A_123 = tpu.memref_slice %arg7[%mul3A_85, %dma_wait3A_122] : memref<40x128xi32, #tpu.memory_space<vmem>> -> memref<1x128xi32, #tpu.memory_space<vmem>>
        %dma_wait3A_124 = tpu.memref_squeeze %dma_wait3A_123 : memref<1x128xi32, #tpu.memory_space<vmem>> -> memref<128xi32, #tpu.memory_space<vmem>>
        %dma_wait3A_125 = arith.constant 0 : i32
        %dma_wait3A_126 = arith.constant 0 : i32
        %dma_wait3A_127 = tpu.memref_slice %arg10[%dma_wait3A_125, %dma_wait3A_126] : memref<10240x128xf32, #tpu.memory_space<vmem_shared>> -> memref<10240x128xf32, #tpu.memory_space<vmem_shared>>
        tpu.wait_indirect_dma semaphore(%run_scoped3A_115 : memref<!tpu.dma_semaphore, #tpu.memory_space<semaphore_mem>>) src(%arg8 : memref<128x128xf32, #tpu.memory_space<vmem>>) dst(%dma_wait3A_127 : memref<10240x128xf32, #tpu.memory_space<vmem_shared>>)
        tpu.yield
      }) : () -> ()
      %add3A_100 = arith.constant 2 : i32
      %add3A_101 = arith.addi %mul3A_85, %add3A_100 : i32
      %lt3A_102 = arith.constant 40 : i32
      %lt3A_103 = arith.cmpi slt, %add3A_101, %lt3A_102 : i32
      %convert_element_type3A_104 = arith.extui %lt3A_103 : i1 to i32
      %cond3A_105 = arith.constant 0 : i32
      %cond3A_106 = arith.cmpi ne, %convert_element_type3A_104, %cond3A_105 : i32
      scf.if %cond3A_106 {
        %add3A_115 = arith.constant 2 : i32
        %add3A_116 = arith.addi %mul3A_85, %add3A_115 : i32
        %dma_start3A_117 = arith.constant 0 : i32
        %dma_start3A_118 = tpu.memref_slice %arg6[%add3A_116, %dma_start3A_117] : memref<40x128xi32, #tpu.memory_space<vmem>> -> memref<1x128xi32, #tpu.memory_space<vmem>>
        %dma_start3A_119 = tpu.memref_squeeze %dma_start3A_118 : memref<1x128xi32, #tpu.memory_space<vmem>> -> memref<128xi32, #tpu.memory_space<vmem>>
        %dma_start3A_120 = arith.constant 0 : i32
        %dma_start3A_121 = arith.constant 0 : i32
        %dma_start3A_122 = tpu.memref_slice %arg2[%dma_start3A_120, %dma_start3A_121] : memref<10000x128xf32, #tpu.memory_space<hbm>> -> memref<10000x128xf32, #tpu.memory_space<hbm>>
        tpu.enqueue_indirect_dma source(%dma_start3A_122 : memref<10000x128xf32, #tpu.memory_space<hbm>>) target(%arg8 : memref<128x128xf32, #tpu.memory_space<vmem>>) offsets(%dma_start3A_119 : memref<128xi32, #tpu.memory_space<vmem>>) semaphore(%arg11 : memref<!tpu.dma_semaphore, #tpu.memory_space<semaphore_mem>>)
      } else {
      }
      %dma_wait3A_107 = arith.constant 0 : i32
      %dma_wait3A_108 = arith.constant 0 : i32
      %dma_wait3A_109 = tpu.memref_slice %arg2[%dma_wait3A_107, %dma_wait3A_108] : memref<10000x128xf32, #tpu.memory_space<hbm>> -> memref<128x128xf32, #tpu.memory_space<hbm>>
      %dma_wait3A_110 = arith.constant 0 : i32
      %dma_wait3A_111 = arith.constant 0 : i32
      %dma_wait3A_112 = tpu.memref_slice %arg2[%dma_wait3A_110, %dma_wait3A_111] : memref<10000x128xf32, #tpu.memory_space<hbm>> -> memref<128x128xf32, #tpu.memory_space<hbm>>
      tpu.wait_dma2 semaphore(%arg12 : memref<!tpu.dma_semaphore, #tpu.memory_space<semaphore_mem>>) src(%dma_wait3A_112 : memref<128x128xf32, #tpu.memory_space<hbm>>) dst(%arg9 : memref<128x128xf32, #tpu.memory_space<vmem>>)
      %add3A_113 = arith.constant 1 : i32
      %add3A_114 = arith.addi %mul3A_85, %add3A_113 : i32
      "tpu.region"() ({
        %run_scoped3A_115 = tpu.sem_alloc : memref<!tpu.dma_semaphore, #tpu.memory_space<semaphore_mem>>
        %dma_start3A_116 = arith.constant 0 : i32
        %dma_start3A_117 = tpu.memref_slice %arg7[%add3A_114, %dma_start3A_116] : memref<40x128xi32, #tpu.memory_space<vmem>> -> memref<1x128xi32, #tpu.memory_space<vmem>>
        %dma_start3A_118 = tpu.memref_squeeze %dma_start3A_117 : memref<1x128xi32, #tpu.memory_space<vmem>> -> memref<128xi32, #tpu.memory_space<vmem>>
        %dma_start3A_119 = arith.constant 0 : i32
        %dma_start3A_120 = arith.constant 0 : i32
        %dma_start3A_121 = tpu.memref_slice %arg10[%dma_start3A_119, %dma_start3A_120] : memref<10240x128xf32, #tpu.memory_space<vmem_shared>> -> memref<10240x128xf32, #tpu.memory_space<vmem_shared>>
        tpu.enqueue_indirect_dma source(%arg9 : memref<128x128xf32, #tpu.memory_space<vmem>>) target(%dma_start3A_121 : memref<10240x128xf32, #tpu.memory_space<vmem_shared>>) offsets(%dma_start3A_118 : memref<128xi32, #tpu.memory_space<vmem>>) semaphore(%run_scoped3A_115 : memref<!tpu.dma_semaphore, #tpu.memory_space<semaphore_mem>>) {add = true}
        %dma_wait3A_122 = arith.constant 0 : i32
        %dma_wait3A_123 = tpu.memref_slice %arg7[%add3A_114, %dma_wait3A_122] : memref<40x128xi32, #tpu.memory_space<vmem>> -> memref<1x128xi32, #tpu.memory_space<vmem>>
        %dma_wait3A_124 = tpu.memref_squeeze %dma_wait3A_123 : memref<1x128xi32, #tpu.memory_space<vmem>> -> memref<128xi32, #tpu.memory_space<vmem>>
        %dma_wait3A_125 = arith.constant 0 : i32
        %dma_wait3A_126 = arith.constant 0 : i32
        %dma_wait3A_127 = tpu.memref_slice %arg10[%dma_wait3A_125, %dma_wait3A_126] : memref<10240x128xf32, #tpu.memory_space<vmem_shared>> -> memref<10240x128xf32, #tpu.memory_space<vmem_shared>>
        tpu.wait_indirect_dma semaphore(%run_scoped3A_115 : memref<!tpu.dma_semaphore, #tpu.memory_space<semaphore_mem>>) src(%arg9 : memref<128x128xf32, #tpu.memory_space<vmem>>) dst(%dma_wait3A_127 : memref<10240x128xf32, #tpu.memory_space<vmem_shared>>)
        tpu.yield
      }) : () -> ()
    }
    %scan3A_75 = arith.constant 20 : i32
    %barrier3A_76 = arith.constant 0 : index
    tpu.barrier barrier_id(%barrier3A_76)
    %lt3A = arith.constant 14 : i32
    %lt3A_77 = arith.cmpi slt, %arg1, %lt3A : i32
    %convert_element_type3A = arith.extui %lt3A_77 : i1 to i32
    %cond3A = arith.constant 0 : i32
    %cond3A_78 = arith.cmpi ne, %convert_element_type3A, %cond3A : i32
    scf.if %cond3A_78 {
      %mul3A_83 = arith.constant 632 : i32
      %mul3A_84 = arith.muli %arg1, %mul3A_83 : i32
      %mul3A_85 = arith.constant 632 : i32
      %mul3A_86 = arith.muli %arg1, %mul3A_85 : i32
      "tpu.region"() ({
        %run_scoped3A_87 = tpu.sem_alloc : memref<!tpu.dma_semaphore, #tpu.memory_space<semaphore_mem>>
        %dma_start3A_88 = arith.constant 0 : i32
        %dma_start3A_89 = tpu.memref_slice %arg5[%arg0, %mul3A_86, %dma_start3A_88] : memref<2x10000x128xf32, #tpu.memory_space<hbm>> -> memref<1x632x128xf32, #tpu.memory_space<hbm>>
        %dma_start3A_90 = tpu.memref_squeeze %dma_start3A_89 : memref<1x632x128xf32, #tpu.memory_space<hbm>> -> memref<632x128xf32, #tpu.memory_space<hbm>>
        %dma_start3A_91 = arith.constant 0 : i32
        %dma_start3A_92 = tpu.memref_slice %arg10[%mul3A_84, %dma_start3A_91] : memref<10240x128xf32, #tpu.memory_space<vmem_shared>> -> memref<632x128xf32, #tpu.memory_space<vmem_shared>>
        tpu.enqueue_dma source(%dma_start3A_92 : memref<632x128xf32, #tpu.memory_space<vmem_shared>>) target(%dma_start3A_90 : memref<632x128xf32, #tpu.memory_space<hbm>>) target_semaphore(%run_scoped3A_87 : memref<!tpu.dma_semaphore, #tpu.memory_space<semaphore_mem>>)
        %dma_wait3A_93 = arith.constant 0 : i32
        %dma_wait3A_94 = tpu.memref_slice %arg5[%arg0, %mul3A_86, %dma_wait3A_93] : memref<2x10000x128xf32, #tpu.memory_space<hbm>> -> memref<1x632x128xf32, #tpu.memory_space<hbm>>
        %dma_wait3A_95 = tpu.memref_squeeze %dma_wait3A_94 : memref<1x632x128xf32, #tpu.memory_space<hbm>> -> memref<632x128xf32, #tpu.memory_space<hbm>>
        %dma_wait3A_96 = arith.constant 0 : i32
        %dma_wait3A_97 = tpu.memref_slice %arg10[%mul3A_84, %dma_wait3A_96] : memref<10240x128xf32, #tpu.memory_space<vmem_shared>> -> memref<632x128xf32, #tpu.memory_space<vmem_shared>>
        tpu.wait_dma2 semaphore(%run_scoped3A_87 : memref<!tpu.dma_semaphore, #tpu.memory_space<semaphore_mem>>) src(%dma_wait3A_97 : memref<632x128xf32, #tpu.memory_space<vmem_shared>>) dst(%dma_wait3A_95 : memref<632x128xf32, #tpu.memory_space<hbm>>)
        tpu.yield
      }) : () -> ()
    } else {
    }
    %ge3A = arith.constant 14 : i32
    %ge3A_79 = arith.cmpi sge, %arg1, %ge3A : i32
    %convert_element_type3A_80 = arith.extui %ge3A_79 : i1 to i32
    %cond3A_81 = arith.constant 0 : i32
    %cond3A_82 = arith.cmpi ne, %convert_element_type3A_80, %cond3A_81 : i32
    scf.if %cond3A_82 {
      %sub3A = arith.constant 14 : i32
      %sub3A_83 = arith.subi %arg1, %sub3A : i32
      %mul3A_84 = arith.constant 576 : i32
      %mul3A_85 = arith.muli %sub3A_83, %mul3A_84 : i32
      %add3A_86 = arith.constant 8848 : i32
      %add3A_87 = arith.addi %add3A_86, %mul3A_85 : i32
      "tpu.region"() ({
        %run_scoped3A_88 = tpu.sem_alloc : memref<!tpu.dma_semaphore, #tpu.memory_space<semaphore_mem>>
        %dma_start3A_89 = arith.constant 0 : i32
        %dma_start3A_90 = tpu.memref_slice %arg5[%arg0, %add3A_87, %dma_start3A_89] : memref<2x10000x128xf32, #tpu.memory_space<hbm>> -> memref<1x576x128xf32, #tpu.memory_space<hbm>>
        %dma_start3A_91 = tpu.memref_squeeze %dma_start3A_90 : memref<1x576x128xf32, #tpu.memory_space<hbm>> -> memref<576x128xf32, #tpu.memory_space<hbm>>
        %dma_start3A_92 = arith.constant 0 : i32
        %dma_start3A_93 = tpu.memref_slice %arg10[%add3A_87, %dma_start3A_92] : memref<10240x128xf32, #tpu.memory_space<vmem_shared>> -> memref<576x128xf32, #tpu.memory_space<vmem_shared>>
        tpu.enqueue_dma source(%dma_start3A_93 : memref<576x128xf32, #tpu.memory_space<vmem_shared>>) target(%dma_start3A_91 : memref<576x128xf32, #tpu.memory_space<hbm>>) target_semaphore(%run_scoped3A_88 : memref<!tpu.dma_semaphore, #tpu.memory_space<semaphore_mem>>)
        %dma_wait3A_94 = arith.constant 0 : i32
        %dma_wait3A_95 = tpu.memref_slice %arg5[%arg0, %add3A_87, %dma_wait3A_94] : memref<2x10000x128xf32, #tpu.memory_space<hbm>> -> memref<1x576x128xf32, #tpu.memory_space<hbm>>
        %dma_wait3A_96 = tpu.memref_squeeze %dma_wait3A_95 : memref<1x576x128xf32, #tpu.memory_space<hbm>> -> memref<576x128xf32, #tpu.memory_space<hbm>>
        %dma_wait3A_97 = arith.constant 0 : i32
        %dma_wait3A_98 = tpu.memref_slice %arg10[%add3A_87, %dma_wait3A_97] : memref<10240x128xf32, #tpu.memory_space<vmem_shared>> -> memref<576x128xf32, #tpu.memory_space<vmem_shared>>
        tpu.wait_dma2 semaphore(%run_scoped3A_88 : memref<!tpu.dma_semaphore, #tpu.memory_space<semaphore_mem>>) src(%dma_wait3A_98 : memref<576x128xf32, #tpu.memory_space<vmem_shared>>) dst(%dma_wait3A_96 : memref<576x128xf32, #tpu.memory_space<hbm>>)
        tpu.yield
      }) : () -> ()
    } else {
    }
    return
  }
}

module attributes {stable_mosaic.version = 14 : i64} {
  func.func @_tc_mid_body(%arg0: i32, %arg1: memref<2x2000x128xf32, #tpu.memory_space<vmem>>, %arg2: memref<2000x128xf32, #tpu.memory_space<vmem>>, %arg3: memref<2000x1xf32, #tpu.memory_space<vmem>>, %arg4: memref<1x128xf32, #tpu.memory_space<vmem>>, %arg5: memref<128x128xf32, #tpu.memory_space<vmem>>, %arg6: memref<2000x128xf32, #tpu.memory_space<vmem>>, %arg7: memref<8x128xf32, #tpu.memory_space<vmem>>) attributes {dimension_semantics = [#tpu.dimension_semantics<arbitrary>], iteration_bounds = array<i64: 5>, scalar_prefetch = 0 : i64, scratch_operands = 0 : i64, tpu.core_type = #tpu.core_type<tc>, window_params = [{transform_indices = @transform_0, window_bounds = array<i64: 2, 2000, 128>}, {transform_indices = @transform_1, window_bounds = array<i64: 2000, 128>}, {transform_indices = @transform_2, window_bounds = array<i64: 2000, 1>}, {pipeline_mode = #tpu.pipeline_mode<synchronous>, transform_indices = @transform_3, window_bounds = array<i64: 1, 128>}, {pipeline_mode = #tpu.pipeline_mode<synchronous>, transform_indices = @transform_4, window_bounds = array<i64: 128, 128>}, {transform_indices = @transform_5, window_bounds = array<i64: 2000, 128>}, {pipeline_mode = #tpu.pipeline_mode<synchronous>, transform_indices = @transform_6, window_bounds = array<i64: 8, 128>}]} {
    %get3A = arith.constant 0 : index
    %get3A_0 = arith.constant 0 : index
    %get3A_1 = arith.constant 0 : index
    %get3A_2 = vector.load %arg1[%get3A, %get3A_0, %get3A_1] : memref<2x2000x128xf32, #tpu.memory_space<vmem>>, vector<1x2000x128xf32>
    %get3A_3 = vector.shape_cast %get3A_2 : vector<1x2000x128xf32> to vector<2000x128xf32>
    %get3A_4 = arith.constant 1 : index
    %get3A_5 = arith.constant 0 : index
    %get3A_6 = arith.constant 0 : index
    %get3A_7 = vector.load %arg1[%get3A_4, %get3A_5, %get3A_6] : memref<2x2000x128xf32, #tpu.memory_space<vmem>>, vector<1x2000x128xf32>
    %get3A_8 = vector.shape_cast %get3A_7 : vector<1x2000x128xf32> to vector<2000x128xf32>
    %add3A = arith.addf %get3A_3, %get3A_8 : vector<2000x128xf32>
    %get3A_9 = arith.constant 0 : index
    %get3A_10 = arith.constant 0 : index
    %get3A_11 = vector.load %arg2[%get3A_9, %get3A_10] : memref<2000x128xf32, #tpu.memory_space<vmem>>, vector<2000x128xf32>
    %add3A_12 = arith.addf %add3A, %get3A_11 : vector<2000x128xf32>
    %get3A_13 = arith.constant 0 : index
    %get3A_14 = arith.constant 0 : index
    %get3A_15 = vector.load %arg3[%get3A_13, %get3A_14] : memref<2000x1xf32, #tpu.memory_space<vmem>>, vector<2000x1xf32>
    %mul3A = vector.broadcast %get3A_15 : vector<2000x1xf32> to vector<2000x128xf32>
    %mul3A_16 = arith.mulf %add3A_12, %mul3A : vector<2000x128xf32>
    %get3A_17 = arith.constant 0 : index
    %get3A_18 = arith.constant 0 : index
    %get3A_19 = vector.load %arg4[%get3A_17, %get3A_18] : memref<1x128xf32, #tpu.memory_space<vmem>>, vector<1x128xf32>
    %add3A_20 = vector.broadcast %get3A_19 : vector<1x128xf32> to vector<2000x128xf32>
    %add3A_21 = arith.addf %mul3A_16, %add3A_20 : vector<2000x128xf32>
    %max3A = arith.constant 0.000000e+00 : f32
    %max3A_22 = vector.broadcast %max3A : f32 to vector<2000x128xf32>
    %max3A_23 = arith.maximumf %add3A_21, %max3A_22 : vector<2000x128xf32>
    %reduce_sum3A = arith.constant dense<0.000000e+00> : vector<128xf32>
    %reduce_sum3A_24 = vector.multi_reduction <add>, %max3A_23, %reduce_sum3A [0] : vector<2000x128xf32> to vector<128xf32>
    %broadcast_in_dim3A = vector.shape_cast %reduce_sum3A_24 : vector<128xf32> to vector<1x128xf32>
    %broadcast_in_dim3A_25 = vector.shape_cast %broadcast_in_dim3A : vector<1x128xf32> to vector<1x128xf32>
    %broadcast_in_dim3A_26 = vector.broadcast %broadcast_in_dim3A_25 : vector<1x128xf32> to vector<8x128xf32>
    %eq3A = arith.constant 0 : i32
    %eq3A_27 = arith.cmpi eq, %arg0, %eq3A : i32
    %convert_element_type3A = arith.extui %eq3A_27 : i1 to i32
    %cond3A = arith.constant 0 : i32
    %cond3A_28 = arith.cmpi ne, %convert_element_type3A, %cond3A : i32
    scf.if %cond3A_28 {
      %swap3A_44 = arith.constant 0 : index
      %swap3A_45 = arith.constant 0 : index
      %swap3A_46 = vector.load %arg7[%swap3A_44, %swap3A_45] : memref<8x128xf32, #tpu.memory_space<vmem>>, vector<8x128xf32>
      tpu.vector_store %arg7[%swap3A_44, %swap3A_45], %broadcast_in_dim3A_26 {strides = array<i32>} : memref<8x128xf32, #tpu.memory_space<vmem>>, vector<8x128xf32>,
    } else {
    }
    %gt3A = arith.constant 0 : i32
    %gt3A_29 = arith.cmpi sgt, %arg0, %gt3A : i32
    %convert_element_type3A_30 = arith.extui %gt3A_29 : i1 to i32
    %cond3A_31 = arith.constant 0 : i32
    %cond3A_32 = arith.cmpi ne, %convert_element_type3A_30, %cond3A_31 : i32
    scf.if %cond3A_32 {
      %get3A_44 = arith.constant 0 : index
      %get3A_45 = arith.constant 0 : index
      %get3A_46 = vector.load %arg7[%get3A_44, %get3A_45] : memref<8x128xf32, #tpu.memory_space<vmem>>, vector<8x128xf32>
      %add3A_47 = arith.addf %get3A_46, %broadcast_in_dim3A_26 : vector<8x128xf32>
      %swap3A_48 = arith.constant 0 : index
      %swap3A_49 = arith.constant 0 : index
      %swap3A_50 = vector.load %arg7[%swap3A_48, %swap3A_49] : memref<8x128xf32, #tpu.memory_space<vmem>>, vector<8x128xf32>
      tpu.vector_store %arg7[%swap3A_48, %swap3A_49], %add3A_47 {strides = array<i32>} : memref<8x128xf32, #tpu.memory_space<vmem>>, vector<8x128xf32>,
    } else {
    }
    %get3A_33 = arith.constant 0 : index
    %get3A_34 = arith.constant 0 : index
    %get3A_35 = vector.load %arg3[%get3A_33, %get3A_34] : memref<2000x1xf32, #tpu.memory_space<vmem>>, vector<2000x1xf32>
    %get3A_36 = arith.constant 0 : index
    %get3A_37 = arith.constant 0 : index
    %get3A_38 = vector.load %arg5[%get3A_36, %get3A_37] : memref<128x128xf32, #tpu.memory_space<vmem>>, vector<128x128xf32>
    %dot_general3A = arith.constant dense<0.000000e+00> : vector<2000x128xf32>
    %dot_general3A_39 = tpu.matmul %max3A_23, %get3A_38, %dot_general3A {dimension_numbers = #tpu.dot_dimension_numbers<[1], [0], [0], [1], [0, 0, 1, 1], [], []>, transpose_lhs_hint = false} : vector<2000x128xf32>, vector<128x128xf32>, vector<2000x128xf32> -> vector<2000x128xf32>
    %mul3A_40 = vector.broadcast %get3A_35 : vector<2000x1xf32> to vector<2000x128xf32>
    %mul3A_41 = arith.mulf %mul3A_40, %dot_general3A_39 : vector<2000x128xf32>
    %swap3A = arith.constant 0 : index
    %swap3A_42 = arith.constant 0 : index
    %swap3A_43 = vector.load %arg6[%swap3A, %swap3A_42] : memref<2000x128xf32, #tpu.memory_space<vmem>>, vector<2000x128xf32>
    tpu.vector_store %arg6[%swap3A, %swap3A_42], %mul3A_41 {strides = array<i32>} : memref<2000x128xf32, #tpu.memory_space<vmem>>, vector<2000x128xf32>,
    return
  }
  func.func @transform_0(%arg0: i32) -> (i32, i32, i32) {
    %c0_i32 = arith.constant 0 : i32
    %c0_i32_0 = arith.constant 0 : i32
    %c0_i32_1 = arith.constant 0 : i32
    return %c0_i32, %arg0, %c0_i32_0 : i32, i32, i32
  }
  func.func @transform_1(%arg0: i32) -> (i32, i32) {
    %c0_i32 = arith.constant 0 : i32
    %c0_i32_0 = arith.constant 0 : i32
    return %arg0, %c0_i32 : i32, i32
  }
  func.func @transform_2(%arg0: i32) -> (i32, i32) {
    %c0_i32 = arith.constant 0 : i32
    %c0_i32_0 = arith.constant 0 : i32
    return %arg0, %c0_i32 : i32, i32
  }
  func.func @transform_3(%arg0: i32) -> (i32, i32) {
    %c0_i32 = arith.constant 0 : i32
    %c0_i32_0 = arith.constant 0 : i32
    %c0_i32_1 = arith.constant 0 : i32
    return %c0_i32, %c0_i32_0 : i32, i32
  }
  func.func @transform_4(%arg0: i32) -> (i32, i32) {
    %c0_i32 = arith.constant 0 : i32
    %c0_i32_0 = arith.constant 0 : i32
    %c0_i32_1 = arith.constant 0 : i32
    return %c0_i32, %c0_i32_0 : i32, i32
  }
  func.func @transform_5(%arg0: i32) -> (i32, i32) {
    %c0_i32 = arith.constant 0 : i32
    %c0_i32_0 = arith.constant 0 : i32
    return %arg0, %c0_i32 : i32, i32
  }
  func.func @transform_6(%arg0: i32) -> (i32, i32) {
    %c0_i32 = arith.constant 0 : i32
    %c0_i32_0 = arith.constant 0 : i32
    %c0_i32_1 = arith.constant 0 : i32
    return %c0_i32, %c0_i32_0 : i32, i32
  }
}

module attributes {stable_mosaic.version = 14 : i64} {
  func.func @_tc_first_body(%arg0: i32, %arg1: memref<2x2000x1xf32, #tpu.memory_space<vmem>>, %arg2: memref<2000x128xf32, #tpu.memory_space<vmem>>, %arg3: memref<128x128xf32, #tpu.memory_space<vmem>>, %arg4: memref<2000x1xf32, #tpu.memory_space<vmem>>, %arg5: memref<2000x128xf32, #tpu.memory_space<vmem>>) attributes {dimension_semantics = [#tpu.dimension_semantics<arbitrary>], iteration_bounds = array<i64: 5>, scalar_prefetch = 0 : i64, scratch_operands = 0 : i64, tpu.core_type = #tpu.core_type<tc>, window_params = [{transform_indices = @transform_0, window_bounds = array<i64: 2, 2000, 1>}, {transform_indices = @transform_1, window_bounds = array<i64: 2000, 128>}, {pipeline_mode = #tpu.pipeline_mode<synchronous>, transform_indices = @transform_2, window_bounds = array<i64: 128, 128>}, {transform_indices = @transform_3, window_bounds = array<i64: 2000, 1>}, {transform_indices = @transform_4, window_bounds = array<i64: 2000, 128>}]} {
    %get3A = arith.constant 0 : index
    %get3A_0 = arith.constant 0 : index
    %get3A_1 = arith.constant 0 : index
    %get3A_2 = vector.load %arg1[%get3A, %get3A_0, %get3A_1] : memref<2x2000x1xf32, #tpu.memory_space<vmem>>, vector<1x2000x1xf32>
    %get3A_3 = vector.shape_cast %get3A_2 : vector<1x2000x1xf32> to vector<2000x1xf32>
    %get3A_4 = arith.constant 1 : index
    %get3A_5 = arith.constant 0 : index
    %get3A_6 = arith.constant 0 : index
    %get3A_7 = vector.load %arg1[%get3A_4, %get3A_5, %get3A_6] : memref<2x2000x1xf32, #tpu.memory_space<vmem>>, vector<1x2000x1xf32>
    %get3A_8 = vector.shape_cast %get3A_7 : vector<1x2000x1xf32> to vector<2000x1xf32>
    %add3A = arith.addf %get3A_3, %get3A_8 : vector<2000x1xf32>
    %add3A_9 = arith.constant 1.000000e+00 : f32
    %add3A_10 = vector.broadcast %add3A_9 : f32 to vector<2000x1xf32>
    %add3A_11 = arith.addf %add3A, %add3A_10 : vector<2000x1xf32>
    %rsqrt3A = math.rsqrt %add3A_11 : vector<2000x1xf32>
    %swap3A = arith.constant 0 : index
    %swap3A_12 = arith.constant 0 : index
    %swap3A_13 = vector.load %arg4[%swap3A, %swap3A_12] : memref<2000x1xf32, #tpu.memory_space<vmem>>, vector<2000x1xf32>
    tpu.vector_store %arg4[%swap3A, %swap3A_12], %rsqrt3A {strides = array<i32>} : memref<2000x1xf32, #tpu.memory_space<vmem>>, vector<2000x1xf32>,
    %get3A_14 = arith.constant 0 : index
    %get3A_15 = arith.constant 0 : index
    %get3A_16 = vector.load %arg2[%get3A_14, %get3A_15] : memref<2000x128xf32, #tpu.memory_space<vmem>>, vector<2000x128xf32>
    %get3A_17 = arith.constant 0 : index
    %get3A_18 = arith.constant 0 : index
    %get3A_19 = vector.load %arg3[%get3A_17, %get3A_18] : memref<128x128xf32, #tpu.memory_space<vmem>>, vector<128x128xf32>
    %dot_general3A = arith.constant dense<0.000000e+00> : vector<2000x128xf32>
    %dot_general3A_20 = tpu.matmul %get3A_16, %get3A_19, %dot_general3A {dimension_numbers = #tpu.dot_dimension_numbers<[1], [0], [0], [1], [0, 0, 1, 1], [], []>, transpose_lhs_hint = false} : vector<2000x128xf32>, vector<128x128xf32>, vector<2000x128xf32> -> vector<2000x128xf32>
    %mul3A = vector.broadcast %rsqrt3A : vector<2000x1xf32> to vector<2000x128xf32>
    %mul3A_21 = arith.mulf %mul3A, %dot_general3A_20 : vector<2000x128xf32>
    %swap3A_22 = arith.constant 0 : index
    %swap3A_23 = arith.constant 0 : index
    %swap3A_24 = vector.load %arg5[%swap3A_22, %swap3A_23] : memref<2000x128xf32, #tpu.memory_space<vmem>>, vector<2000x128xf32>
    tpu.vector_store %arg5[%swap3A_22, %swap3A_23], %mul3A_21 {strides = array<i32>} : memref<2000x128xf32, #tpu.memory_space<vmem>>, vector<2000x128xf32>,
    return
  }
  func.func @transform_0(%arg0: i32) -> (i32, i32, i32) {
    %c0_i32 = arith.constant 0 : i32
    %c0_i32_0 = arith.constant 0 : i32
    %c0_i32_1 = arith.constant 0 : i32
    return %c0_i32, %arg0, %c0_i32_0 : i32, i32, i32
  }
  func.func @transform_1(%arg0: i32) -> (i32, i32) {
    %c0_i32 = arith.constant 0 : i32
    %c0_i32_0 = arith.constant 0 : i32
    return %arg0, %c0_i32 : i32, i32
  }
  func.func @transform_2(%arg0: i32) -> (i32, i32) {
    %c0_i32 = arith.constant 0 : i32
    %c0_i32_0 = arith.constant 0 : i32
    %c0_i32_1 = arith.constant 0 : i32
    return %c0_i32, %c0_i32_0 : i32, i32
  }
  func.func @transform_3(%arg0: i32) -> (i32, i32) {
    %c0_i32 = arith.constant 0 : i32
    %c0_i32_0 = arith.constant 0 : i32
    return %arg0, %c0_i32 : i32, i32
  }
  func.func @transform_4(%arg0: i32) -> (i32, i32) {
    %c0_i32 = arith.constant 0 : i32
    %c0_i32_0 = arith.constant 0 : i32
    return %arg0, %c0_i32 : i32, i32
  }
}

module attributes {stable_mosaic.version = 14 : i64} {
  func.func @_tc_last_body(%arg0: i32, %arg1: memref<2x2000x128xf32, #tpu.memory_space<vmem>>, %arg2: memref<2000x128xf32, #tpu.memory_space<vmem>>, %arg3: memref<2000x1xf32, #tpu.memory_space<vmem>>, %arg4: memref<1x128xf32, #tpu.memory_space<vmem>>, %arg5: memref<8x128xf32, #tpu.memory_space<vmem>>, %arg6: memref<8x128xf32, #tpu.memory_space<vmem>>, %arg7: memref<128x128xf32, #tpu.memory_space<vmem>>, %arg8: memref<128x128xf32, #tpu.memory_space<vmem>>, %arg9: memref<128x128xf32, #tpu.memory_space<vmem>>, %arg10: memref<1x128xf32, #tpu.memory_space<vmem>>, %arg11: memref<128x128xf32, #tpu.memory_space<vmem>>, %arg12: memref<1x128xf32, #tpu.memory_space<vmem>>, %arg13: memref<1x16xf32, #tpu.memory_space<vmem>>, %arg14: memref<8x128xf32, #tpu.memory_space<vmem>>) attributes {dimension_semantics = [#tpu.dimension_semantics<arbitrary>], iteration_bounds = array<i64: 5>, scalar_prefetch = 0 : i64, scratch_operands = 1 : i64, tpu.core_type = #tpu.core_type<tc>, window_params = [{transform_indices = @transform_0, window_bounds = array<i64: 2, 2000, 128>}, {transform_indices = @transform_1, window_bounds = array<i64: 2000, 128>}, {transform_indices = @transform_2, window_bounds = array<i64: 2000, 1>}, {pipeline_mode = #tpu.pipeline_mode<synchronous>, transform_indices = @transform_3, window_bounds = array<i64: 1, 128>}, {pipeline_mode = #tpu.pipeline_mode<synchronous>, transform_indices = @transform_4, window_bounds = array<i64: 8, 128>}, {pipeline_mode = #tpu.pipeline_mode<synchronous>, transform_indices = @transform_5, window_bounds = array<i64: 8, 128>}, {pipeline_mode = #tpu.pipeline_mode<synchronous>, transform_indices = @transform_6, window_bounds = array<i64: 128, 128>}, {pipeline_mode = #tpu.pipeline_mode<synchronous>, transform_indices = @transform_7, window_bounds = array<i64: 128, 128>}, {pipeline_mode = #tpu.pipeline_mode<synchronous>, transform_indices = @transform_8, window_bounds = array<i64: 128, 128>}, {pipeline_mode = #tpu.pipeline_mode<synchronous>, transform_indices = @transform_9, window_bounds = array<i64: 1, 128>}, {pipeline_mode = #tpu.pipeline_mode<synchronous>, transform_indices = @transform_10, window_bounds = array<i64: 128, 128>}, {pipeline_mode = #tpu.pipeline_mode<synchronous>, transform_indices = @transform_11, window_bounds = array<i64: 1, 128>}, {pipeline_mode = #tpu.pipeline_mode<synchronous>, transform_indices = @transform_12, window_bounds = array<i64: 1, 16>}]} {
    %get3A = arith.constant 0 : index
    %get3A_0 = arith.constant 0 : index
    %get3A_1 = arith.constant 0 : index
    %get3A_2 = vector.load %arg1[%get3A, %get3A_0, %get3A_1] : memref<2x2000x128xf32, #tpu.memory_space<vmem>>, vector<1x2000x128xf32>
    %get3A_3 = vector.shape_cast %get3A_2 : vector<1x2000x128xf32> to vector<2000x128xf32>
    %get3A_4 = arith.constant 1 : index
    %get3A_5 = arith.constant 0 : index
    %get3A_6 = arith.constant 0 : index
    %get3A_7 = vector.load %arg1[%get3A_4, %get3A_5, %get3A_6] : memref<2x2000x128xf32, #tpu.memory_space<vmem>>, vector<1x2000x128xf32>
    %get3A_8 = vector.shape_cast %get3A_7 : vector<1x2000x128xf32> to vector<2000x128xf32>
    %add3A = arith.addf %get3A_3, %get3A_8 : vector<2000x128xf32>
    %get3A_9 = arith.constant 0 : index
    %get3A_10 = arith.constant 0 : index
    %get3A_11 = vector.load %arg2[%get3A_9, %get3A_10] : memref<2000x128xf32, #tpu.memory_space<vmem>>, vector<2000x128xf32>
    %add3A_12 = arith.addf %add3A, %get3A_11 : vector<2000x128xf32>
    %get3A_13 = arith.constant 0 : index
    %get3A_14 = arith.constant 0 : index
    %get3A_15 = vector.load %arg3[%get3A_13, %get3A_14] : memref<2000x1xf32, #tpu.memory_space<vmem>>, vector<2000x1xf32>
    %mul3A = vector.broadcast %get3A_15 : vector<2000x1xf32> to vector<2000x128xf32>
    %mul3A_16 = arith.mulf %add3A_12, %mul3A : vector<2000x128xf32>
    %get3A_17 = arith.constant 0 : index
    %get3A_18 = arith.constant 0 : index
    %get3A_19 = vector.load %arg4[%get3A_17, %get3A_18] : memref<1x128xf32, #tpu.memory_space<vmem>>, vector<1x128xf32>
    %add3A_20 = vector.broadcast %get3A_19 : vector<1x128xf32> to vector<2000x128xf32>
    %add3A_21 = arith.addf %mul3A_16, %add3A_20 : vector<2000x128xf32>
    %max3A = arith.constant 0.000000e+00 : f32
    %max3A_22 = vector.broadcast %max3A : f32 to vector<2000x128xf32>
    %max3A_23 = arith.maximumf %add3A_21, %max3A_22 : vector<2000x128xf32>
    %reduce_sum3A = arith.constant dense<0.000000e+00> : vector<128xf32>
    %reduce_sum3A_24 = vector.multi_reduction <add>, %max3A_23, %reduce_sum3A [0] : vector<2000x128xf32> to vector<128xf32>
    %broadcast_in_dim3A = vector.shape_cast %reduce_sum3A_24 : vector<128xf32> to vector<1x128xf32>
    %broadcast_in_dim3A_25 = vector.shape_cast %broadcast_in_dim3A : vector<1x128xf32> to vector<1x128xf32>
    %broadcast_in_dim3A_26 = vector.broadcast %broadcast_in_dim3A_25 : vector<1x128xf32> to vector<8x128xf32>
    %eq3A = arith.constant 0 : i32
    %eq3A_27 = arith.cmpi eq, %arg0, %eq3A : i32
    %convert_element_type3A = arith.extui %eq3A_27 : i1 to i32
    %cond3A = arith.constant 0 : i32
    %cond3A_28 = arith.cmpi ne, %convert_element_type3A, %cond3A : i32
    scf.if %cond3A_28 {
      %swap3A = arith.constant 0 : index
      %swap3A_38 = arith.constant 0 : index
      %swap3A_39 = vector.load %arg14[%swap3A, %swap3A_38] : memref<8x128xf32, #tpu.memory_space<vmem>>, vector<8x128xf32>
      tpu.vector_store %arg14[%swap3A, %swap3A_38], %broadcast_in_dim3A_26 {strides = array<i32>} : memref<8x128xf32, #tpu.memory_space<vmem>>, vector<8x128xf32>,
    } else {
    }
    %gt3A = arith.constant 0 : i32
    %gt3A_29 = arith.cmpi sgt, %arg0, %gt3A : i32
    %convert_element_type3A_30 = arith.extui %gt3A_29 : i1 to i32
    %cond3A_31 = arith.constant 0 : i32
    %cond3A_32 = arith.cmpi ne, %convert_element_type3A_30, %cond3A_31 : i32
    scf.if %cond3A_32 {
      %get3A_38 = arith.constant 0 : index
      %get3A_39 = arith.constant 0 : index
      %get3A_40 = vector.load %arg14[%get3A_38, %get3A_39] : memref<8x128xf32, #tpu.memory_space<vmem>>, vector<8x128xf32>
      %add3A_41 = arith.addf %get3A_40, %broadcast_in_dim3A_26 : vector<8x128xf32>
      %swap3A = arith.constant 0 : index
      %swap3A_42 = arith.constant 0 : index
      %swap3A_43 = vector.load %arg14[%swap3A, %swap3A_42] : memref<8x128xf32, #tpu.memory_space<vmem>>, vector<8x128xf32>
      tpu.vector_store %arg14[%swap3A, %swap3A_42], %add3A_41 {strides = array<i32>} : memref<8x128xf32, #tpu.memory_space<vmem>>, vector<8x128xf32>,
    } else {
    }
    %eq3A_33 = arith.constant 4 : i32
    %eq3A_34 = arith.cmpi eq, %arg0, %eq3A_33 : i32
    %convert_element_type3A_35 = arith.extui %eq3A_34 : i1 to i32
    %cond3A_36 = arith.constant 0 : i32
    %cond3A_37 = arith.cmpi ne, %convert_element_type3A_35, %cond3A_36 : i32
    scf.if %cond3A_37 {
      %get3A_38 = arith.constant 0 : index
      %get3A_39 = arith.constant 0 : index
      %get3A_40 = vector.load %arg5[%get3A_38, %get3A_39] : memref<8x128xf32, #tpu.memory_space<vmem>>, vector<8x128xf32>
      %mul3A_41 = arith.constant 9.99999974E-5 : f32
      %mul3A_42 = vector.broadcast %mul3A_41 : f32 to vector<8x128xf32>
      %mul3A_43 = arith.mulf %get3A_40, %mul3A_42 : vector<8x128xf32>
      %get3A_44 = arith.constant 0 : index
      %get3A_45 = arith.constant 0 : index
      %get3A_46 = vector.load %arg6[%get3A_44, %get3A_45] : memref<8x128xf32, #tpu.memory_space<vmem>>, vector<8x128xf32>
      %mul3A_47 = arith.constant 9.99999974E-5 : f32
      %mul3A_48 = vector.broadcast %mul3A_47 : f32 to vector<8x128xf32>
      %mul3A_49 = arith.mulf %get3A_46, %mul3A_48 : vector<8x128xf32>
      %get3A_50 = arith.constant 0 : index
      %get3A_51 = arith.constant 0 : index
      %get3A_52 = vector.load %arg14[%get3A_50, %get3A_51] : memref<8x128xf32, #tpu.memory_space<vmem>>, vector<8x128xf32>
      %mul3A_53 = arith.constant 9.99999974E-5 : f32
      %mul3A_54 = vector.broadcast %mul3A_53 : f32 to vector<8x128xf32>
      %mul3A_55 = arith.mulf %get3A_52, %mul3A_54 : vector<8x128xf32>
      %get3A_56 = arith.constant 0 : index
      %get3A_57 = arith.constant 0 : index
      %get3A_58 = vector.load %arg7[%get3A_56, %get3A_57] : memref<128x128xf32, #tpu.memory_space<vmem>>, vector<128x128xf32>
      %dot_general3A = arith.constant dense<0.000000e+00> : vector<8x128xf32>
      %dot_general3A_59 = tpu.matmul %mul3A_43, %get3A_58, %dot_general3A {dimension_numbers = #tpu.dot_dimension_numbers<[1], [0], [0], [1], [0, 0, 1, 1], [], []>, transpose_lhs_hint = false} : vector<8x128xf32>, vector<128x128xf32>, vector<8x128xf32> -> vector<8x128xf32>
      %get3A_60 = arith.constant 0 : index
      %get3A_61 = arith.constant 0 : index
      %get3A_62 = vector.load %arg8[%get3A_60, %get3A_61] : memref<128x128xf32, #tpu.memory_space<vmem>>, vector<128x128xf32>
      %dot_general3A_63 = arith.constant dense<0.000000e+00> : vector<8x128xf32>
      %dot_general3A_64 = tpu.matmul %mul3A_49, %get3A_62, %dot_general3A_63 {dimension_numbers = #tpu.dot_dimension_numbers<[1], [0], [0], [1], [0, 0, 1, 1], [], []>, transpose_lhs_hint = false} : vector<8x128xf32>, vector<128x128xf32>, vector<8x128xf32> -> vector<8x128xf32>
      %add3A_65 = arith.addf %dot_general3A_59, %dot_general3A_64 : vector<8x128xf32>
      %get3A_66 = arith.constant 0 : index
      %get3A_67 = arith.constant 0 : index
      %get3A_68 = vector.load %arg9[%get3A_66, %get3A_67] : memref<128x128xf32, #tpu.memory_space<vmem>>, vector<128x128xf32>
      %dot_general3A_69 = arith.constant dense<0.000000e+00> : vector<8x128xf32>
      %dot_general3A_70 = tpu.matmul %mul3A_55, %get3A_68, %dot_general3A_69 {dimension_numbers = #tpu.dot_dimension_numbers<[1], [0], [0], [1], [0, 0, 1, 1], [], []>, transpose_lhs_hint = false} : vector<8x128xf32>, vector<128x128xf32>, vector<8x128xf32> -> vector<8x128xf32>
      %add3A_71 = arith.addf %add3A_65, %dot_general3A_70 : vector<8x128xf32>
      %get3A_72 = arith.constant 0 : index
      %get3A_73 = arith.constant 0 : index
      %get3A_74 = vector.load %arg10[%get3A_72, %get3A_73] : memref<1x128xf32, #tpu.memory_space<vmem>>, vector<1x128xf32>
      %add3A_75 = vector.broadcast %get3A_74 : vector<1x128xf32> to vector<8x128xf32>
      %add3A_76 = arith.addf %add3A_71, %add3A_75 : vector<8x128xf32>
      %max3A_77 = arith.constant 0.000000e+00 : f32
      %max3A_78 = vector.broadcast %max3A_77 : f32 to vector<8x128xf32>
      %max3A_79 = arith.maximumf %add3A_76, %max3A_78 : vector<8x128xf32>
      %get3A_80 = arith.constant 0 : index
      %get3A_81 = arith.constant 0 : index
      %get3A_82 = vector.load %arg11[%get3A_80, %get3A_81] : memref<128x128xf32, #tpu.memory_space<vmem>>, vector<128x128xf32>
      %dot_general3A_83 = arith.constant dense<0.000000e+00> : vector<8x128xf32>
      %dot_general3A_84 = tpu.matmul %max3A_79, %get3A_82, %dot_general3A_83 {dimension_numbers = #tpu.dot_dimension_numbers<[1], [0], [0], [1], [0, 0, 1, 1], [], []>, transpose_lhs_hint = false} : vector<8x128xf32>, vector<128x128xf32>, vector<8x128xf32> -> vector<8x128xf32>
      %get3A_85 = arith.constant 0 : index
      %get3A_86 = arith.constant 0 : index
      %get3A_87 = vector.load %arg12[%get3A_85, %get3A_86] : memref<1x128xf32, #tpu.memory_space<vmem>>, vector<1x128xf32>
      %add3A_88 = vector.broadcast %get3A_87 : vector<1x128xf32> to vector<8x128xf32>
      %add3A_89 = arith.addf %dot_general3A_84, %add3A_88 : vector<8x128xf32>
      %slice3A = vector.extract_strided_slice %add3A_89 {offsets = [0, 0], sizes = [1, 16], strides = [1, 1]} : vector<8x128xf32> to vector<1x16xf32>
      %swap3A = arith.constant 0 : index
      %swap3A_90 = arith.constant 0 : index
      %swap3A_91 = vector.load %arg13[%swap3A, %swap3A_90] : memref<1x16xf32, #tpu.memory_space<vmem>>, vector<1x16xf32>
      tpu.vector_store %arg13[%swap3A, %swap3A_90], %slice3A {strides = array<i32>} : memref<1x16xf32, #tpu.memory_space<vmem>>, vector<1x16xf32>,
    } else {
    }
    return
  }
  func.func @transform_0(%arg0: i32) -> (i32, i32, i32) {
    %c0_i32 = arith.constant 0 : i32
    %c0_i32_0 = arith.constant 0 : i32
    %c0_i32_1 = arith.constant 0 : i32
    return %c0_i32, %arg0, %c0_i32_0 : i32, i32, i32
  }
  func.func @transform_1(%arg0: i32) -> (i32, i32) {
    %c0_i32 = arith.constant 0 : i32
    %c0_i32_0 = arith.constant 0 : i32
    return %arg0, %c0_i32 : i32, i32
  }
  func.func @transform_2(%arg0: i32) -> (i32, i32) {
    %c0_i32 = arith.constant 0 : i32
    %c0_i32_0 = arith.constant 0 : i32
    return %arg0, %c0_i32 : i32, i32
  }
  func.func @transform_3(%arg0: i32) -> (i32, i32) {
    %c0_i32 = arith.constant 0 : i32
    %c0_i32_0 = arith.constant 0 : i32
    %c0_i32_1 = arith.constant 0 : i32
    return %c0_i32, %c0_i32_0 : i32, i32
  }
  func.func @transform_4(%arg0: i32) -> (i32, i32) {
    %c0_i32 = arith.constant 0 : i32
    %c0_i32_0 = arith.constant 0 : i32
    %c0_i32_1 = arith.constant 0 : i32
    return %c0_i32, %c0_i32_0 : i32, i32
  }
  func.func @transform_5(%arg0: i32) -> (i32, i32) {
    %c0_i32 = arith.constant 0 : i32
    %c0_i32_0 = arith.constant 0 : i32
    %c0_i32_1 = arith.constant 0 : i32
    return %c0_i32, %c0_i32_0 : i32, i32
  }
  func.func @transform_6(%arg0: i32) -> (i32, i32) {
    %c0_i32 = arith.constant 0 : i32
    %c0_i32_0 = arith.constant 0 : i32
    %c0_i32_1 = arith.constant 0 : i32
    return %c0_i32, %c0_i32_0 : i32, i32
  }
  func.func @transform_7(%arg0: i32) -> (i32, i32) {
    %c0_i32 = arith.constant 0 : i32
    %c0_i32_0 = arith.constant 0 : i32
    %c0_i32_1 = arith.constant 0 : i32
    return %c0_i32, %c0_i32_0 : i32, i32
  }
  func.func @transform_8(%arg0: i32) -> (i32, i32) {
    %c0_i32 = arith.constant 0 : i32
    %c0_i32_0 = arith.constant 0 : i32
    %c0_i32_1 = arith.constant 0 : i32
    return %c0_i32, %c0_i32_0 : i32, i32
  }
  func.func @transform_9(%arg0: i32) -> (i32, i32) {
    %c0_i32 = arith.constant 0 : i32
    %c0_i32_0 = arith.constant 0 : i32
    %c0_i32_1 = arith.constant 0 : i32
    return %c0_i32, %c0_i32_0 : i32, i32
  }
  func.func @transform_10(%arg0: i32) -> (i32, i32) {
    %c0_i32 = arith.constant 0 : i32
    %c0_i32_0 = arith.constant 0 : i32
    %c0_i32_1 = arith.constant 0 : i32
    return %c0_i32, %c0_i32_0 : i32, i32
  }
  func.func @transform_11(%arg0: i32) -> (i32, i32) {
    %c0_i32 = arith.constant 0 : i32
    %c0_i32_0 = arith.constant 0 : i32
    %c0_i32_1 = arith.constant 0 : i32
    return %c0_i32, %c0_i32_0 : i32, i32
  }
  func.func @transform_12(%arg0: i32) -> (i32, i32) {
    %c0_i32 = arith.constant 0 : i32
    %c0_i32_0 = arith.constant 0 : i32
    %c0_i32_1 = arith.constant 0 : i32
    return %c0_i32, %c0_i32_0 : i32, i32
  }
}

</mosaic_0001>

<sc_bundles>
// kernel: kernel.10.cloned.1.call-start
scs
__scs_entry_jumppad:
0x0: {  	(pc) =	sbr.rel $0x88, $3  }
0x1: {  	(tag) =	ssettag $0x0;
	lr =	simm.s32 $0x1  }
0x2: {  	[smem:$0x3F95] =	sst lr;
	_ =	strace $0xD0000000  }
0x3: {  	_ = 	snop  }
0x4: {  	_ = 	snop  }
0x5: {  	_ = 	snop  }
0x6: {  	_ = 	snop  }
0x7: {  	_ = 	snop  }
__scs_overlays_trampoline_lowered:
0x8: {  	[smem:$0x3FA4] =	sst s0  }
0x9: {  	[smem:$0x3FA5] =	sst s1  }
0xa: {  	[smem:$0x3FA6] =	sst s2  }
0xb: {  	[smem:$0x3FA7] =	sst s3  }
0xc: {  	[smem:$0x3FA8] =	sst s4  }
0xd: {  	[smem:$0x3FA9] =	sst s5  }
0xe: {  	[smem:$0x3FAA] =	sst s6  }
0xf: {  	[smem:$0x3FAB] =	sst s7  }
0x10: {  	[smem:$0x3FAC] =	sst s8  }
0x11: {  	[smem:$0x3FAD] =	sst s9;
	s0 =	simm.s32 @!p0 $0x0  }
0x12: {  	s1 =	sld [smem:$0x3F93];
	s0 =	simm.s32 @p0 $0x1  }
0x13: {  	[smem:$0x3FAE] =	sst s0;
	s0 =	simm.s32 @!p1 $0x0  }
0x14: {  	s2 =	sld [smem:$0x3F92];
	s0 =	simm.s32 @p1 $0x1  }
0x15: {  	[smem:$0x3FAF] =	sst s0;
	s0 =	simm.s32 @!p2 $0x0  }
0x16: {  	s3 =	sld [smem:$0x3FDB];
	s0 =	simm.s32 @p2 $0x1  }
0x17: {  	s4 =	simm.s32 $0x1BF5;
	[smem:$0x3FB1] =	sst s0  }
0x18: {  	s0 =	sld [smem:$0x3F94];
	_ =	swait.ge [sflag:s4], $0x0  }
0x19: {  	s7 =	sld [smem:$0x3F95]  }
0x1a: {  	s8 =	sadd.s32 $0xFFFFE003, lr  }
0x1b: {  	s9 =	sadd.s32 $0xFFFFFEF7, lr;
	s5 =	simm.s32 $0xFFFFFFFF;
	p2 =	slt.u32 s8, $0xFFFFF086  }
0x1c: {  	p1 =	slt.u32 s9, $0xF7A;
	s5 =	simm.s32 @!p2 $0x0  }
0x1d: {  	s5 =	simm.s32 @p1 $0x1;
	p0 =	seq.s32 s7, s2  }
0x1e: {  	s7 =	smul.u32 @!p0 $0xF7A, s2;
	p2 =	seq.s32 @!p0 s5, $0x0  }
0x1f: {  	s9 =	smul.u32 $0xF7A, s1;
	s8 =	simm.s32 @!p0 $0x1BF5;
	p2 =	por !p2, p0  }
0x20: {  	[sflag:s8] =	ssyncset.s32 @!p0 $0xFFFFF086;
	s6 =	sadd.s32 @!p0 s3, s7;
	s7 =	simm.s32 @!p0 $0x108  }
0x21: {  	s3 =	sadd.s32 s3, s9;
	s6 =	sadd.s32 @!p0 $0x88, s6;
	s7 =	simm.s32 @p2 $0x1082  }
0x22: {  	[simem:s7], [sflag:s8] =	dma.local @!p0 [hbm:s6], $0xF7A  }
0x23: {  	s9 =	sor.u32 $0xD0000000, s2;
	s6 =	simm.s32 $0x108;
	_ =	swait.ge @!p0 [sflag:s8], $0x0  }
0x24: {  	s3 =	sadd.s32 $0x88, s3;
	s6 =	simm.s32 @!p1 $0x1082;
	[sflag:s4] =	ssyncset.s32 $0xFFFFF086  }
0x25: {  	[simem:s6], [sflag:s4] =	dma.local [hbm:s3], $0xF7A  }
0x26: {  	[smem:$0x3F95] =	sst s1;
	(tag) =	ssettag s2;
	_ =	strace s9  }
0x27: {  	s1 =	sld [smem:$0x3FA5]  }
0x28: {  	s2 =	sld [smem:$0x3FA6]  }
0x29: {  	s4 =	sld [smem:$0x3FA8]  }
0x2a: {  	p0 =	seq.s32 s5, $0x0;
	s5 =	sld [smem:$0x3FA9]  }
0x2b: {  	s6 =	sld [smem:$0x3FAA]  }
0x2c: {  	s7 =	sld [smem:$0x3FAB]  }
0x2d: {  	s3 =	simm.s32 $0x108;
	s8 =	sld [smem:$0x3FAC]  }
0x2e: {  	s3 =	simm.s32 @!p0 $0x1082;
	s9 =	sld [smem:$0x3FAD]  }
0x2f: {  	lr =	sadd.s32 s0, s3;
	s0 =	sld [smem:$0x3FA4]  }
0x30: {  	s3 =	sld [smem:$0x3FA7]  }
0x31: {  	[smem:$0x3FB0] =	sst s10  }
0x32: {  	s10 =	sld [smem:$0x3FAE];
	_ =	sdelay $0x3  }
0x33: {  	p0 =	seq.s32 s10, $0x1;
	s10 =	sld [smem:$0x3FB0];
	_ =	sdelay $0x3  }
0x34: {  	[smem:$0x3FB0] =	sst s10  }
0x35: {  	s10 =	sld [smem:$0x3FAF];
	_ =	sdelay $0x3  }
0x36: {  	p1 =	seq.s32 s10, $0x1;
	s10 =	sld [smem:$0x3FB0];
	_ =	sdelay $0x3  }
0x37: {  	[smem:$0x3FB0] =	sst s10  }
0x38: {  	s10 =	sld [smem:$0x3FB1]  }
0x39: {  	_ = 	snop;
	(pc) =	sbr.ind lr, $3  }
0x3a: {  	_ = 	snop  }
0x3b: {  	_ = 	snop  }
0x3c: {  	p2 =	seq.s32 s10, $0x1;
	s10 =	sld [smem:$0x3FB0]  }
0x3d: {  	_ =	shalt  }
0x3e: {  	_ =	shalt  }
0x3f: {  	_ =	shalt  }
0x40: {  	_ =	shalt  }
0x41: {  	_ =	shalt  }
0x42: {  	_ =	shalt  }
0x43: {  	_ =	shalt  }
0x44: {  	_ =	shalt  }
0x45: {  	_ =	shalt  }
0x46: {  	_ =	shalt  }
0x47: {  	_ =	shalt  }
0x48: {  	_ =	shalt  }
0x49: {  	_ =	shalt  }
0x4a: {  	_ =	shalt  }
0x4b: {  	_ =	shalt  }
0x4c: {  	_ =	shalt  }
0x4d: {  	_ =	shalt  }
0x4e: {  	_ =	shalt  }
0x4f: {  	_ =	shalt  }
0x50: {  	_ =	shalt  }
0x51: {  	_ =	shalt  }
0x52: {  	_ =	shalt  }
0x53: {  	_ =	shalt  }
0x54: {  	_ =	shalt  }
0x55: {  	_ =	shalt  }
0x56: {  	_ =	shalt  }
0x57: {  	_ =	shalt  }
0x58: {  	_ =	shalt  }
0x59: {  	_ =	shalt  }
0x5a: {  	_ =	shalt  }
0x5b: {  	_ =	shalt  }
0x5c: {  	_ =	shalt  }
0x5d: {  	_ =	shalt  }
0x5e: {  	_ =	shalt  }
0x5f: {  	_ =	shalt  }
0x60: {  	_ =	shalt  }
0x61: {  	_ =	shalt  }
0x62: {  	_ =	shalt  }
0x63: {  	_ =	shalt  }
0x64: {  	_ =	shalt  }
0x65: {  	_ =	shalt  }
0x66: {  	_ =	shalt  }
0x67: {  	_ =	shalt  }
0x68: {  	_ =	shalt  }
0x69: {  	_ =	shalt  }
0x6a: {  	_ =	shalt  }
0x6b: {  	_ =	shalt  }
0x6c: {  	_ =	shalt  }
0x6d: {  	_ =	shalt  }
0x6e: {  	_ =	shalt  }
0x6f: {  	_ =	shalt  }
0x70: {  	_ =	shalt  }
0x71: {  	_ =	shalt  }
0x72: {  	_ =	shalt  }
0x73: {  	_ =	shalt  }
0x74: {  	_ =	shalt  }
0x75: {  	_ =	shalt  }
0x76: {  	_ =	shalt  }
0x77: {  	_ =	shalt  }
0x78: {  	_ =	shalt  }
0x79: {  	_ =	shalt  }
0x7a: {  	_ =	shalt  }
0x7b: {  	_ =	shalt  }
0x7c: {  	_ =	shalt  }
0x7d: {  	_ =	shalt  }
0x7e: {  	_ =	shalt  }
0x7f: {  	_ =	shalt  }
0x80: {  	_ =	shalt  }
0x81: {  	_ =	shalt  }
0x82: {  	_ =	shalt  }
0x83: {  	_ =	shalt  }
0x84: {  	_ =	shalt  }
0x85: {  	_ =	shalt  }
0x86: {  	_ =	shalt  }
0x87: {  	_ =	shalt  }
.Lfunc_end0:
.L_simem_size_0:
called_computation_lowered:
.L_overlay_start_0:
0x88: {  	s2 =	sld [smem:$0x3FD9]  }
0x89: {  	s3 =	sld [smem:$0x3FFE];
	_ =	sdelay $0x1  }
0x8a: {  	s1 =	srdreg.scid  }
0x8b: {  	s0 =	sand.u32 $0x1, s1  }
0x8c: {  	s16 =	sshll.u32 s0, $0xA;
	s2 =	sadd.s32 s3, s2  }
0x8d: {  	s2 =	sadd.s32 s2, s16  }
0x8e: {  	[smem:$0x3FBC] =	sst s2  }
0x8f: {  	_ = 	snop  }
0x90: {  	(tm) =	ssettm $0x1  }
0x91: {  	s17 =	sld [smem:$0x3FFB];
	_ =	sdelay $0x3  }
0x92: {  	_ =	strace s17  }
0x93: {  	s2 =	sld [smem:$0x3FFC];
	_ =	sdelay $0x3  }
0x94: {  	_ =	strace s2  }
0x95: {  	s2 =	sld [smem:$0x3FFD];
	_ =	sdelay $0x3  }
0x96: {  	_ =	strace s2  }
0x97: {  	_ =	strace $0x8FFFFFFF  }
0x98: {  	s18 =	sld [smem:$0x3FDB];
	_ =	sdelay $0x1  }
0x99: {  	s19 =	simm.s32 $_scs_section_size  }
0x9a: {  	s4 =	simm.s32 $_size__tile_overlayer_lowered;
	s5 =	simm.s32 $_tile_overlayer_lowered  }
0x9b: {  	s22 =	simm.s32 $0x1BFF;
	s21 =	sshll.u32 s5, $0x1;
	s2 =	sadd.s32 s19, s18  }
0x9c: {  	s6 =	simm.s32 $0x0;
	s20 =	sshll.u32 s4, $0x1;
	s4 =	sadd.s32 s21, s2  }
0x9d: {  	[timem:s6], [sflag:s22] =	dma.local [hbm:s4], s20  }
0x9e: {  	_ =	swait.ge [sflag:s22], s20  }
0x9f: {  	s3 =	ssub.s32 $0x0, s20;
	[sflag:s22] =	ssyncset.done $0x0  }
0xa0: {  	[sflag:s22] =	ssyncadd.s32 s3;
	_ =	sdelay $0x1  }
0xa1: {  	s23 =	simm.s32 $0x1B8B  }
0xa2: {  	_ =	swait.ge [sflag:s23], $0x1  }
0xa3: {  	[sflag:s23] =	ssyncset.done $0x0  }
0xa4: {  	s25 =	simm.s32 $0x1B8E;
	s24 =	sld [smem:$0x3FFE];
	[sflag:s23] =	ssyncadd.s32 $0xFFFFFFFF  }
0xa5: {  	s26 =	simm.s32 $execute0_lowered;
	[smem:$0x3FD2] =	sst s25  }
0xa6: {  	s4 =	sshll.u32 s26, $0x1;
	_ =	strace $0x80000046;
	[dreg:$0x1] =	wrdreg $0xFFFFFFFF  }
0xa7: {  	s28 =	simm.s32 $_size_execute0_lowered;
	s2 =	sadd.s32 s2, s4;
	[dreg:$0x0] =	wrdreg $0x0  }
0xa8: {  	s4 =	sshll.u32 s28, $0x1;
	[dreg:$0x2] =	wrdreg s2  }
0xa9: {  	[dreg:$0x3] =	wrdreg s4  }
0xaa: {  	[dreg:$0x4] =	wrdreg $0xC0  }
0xab: {  	_ =	task [dreg:s6], $0x5FFFF  }
0xac: {  	[dreg:$0x1] =	wrdreg $0xFFFFFFFF  }
0xad: {  	[dreg:$0x0] =	wrdreg $0x60  }
0xae: {  	[dreg:$0x2] =	wrdreg s24  }
0xaf: {  	[dreg:$0x3] =	wrdreg $0x2B000  }
0xb0: {  	[dreg:$0x4] =	wrdreg $0x9  }
0xb1: {  	_ =	task.clear_ibuf [dreg:s6], $0x5FFFF;
	_ =	strace $0x90000046  }
0xb2: {  	s29 =	simm.s32 $0x9;
	_ =	strace $0x80000048  }
0xb3: {  	_ =	swait.ge [sflag:s29], $0x1  }
0xb4: {  	[sflag:s29] =	ssyncadd.s32 $0xFFFFFFFF  }
0xb5: {  	_ =	strace $0x90000048  }
0xb6: {  	_ =	sfence  }
0xb7: {  	s30 =	sld [smem:$0x0];
	_ =	sdelay $0x2  }
0xb8: {  	s31 =	sshll.u32 s1, $0xD;
	s1 =	sshrl.u32 s1, $0x2  }
0xb9: {  	s3 =	sand.u32 $0x4000, s31;
	s1 =	sadd.s32 s1, s30  }
0xba: {  	s0 =	sor.u32 s3, s0;
	s1 =	sshll.u32 s1, $0x11  }
0xbb: {  	s0 =	sor.u32 s1, s0  }
0xbc: {  	s0 =	sadd.s32 $0x8F2B, s0  }
0xbd: {  	[sflag:s0] =	ssyncadd.remote.s32 $0x1  }
0xbe: {  	_ =	sfence.sel $0xFFFF  }
0xbf: {  	[dreg:$0x0] =	wrdreg $0xFFFFFFFF;
	(pc) =	sbr.abs _section_cstart, $3  }
0xc0: {  	[dreg:$0x1] =	wrdreg $0xFFFFFFFF  }
0xc1: {  	_ =	task.clear_ibuf [dreg:s6], $0x2FFFF;
	_ =	strace $0x9FFFFFFF  }
0xc2: {  	(tm) =	ssettm $0x7FFFFFFF  }
0xc3: {  	_ =	shalt  }
tec
execute0_lowered:
.L_overlay_start_1:
0x0: {  	(tag) =	ssettag $0x1  }
0x1: {  	s4 =	rddreg [dreg:$0x0]  }
0x2: {  	s2 =	rddreg [dreg:$0x1];
	s3 =	srdreg.scid  }
0x3: {  	s1 =	stileid.u32;
	s0 =	rddreg [dreg:$0x2];
	s10 =	simm.s32 $0x80  }
0x4: {  	s11 =	simm.s32 $0x2800;
	s14 =	simm.s32 $0x0;
	s5 =	sand.u32 $0x1, s3  }
0x5: {  	s6 =	smul.u32 $0x280, s1;
	s3 =	simm.s32 $0x0;
	s7 =	sshll.u32 s1, $0x1  }
0x6: {  	s12 =	sshll.u32 s1, $0x6;
	s8 =	smul.u32 $0x2800, s5;
	[smem:$0x7FF] =	sst s3  }
0x7: {  	s7 =	sor.u32 s5, s7;
	s5 =	ssub.s32 $0x2, s5;
	s12 =	sor.u32 $0x1C01, s12  }
0x8: {  	s7 =	smul.u32 $0x500, s7;
	s9 =	sshrl.u32 s5, $0x1;
	s8 =	sadd.s32 s6, s8  }
0x9: {  	_ =	strace $0x80000047;
	s9 =	ssub.s32 s5, s9;
	s8 =	sshrl.u32 s8, $0x3  }
0xa: {  	s7 =	sadd.s32 s7, s4;
	s8 =	sadd.s32 s8, s4;
	s4 =	sadd.s32 s6, s2  }
0xb: {  	s5 =	sadd.s32 $0x4E00, s7;
	s7 =	smax.u32 s9, $0x1;
	s9 =	simm.s32 $0x1  }
0xc: {  	v0 =	vimm.f32 $1.000000000e+00;
	v1 =	vimm.f32 $0.0e+00;
	s6 =	sadd.s32 $0x18E00, s8;
	s8 =	simm.s32 $0x2880;
	s13 =	sshrl.u32 s4, $0x3  }
.LBB2_1:
0xd: {  	[tilespmem:$0x2800] =	vst v0  }
0xe: {  	[tilespmem:$0x2810] =	vst v0  }
0xf: {  	[tilespmem:$0x2820] =	vst v0  }
0x10: {  	[tilespmem:$0x2830] =	vst v0  }
0x11: {  	[tilespmem:$0x2840] =	vst v0  }
0x12: {  	[tilespmem:$0x2850] =	vst v0  }
0x13: {  	[tilespmem:$0x2860] =	vst v0  }
0x14: {  	[tilespmem:$0x2870] =	vst v0  }
0x15: {  	[tilespmem:$0x2880] =	vst v1  }
0x16: {  	[tilespmem:$0x2890] =	vst v1  }
0x17: {  	[tilespmem:$0x28A0] =	vst v1  }
0x18: {  	[tilespmem:$0x28B0] =	vst v1  }
0x19: {  	[tilespmem:$0x28C0] =	vst v1  }
0x1a: {  	[tilespmem:$0x28D0] =	vst v1  }
0x1b: {  	[tilespmem:$0x28E0] =	vst v1  }
0x1c: {  	[tilespmem:$0x28F0] =	vst v1  }
0x1d: {  	[tilespmem:$0x2900] =	vst v1  }
0x1e: {  	[tilespmem:$0x2910] =	vst v1  }
0x1f: {  	[tilespmem:$0x2920] =	vst v1  }
0x20: {  	[tilespmem:$0x2930] =	vst v1  }
0x21: {  	[tilespmem:$0x2940] =	vst v1  }
0x22: {  	[tilespmem:$0x2950] =	vst v1  }
0x23: {  	[tilespmem:$0x2960] =	vst v1  }
0x24: {  	[tilespmem:$0x2970] =	vst v1  }
0x25: {  	[tilespmem:$0x2980] =	vst v1  }
0x26: {  	[tilespmem:$0x2990] =	vst v1  }
0x27: {  	[tilespmem:$0x29A0] =	vst v1  }
0x28: {  	[tilespmem:$0x29B0] =	vst v1  }
0x29: {  	[tilespmem:$0x29C0] =	vst v1  }
0x2a: {  	[tilespmem:$0x29D0] =	vst v1  }
0x2b: {  	[tilespmem:$0x29E0] =	vst v1  }
0x2c: {  	[tilespmem:$0x29F0] =	vst v1  }
0x2d: {  	[tilespmem:$0x2A00] =	vst v1  }
0x2e: {  	[tilespmem:$0x2A10] =	vst v1  }
0x2f: {  	[tilespmem:$0x2A20] =	vst v1  }
0x30: {  	[tilespmem:$0x2A30] =	vst v1  }
0x31: {  	[tilespmem:$0x2A40] =	vst v1  }
0x32: {  	[tilespmem:$0x2A50] =	vst v1  }
0x33: {  	[tilespmem:$0x2A60] =	vst v1  }
0x34: {  	[tilespmem:$0x2A70] =	vst v1  }
0x35: {  	[tilespmem:$0x2A80] =	vst v1  }
0x36: {  	[tilespmem:$0x2A90] =	vst v1  }
0x37: {  	[tilespmem:$0x2AA0] =	vst v1  }
0x38: {  	[tilespmem:$0x2AB0] =	vst v1  }
0x39: {  	[tilespmem:$0x2AC0] =	vst v1  }
0x3a: {  	[tilespmem:$0x2AD0] =	vst v1  }
0x3b: {  	[tilespmem:$0x2AE0] =	vst v1  }
0x3c: {  	[tilespmem:$0x2AF0] =	vst v1  }
0x3d: {  	[spmem:s4] =	stream.linear.scatter [tilespmem:s8], [sflag:$0x1], $0x280, $0x38;
	[tilespmem:$0x2D80] =	vst v63  }
0x3e: {  	_ =	swait.ge [sflag:s9], $0x280  }
0x3f: {  	[sflag:s9] =	ssyncset.done $0x0  }
0x40: {  	[sflag:s9] =	ssyncadd.s32 $0xFFFFFD80  }
0x41: {  	[tilespmem:s3], [sflag:$0x1] =	stream.linear.gather [hbm4b:s5+s3], $0x2800, $0x38;
	[tilespmem:$0x2D80] =	vst v63  }
0x42: {  	_ =	swait.ge [sflag:s9], $0x2800  }
0x43: {  	[sflag:s9] =	ssyncset.done $0x0  }
0x44: {  	[sflag:s9] =	ssyncadd.s32 $0xFFFFD800  }
0x45: {  	s15 =	simm.s32 $0x0;
	[bflag:$0x0] =	sbarrier.arrive $0xFFFF  }
0x46: {  	[spmem:s2] =	stream.indirect.scatter.add.f32 [tilespmem:s11], [sflag:$0x1], $0x1, s15, s10, $0xb8;
	[tilespmem:$0x2D80] =	vst v63  }
0x47: {  	_ =	swait.ge [sflag:s9], $0x80  }
0x48: {  	s15 =	simm.s32 $0x200;
	[sflag:s9] =	ssyncset.done $0x0  }
.LBB2_2:
0x49: {  	s16 =	sshra.s32 s15, $0x2;
	[sflag:s9] =	ssyncadd.s32 $0xFFFFFF80;
	p0 =	sne.s32 s15, $0x9E00  }
0x4a: {  	[spmem:s2] =	stream.indirect.scatter.add.f32 [tilespmem:s11], [sflag:$0x1], $0x1, s16, s10, $0xb8;
	[tilespmem:$0x2D80] =	vst v63  }
.Ltmp0:
0x4b: {  	_ = 	snop;
	(pc) =	sbr.rel @p0 .LBB2_2-.Ltmp0, $4  }
0x4c: {  	_ = 	snop  }
0x4d: {  	s15 =	sadd.s32 $0x200, s15  }
0x4e: {  	_ =	swait.ge [sflag:s9], $0x80  }
0x4f: {  	[sflag:s9] =	ssyncset.done $0x0  }
0x50: {  	s14 =	sadd.s32 $0x1, s14  }
0x51: {  	[sflag:s9] =	ssyncadd.s32 $0xFFFFFF80;
	p0 =	sne.s32 s14, s7  }
.Ltmp1:
0x52: {  	[bflag:$0x0] =	sbarrier.arrive $0xFFFF;
	(pc) =	sbr.rel @p0 .LBB2_1-.Ltmp1, $4  }
0x53: {  	[hbm:s6], [sflag:s12] =	dma.local [spmem:s13], $0x50  }
0x54: {  	_ =	swait.ge [sflag:s9], $0x50  }
0x55: {  	[sflag:s9] =	ssyncset.done $0x0  }
0x56: {  	[sflag:s9] =	ssyncadd.s32 $0xFFFFFFB0  }
0x57: {  	_ =	sfence.sel $0x180000  }
0x58: {  	[bflag:$0x0] =	sbarrier.arrive $0xFFFF  }
0x59: {  	p0 =	sne.s32 s1, $0x0;
	_ =	strace $0x90000047  }
0x5a: {  	s0 =	sadd.s32 @!p0 $0x100000, s0;
	[bflag:$0x2] =	sbarrier.arrive $0xFFFF  }
0x5b: {  	[sflag:s0] =	ssyncadd.tile.s32 @!p0 $0x1;
	_ =	shalt  }
.Lfunc_end2:
_tile_overlayer_lowered:
.L_overlay_start_2:
0x5c: {  	(tag) =	ssettag $0x2  }
0x5d: {  	s0 =	rddreg [dreg:$0x0];
	s2 =	stileid.u32  }
0x5e: {  	s1 =	rddreg [dreg:$0x1];
	p0 =	sne.s32 s2, $0x0  }
0x5f: {  	s3 =	rddreg [dreg:$0x2];
	[bflag:$0x3] =	sbarrier.arrive $0xFFFF;
	s2 =	simm.s32 @!p0 $0x1C01  }
0x60: {  	[timem:s3], [sflag:s2] =	dma.local @!p0 [hbm:s0], s1  }
0x61: {  	s0 =	simm.s32 @!p0 $0x1  }
0x62: {  	_ =	swait.ge @!p0 [sflag:s0], s1  }
0x63: {  	s1 =	ssub.s32 @!p0 $0x0, s1;
	[sflag:s0] =	ssyncset.done @!p0 $0x0  }
0x64: {  	[sflag:s0] =	ssyncadd.s32 @!p0 s1  }
0x65: {  	[bflag:$0x3] =	sbarrier.arrive $0xFFFF  }
0x66: {  	_ =	shalt  }

// kernel: kernel.13.cloned.1.call-start
scs
__scs_entry_jumppad:
0x0: {  	(pc) =	sbr.rel $0x88, $3  }
0x1: {  	(tag) =	ssettag $0x0;
	lr =	simm.s32 $0x1  }
0x2: {  	[smem:$0x3F95] =	sst lr;
	_ =	strace $0xD0000000  }
0x3: {  	_ = 	snop  }
0x4: {  	_ = 	snop  }
0x5: {  	_ = 	snop  }
0x6: {  	_ = 	snop  }
0x7: {  	_ = 	snop  }
__scs_overlays_trampoline_lowered:
0x8: {  	[smem:$0x3FA4] =	sst s0  }
0x9: {  	[smem:$0x3FA5] =	sst s1  }
0xa: {  	[smem:$0x3FA6] =	sst s2  }
0xb: {  	[smem:$0x3FA7] =	sst s3  }
0xc: {  	[smem:$0x3FA8] =	sst s4  }
0xd: {  	[smem:$0x3FA9] =	sst s5  }
0xe: {  	[smem:$0x3FAA] =	sst s6  }
0xf: {  	[smem:$0x3FAB] =	sst s7  }
0x10: {  	[smem:$0x3FAC] =	sst s8  }
0x11: {  	[smem:$0x3FAD] =	sst s9;
	s0 =	simm.s32 @!p0 $0x0  }
0x12: {  	s1 =	sld [smem:$0x3F93];
	s0 =	simm.s32 @p0 $0x1  }
0x13: {  	[smem:$0x3FAE] =	sst s0;
	s0 =	simm.s32 @!p1 $0x0  }
0x14: {  	s2 =	sld [smem:$0x3F92];
	s0 =	simm.s32 @p1 $0x1  }
0x15: {  	[smem:$0x3FAF] =	sst s0;
	s0 =	simm.s32 @!p2 $0x0  }
0x16: {  	s3 =	sld [smem:$0x3FDB];
	s0 =	simm.s32 @p2 $0x1  }
0x17: {  	s4 =	simm.s32 $0x1BF5;
	[smem:$0x3FB1] =	sst s0  }
0x18: {  	s0 =	sld [smem:$0x3F94];
	_ =	swait.ge [sflag:s4], $0x0  }
0x19: {  	s7 =	sld [smem:$0x3F95]  }
0x1a: {  	s8 =	sadd.s32 $0xFFFFE003, lr  }
0x1b: {  	s9 =	sadd.s32 $0xFFFFFEF7, lr;
	s5 =	simm.s32 $0xFFFFFFFF;
	p2 =	slt.u32 s8, $0xFFFFF086  }
0x1c: {  	p1 =	slt.u32 s9, $0xF7A;
	s5 =	simm.s32 @!p2 $0x0  }
0x1d: {  	s5 =	simm.s32 @p1 $0x1;
	p0 =	seq.s32 s7, s2  }
0x1e: {  	s7 =	smul.u32 @!p0 $0xF7A, s2;
	p2 =	seq.s32 @!p0 s5, $0x0  }
0x1f: {  	s9 =	smul.u32 $0xF7A, s1;
	s8 =	simm.s32 @!p0 $0x1BF5;
	p2 =	por !p2, p0  }
0x20: {  	[sflag:s8] =	ssyncset.s32 @!p0 $0xFFFFF086;
	s6 =	sadd.s32 @!p0 s3, s7;
	s7 =	simm.s32 @!p0 $0x108  }
0x21: {  	s3 =	sadd.s32 s3, s9;
	s6 =	sadd.s32 @!p0 $0x88, s6;
	s7 =	simm.s32 @p2 $0x1082  }
0x22: {  	[simem:s7], [sflag:s8] =	dma.local @!p0 [hbm:s6], $0xF7A  }
0x23: {  	s9 =	sor.u32 $0xD0000000, s2;
	s6 =	simm.s32 $0x108;
	_ =	swait.ge @!p0 [sflag:s8], $0x0  }
0x24: {  	s3 =	sadd.s32 $0x88, s3;
	s6 =	simm.s32 @!p1 $0x1082;
	[sflag:s4] =	ssyncset.s32 $0xFFFFF086  }
0x25: {  	[simem:s6], [sflag:s4] =	dma.local [hbm:s3], $0xF7A  }
0x26: {  	[smem:$0x3F95] =	sst s1;
	(tag) =	ssettag s2;
	_ =	strace s9  }
0x27: {  	s1 =	sld [smem:$0x3FA5]  }
0x28: {  	s2 =	sld [smem:$0x3FA6]  }
0x29: {  	s4 =	sld [smem:$0x3FA8]  }
0x2a: {  	p0 =	seq.s32 s5, $0x0;
	s5 =	sld [smem:$0x3FA9]  }
0x2b: {  	s6 =	sld [smem:$0x3FAA]  }
0x2c: {  	s7 =	sld [smem:$0x3FAB]  }
0x2d: {  	s3 =	simm.s32 $0x108;
	s8 =	sld [smem:$0x3FAC]  }
0x2e: {  	s3 =	simm.s32 @!p0 $0x1082;
	s9 =	sld [smem:$0x3FAD]  }
0x2f: {  	lr =	sadd.s32 s0, s3;
	s0 =	sld [smem:$0x3FA4]  }
0x30: {  	s3 =	sld [smem:$0x3FA7]  }
0x31: {  	[smem:$0x3FB0] =	sst s10  }
0x32: {  	s10 =	sld [smem:$0x3FAE];
	_ =	sdelay $0x3  }
0x33: {  	p0 =	seq.s32 s10, $0x1;
	s10 =	sld [smem:$0x3FB0];
	_ =	sdelay $0x3  }
0x34: {  	[smem:$0x3FB0] =	sst s10  }
0x35: {  	s10 =	sld [smem:$0x3FAF];
	_ =	sdelay $0x3  }
0x36: {  	p1 =	seq.s32 s10, $0x1;
	s10 =	sld [smem:$0x3FB0];
	_ =	sdelay $0x3  }
0x37: {  	[smem:$0x3FB0] =	sst s10  }
0x38: {  	s10 =	sld [smem:$0x3FB1]  }
0x39: {  	_ = 	snop;
	(pc) =	sbr.ind lr, $3  }
0x3a: {  	_ = 	snop  }
0x3b: {  	_ = 	snop  }
0x3c: {  	p2 =	seq.s32 s10, $0x1;
	s10 =	sld [smem:$0x3FB0]  }
0x3d: {  	_ =	shalt  }
0x3e: {  	_ =	shalt  }
0x3f: {  	_ =	shalt  }
0x40: {  	_ =	shalt  }
0x41: {  	_ =	shalt  }
0x42: {  	_ =	shalt  }
0x43: {  	_ =	shalt  }
0x44: {  	_ =	shalt  }
0x45: {  	_ =	shalt  }
0x46: {  	_ =	shalt  }
0x47: {  	_ =	shalt  }
0x48: {  	_ =	shalt  }
0x49: {  	_ =	shalt  }
0x4a: {  	_ =	shalt  }
0x4b: {  	_ =	shalt  }
0x4c: {  	_ =	shalt  }
0x4d: {  	_ =	shalt  }
0x4e: {  	_ =	shalt  }
0x4f: {  	_ =	shalt  }
0x50: {  	_ =	shalt  }
0x51: {  	_ =	shalt  }
0x52: {  	_ =	shalt  }
0x53: {  	_ =	shalt  }
0x54: {  	_ =	shalt  }
0x55: {  	_ =	shalt  }
0x56: {  	_ =	shalt  }
0x57: {  	_ =	shalt  }
0x58: {  	_ =	shalt  }
0x59: {  	_ =	shalt  }
0x5a: {  	_ =	shalt  }
0x5b: {  	_ =	shalt  }
0x5c: {  	_ =	shalt  }
0x5d: {  	_ =	shalt  }
0x5e: {  	_ =	shalt  }
0x5f: {  	_ =	shalt  }
0x60: {  	_ =	shalt  }
0x61: {  	_ =	shalt  }
0x62: {  	_ =	shalt  }
0x63: {  	_ =	shalt  }
0x64: {  	_ =	shalt  }
0x65: {  	_ =	shalt  }
0x66: {  	_ =	shalt  }
0x67: {  	_ =	shalt  }
0x68: {  	_ =	shalt  }
0x69: {  	_ =	shalt  }
0x6a: {  	_ =	shalt  }
0x6b: {  	_ =	shalt  }
0x6c: {  	_ =	shalt  }
0x6d: {  	_ =	shalt  }
0x6e: {  	_ =	shalt  }
0x6f: {  	_ =	shalt  }
0x70: {  	_ =	shalt  }
0x71: {  	_ =	shalt  }
0x72: {  	_ =	shalt  }
0x73: {  	_ =	shalt  }
0x74: {  	_ =	shalt  }
0x75: {  	_ =	shalt  }
0x76: {  	_ =	shalt  }
0x77: {  	_ =	shalt  }
0x78: {  	_ =	shalt  }
0x79: {  	_ =	shalt  }
0x7a: {  	_ =	shalt  }
0x7b: {  	_ =	shalt  }
0x7c: {  	_ =	shalt  }
0x7d: {  	_ =	shalt  }
0x7e: {  	_ =	shalt  }
0x7f: {  	_ =	shalt  }
0x80: {  	_ =	shalt  }
0x81: {  	_ =	shalt  }
0x82: {  	_ =	shalt  }
0x83: {  	_ =	shalt  }
0x84: {  	_ =	shalt  }
0x85: {  	_ =	shalt  }
0x86: {  	_ =	shalt  }
0x87: {  	_ =	shalt  }
.Lfunc_end0:
.L_simem_size_0:
called_computation.1_lowered:
.L_overlay_start_0:
0x88: {  	s2 =	sld [smem:$0x3FD9]  }
0x89: {  	s3 =	sld [smem:$0x3FFE];
	_ =	sdelay $0x1  }
0x8a: {  	s1 =	srdreg.scid  }
0x8b: {  	s0 =	sand.u32 $0x1, s1  }
0x8c: {  	s16 =	sshll.u32 s0, $0xA;
	s2 =	sadd.s32 s3, s2  }
0x8d: {  	s2 =	sadd.s32 s2, s16  }
0x8e: {  	[smem:$0x3FBC] =	sst s2  }
0x8f: {  	_ = 	snop  }
0x90: {  	(tm) =	ssettm $0x1  }
0x91: {  	s17 =	sld [smem:$0x3FFB];
	_ =	sdelay $0x3  }
0x92: {  	_ =	strace s17  }
0x93: {  	s2 =	sld [smem:$0x3FFC];
	_ =	sdelay $0x3  }
0x94: {  	_ =	strace s2  }
0x95: {  	s2 =	sld [smem:$0x3FFD];
	_ =	sdelay $0x3  }
0x96: {  	_ =	strace s2  }
0x97: {  	_ =	strace $0x8FFFFFFF  }
0x98: {  	s18 =	sld [smem:$0x3FDB];
	_ =	sdelay $0x1  }
0x99: {  	s19 =	simm.s32 $_scs_section_size  }
0x9a: {  	s4 =	simm.s32 $_size__tile_overlayer_lowered;
	s5 =	simm.s32 $_tile_overlayer_lowered  }
0x9b: {  	s22 =	simm.s32 $0x1BFF;
	s21 =	sshll.u32 s5, $0x1;
	s2 =	sadd.s32 s19, s18  }
0x9c: {  	s6 =	simm.s32 $0x0;
	s20 =	sshll.u32 s4, $0x1;
	s4 =	sadd.s32 s21, s2  }
0x9d: {  	[timem:s6], [sflag:s22] =	dma.local [hbm:s4], s20  }
0x9e: {  	_ =	swait.ge [sflag:s22], s20  }
0x9f: {  	s3 =	ssub.s32 $0x0, s20;
	[sflag:s22] =	ssyncset.done $0x0  }
0xa0: {  	[sflag:s22] =	ssyncadd.s32 s3;
	_ =	sdelay $0x1  }
0xa1: {  	s23 =	simm.s32 $0x1B8B  }
0xa2: {  	_ =	swait.ge [sflag:s23], $0x1  }
0xa3: {  	[sflag:s23] =	ssyncset.done $0x0  }
0xa4: {  	s25 =	simm.s32 $0x1B8E;
	s24 =	sld [smem:$0x3FFE];
	[sflag:s23] =	ssyncadd.s32 $0xFFFFFFFF  }
0xa5: {  	s26 =	simm.s32 $execute0_lowered;
	[smem:$0x3FD2] =	sst s25  }
0xa6: {  	s4 =	sshll.u32 s26, $0x1;
	_ =	strace $0x80000049;
	[dreg:$0x1] =	wrdreg $0xFFFFFFFF  }
0xa7: {  	s28 =	simm.s32 $_size_execute0_lowered;
	s2 =	sadd.s32 s2, s4;
	[dreg:$0x0] =	wrdreg $0x0  }
0xa8: {  	s4 =	sshll.u32 s28, $0x1;
	[dreg:$0x2] =	wrdreg s2  }
0xa9: {  	[dreg:$0x3] =	wrdreg s4  }
0xaa: {  	[dreg:$0x4] =	wrdreg $0xC0  }
0xab: {  	_ =	task [dreg:s6], $0x5FFFF  }
0xac: {  	[dreg:$0x1] =	wrdreg $0xFFFFFFFF  }
0xad: {  	[dreg:$0x0] =	wrdreg $0x60  }
0xae: {  	[dreg:$0x2] =	wrdreg s24  }
0xaf: {  	[dreg:$0x3] =	wrdreg $0xA8000  }
0xb0: {  	[dreg:$0x4] =	wrdreg $0x9  }
0xb1: {  	_ =	task.clear_ibuf [dreg:s6], $0x5FFFF;
	_ =	strace $0x90000049  }
0xb2: {  	s29 =	simm.s32 $0x9;
	_ =	strace $0x8000004B  }
0xb3: {  	_ =	swait.ge [sflag:s29], $0x1  }
0xb4: {  	[sflag:s29] =	ssyncadd.s32 $0xFFFFFFFF  }
0xb5: {  	_ =	strace $0x9000004B  }
0xb6: {  	_ =	sfence  }
0xb7: {  	s30 =	sld [smem:$0x0];
	_ =	sdelay $0x2  }
0xb8: {  	s31 =	sshll.u32 s1, $0xD;
	s1 =	sshrl.u32 s1, $0x2  }
0xb9: {  	s3 =	sand.u32 $0x4000, s31;
	s1 =	sadd.s32 s1, s30  }
0xba: {  	s0 =	sor.u32 s3, s0;
	s1 =	sshll.u32 s1, $0x11  }
0xbb: {  	s0 =	sor.u32 s1, s0  }
0xbc: {  	s0 =	sadd.s32 $0x8F2B, s0  }
0xbd: {  	[sflag:s0] =	ssyncadd.remote.s32 $0x1  }
0xbe: {  	_ =	sfence.sel $0xFFFF  }
0xbf: {  	[dreg:$0x0] =	wrdreg $0xFFFFFFFF;
	(pc) =	sbr.abs _section_cstart, $3  }
0xc0: {  	[dreg:$0x1] =	wrdreg $0xFFFFFFFF  }
0xc1: {  	_ =	task.clear_ibuf [dreg:s6], $0x2FFFF;
	_ =	strace $0x9FFFFFFF  }
0xc2: {  	(tm) =	ssettm $0x7FFFFFFF  }
0xc3: {  	_ =	shalt  }
tec
execute0_lowered:
.L_overlay_start_1:
0x0: {  	(tag) =	ssettag $0x1  }
0x1: {  	s0 =	rddreg [dreg:$0x0]  }
0x2: {  	s2 =	rddreg [dreg:$0x1];
	s4 =	srdreg.scid  }
0x3: {  	s1 =	stileid.u32;
	s3 =	simm.s32 $0x0;
	s20 =	simm.s32 $0x1  }
0x4: {  	s21 =	simm.s32 $0x2;
	s28 =	simm.s32 $0x2700;
	s29 =	simm.s32 $0x2780  }
0x5: {  	s30 =	simm.s32 $0x0;
	s5 =	sand.u32 $0x1, s4;
	s8 =	smul.u32 $0x50000, s1  }
0x6: {  	s22 =	sshll.u32 s1, $0x1;
	[smem:$0x7FF] =	sst s3;
	s15 =	smul.u32 $0x12000, s1  }
0x7: {  	s4 =	sadd.s32 $0x18E00, s0;
	s12 =	sadd.s32 $0xEE00, s0;
	s17 =	smul.u32 $0x13C00, s1  }
0x8: {  	s13 =	sadd.s32 $0x4E00, s0;
	s0 =	sadd.s32 $0x40000, s0;
	s19 =	smul.u32 $0x4F000, s1  }
0x9: {  	p0 =	sgt.u32 s1, $0xD;
	s6 =	sor.u32 s5, s22;
	_ =	strace $0x8000004A  }
0xa: {  	s7 =	ssub.s32 $0x2, s5;
	s5 =	smul.u32 $0x138800, s5;
	s22 =	simm.s32 $0x80  }
0xb: {  	s6 =	smul.u32 $0x2800, s6;
	s9 =	sshrl.u32 s7, $0x1;
	s23 =	sshrl.u32 s8, $0x2  }
0xc: {  	s15 =	sadd.s32 $0x18800, s15;
	s31 =	sshrl.u32 s19, $0x2;
	s19 =	simm.s32 $0x3  }
0xd: {  	s16 =	ssub.s32 s7, s9;
	s7 =	sadd.s32 s23, s2;
	s18 =	sadd.s32 s5, s15  }
0xe: {  	s5 =	sadd.s32 s17, s5;
	s17 =	simm.s32 $0x1400;
	s23 =	simm.s32 $0x6800  }
0xf: {  	s14 =	sshrl.u32 s6, $0x3;
	s25 =	sadd.s32 $0x4000, s7;
	s9 =	sadd.s32 $0x8000, s7  }
0x10: {  	s10 =	sadd.s32 $0xC000, s7;
	s11 =	sadd.s32 $0x10000, s7;
	s26 =	sshrl.u32 s18, $0x3  }
0x11: {  	s5 =	sshrl.u32 s5, $0x3;
	s6 =	sadd.s32 s12, s14;
	[dreg:$0x5] =	wrdreg s25  }
0x12: {  	s16 =	smax.u32 s16, $0x1;
	s24 =	sadd.s32 s13, s14;
	[dreg:$0x3] =	wrdreg s6  }
0x13: {  	s18 =	simm.s32 $0x2800;
	s14 =	sadd.s32 $0x280, s14;
	[dreg:$0x4] =	wrdreg s24  }
0x14: {  	s12 =	sadd.s32 s12, s14;
	s13 =	sadd.s32 s13, s14;
	s14 =	sadd.s32 s0, s26  }
0x15: {  	s24 =	sadd.s32 s15, s2;
	s15 =	sadd.s32 s0, s5;
	s0 =	sadd.s32 s31, s2  }
0x16: {  	v0 =	vimm.f32 $0.0e+00;
	s26 =	simm.s32 $0x1380;
	s24 =	sshrl.u32 @p0 s24, $0x3;
	s25 =	sshrl.u32 @!p0 s0, $0x3  }
.LBB2_1:
0x17: {  	s0 =	rddreg [dreg:$0x3];
	s8 =	sand.u32 $0xFE00, s3  }
0x18: {  	[tilespmem:s3], [sflag:$0x1] =	stream.linear.gather [hbm4b:s0+s3], $0x1400, $0x38;
	[tilespmem:$0x1E800] =	vst v63  }
0x19: {  	s6 =	rddreg [dreg:$0x4];
	s5 =	sand.u32 $0x70, s3;
	s0 =	sshrl.u32 s8, $0x2  }
0x1a: {  	s31 =	simm.s32 $0x40;
	s5 =	sor.u32 s5, s0;
	s0 =	simm.s32 $0x0  }
0x1b: {  	[tilespmem:s17], [sflag:$0x2] =	stream.linear.gather [hbm4b:s6+s3], $0x1400, $0x38;
	[tilespmem:$0x1E800] =	vst v63  }
.LBB2_2:
0x1c: {  	p1 =	sne.s32 s31, $0xFFC0  }
0x1d: {  	[tilespmem:s5+$0x2800] =	vst v0;
	s0 =	sadd.s32 $0x10, s0;
	s5 =	smov.u32 s31;
	s31 =	sadd.s32 $0x40, s31  }
.Ltmp0:
0x1e: {  	(pc) =	sbr.rel @p1 .LBB2_2-.Ltmp0, $4  }
0x1f: {  	_ = 	snop  }
0x20: {  	s5 =	sand.u32 $0xFE00, s5  }
0x21: {  	s6 =	sand.u32 $0x70, s0;
	s5 =	sshrl.u32 s5, $0x2  }
0x22: {  	s5 =	sor.u32 s6, s5  }
0x23: {  	[tilespmem:s5+$0x2800] =	vst v0  }
0x24: {  	[spmem:s7] =	stream.linear.scatter [tilespmem:s18], [sflag:$0x3], $0x4000, $0x38;
	[tilespmem:$0x1E800] =	vst v63  }
0x25: {  	_ =	swait.ge [sflag:s19], $0x4000  }
0x26: {  	[sflag:s19] =	ssyncset.done $0x0  }
0x27: {  	s0 =	rddreg [dreg:$0x5];
	[sflag:s19] =	ssyncadd.s32 $0xFFFFC000  }
0x28: {  	[spmem:s0] =	stream.linear.scatter [tilespmem:s18], [sflag:$0x3], $0x4000, $0x38;
	[tilespmem:$0x1E800] =	vst v63  }
0x29: {  	_ =	swait.ge [sflag:s19], $0x4000  }
0x2a: {  	[sflag:s19] =	ssyncset.done $0x0  }
0x2b: {  	[sflag:s19] =	ssyncadd.s32 $0xFFFFC000  }
0x2c: {  	[spmem:s9] =	stream.linear.scatter [tilespmem:s18], [sflag:$0x3], $0x4000, $0x38;
	[tilespmem:$0x1E800] =	vst v63  }
0x2d: {  	_ =	swait.ge [sflag:s19], $0x4000  }
0x2e: {  	[sflag:s19] =	ssyncset.done $0x0  }
0x2f: {  	[sflag:s19] =	ssyncadd.s32 $0xFFFFC000  }
0x30: {  	[spmem:s10] =	stream.linear.scatter [tilespmem:s18], [sflag:$0x3], $0x4000, $0x38;
	[tilespmem:$0x1E800] =	vst v63  }
0x31: {  	_ =	swait.ge [sflag:s19], $0x4000  }
0x32: {  	[sflag:s19] =	ssyncset.done $0x0  }
0x33: {  	[sflag:s19] =	ssyncadd.s32 $0xFFFFC000  }
0x34: {  	[spmem:s11] =	stream.linear.scatter [tilespmem:s18], [sflag:$0x3], $0x4000, $0x38;
	[tilespmem:$0x1E800] =	vst v63  }
0x35: {  	_ =	swait.ge [sflag:s19], $0x4000  }
0x36: {  	[sflag:s19] =	ssyncset.done $0x0  }
0x37: {  	[sflag:s19] =	ssyncadd.s32 $0xFFFFC000  }
0x38: {  	_ =	swait.ge [sflag:s20], $0x1400  }
0x39: {  	[sflag:s20] =	ssyncset.done $0x0  }
0x3a: {  	[sflag:s20] =	ssyncadd.s32 $0xFFFFEC00  }
0x3b: {  	_ =	swait.ge [sflag:s21], $0x1400  }
0x3c: {  	[sflag:s21] =	ssyncset.done $0x0  }
0x3d: {  	[sflag:s21] =	ssyncadd.s32 $0xFFFFEC00  }
0x3e: {  	s6 =	simm.s32 $0x0;
	[bflag:$0x0] =	sbarrier.arrive $0xFFFF  }
0x3f: {  	[tilespmem:s18], [sflag:$0x1] =	stream.indirect.gather [hbm4b:s4+s22], $0x80, s6, s22, $0xb8;
	[tilespmem:$0x1E800] =	vst v63  }
0x40: {  	s8 =	simm.s32 $0x80  }
0x41: {  	[tilespmem:s23], [sflag:$0x2] =	stream.indirect.gather [hbm4b:s4+s22], $0x80, s8, s22, $0xb8;
	[tilespmem:$0x1E800] =	vst v63  }
0x42: {  	_ =	swait.ge [sflag:s20], $0x4000  }
0x43: {  	[sflag:s20] =	ssyncset.done $0x0  }
0x44: {  	s5 =	simm.s32 $0x1400;
	[sflag:s20] =	ssyncadd.s32 $0xFFFFC000  }
0x45: {  	[spmem:s2] =	stream.indirect.scatter.add.f32 [tilespmem:s18], [sflag:$0x3], $0x80, s5, s22, $0xb8;
	[tilespmem:$0x1E800] =	vst v63  }
0x46: {  	_ =	swait.ge [sflag:s19], $0x4000  }
0x47: {  	[sflag:s19] =	ssyncset.done $0x0  }
0x48: {  	s6 =	simm.s32 $0x100;
	[sflag:s19] =	ssyncadd.s32 $0xFFFFC000  }
0x49: {  	[tilespmem:s18], [sflag:$0x1] =	stream.indirect.gather [hbm4b:s4+s22], $0x80, s6, s22, $0xb8;
	[tilespmem:$0x1E800] =	vst v63  }
0x4a: {  	_ =	swait.ge [sflag:s21], $0x4000  }
0x4b: {  	[sflag:s21] =	ssyncset.done $0x0  }
0x4c: {  	s8 =	simm.s32 $0x1480;
	[sflag:s21] =	ssyncadd.s32 $0xFFFFC000  }
0x4d: {  	[spmem:s2] =	stream.indirect.scatter.add.f32 [tilespmem:s23], [sflag:$0x3], $0x80, s8, s22, $0xb8;
	[tilespmem:$0x1E800] =	vst v63  }
0x4e: {  	_ =	swait.ge [sflag:s19], $0x4000  }
0x4f: {  	s31 =	simm.s32 $0x100;
	s0 =	simm.s32 $0x800;
	[sflag:s19] =	ssyncset.done $0x0  }
.LBB2_4:
0x50: {  	s5 =	sadd.s32 $0x80, s31  }
0x51: {  	[sflag:s19] =	ssyncadd.s32 $0xFFFFC000;
	s6 =	smov.u32 s0;
	s8 =	sadd.s32 $0x400, s0  }
0x52: {  	[tilespmem:s23], [sflag:$0x2] =	stream.indirect.gather [hbm4b:s4+s22], $0x80, s5, s22, $0xb8;
	[tilespmem:$0x1E800] =	vst v63  }
0x53: {  	p1 =	sne.s32 s0, $0x4800;
	_ =	swait.ge [sflag:s20], $0x4000  }
0x54: {  	[sflag:s20] =	ssyncset.done $0x0  }
0x55: {  	s0 =	sadd.s32 $0x1400, s31;
	[sflag:s20] =	ssyncadd.s32 $0xFFFFC000  }
0x56: {  	[spmem:s2] =	stream.indirect.scatter.add.f32 [tilespmem:s18], [sflag:$0x3], $0x80, s0, s22, $0xb8;
	[tilespmem:$0x1E800] =	vst v63  }
0x57: {  	_ =	swait.ge [sflag:s19], $0x4000  }
0x58: {  	[sflag:s19] =	ssyncset.done $0x0  }
0x59: {  	s0 =	sadd.s32 $0x100, s31;
	[sflag:s19] =	ssyncadd.s32 $0xFFFFC000  }
0x5a: {  	[tilespmem:s18], [sflag:$0x1] =	stream.indirect.gather [hbm4b:s4+s22], $0x80, s0, s22, $0xb8;
	[tilespmem:$0x1E800] =	vst v63  }
0x5b: {  	_ =	swait.ge [sflag:s21], $0x4000  }
.Ltmp1:
0x5c: {  	[sflag:s21] =	ssyncset.done $0x0;
	(pc) =	sbr.rel @p1 .LBB2_4-.Ltmp1, $4  }
0x5d: {  	s0 =	sadd.s32 $0x1480, s31;
	[sflag:s21] =	ssyncadd.s32 $0xFFFFC000  }
0x5e: {  	[spmem:s2] =	stream.indirect.scatter.add.f32 [tilespmem:s23], [sflag:$0x3], $0x80, s0, s22, $0xb8;
	[tilespmem:$0x1E800] =	vst v63  }
0x5f: {  	_ =	swait.ge [sflag:s19], $0x4000  }
0x60: {  	s31 =	sshra.s32 s6, $0x2;
	s0 =	smov.u32 s8;
	[sflag:s19] =	ssyncset.done $0x0  }
0x61: {  	s0 =	sadd.s32 $0x80, s31;
	[sflag:s19] =	ssyncadd.s32 $0xFFFFC000  }
0x62: {  	[tilespmem:s23], [sflag:$0x2] =	stream.indirect.gather [hbm4b:s4+s22], $0x80, s0, s22, $0xb8;
	[tilespmem:$0x1E800] =	vst v63  }
0x63: {  	_ =	swait.ge [sflag:s20], $0x4000  }
0x64: {  	[sflag:s20] =	ssyncset.done $0x0  }
0x65: {  	s6 =	sadd.s32 $0x1400, s31;
	[sflag:s20] =	ssyncadd.s32 $0xFFFFC000  }
0x66: {  	[spmem:s2] =	stream.indirect.scatter.add.f32 [tilespmem:s18], [sflag:$0x3], $0x80, s6, s22, $0xb8;
	[tilespmem:$0x1E800] =	vst v63  }
0x67: {  	_ =	swait.ge [sflag:s19], $0x4000  }
0x68: {  	[sflag:s19] =	ssyncset.done $0x0  }
0x69: {  	s8 =	sadd.s32 $0x100, s31;
	[sflag:s19] =	ssyncadd.s32 $0xFFFFC000  }
0x6a: {  	[tilespmem:s18], [sflag:$0x1] =	stream.indirect.gather [hbm4b:s4+s22], $0x80, s8, s22, $0xb8;
	[tilespmem:$0x1E800] =	vst v63  }
0x6b: {  	_ =	swait.ge [sflag:s21], $0x4000  }
0x6c: {  	[sflag:s21] =	ssyncset.done $0x0  }
0x6d: {  	s5 =	sadd.s32 $0x1480, s31;
	[sflag:s21] =	ssyncadd.s32 $0xFFFFC000  }
0x6e: {  	[spmem:s2] =	stream.indirect.scatter.add.f32 [tilespmem:s23], [sflag:$0x3], $0x80, s5, s22, $0xb8;
	[tilespmem:$0x1E800] =	vst v63  }
0x6f: {  	_ =	swait.ge [sflag:s19], $0x4000  }
0x70: {  	[sflag:s19] =	ssyncset.done $0x0  }
0x71: {  	[sflag:s19] =	ssyncadd.s32 $0xFFFFC000  }
0x72: {  	[tilespmem:s23], [sflag:$0x2] =	stream.indirect.gather [hbm4b:s4+s22], $0x80, s26, s22, $0xb8;
	[tilespmem:$0x1E800] =	vst v63  }
0x73: {  	_ =	swait.ge [sflag:s20], $0x4000  }
0x74: {  	[sflag:s20] =	ssyncset.done $0x0  }
0x75: {  	[sflag:s20] =	ssyncadd.s32 $0xFFFFC000  }
0x76: {  	[spmem:s2] =	stream.indirect.scatter.add.f32 [tilespmem:s18], [sflag:$0x3], $0x80, s28, s22, $0xb8;
	[tilespmem:$0x1E800] =	vst v63  }
0x77: {  	_ =	swait.ge [sflag:s19], $0x4000  }
0x78: {  	[sflag:s19] =	ssyncset.done $0x0  }
0x79: {  	[sflag:s19] =	ssyncadd.s32 $0xFFFFC000  }
0x7a: {  	_ =	swait.ge [sflag:s21], $0x4000  }
0x7b: {  	[sflag:s21] =	ssyncset.done $0x0  }
0x7c: {  	[sflag:s21] =	ssyncadd.s32 $0xFFFFC000  }
0x7d: {  	[spmem:s2] =	stream.indirect.scatter.add.f32 [tilespmem:s23], [sflag:$0x3], $0x80, s29, s22, $0xb8;
	[tilespmem:$0x1E800] =	vst v63  }
0x7e: {  	_ =	swait.ge [sflag:s19], $0x4000  }
0x7f: {  	[sflag:s19] =	ssyncset.done $0x0  }
0x80: {  	s6 =	simm.s32 $0x0;
	[sflag:s19] =	ssyncadd.s32 $0xFFFFC000  }
0x81: {  	[tilespmem:s6], [sflag:$0x3] =	stream.linear.gather [hbm4b:s12+s6], $0x1400, $0x38;
	[tilespmem:$0x1E800] =	vst v63  }
0x82: {  	_ =	swait.ge [sflag:s19], $0x1400  }
0x83: {  	[sflag:s19] =	ssyncset.done $0x0  }
0x84: {  	[sflag:s19] =	ssyncadd.s32 $0xFFFFEC00  }
0x85: {  	[tilespmem:s17], [sflag:$0x3] =	stream.linear.gather [hbm4b:s13+s6], $0x1400, $0x38;
	[tilespmem:$0x1E800] =	vst v63  }
0x86: {  	_ =	swait.ge [sflag:s19], $0x1400  }
0x87: {  	[sflag:s19] =	ssyncset.done $0x0  }
0x88: {  	[sflag:s19] =	ssyncadd.s32 $0xFFFFEC00  }
0x89: {  	[tilespmem:s18], [sflag:$0x1] =	stream.indirect.gather [hbm4b:s4+s22], $0x80, s6, s22, $0xb8;
	[tilespmem:$0x1E800] =	vst v63  }
0x8a: {  	s8 =	simm.s32 $0x80  }
0x8b: {  	[tilespmem:s23], [sflag:$0x2] =	stream.indirect.gather [hbm4b:s4+s22], $0x80, s8, s22, $0xb8;
	[tilespmem:$0x1E800] =	vst v63  }
0x8c: {  	_ =	swait.ge [sflag:s20], $0x4000  }
0x8d: {  	[sflag:s20] =	ssyncset.done $0x0  }
0x8e: {  	s5 =	simm.s32 $0x1400;
	[sflag:s20] =	ssyncadd.s32 $0xFFFFC000  }
0x8f: {  	[spmem:s2] =	stream.indirect.scatter.add.f32 [tilespmem:s18], [sflag:$0x3], $0x80, s5, s22, $0xb8;
	[tilespmem:$0x1E800] =	vst v63  }
0x90: {  	_ =	swait.ge [sflag:s19], $0x4000  }
0x91: {  	[sflag:s19] =	ssyncset.done $0x0  }
0x92: {  	s6 =	simm.s32 $0x100;
	[sflag:s19] =	ssyncadd.s32 $0xFFFFC000  }
0x93: {  	[tilespmem:s18], [sflag:$0x1] =	stream.indirect.gather [hbm4b:s4+s22], $0x80, s6, s22, $0xb8;
	[tilespmem:$0x1E800] =	vst v63  }
0x94: {  	_ =	swait.ge [sflag:s21], $0x4000  }
0x95: {  	[sflag:s21] =	ssyncset.done $0x0  }
0x96: {  	s8 =	simm.s32 $0x1480;
	[sflag:s21] =	ssyncadd.s32 $0xFFFFC000  }
0x97: {  	[spmem:s2] =	stream.indirect.scatter.add.f32 [tilespmem:s23], [sflag:$0x3], $0x80, s8, s22, $0xb8;
	[tilespmem:$0x1E800] =	vst v63  }
0x98: {  	_ =	swait.ge [sflag:s19], $0x4000  }
0x99: {  	s31 =	simm.s32 $0x100;
	s0 =	simm.s32 $0x800;
	[sflag:s19] =	ssyncset.done $0x0  }
.LBB2_6:
0x9a: {  	s5 =	sadd.s32 $0x80, s31  }
0x9b: {  	[sflag:s19] =	ssyncadd.s32 $0xFFFFC000;
	s6 =	smov.u32 s0;
	s8 =	sadd.s32 $0x400, s0  }
0x9c: {  	[tilespmem:s23], [sflag:$0x2] =	stream.indirect.gather [hbm4b:s4+s22], $0x80, s5, s22, $0xb8;
	[tilespmem:$0x1E800] =	vst v63  }
0x9d: {  	p1 =	sne.s32 s0, $0x4800;
	_ =	swait.ge [sflag:s20], $0x4000  }
0x9e: {  	[sflag:s20] =	ssyncset.done $0x0  }
0x9f: {  	s0 =	sadd.s32 $0x1400, s31;
	[sflag:s20] =	ssyncadd.s32 $0xFFFFC000  }
0xa0: {  	[spmem:s2] =	stream.indirect.scatter.add.f32 [tilespmem:s18], [sflag:$0x3], $0x80, s0, s22, $0xb8;
	[tilespmem:$0x1E800] =	vst v63  }
0xa1: {  	_ =	swait.ge [sflag:s19], $0x4000  }
0xa2: {  	[sflag:s19] =	ssyncset.done $0x0  }
0xa3: {  	s0 =	sadd.s32 $0x100, s31;
	[sflag:s19] =	ssyncadd.s32 $0xFFFFC000  }
0xa4: {  	[tilespmem:s18], [sflag:$0x1] =	stream.indirect.gather [hbm4b:s4+s22], $0x80, s0, s22, $0xb8;
	[tilespmem:$0x1E800] =	vst v63  }
0xa5: {  	_ =	swait.ge [sflag:s21], $0x4000  }
.Ltmp2:
0xa6: {  	[sflag:s21] =	ssyncset.done $0x0;
	(pc) =	sbr.rel @p1 .LBB2_6-.Ltmp2, $4  }
0xa7: {  	s0 =	sadd.s32 $0x1480, s31;
	[sflag:s21] =	ssyncadd.s32 $0xFFFFC000  }
0xa8: {  	[spmem:s2] =	stream.indirect.scatter.add.f32 [tilespmem:s23], [sflag:$0x3], $0x80, s0, s22, $0xb8;
	[tilespmem:$0x1E800] =	vst v63  }
0xa9: {  	_ =	swait.ge [sflag:s19], $0x4000  }
0xaa: {  	s31 =	sshra.s32 s6, $0x2;
	s0 =	smov.u32 s8;
	[sflag:s19] =	ssyncset.done $0x0  }
0xab: {  	s0 =	sadd.s32 $0x80, s31;
	[sflag:s19] =	ssyncadd.s32 $0xFFFFC000  }
0xac: {  	[tilespmem:s23], [sflag:$0x2] =	stream.indirect.gather [hbm4b:s4+s22], $0x80, s0, s22, $0xb8;
	[tilespmem:$0x1E800] =	vst v63  }
0xad: {  	_ =	swait.ge [sflag:s20], $0x4000  }
0xae: {  	[sflag:s20] =	ssyncset.done $0x0  }
0xaf: {  	s6 =	sadd.s32 $0x1400, s31;
	[sflag:s20] =	ssyncadd.s32 $0xFFFFC000  }
0xb0: {  	[spmem:s2] =	stream.indirect.scatter.add.f32 [tilespmem:s18], [sflag:$0x3], $0x80, s6, s22, $0xb8;
	[tilespmem:$0x1E800] =	vst v63  }
0xb1: {  	_ =	swait.ge [sflag:s19], $0x4000  }
0xb2: {  	[sflag:s19] =	ssyncset.done $0x0  }
0xb3: {  	s8 =	sadd.s32 $0x100, s31;
	[sflag:s19] =	ssyncadd.s32 $0xFFFFC000  }
0xb4: {  	[tilespmem:s18], [sflag:$0x1] =	stream.indirect.gather [hbm4b:s4+s22], $0x80, s8, s22, $0xb8;
	[tilespmem:$0x1E800] =	vst v63  }
0xb5: {  	_ =	swait.ge [sflag:s21], $0x4000  }
0xb6: {  	[sflag:s21] =	ssyncset.done $0x0  }
0xb7: {  	s31 =	sadd.s32 $0x1480, s31;
	[sflag:s21] =	ssyncadd.s32 $0xFFFFC000  }
0xb8: {  	[spmem:s2] =	stream.indirect.scatter.add.f32 [tilespmem:s23], [sflag:$0x3], $0x80, s31, s22, $0xb8;
	[tilespmem:$0x1E800] =	vst v63  }
0xb9: {  	_ =	swait.ge [sflag:s19], $0x4000  }
0xba: {  	[sflag:s19] =	ssyncset.done $0x0  }
0xbb: {  	[sflag:s19] =	ssyncadd.s32 $0xFFFFC000  }
0xbc: {  	[tilespmem:s23], [sflag:$0x2] =	stream.indirect.gather [hbm4b:s4+s22], $0x80, s26, s22, $0xb8;
	[tilespmem:$0x1E800] =	vst v63  }
0xbd: {  	_ =	swait.ge [sflag:s20], $0x4000  }
0xbe: {  	[sflag:s20] =	ssyncset.done $0x0  }
0xbf: {  	[sflag:s20] =	ssyncadd.s32 $0xFFFFC000  }
0xc0: {  	[spmem:s2] =	stream.indirect.scatter.add.f32 [tilespmem:s18], [sflag:$0x3], $0x80, s28, s22, $0xb8;
	[tilespmem:$0x1E800] =	vst v63  }
0xc1: {  	_ =	swait.ge [sflag:s19], $0x4000  }
0xc2: {  	[sflag:s19] =	ssyncset.done $0x0  }
0xc3: {  	[sflag:s19] =	ssyncadd.s32 $0xFFFFC000  }
0xc4: {  	_ =	swait.ge [sflag:s21], $0x4000  }
0xc5: {  	[sflag:s21] =	ssyncset.done $0x0  }
0xc6: {  	[sflag:s21] =	ssyncadd.s32 $0xFFFFC000  }
0xc7: {  	[spmem:s2] =	stream.indirect.scatter.add.f32 [tilespmem:s23], [sflag:$0x3], $0x80, s29, s22, $0xb8;
	[tilespmem:$0x1E800] =	vst v63  }
0xc8: {  	_ =	swait.ge [sflag:s19], $0x4000  }
0xc9: {  	[sflag:s19] =	ssyncset.done $0x0  }
0xca: {  	s0 =	sshll.u32 @p0 s1, $0x6;
	[sflag:s19] =	ssyncadd.s32 $0xFFFFC000  }
0xcb: {  	s0 =	sor.u32 @p0 $0x1C03, s0;
	[bflag:$0x0] =	sbarrier.arrive $0xFFFF  }
0xcc: {  	[hbm:s14], [sflag:s0] =	dma.local @p0 [spmem:s24], $0x2400  }
0xcd: {  	s0 =	simm.s32 @p0 $0x3  }
0xce: {  	_ =	swait.ge @p0 [sflag:s0], $0x2400  }
0xcf: {  	s5 =	sshll.u32 @!p0 s1, $0x6;
	s30 =	sadd.s32 $0x1, s30;
	[sflag:s0] =	ssyncset.done @p0 $0x0  }
0xd0: {  	p1 =	sne.s32 s30, s16;
	[sflag:s0] =	ssyncadd.s32 @p0 $0xFFFFDC00;
	s0 =	sor.u32 @!p0 $0x1C03, s5  }
0xd1: {  	[hbm:s15], [sflag:s0] =	dma.local @!p0 [spmem:s25], $0x2780  }
.Ltmp3:
0xd2: {  	_ = 	snop;
	(pc) =	sbr.rel @p1 .LBB2_1-.Ltmp3, $4  }
0xd3: {  	s0 =	simm.s32 @!p0 $0x3  }
0xd4: {  	_ =	swait.ge @!p0 [sflag:s0], $0x2780  }
0xd5: {  	[sflag:s0] =	ssyncset.done @!p0 $0x0  }
0xd6: {  	[sflag:s0] =	ssyncadd.s32 @!p0 $0xFFFFD880  }
0xd7: {  	_ =	sfence.sel $0x180000  }
0xd8: {  	[bflag:$0x0] =	sbarrier.arrive $0xFFFF  }
0xd9: {  	_ =	strace $0x9000004A  }
0xda: {  	[bflag:$0x2] =	sbarrier.arrive $0xFFFF  }
0xdb: {  	p0 =	sne.s32 s1, $0x0;
	s0 =	rddreg [dreg:$0x2]  }
0xdc: {  	s0 =	sadd.s32 @!p0 $0x100000, s0  }
0xdd: {  	[sflag:s0] =	ssyncadd.tile.s32 @!p0 $0x1;
	_ =	shalt  }
.Lfunc_end2:
_tile_overlayer_lowered:
.L_overlay_start_2:
0xde: {  	(tag) =	ssettag $0x2  }
0xdf: {  	s0 =	rddreg [dreg:$0x0];
	s2 =	stileid.u32  }
0xe0: {  	s1 =	rddreg [dreg:$0x1];
	p0 =	sne.s32 s2, $0x0  }
0xe1: {  	s3 =	rddreg [dreg:$0x2];
	[bflag:$0x3] =	sbarrier.arrive $0xFFFF;
	s2 =	simm.s32 @!p0 $0x1C03  }
0xe2: {  	[timem:s3], [sflag:s2] =	dma.local @!p0 [hbm:s0], s1  }
0xe3: {  	s0 =	simm.s32 @!p0 $0x3  }
0xe4: {  	_ =	swait.ge @!p0 [sflag:s0], s1  }
0xe5: {  	s1 =	ssub.s32 @!p0 $0x0, s1;
	[sflag:s0] =	ssyncset.done @!p0 $0x0  }
0xe6: {  	[sflag:s0] =	ssyncadd.s32 @!p0 s1  }
0xe7: {  	[bflag:$0x3] =	sbarrier.arrive $0xFFFF  }
0xe8: {  	_ =	shalt  }

// kernel: kernel.16.cloned.1.call-start
scs
__scs_entry_jumppad:
0x0: {  	(pc) =	sbr.rel $0x88, $3  }
0x1: {  	(tag) =	ssettag $0x0;
	lr =	simm.s32 $0x1  }
0x2: {  	[smem:$0x3F95] =	sst lr;
	_ =	strace $0xD0000000  }
0x3: {  	_ = 	snop  }
0x4: {  	_ = 	snop  }
0x5: {  	_ = 	snop  }
0x6: {  	_ = 	snop  }
0x7: {  	_ = 	snop  }
__scs_overlays_trampoline_lowered:
0x8: {  	[smem:$0x3FA4] =	sst s0  }
0x9: {  	[smem:$0x3FA5] =	sst s1  }
0xa: {  	[smem:$0x3FA6] =	sst s2  }
0xb: {  	[smem:$0x3FA7] =	sst s3  }
0xc: {  	[smem:$0x3FA8] =	sst s4  }
0xd: {  	[smem:$0x3FA9] =	sst s5  }
0xe: {  	[smem:$0x3FAA] =	sst s6  }
0xf: {  	[smem:$0x3FAB] =	sst s7  }
0x10: {  	[smem:$0x3FAC] =	sst s8  }
0x11: {  	[smem:$0x3FAD] =	sst s9;
	s0 =	simm.s32 @!p0 $0x0  }
0x12: {  	s1 =	sld [smem:$0x3F93];
	s0 =	simm.s32 @p0 $0x1  }
0x13: {  	[smem:$0x3FAE] =	sst s0;
	s0 =	simm.s32 @!p1 $0x0  }
0x14: {  	s2 =	sld [smem:$0x3F92];
	s0 =	simm.s32 @p1 $0x1  }
0x15: {  	[smem:$0x3FAF] =	sst s0;
	s0 =	simm.s32 @!p2 $0x0  }
0x16: {  	s3 =	sld [smem:$0x3FDB];
	s0 =	simm.s32 @p2 $0x1  }
0x17: {  	s4 =	simm.s32 $0x1BF5;
	[smem:$0x3FB1] =	sst s0  }
0x18: {  	s0 =	sld [smem:$0x3F94];
	_ =	swait.ge [sflag:s4], $0x0  }
0x19: {  	s7 =	sld [smem:$0x3F95]  }
0x1a: {  	s8 =	sadd.s32 $0xFFFFE003, lr  }
0x1b: {  	s9 =	sadd.s32 $0xFFFFFEF7, lr;
	s5 =	simm.s32 $0xFFFFFFFF;
	p2 =	slt.u32 s8, $0xFFFFF086  }
0x1c: {  	p1 =	slt.u32 s9, $0xF7A;
	s5 =	simm.s32 @!p2 $0x0  }
0x1d: {  	s5 =	simm.s32 @p1 $0x1;
	p0 =	seq.s32 s7, s2  }
0x1e: {  	s7 =	smul.u32 @!p0 $0xF7A, s2;
	p2 =	seq.s32 @!p0 s5, $0x0  }
0x1f: {  	s9 =	smul.u32 $0xF7A, s1;
	s8 =	simm.s32 @!p0 $0x1BF5;
	p2 =	por !p2, p0  }
0x20: {  	[sflag:s8] =	ssyncset.s32 @!p0 $0xFFFFF086;
	s6 =	sadd.s32 @!p0 s3, s7;
	s7 =	simm.s32 @!p0 $0x108  }
0x21: {  	s3 =	sadd.s32 s3, s9;
	s6 =	sadd.s32 @!p0 $0x88, s6;
	s7 =	simm.s32 @p2 $0x1082  }
0x22: {  	[simem:s7], [sflag:s8] =	dma.local @!p0 [hbm:s6], $0xF7A  }
0x23: {  	s9 =	sor.u32 $0xD0000000, s2;
	s6 =	simm.s32 $0x108;
	_ =	swait.ge @!p0 [sflag:s8], $0x0  }
0x24: {  	s3 =	sadd.s32 $0x88, s3;
	s6 =	simm.s32 @!p1 $0x1082;
	[sflag:s4] =	ssyncset.s32 $0xFFFFF086  }
0x25: {  	[simem:s6], [sflag:s4] =	dma.local [hbm:s3], $0xF7A  }
0x26: {  	[smem:$0x3F95] =	sst s1;
	(tag) =	ssettag s2;
	_ =	strace s9  }
0x27: {  	s1 =	sld [smem:$0x3FA5]  }
0x28: {  	s2 =	sld [smem:$0x3FA6]  }
0x29: {  	s4 =	sld [smem:$0x3FA8]  }
0x2a: {  	p0 =	seq.s32 s5, $0x0;
	s5 =	sld [smem:$0x3FA9]  }
0x2b: {  	s6 =	sld [smem:$0x3FAA]  }
0x2c: {  	s7 =	sld [smem:$0x3FAB]  }
0x2d: {  	s3 =	simm.s32 $0x108;
	s8 =	sld [smem:$0x3FAC]  }
0x2e: {  	s3 =	simm.s32 @!p0 $0x1082;
	s9 =	sld [smem:$0x3FAD]  }
0x2f: {  	lr =	sadd.s32 s0, s3;
	s0 =	sld [smem:$0x3FA4]  }
0x30: {  	s3 =	sld [smem:$0x3FA7]  }
0x31: {  	[smem:$0x3FB0] =	sst s10  }
0x32: {  	s10 =	sld [smem:$0x3FAE];
	_ =	sdelay $0x3  }
0x33: {  	p0 =	seq.s32 s10, $0x1;
	s10 =	sld [smem:$0x3FB0];
	_ =	sdelay $0x3  }
0x34: {  	[smem:$0x3FB0] =	sst s10  }
0x35: {  	s10 =	sld [smem:$0x3FAF];
	_ =	sdelay $0x3  }
0x36: {  	p1 =	seq.s32 s10, $0x1;
	s10 =	sld [smem:$0x3FB0];
	_ =	sdelay $0x3  }
0x37: {  	[smem:$0x3FB0] =	sst s10  }
0x38: {  	s10 =	sld [smem:$0x3FB1]  }
0x39: {  	_ = 	snop;
	(pc) =	sbr.ind lr, $3  }
0x3a: {  	_ = 	snop  }
0x3b: {  	_ = 	snop  }
0x3c: {  	p2 =	seq.s32 s10, $0x1;
	s10 =	sld [smem:$0x3FB0]  }
0x3d: {  	_ =	shalt  }
0x3e: {  	_ =	shalt  }
0x3f: {  	_ =	shalt  }
0x40: {  	_ =	shalt  }
0x41: {  	_ =	shalt  }
0x42: {  	_ =	shalt  }
0x43: {  	_ =	shalt  }
0x44: {  	_ =	shalt  }
0x45: {  	_ =	shalt  }
0x46: {  	_ =	shalt  }
0x47: {  	_ =	shalt  }
0x48: {  	_ =	shalt  }
0x49: {  	_ =	shalt  }
0x4a: {  	_ =	shalt  }
0x4b: {  	_ =	shalt  }
0x4c: {  	_ =	shalt  }
0x4d: {  	_ =	shalt  }
0x4e: {  	_ =	shalt  }
0x4f: {  	_ =	shalt  }
0x50: {  	_ =	shalt  }
0x51: {  	_ =	shalt  }
0x52: {  	_ =	shalt  }
0x53: {  	_ =	shalt  }
0x54: {  	_ =	shalt  }
0x55: {  	_ =	shalt  }
0x56: {  	_ =	shalt  }
0x57: {  	_ =	shalt  }
0x58: {  	_ =	shalt  }
0x59: {  	_ =	shalt  }
0x5a: {  	_ =	shalt  }
0x5b: {  	_ =	shalt  }
0x5c: {  	_ =	shalt  }
0x5d: {  	_ =	shalt  }
0x5e: {  	_ =	shalt  }
0x5f: {  	_ =	shalt  }
0x60: {  	_ =	shalt  }
0x61: {  	_ =	shalt  }
0x62: {  	_ =	shalt  }
0x63: {  	_ =	shalt  }
0x64: {  	_ =	shalt  }
0x65: {  	_ =	shalt  }
0x66: {  	_ =	shalt  }
0x67: {  	_ =	shalt  }
0x68: {  	_ =	shalt  }
0x69: {  	_ =	shalt  }
0x6a: {  	_ =	shalt  }
0x6b: {  	_ =	shalt  }
0x6c: {  	_ =	shalt  }
0x6d: {  	_ =	shalt  }
0x6e: {  	_ =	shalt  }
0x6f: {  	_ =	shalt  }
0x70: {  	_ =	shalt  }
0x71: {  	_ =	shalt  }
0x72: {  	_ =	shalt  }
0x73: {  	_ =	shalt  }
0x74: {  	_ =	shalt  }
0x75: {  	_ =	shalt  }
0x76: {  	_ =	shalt  }
0x77: {  	_ =	shalt  }
0x78: {  	_ =	shalt  }
0x79: {  	_ =	shalt  }
0x7a: {  	_ =	shalt  }
0x7b: {  	_ =	shalt  }
0x7c: {  	_ =	shalt  }
0x7d: {  	_ =	shalt  }
0x7e: {  	_ =	shalt  }
0x7f: {  	_ =	shalt  }
0x80: {  	_ =	shalt  }
0x81: {  	_ =	shalt  }
0x82: {  	_ =	shalt  }
0x83: {  	_ =	shalt  }
0x84: {  	_ =	shalt  }
0x85: {  	_ =	shalt  }
0x86: {  	_ =	shalt  }
0x87: {  	_ =	shalt  }
.Lfunc_end0:
.L_simem_size_0:
called_computation.2_lowered:
.L_overlay_start_0:
0x88: {  	s2 =	sld [smem:$0x3FD9]  }
0x89: {  	s3 =	sld [smem:$0x3FFE];
	_ =	sdelay $0x1  }
0x8a: {  	s1 =	srdreg.scid  }
0x8b: {  	s0 =	sand.u32 $0x1, s1  }
0x8c: {  	s16 =	sshll.u32 s0, $0xA;
	s2 =	sadd.s32 s3, s2  }
0x8d: {  	s2 =	sadd.s32 s2, s16  }
0x8e: {  	[smem:$0x3FBC] =	sst s2  }
0x8f: {  	_ = 	snop  }
0x90: {  	(tm) =	ssettm $0x1  }
0x91: {  	s17 =	sld [smem:$0x3FFB];
	_ =	sdelay $0x3  }
0x92: {  	_ =	strace s17  }
0x93: {  	s2 =	sld [smem:$0x3FFC];
	_ =	sdelay $0x3  }
0x94: {  	_ =	strace s2  }
0x95: {  	s2 =	sld [smem:$0x3FFD];
	_ =	sdelay $0x3  }
0x96: {  	_ =	strace s2  }
0x97: {  	_ =	strace $0x8FFFFFFF  }
0x98: {  	s18 =	sld [smem:$0x3FDB];
	_ =	sdelay $0x1  }
0x99: {  	s19 =	simm.s32 $_scs_section_size  }
0x9a: {  	s4 =	simm.s32 $_size__tile_overlayer_lowered;
	s5 =	simm.s32 $_tile_overlayer_lowered  }
0x9b: {  	s22 =	simm.s32 $0x1BFF;
	s21 =	sshll.u32 s5, $0x1;
	s2 =	sadd.s32 s19, s18  }
0x9c: {  	s6 =	simm.s32 $0x0;
	s20 =	sshll.u32 s4, $0x1;
	s4 =	sadd.s32 s21, s2  }
0x9d: {  	[timem:s6], [sflag:s22] =	dma.local [hbm:s4], s20  }
0x9e: {  	_ =	swait.ge [sflag:s22], s20  }
0x9f: {  	s3 =	ssub.s32 $0x0, s20;
	[sflag:s22] =	ssyncset.done $0x0  }
0xa0: {  	[sflag:s22] =	ssyncadd.s32 s3;
	_ =	sdelay $0x1  }
0xa1: {  	s23 =	simm.s32 $0x1B8B  }
0xa2: {  	_ =	swait.ge [sflag:s23], $0x1  }
0xa3: {  	[sflag:s23] =	ssyncset.done $0x0  }
0xa4: {  	s25 =	simm.s32 $0x1B8E;
	s24 =	sld [smem:$0x3FFE];
	[sflag:s23] =	ssyncadd.s32 $0xFFFFFFFF  }
0xa5: {  	s26 =	simm.s32 $execute0_lowered;
	[smem:$0x3FD2] =	sst s25  }
0xa6: {  	s4 =	sshll.u32 s26, $0x1;
	_ =	strace $0x8000004C;
	[dreg:$0x1] =	wrdreg $0xFFFFFFFF  }
0xa7: {  	s28 =	simm.s32 $_size_execute0_lowered;
	s2 =	sadd.s32 s2, s4;
	[dreg:$0x0] =	wrdreg $0x0  }
0xa8: {  	s4 =	sshll.u32 s28, $0x1;
	[dreg:$0x2] =	wrdreg s2  }
0xa9: {  	[dreg:$0x3] =	wrdreg s4  }
0xaa: {  	[dreg:$0x4] =	wrdreg $0xC0  }
0xab: {  	_ =	task [dreg:s6], $0x5FFFF  }
0xac: {  	[dreg:$0x1] =	wrdreg $0xFFFFFFFF  }
0xad: {  	[dreg:$0x0] =	wrdreg $0x60  }
0xae: {  	[dreg:$0x2] =	wrdreg s24  }
0xaf: {  	[dreg:$0x3] =	wrdreg $0xA8000  }
0xb0: {  	[dreg:$0x4] =	wrdreg $0x9  }
0xb1: {  	_ =	task.clear_ibuf [dreg:s6], $0x5FFFF;
	_ =	strace $0x9000004C  }
0xb2: {  	s29 =	simm.s32 $0x9;
	_ =	strace $0x8000004E  }
0xb3: {  	_ =	swait.ge [sflag:s29], $0x1  }
0xb4: {  	[sflag:s29] =	ssyncadd.s32 $0xFFFFFFFF  }
0xb5: {  	_ =	strace $0x9000004E  }
0xb6: {  	_ =	sfence  }
0xb7: {  	s30 =	sld [smem:$0x0];
	_ =	sdelay $0x2  }
0xb8: {  	s31 =	sshll.u32 s1, $0xD;
	s1 =	sshrl.u32 s1, $0x2  }
0xb9: {  	s3 =	sand.u32 $0x4000, s31;
	s1 =	sadd.s32 s1, s30  }
0xba: {  	s0 =	sor.u32 s3, s0;
	s1 =	sshll.u32 s1, $0x11  }
0xbb: {  	s0 =	sor.u32 s1, s0  }
0xbc: {  	s0 =	sadd.s32 $0x8F2B, s0  }
0xbd: {  	[sflag:s0] =	ssyncadd.remote.s32 $0x1  }
0xbe: {  	_ =	sfence.sel $0xFFFF  }
0xbf: {  	[dreg:$0x0] =	wrdreg $0xFFFFFFFF;
	(pc) =	sbr.abs _section_cstart, $3  }
0xc0: {  	[dreg:$0x1] =	wrdreg $0xFFFFFFFF  }
0xc1: {  	_ =	task.clear_ibuf [dreg:s6], $0x2FFFF;
	_ =	strace $0x9FFFFFFF  }
0xc2: {  	(tm) =	ssettm $0x7FFFFFFF  }
0xc3: {  	_ =	shalt  }
tec
execute0_lowered:
.L_overlay_start_1:
0x0: {  	(tag) =	ssettag $0x1  }
0x1: {  	s0 =	rddreg [dreg:$0x0]  }
0x2: {  	s2 =	rddreg [dreg:$0x1];
	s4 =	srdreg.scid  }
0x3: {  	s1 =	stileid.u32;
	s3 =	simm.s32 $0x0;
	s20 =	simm.s32 $0x1  }
0x4: {  	s21 =	simm.s32 $0x2;
	s28 =	simm.s32 $0x2700;
	s29 =	simm.s32 $0x2780  }
0x5: {  	s30 =	simm.s32 $0x0;
	s5 =	sand.u32 $0x1, s4;
	s8 =	smul.u32 $0x50000, s1  }
0x6: {  	s22 =	sshll.u32 s1, $0x1;
	[smem:$0x7FF] =	sst s3;
	s15 =	smul.u32 $0x12000, s1  }
0x7: {  	s4 =	sadd.s32 $0x18E00, s0;
	s12 =	sadd.s32 $0xEE00, s0;
	s17 =	smul.u32 $0x13C00, s1  }
0x8: {  	s13 =	sadd.s32 $0x4E00, s0;
	s0 =	sadd.s32 $0x40000, s0;
	s19 =	smul.u32 $0x4F000, s1  }
0x9: {  	p0 =	sgt.u32 s1, $0xD;
	s6 =	sor.u32 s5, s22;
	_ =	strace $0x8000004D  }
0xa: {  	s7 =	ssub.s32 $0x2, s5;
	s5 =	smul.u32 $0x138800, s5;
	s22 =	simm.s32 $0x80  }
0xb: {  	s6 =	smul.u32 $0x2800, s6;
	s9 =	sshrl.u32 s7, $0x1;
	s23 =	sshrl.u32 s8, $0x2  }
0xc: {  	s15 =	sadd.s32 $0x18800, s15;
	s31 =	sshrl.u32 s19, $0x2;
	s19 =	simm.s32 $0x3  }
0xd: {  	s16 =	ssub.s32 s7, s9;
	s7 =	sadd.s32 s23, s2;
	s18 =	sadd.s32 s5, s15  }
0xe: {  	s5 =	sadd.s32 s17, s5;
	s17 =	simm.s32 $0x1400;
	s23 =	simm.s32 $0x6800  }
0xf: {  	s14 =	sshrl.u32 s6, $0x3;
	s25 =	sadd.s32 $0x4000, s7;
	s9 =	sadd.s32 $0x8000, s7  }
0x10: {  	s10 =	sadd.s32 $0xC000, s7;
	s11 =	sadd.s32 $0x10000, s7;
	s26 =	sshrl.u32 s18, $0x3  }
0x11: {  	s5 =	sshrl.u32 s5, $0x3;
	s6 =	sadd.s32 s12, s14;
	[dreg:$0x5] =	wrdreg s25  }
0x12: {  	s16 =	smax.u32 s16, $0x1;
	s24 =	sadd.s32 s13, s14;
	[dreg:$0x3] =	wrdreg s6  }
0x13: {  	s18 =	simm.s32 $0x2800;
	s14 =	sadd.s32 $0x280, s14;
	[dreg:$0x4] =	wrdreg s24  }
0x14: {  	s12 =	sadd.s32 s12, s14;
	s13 =	sadd.s32 s13, s14;
	s14 =	sadd.s32 s0, s26  }
0x15: {  	s24 =	sadd.s32 s15, s2;
	s15 =	sadd.s32 s0, s5;
	s0 =	sadd.s32 s31, s2  }
0x16: {  	v0 =	vimm.f32 $0.0e+00;
	s26 =	simm.s32 $0x1380;
	s24 =	sshrl.u32 @p0 s24, $0x3;
	s25 =	sshrl.u32 @!p0 s0, $0x3  }
.LBB2_1:
0x17: {  	s0 =	rddreg [dreg:$0x3];
	s8 =	sand.u32 $0xFE00, s3  }
0x18: {  	[tilespmem:s3], [sflag:$0x1] =	stream.linear.gather [hbm4b:s0+s3], $0x1400, $0x38;
	[tilespmem:$0x1E800] =	vst v63  }
0x19: {  	s6 =	rddreg [dreg:$0x4];
	s5 =	sand.u32 $0x70, s3;
	s0 =	sshrl.u32 s8, $0x2  }
0x1a: {  	s31 =	simm.s32 $0x40;
	s5 =	sor.u32 s5, s0;
	s0 =	simm.s32 $0x0  }
0x1b: {  	[tilespmem:s17], [sflag:$0x2] =	stream.linear.gather [hbm4b:s6+s3], $0x1400, $0x38;
	[tilespmem:$0x1E800] =	vst v63  }
.LBB2_2:
0x1c: {  	p1 =	sne.s32 s31, $0xFFC0  }
0x1d: {  	[tilespmem:s5+$0x2800] =	vst v0;
	s0 =	sadd.s32 $0x10, s0;
	s5 =	smov.u32 s31;
	s31 =	sadd.s32 $0x40, s31  }
.Ltmp0:
0x1e: {  	(pc) =	sbr.rel @p1 .LBB2_2-.Ltmp0, $4  }
0x1f: {  	_ = 	snop  }
0x20: {  	s5 =	sand.u32 $0xFE00, s5  }
0x21: {  	s6 =	sand.u32 $0x70, s0;
	s5 =	sshrl.u32 s5, $0x2  }
0x22: {  	s5 =	sor.u32 s6, s5  }
0x23: {  	[tilespmem:s5+$0x2800] =	vst v0  }
0x24: {  	[spmem:s7] =	stream.linear.scatter [tilespmem:s18], [sflag:$0x3], $0x4000, $0x38;
	[tilespmem:$0x1E800] =	vst v63  }
0x25: {  	_ =	swait.ge [sflag:s19], $0x4000  }
0x26: {  	[sflag:s19] =	ssyncset.done $0x0  }
0x27: {  	s0 =	rddreg [dreg:$0x5];
	[sflag:s19] =	ssyncadd.s32 $0xFFFFC000  }
0x28: {  	[spmem:s0] =	stream.linear.scatter [tilespmem:s18], [sflag:$0x3], $0x4000, $0x38;
	[tilespmem:$0x1E800] =	vst v63  }
0x29: {  	_ =	swait.ge [sflag:s19], $0x4000  }
0x2a: {  	[sflag:s19] =	ssyncset.done $0x0  }
0x2b: {  	[sflag:s19] =	ssyncadd.s32 $0xFFFFC000  }
0x2c: {  	[spmem:s9] =	stream.linear.scatter [tilespmem:s18], [sflag:$0x3], $0x4000, $0x38;
	[tilespmem:$0x1E800] =	vst v63  }
0x2d: {  	_ =	swait.ge [sflag:s19], $0x4000  }
0x2e: {  	[sflag:s19] =	ssyncset.done $0x0  }
0x2f: {  	[sflag:s19] =	ssyncadd.s32 $0xFFFFC000  }
0x30: {  	[spmem:s10] =	stream.linear.scatter [tilespmem:s18], [sflag:$0x3], $0x4000, $0x38;
	[tilespmem:$0x1E800] =	vst v63  }
0x31: {  	_ =	swait.ge [sflag:s19], $0x4000  }
0x32: {  	[sflag:s19] =	ssyncset.done $0x0  }
0x33: {  	[sflag:s19] =	ssyncadd.s32 $0xFFFFC000  }
0x34: {  	[spmem:s11] =	stream.linear.scatter [tilespmem:s18], [sflag:$0x3], $0x4000, $0x38;
	[tilespmem:$0x1E800] =	vst v63  }
0x35: {  	_ =	swait.ge [sflag:s19], $0x4000  }
0x36: {  	[sflag:s19] =	ssyncset.done $0x0  }
0x37: {  	[sflag:s19] =	ssyncadd.s32 $0xFFFFC000  }
0x38: {  	_ =	swait.ge [sflag:s20], $0x1400  }
0x39: {  	[sflag:s20] =	ssyncset.done $0x0  }
0x3a: {  	[sflag:s20] =	ssyncadd.s32 $0xFFFFEC00  }
0x3b: {  	_ =	swait.ge [sflag:s21], $0x1400  }
0x3c: {  	[sflag:s21] =	ssyncset.done $0x0  }
0x3d: {  	[sflag:s21] =	ssyncadd.s32 $0xFFFFEC00  }
0x3e: {  	s6 =	simm.s32 $0x0;
	[bflag:$0x0] =	sbarrier.arrive $0xFFFF  }
0x3f: {  	[tilespmem:s18], [sflag:$0x1] =	stream.indirect.gather [hbm4b:s4+s22], $0x80, s6, s22, $0xb8;
	[tilespmem:$0x1E800] =	vst v63  }
0x40: {  	s8 =	simm.s32 $0x80  }
0x41: {  	[tilespmem:s23], [sflag:$0x2] =	stream.indirect.gather [hbm4b:s4+s22], $0x80, s8, s22, $0xb8;
	[tilespmem:$0x1E800] =	vst v63  }
0x42: {  	_ =	swait.ge [sflag:s20], $0x4000  }
0x43: {  	[sflag:s20] =	ssyncset.done $0x0  }
0x44: {  	s5 =	simm.s32 $0x1400;
	[sflag:s20] =	ssyncadd.s32 $0xFFFFC000  }
0x45: {  	[spmem:s2] =	stream.indirect.scatter.add.f32 [tilespmem:s18], [sflag:$0x3], $0x80, s5, s22, $0xb8;
	[tilespmem:$0x1E800] =	vst v63  }
0x46: {  	_ =	swait.ge [sflag:s19], $0x4000  }
0x47: {  	[sflag:s19] =	ssyncset.done $0x0  }
0x48: {  	s6 =	simm.s32 $0x100;
	[sflag:s19] =	ssyncadd.s32 $0xFFFFC000  }
0x49: {  	[tilespmem:s18], [sflag:$0x1] =	stream.indirect.gather [hbm4b:s4+s22], $0x80, s6, s22, $0xb8;
	[tilespmem:$0x1E800] =	vst v63  }
0x4a: {  	_ =	swait.ge [sflag:s21], $0x4000  }
0x4b: {  	[sflag:s21] =	ssyncset.done $0x0  }
0x4c: {  	s8 =	simm.s32 $0x1480;
	[sflag:s21] =	ssyncadd.s32 $0xFFFFC000  }
0x4d: {  	[spmem:s2] =	stream.indirect.scatter.add.f32 [tilespmem:s23], [sflag:$0x3], $0x80, s8, s22, $0xb8;
	[tilespmem:$0x1E800] =	vst v63  }
0x4e: {  	_ =	swait.ge [sflag:s19], $0x4000  }
0x4f: {  	s31 =	simm.s32 $0x100;
	s0 =	simm.s32 $0x800;
	[sflag:s19] =	ssyncset.done $0x0  }
.LBB2_4:
0x50: {  	s5 =	sadd.s32 $0x80, s31  }
0x51: {  	[sflag:s19] =	ssyncadd.s32 $0xFFFFC000;
	s6 =	smov.u32 s0;
	s8 =	sadd.s32 $0x400, s0  }
0x52: {  	[tilespmem:s23], [sflag:$0x2] =	stream.indirect.gather [hbm4b:s4+s22], $0x80, s5, s22, $0xb8;
	[tilespmem:$0x1E800] =	vst v63  }
0x53: {  	p1 =	sne.s32 s0, $0x4800;
	_ =	swait.ge [sflag:s20], $0x4000  }
0x54: {  	[sflag:s20] =	ssyncset.done $0x0  }
0x55: {  	s0 =	sadd.s32 $0x1400, s31;
	[sflag:s20] =	ssyncadd.s32 $0xFFFFC000  }
0x56: {  	[spmem:s2] =	stream.indirect.scatter.add.f32 [tilespmem:s18], [sflag:$0x3], $0x80, s0, s22, $0xb8;
	[tilespmem:$0x1E800] =	vst v63  }
0x57: {  	_ =	swait.ge [sflag:s19], $0x4000  }
0x58: {  	[sflag:s19] =	ssyncset.done $0x0  }
0x59: {  	s0 =	sadd.s32 $0x100, s31;
	[sflag:s19] =	ssyncadd.s32 $0xFFFFC000  }
0x5a: {  	[tilespmem:s18], [sflag:$0x1] =	stream.indirect.gather [hbm4b:s4+s22], $0x80, s0, s22, $0xb8;
	[tilespmem:$0x1E800] =	vst v63  }
0x5b: {  	_ =	swait.ge [sflag:s21], $0x4000  }
.Ltmp1:
0x5c: {  	[sflag:s21] =	ssyncset.done $0x0;
	(pc) =	sbr.rel @p1 .LBB2_4-.Ltmp1, $4  }
0x5d: {  	s0 =	sadd.s32 $0x1480, s31;
	[sflag:s21] =	ssyncadd.s32 $0xFFFFC000  }
0x5e: {  	[spmem:s2] =	stream.indirect.scatter.add.f32 [tilespmem:s23], [sflag:$0x3], $0x80, s0, s22, $0xb8;
	[tilespmem:$0x1E800] =	vst v63  }
0x5f: {  	_ =	swait.ge [sflag:s19], $0x4000  }
0x60: {  	s31 =	sshra.s32 s6, $0x2;
	s0 =	smov.u32 s8;
	[sflag:s19] =	ssyncset.done $0x0  }
0x61: {  	s0 =	sadd.s32 $0x80, s31;
	[sflag:s19] =	ssyncadd.s32 $0xFFFFC000  }
0x62: {  	[tilespmem:s23], [sflag:$0x2] =	stream.indirect.gather [hbm4b:s4+s22], $0x80, s0, s22, $0xb8;
	[tilespmem:$0x1E800] =	vst v63  }
0x63: {  	_ =	swait.ge [sflag:s20], $0x4000  }
0x64: {  	[sflag:s20] =	ssyncset.done $0x0  }
0x65: {  	s6 =	sadd.s32 $0x1400, s31;
	[sflag:s20] =	ssyncadd.s32 $0xFFFFC000  }
0x66: {  	[spmem:s2] =	stream.indirect.scatter.add.f32 [tilespmem:s18], [sflag:$0x3], $0x80, s6, s22, $0xb8;
	[tilespmem:$0x1E800] =	vst v63  }
0x67: {  	_ =	swait.ge [sflag:s19], $0x4000  }
0x68: {  	[sflag:s19] =	ssyncset.done $0x0  }
0x69: {  	s8 =	sadd.s32 $0x100, s31;
	[sflag:s19] =	ssyncadd.s32 $0xFFFFC000  }
0x6a: {  	[tilespmem:s18], [sflag:$0x1] =	stream.indirect.gather [hbm4b:s4+s22], $0x80, s8, s22, $0xb8;
	[tilespmem:$0x1E800] =	vst v63  }
0x6b: {  	_ =	swait.ge [sflag:s21], $0x4000  }
0x6c: {  	[sflag:s21] =	ssyncset.done $0x0  }
0x6d: {  	s5 =	sadd.s32 $0x1480, s31;
	[sflag:s21] =	ssyncadd.s32 $0xFFFFC000  }
0x6e: {  	[spmem:s2] =	stream.indirect.scatter.add.f32 [tilespmem:s23], [sflag:$0x3], $0x80, s5, s22, $0xb8;
	[tilespmem:$0x1E800] =	vst v63  }
0x6f: {  	_ =	swait.ge [sflag:s19], $0x4000  }
0x70: {  	[sflag:s19] =	ssyncset.done $0x0  }
0x71: {  	[sflag:s19] =	ssyncadd.s32 $0xFFFFC000  }
0x72: {  	[tilespmem:s23], [sflag:$0x2] =	stream.indirect.gather [hbm4b:s4+s22], $0x80, s26, s22, $0xb8;
	[tilespmem:$0x1E800] =	vst v63  }
0x73: {  	_ =	swait.ge [sflag:s20], $0x4000  }
0x74: {  	[sflag:s20] =	ssyncset.done $0x0  }
0x75: {  	[sflag:s20] =	ssyncadd.s32 $0xFFFFC000  }
0x76: {  	[spmem:s2] =	stream.indirect.scatter.add.f32 [tilespmem:s18], [sflag:$0x3], $0x80, s28, s22, $0xb8;
	[tilespmem:$0x1E800] =	vst v63  }
0x77: {  	_ =	swait.ge [sflag:s19], $0x4000  }
0x78: {  	[sflag:s19] =	ssyncset.done $0x0  }
0x79: {  	[sflag:s19] =	ssyncadd.s32 $0xFFFFC000  }
0x7a: {  	_ =	swait.ge [sflag:s21], $0x4000  }
0x7b: {  	[sflag:s21] =	ssyncset.done $0x0  }
0x7c: {  	[sflag:s21] =	ssyncadd.s32 $0xFFFFC000  }
0x7d: {  	[spmem:s2] =	stream.indirect.scatter.add.f32 [tilespmem:s23], [sflag:$0x3], $0x80, s29, s22, $0xb8;
	[tilespmem:$0x1E800] =	vst v63  }
0x7e: {  	_ =	swait.ge [sflag:s19], $0x4000  }
0x7f: {  	[sflag:s19] =	ssyncset.done $0x0  }
0x80: {  	s6 =	simm.s32 $0x0;
	[sflag:s19] =	ssyncadd.s32 $0xFFFFC000  }
0x81: {  	[tilespmem:s6], [sflag:$0x3] =	stream.linear.gather [hbm4b:s12+s6], $0x1400, $0x38;
	[tilespmem:$0x1E800] =	vst v63  }
0x82: {  	_ =	swait.ge [sflag:s19], $0x1400  }
0x83: {  	[sflag:s19] =	ssyncset.done $0x0  }
0x84: {  	[sflag:s19] =	ssyncadd.s32 $0xFFFFEC00  }
0x85: {  	[tilespmem:s17], [sflag:$0x3] =	stream.linear.gather [hbm4b:s13+s6], $0x1400, $0x38;
	[tilespmem:$0x1E800] =	vst v63  }
0x86: {  	_ =	swait.ge [sflag:s19], $0x1400  }
0x87: {  	[sflag:s19] =	ssyncset.done $0x0  }
0x88: {  	[sflag:s19] =	ssyncadd.s32 $0xFFFFEC00  }
0x89: {  	[tilespmem:s18], [sflag:$0x1] =	stream.indirect.gather [hbm4b:s4+s22], $0x80, s6, s22, $0xb8;
	[tilespmem:$0x1E800] =	vst v63  }
0x8a: {  	s8 =	simm.s32 $0x80  }
0x8b: {  	[tilespmem:s23], [sflag:$0x2] =	stream.indirect.gather [hbm4b:s4+s22], $0x80, s8, s22, $0xb8;
	[tilespmem:$0x1E800] =	vst v63  }
0x8c: {  	_ =	swait.ge [sflag:s20], $0x4000  }
0x8d: {  	[sflag:s20] =	ssyncset.done $0x0  }
0x8e: {  	s5 =	simm.s32 $0x1400;
	[sflag:s20] =	ssyncadd.s32 $0xFFFFC000  }
0x8f: {  	[spmem:s2] =	stream.indirect.scatter.add.f32 [tilespmem:s18], [sflag:$0x3], $0x80, s5, s22, $0xb8;
	[tilespmem:$0x1E800] =	vst v63  }
0x90: {  	_ =	swait.ge [sflag:s19], $0x4000  }
0x91: {  	[sflag:s19] =	ssyncset.done $0x0  }
0x92: {  	s6 =	simm.s32 $0x100;
	[sflag:s19] =	ssyncadd.s32 $0xFFFFC000  }
0x93: {  	[tilespmem:s18], [sflag:$0x1] =	stream.indirect.gather [hbm4b:s4+s22], $0x80, s6, s22, $0xb8;
	[tilespmem:$0x1E800] =	vst v63  }
0x94: {  	_ =	swait.ge [sflag:s21], $0x4000  }
0x95: {  	[sflag:s21] =	ssyncset.done $0x0  }
0x96: {  	s8 =	simm.s32 $0x1480;
	[sflag:s21] =	ssyncadd.s32 $0xFFFFC000  }
0x97: {  	[spmem:s2] =	stream.indirect.scatter.add.f32 [tilespmem:s23], [sflag:$0x3], $0x80, s8, s22, $0xb8;
	[tilespmem:$0x1E800] =	vst v63  }
0x98: {  	_ =	swait.ge [sflag:s19], $0x4000  }
0x99: {  	s31 =	simm.s32 $0x100;
	s0 =	simm.s32 $0x800;
	[sflag:s19] =	ssyncset.done $0x0  }
.LBB2_6:
0x9a: {  	s5 =	sadd.s32 $0x80, s31  }
0x9b: {  	[sflag:s19] =	ssyncadd.s32 $0xFFFFC000;
	s6 =	smov.u32 s0;
	s8 =	sadd.s32 $0x400, s0  }
0x9c: {  	[tilespmem:s23], [sflag:$0x2] =	stream.indirect.gather [hbm4b:s4+s22], $0x80, s5, s22, $0xb8;
	[tilespmem:$0x1E800] =	vst v63  }
0x9d: {  	p1 =	sne.s32 s0, $0x4800;
	_ =	swait.ge [sflag:s20], $0x4000  }
0x9e: {  	[sflag:s20] =	ssyncset.done $0x0  }
0x9f: {  	s0 =	sadd.s32 $0x1400, s31;
	[sflag:s20] =	ssyncadd.s32 $0xFFFFC000  }
0xa0: {  	[spmem:s2] =	stream.indirect.scatter.add.f32 [tilespmem:s18], [sflag:$0x3], $0x80, s0, s22, $0xb8;
	[tilespmem:$0x1E800] =	vst v63  }
0xa1: {  	_ =	swait.ge [sflag:s19], $0x4000  }
0xa2: {  	[sflag:s19] =	ssyncset.done $0x0  }
0xa3: {  	s0 =	sadd.s32 $0x100, s31;
	[sflag:s19] =	ssyncadd.s32 $0xFFFFC000  }
0xa4: {  	[tilespmem:s18], [sflag:$0x1] =	stream.indirect.gather [hbm4b:s4+s22], $0x80, s0, s22, $0xb8;
	[tilespmem:$0x1E800] =	vst v63  }
0xa5: {  	_ =	swait.ge [sflag:s21], $0x4000  }
.Ltmp2:
0xa6: {  	[sflag:s21] =	ssyncset.done $0x0;
	(pc) =	sbr.rel @p1 .LBB2_6-.Ltmp2, $4  }
0xa7: {  	s0 =	sadd.s32 $0x1480, s31;
	[sflag:s21] =	ssyncadd.s32 $0xFFFFC000  }
0xa8: {  	[spmem:s2] =	stream.indirect.scatter.add.f32 [tilespmem:s23], [sflag:$0x3], $0x80, s0, s22, $0xb8;
	[tilespmem:$0x1E800] =	vst v63  }
0xa9: {  	_ =	swait.ge [sflag:s19], $0x4000  }
0xaa: {  	s31 =	sshra.s32 s6, $0x2;
	s0 =	smov.u32 s8;
	[sflag:s19] =	ssyncset.done $0x0  }
0xab: {  	s0 =	sadd.s32 $0x80, s31;
	[sflag:s19] =	ssyncadd.s32 $0xFFFFC000  }
0xac: {  	[tilespmem:s23], [sflag:$0x2] =	stream.indirect.gather [hbm4b:s4+s22], $0x80, s0, s22, $0xb8;
	[tilespmem:$0x1E800] =	vst v63  }
0xad: {  	_ =	swait.ge [sflag:s20], $0x4000  }
0xae: {  	[sflag:s20] =	ssyncset.done $0x0  }
0xaf: {  	s6 =	sadd.s32 $0x1400, s31;
	[sflag:s20] =	ssyncadd.s32 $0xFFFFC000  }
0xb0: {  	[spmem:s2] =	stream.indirect.scatter.add.f32 [tilespmem:s18], [sflag:$0x3], $0x80, s6, s22, $0xb8;
	[tilespmem:$0x1E800] =	vst v63  }
0xb1: {  	_ =	swait.ge [sflag:s19], $0x4000  }
0xb2: {  	[sflag:s19] =	ssyncset.done $0x0  }
0xb3: {  	s8 =	sadd.s32 $0x100, s31;
	[sflag:s19] =	ssyncadd.s32 $0xFFFFC000  }
0xb4: {  	[tilespmem:s18], [sflag:$0x1] =	stream.indirect.gather [hbm4b:s4+s22], $0x80, s8, s22, $0xb8;
	[tilespmem:$0x1E800] =	vst v63  }
0xb5: {  	_ =	swait.ge [sflag:s21], $0x4000  }
0xb6: {  	[sflag:s21] =	ssyncset.done $0x0  }
0xb7: {  	s31 =	sadd.s32 $0x1480, s31;
	[sflag:s21] =	ssyncadd.s32 $0xFFFFC000  }
0xb8: {  	[spmem:s2] =	stream.indirect.scatter.add.f32 [tilespmem:s23], [sflag:$0x3], $0x80, s31, s22, $0xb8;
	[tilespmem:$0x1E800] =	vst v63  }
0xb9: {  	_ =	swait.ge [sflag:s19], $0x4000  }
0xba: {  	[sflag:s19] =	ssyncset.done $0x0  }
0xbb: {  	[sflag:s19] =	ssyncadd.s32 $0xFFFFC000  }
0xbc: {  	[tilespmem:s23], [sflag:$0x2] =	stream.indirect.gather [hbm4b:s4+s22], $0x80, s26, s22, $0xb8;
	[tilespmem:$0x1E800] =	vst v63  }
0xbd: {  	_ =	swait.ge [sflag:s20], $0x4000  }
0xbe: {  	[sflag:s20] =	ssyncset.done $0x0  }
0xbf: {  	[sflag:s20] =	ssyncadd.s32 $0xFFFFC000  }
0xc0: {  	[spmem:s2] =	stream.indirect.scatter.add.f32 [tilespmem:s18], [sflag:$0x3], $0x80, s28, s22, $0xb8;
	[tilespmem:$0x1E800] =	vst v63  }
0xc1: {  	_ =	swait.ge [sflag:s19], $0x4000  }
0xc2: {  	[sflag:s19] =	ssyncset.done $0x0  }
0xc3: {  	[sflag:s19] =	ssyncadd.s32 $0xFFFFC000  }
0xc4: {  	_ =	swait.ge [sflag:s21], $0x4000  }
0xc5: {  	[sflag:s21] =	ssyncset.done $0x0  }
0xc6: {  	[sflag:s21] =	ssyncadd.s32 $0xFFFFC000  }
0xc7: {  	[spmem:s2] =	stream.indirect.scatter.add.f32 [tilespmem:s23], [sflag:$0x3], $0x80, s29, s22, $0xb8;
	[tilespmem:$0x1E800] =	vst v63  }
0xc8: {  	_ =	swait.ge [sflag:s19], $0x4000  }
0xc9: {  	[sflag:s19] =	ssyncset.done $0x0  }
0xca: {  	s0 =	sshll.u32 @p0 s1, $0x6;
	[sflag:s19] =	ssyncadd.s32 $0xFFFFC000  }
0xcb: {  	s0 =	sor.u32 @p0 $0x1C03, s0;
	[bflag:$0x0] =	sbarrier.arrive $0xFFFF  }
0xcc: {  	[hbm:s14], [sflag:s0] =	dma.local @p0 [spmem:s24], $0x2400  }
0xcd: {  	s0 =	simm.s32 @p0 $0x3  }
0xce: {  	_ =	swait.ge @p0 [sflag:s0], $0x2400  }
0xcf: {  	s5 =	sshll.u32 @!p0 s1, $0x6;
	s30 =	sadd.s32 $0x1, s30;
	[sflag:s0] =	ssyncset.done @p0 $0x0  }
0xd0: {  	p1 =	sne.s32 s30, s16;
	[sflag:s0] =	ssyncadd.s32 @p0 $0xFFFFDC00;
	s0 =	sor.u32 @!p0 $0x1C03, s5  }
0xd1: {  	[hbm:s15], [sflag:s0] =	dma.local @!p0 [spmem:s25], $0x2780  }
.Ltmp3:
0xd2: {  	_ = 	snop;
	(pc) =	sbr.rel @p1 .LBB2_1-.Ltmp3, $4  }
0xd3: {  	s0 =	simm.s32 @!p0 $0x3  }
0xd4: {  	_ =	swait.ge @!p0 [sflag:s0], $0x2780  }
0xd5: {  	[sflag:s0] =	ssyncset.done @!p0 $0x0  }
0xd6: {  	[sflag:s0] =	ssyncadd.s32 @!p0 $0xFFFFD880  }
0xd7: {  	_ =	sfence.sel $0x180000  }
0xd8: {  	[bflag:$0x0] =	sbarrier.arrive $0xFFFF  }
0xd9: {  	_ =	strace $0x9000004D  }
0xda: {  	[bflag:$0x2] =	sbarrier.arrive $0xFFFF  }
0xdb: {  	p0 =	sne.s32 s1, $0x0;
	s0 =	rddreg [dreg:$0x2]  }
0xdc: {  	s0 =	sadd.s32 @!p0 $0x100000, s0  }
0xdd: {  	[sflag:s0] =	ssyncadd.tile.s32 @!p0 $0x1;
	_ =	shalt  }
.Lfunc_end2:
_tile_overlayer_lowered:
.L_overlay_start_2:
0xde: {  	(tag) =	ssettag $0x2  }
0xdf: {  	s0 =	rddreg [dreg:$0x0];
	s2 =	stileid.u32  }
0xe0: {  	s1 =	rddreg [dreg:$0x1];
	p0 =	sne.s32 s2, $0x0  }
0xe1: {  	s3 =	rddreg [dreg:$0x2];
	[bflag:$0x3] =	sbarrier.arrive $0xFFFF;
	s2 =	simm.s32 @!p0 $0x1C03  }
0xe2: {  	[timem:s3], [sflag:s2] =	dma.local @!p0 [hbm:s0], s1  }
0xe3: {  	s0 =	simm.s32 @!p0 $0x3  }
0xe4: {  	_ =	swait.ge @!p0 [sflag:s0], s1  }
0xe5: {  	s1 =	ssub.s32 @!p0 $0x0, s1;
	[sflag:s0] =	ssyncset.done @!p0 $0x0  }
0xe6: {  	[sflag:s0] =	ssyncadd.s32 @!p0 s1  }
0xe7: {  	[bflag:$0x3] =	sbarrier.arrive $0xFFFF  }
0xe8: {  	_ =	shalt  }

// kernel: kernel.19.cloned.1.call-start
scs
__scs_entry_jumppad:
0x0: {  	(pc) =	sbr.rel $0x88, $3  }
0x1: {  	(tag) =	ssettag $0x0;
	lr =	simm.s32 $0x1  }
0x2: {  	[smem:$0x3F95] =	sst lr;
	_ =	strace $0xD0000000  }
0x3: {  	_ = 	snop  }
0x4: {  	_ = 	snop  }
0x5: {  	_ = 	snop  }
0x6: {  	_ = 	snop  }
0x7: {  	_ = 	snop  }
__scs_overlays_trampoline_lowered:
0x8: {  	[smem:$0x3FA4] =	sst s0  }
0x9: {  	[smem:$0x3FA5] =	sst s1  }
0xa: {  	[smem:$0x3FA6] =	sst s2  }
0xb: {  	[smem:$0x3FA7] =	sst s3  }
0xc: {  	[smem:$0x3FA8] =	sst s4  }
0xd: {  	[smem:$0x3FA9] =	sst s5  }
0xe: {  	[smem:$0x3FAA] =	sst s6  }
0xf: {  	[smem:$0x3FAB] =	sst s7  }
0x10: {  	[smem:$0x3FAC] =	sst s8  }
0x11: {  	[smem:$0x3FAD] =	sst s9;
	s0 =	simm.s32 @!p0 $0x0  }
0x12: {  	s1 =	sld [smem:$0x3F93];
	s0 =	simm.s32 @p0 $0x1  }
0x13: {  	[smem:$0x3FAE] =	sst s0;
	s0 =	simm.s32 @!p1 $0x0  }
0x14: {  	s2 =	sld [smem:$0x3F92];
	s0 =	simm.s32 @p1 $0x1  }
0x15: {  	[smem:$0x3FAF] =	sst s0;
	s0 =	simm.s32 @!p2 $0x0  }
0x16: {  	s3 =	sld [smem:$0x3FDB];
	s0 =	simm.s32 @p2 $0x1  }
0x17: {  	s4 =	simm.s32 $0x1BF5;
	[smem:$0x3FB1] =	sst s0  }
0x18: {  	s0 =	sld [smem:$0x3F94];
	_ =	swait.ge [sflag:s4], $0x0  }
0x19: {  	s7 =	sld [smem:$0x3F95]  }
0x1a: {  	s8 =	sadd.s32 $0xFFFFE003, lr  }
0x1b: {  	s9 =	sadd.s32 $0xFFFFFEF7, lr;
	s5 =	simm.s32 $0xFFFFFFFF;
	p2 =	slt.u32 s8, $0xFFFFF086  }
0x1c: {  	p1 =	slt.u32 s9, $0xF7A;
	s5 =	simm.s32 @!p2 $0x0  }
0x1d: {  	s5 =	simm.s32 @p1 $0x1;
	p0 =	seq.s32 s7, s2  }
0x1e: {  	s7 =	smul.u32 @!p0 $0xF7A, s2;
	p2 =	seq.s32 @!p0 s5, $0x0  }
0x1f: {  	s9 =	smul.u32 $0xF7A, s1;
	s8 =	simm.s32 @!p0 $0x1BF5;
	p2 =	por !p2, p0  }
0x20: {  	[sflag:s8] =	ssyncset.s32 @!p0 $0xFFFFF086;
	s6 =	sadd.s32 @!p0 s3, s7;
	s7 =	simm.s32 @!p0 $0x108  }
0x21: {  	s3 =	sadd.s32 s3, s9;
	s6 =	sadd.s32 @!p0 $0x88, s6;
	s7 =	simm.s32 @p2 $0x1082  }
0x22: {  	[simem:s7], [sflag:s8] =	dma.local @!p0 [hbm:s6], $0xF7A  }
0x23: {  	s9 =	sor.u32 $0xD0000000, s2;
	s6 =	simm.s32 $0x108;
	_ =	swait.ge @!p0 [sflag:s8], $0x0  }
0x24: {  	s3 =	sadd.s32 $0x88, s3;
	s6 =	simm.s32 @!p1 $0x1082;
	[sflag:s4] =	ssyncset.s32 $0xFFFFF086  }
0x25: {  	[simem:s6], [sflag:s4] =	dma.local [hbm:s3], $0xF7A  }
0x26: {  	[smem:$0x3F95] =	sst s1;
	(tag) =	ssettag s2;
	_ =	strace s9  }
0x27: {  	s1 =	sld [smem:$0x3FA5]  }
0x28: {  	s2 =	sld [smem:$0x3FA6]  }
0x29: {  	s4 =	sld [smem:$0x3FA8]  }
0x2a: {  	p0 =	seq.s32 s5, $0x0;
	s5 =	sld [smem:$0x3FA9]  }
0x2b: {  	s6 =	sld [smem:$0x3FAA]  }
0x2c: {  	s7 =	sld [smem:$0x3FAB]  }
0x2d: {  	s3 =	simm.s32 $0x108;
	s8 =	sld [smem:$0x3FAC]  }
0x2e: {  	s3 =	simm.s32 @!p0 $0x1082;
	s9 =	sld [smem:$0x3FAD]  }
0x2f: {  	lr =	sadd.s32 s0, s3;
	s0 =	sld [smem:$0x3FA4]  }
0x30: {  	s3 =	sld [smem:$0x3FA7]  }
0x31: {  	[smem:$0x3FB0] =	sst s10  }
0x32: {  	s10 =	sld [smem:$0x3FAE];
	_ =	sdelay $0x3  }
0x33: {  	p0 =	seq.s32 s10, $0x1;
	s10 =	sld [smem:$0x3FB0];
	_ =	sdelay $0x3  }
0x34: {  	[smem:$0x3FB0] =	sst s10  }
0x35: {  	s10 =	sld [smem:$0x3FAF];
	_ =	sdelay $0x3  }
0x36: {  	p1 =	seq.s32 s10, $0x1;
	s10 =	sld [smem:$0x3FB0];
	_ =	sdelay $0x3  }
0x37: {  	[smem:$0x3FB0] =	sst s10  }
0x38: {  	s10 =	sld [smem:$0x3FB1]  }
0x39: {  	_ = 	snop;
	(pc) =	sbr.ind lr, $3  }
0x3a: {  	_ = 	snop  }
0x3b: {  	_ = 	snop  }
0x3c: {  	p2 =	seq.s32 s10, $0x1;
	s10 =	sld [smem:$0x3FB0]  }
0x3d: {  	_ =	shalt  }
0x3e: {  	_ =	shalt  }
0x3f: {  	_ =	shalt  }
0x40: {  	_ =	shalt  }
0x41: {  	_ =	shalt  }
0x42: {  	_ =	shalt  }
0x43: {  	_ =	shalt  }
0x44: {  	_ =	shalt  }
0x45: {  	_ =	shalt  }
0x46: {  	_ =	shalt  }
0x47: {  	_ =	shalt  }
0x48: {  	_ =	shalt  }
0x49: {  	_ =	shalt  }
0x4a: {  	_ =	shalt  }
0x4b: {  	_ =	shalt  }
0x4c: {  	_ =	shalt  }
0x4d: {  	_ =	shalt  }
0x4e: {  	_ =	shalt  }
0x4f: {  	_ =	shalt  }
0x50: {  	_ =	shalt  }
0x51: {  	_ =	shalt  }
0x52: {  	_ =	shalt  }
0x53: {  	_ =	shalt  }
0x54: {  	_ =	shalt  }
0x55: {  	_ =	shalt  }
0x56: {  	_ =	shalt  }
0x57: {  	_ =	shalt  }
0x58: {  	_ =	shalt  }
0x59: {  	_ =	shalt  }
0x5a: {  	_ =	shalt  }
0x5b: {  	_ =	shalt  }
0x5c: {  	_ =	shalt  }
0x5d: {  	_ =	shalt  }
0x5e: {  	_ =	shalt  }
0x5f: {  	_ =	shalt  }
0x60: {  	_ =	shalt  }
0x61: {  	_ =	shalt  }
0x62: {  	_ =	shalt  }
0x63: {  	_ =	shalt  }
0x64: {  	_ =	shalt  }
0x65: {  	_ =	shalt  }
0x66: {  	_ =	shalt  }
0x67: {  	_ =	shalt  }
0x68: {  	_ =	shalt  }
0x69: {  	_ =	shalt  }
0x6a: {  	_ =	shalt  }
0x6b: {  	_ =	shalt  }
0x6c: {  	_ =	shalt  }
0x6d: {  	_ =	shalt  }
0x6e: {  	_ =	shalt  }
0x6f: {  	_ =	shalt  }
0x70: {  	_ =	shalt  }
0x71: {  	_ =	shalt  }
0x72: {  	_ =	shalt  }
0x73: {  	_ =	shalt  }
0x74: {  	_ =	shalt  }
0x75: {  	_ =	shalt  }
0x76: {  	_ =	shalt  }
0x77: {  	_ =	shalt  }
0x78: {  	_ =	shalt  }
0x79: {  	_ =	shalt  }
0x7a: {  	_ =	shalt  }
0x7b: {  	_ =	shalt  }
0x7c: {  	_ =	shalt  }
0x7d: {  	_ =	shalt  }
0x7e: {  	_ =	shalt  }
0x7f: {  	_ =	shalt  }
0x80: {  	_ =	shalt  }
0x81: {  	_ =	shalt  }
0x82: {  	_ =	shalt  }
0x83: {  	_ =	shalt  }
0x84: {  	_ =	shalt  }
0x85: {  	_ =	shalt  }
0x86: {  	_ =	shalt  }
0x87: {  	_ =	shalt  }
.Lfunc_end0:
.L_simem_size_0:
called_computation.3_lowered:
.L_overlay_start_0:
0x88: {  	s2 =	sld [smem:$0x3FD9]  }
0x89: {  	s3 =	sld [smem:$0x3FFE];
	_ =	sdelay $0x1  }
0x8a: {  	s1 =	srdreg.scid  }
0x8b: {  	s0 =	sand.u32 $0x1, s1  }
0x8c: {  	s16 =	sshll.u32 s0, $0xA;
	s2 =	sadd.s32 s3, s2  }
0x8d: {  	s2 =	sadd.s32 s2, s16  }
0x8e: {  	[smem:$0x3FBC] =	sst s2  }
0x8f: {  	_ = 	snop  }
0x90: {  	(tm) =	ssettm $0x1  }
0x91: {  	s17 =	sld [smem:$0x3FFB];
	_ =	sdelay $0x3  }
0x92: {  	_ =	strace s17  }
0x93: {  	s2 =	sld [smem:$0x3FFC];
	_ =	sdelay $0x3  }
0x94: {  	_ =	strace s2  }
0x95: {  	s2 =	sld [smem:$0x3FFD];
	_ =	sdelay $0x3  }
0x96: {  	_ =	strace s2  }
0x97: {  	_ =	strace $0x8FFFFFFF  }
0x98: {  	s18 =	sld [smem:$0x3FDB];
	_ =	sdelay $0x1  }
0x99: {  	s19 =	simm.s32 $_scs_section_size  }
0x9a: {  	s4 =	simm.s32 $_size__tile_overlayer_lowered;
	s5 =	simm.s32 $_tile_overlayer_lowered  }
0x9b: {  	s22 =	simm.s32 $0x1BFF;
	s21 =	sshll.u32 s5, $0x1;
	s2 =	sadd.s32 s19, s18  }
0x9c: {  	s6 =	simm.s32 $0x0;
	s20 =	sshll.u32 s4, $0x1;
	s4 =	sadd.s32 s21, s2  }
0x9d: {  	[timem:s6], [sflag:s22] =	dma.local [hbm:s4], s20  }
0x9e: {  	_ =	swait.ge [sflag:s22], s20  }
0x9f: {  	s3 =	ssub.s32 $0x0, s20;
	[sflag:s22] =	ssyncset.done $0x0  }
0xa0: {  	[sflag:s22] =	ssyncadd.s32 s3;
	_ =	sdelay $0x1  }
0xa1: {  	s23 =	simm.s32 $0x1B8B  }
0xa2: {  	_ =	swait.ge [sflag:s23], $0x1  }
0xa3: {  	[sflag:s23] =	ssyncset.done $0x0  }
0xa4: {  	s25 =	simm.s32 $0x1B8E;
	s24 =	sld [smem:$0x3FFE];
	[sflag:s23] =	ssyncadd.s32 $0xFFFFFFFF  }
0xa5: {  	s26 =	simm.s32 $execute0_lowered;
	[smem:$0x3FD2] =	sst s25  }
0xa6: {  	s4 =	sshll.u32 s26, $0x1;
	_ =	strace $0x8000004F;
	[dreg:$0x1] =	wrdreg $0xFFFFFFFF  }
0xa7: {  	s28 =	simm.s32 $_size_execute0_lowered;
	s2 =	sadd.s32 s2, s4;
	[dreg:$0x0] =	wrdreg $0x0  }
0xa8: {  	s4 =	sshll.u32 s28, $0x1;
	[dreg:$0x2] =	wrdreg s2  }
0xa9: {  	[dreg:$0x3] =	wrdreg s4  }
0xaa: {  	[dreg:$0x4] =	wrdreg $0xC0  }
0xab: {  	_ =	task [dreg:s6], $0x5FFFF  }
0xac: {  	[dreg:$0x1] =	wrdreg $0xFFFFFFFF  }
0xad: {  	[dreg:$0x0] =	wrdreg $0x60  }
0xae: {  	[dreg:$0x2] =	wrdreg s24  }
0xaf: {  	[dreg:$0x3] =	wrdreg $0xA8000  }
0xb0: {  	[dreg:$0x4] =	wrdreg $0x9  }
0xb1: {  	_ =	task.clear_ibuf [dreg:s6], $0x5FFFF;
	_ =	strace $0x9000004F  }
0xb2: {  	s29 =	simm.s32 $0x9;
	_ =	strace $0x80000051  }
0xb3: {  	_ =	swait.ge [sflag:s29], $0x1  }
0xb4: {  	[sflag:s29] =	ssyncadd.s32 $0xFFFFFFFF  }
0xb5: {  	_ =	strace $0x90000051  }
0xb6: {  	_ =	sfence  }
0xb7: {  	s30 =	sld [smem:$0x0];
	_ =	sdelay $0x2  }
0xb8: {  	s31 =	sshll.u32 s1, $0xD;
	s1 =	sshrl.u32 s1, $0x2  }
0xb9: {  	s3 =	sand.u32 $0x4000, s31;
	s1 =	sadd.s32 s1, s30  }
0xba: {  	s0 =	sor.u32 s3, s0;
	s1 =	sshll.u32 s1, $0x11  }
0xbb: {  	s0 =	sor.u32 s1, s0  }
0xbc: {  	s0 =	sadd.s32 $0x8F2B, s0  }
0xbd: {  	[sflag:s0] =	ssyncadd.remote.s32 $0x1  }
0xbe: {  	_ =	sfence.sel $0xFFFF  }
0xbf: {  	[dreg:$0x0] =	wrdreg $0xFFFFFFFF;
	(pc) =	sbr.abs _section_cstart, $3  }
0xc0: {  	[dreg:$0x1] =	wrdreg $0xFFFFFFFF  }
0xc1: {  	_ =	task.clear_ibuf [dreg:s6], $0x2FFFF;
	_ =	strace $0x9FFFFFFF  }
0xc2: {  	(tm) =	ssettm $0x7FFFFFFF  }
0xc3: {  	_ =	shalt  }
tec
execute0_lowered:
.L_overlay_start_1:
0x0: {  	(tag) =	ssettag $0x1  }
0x1: {  	s0 =	rddreg [dreg:$0x0]  }
0x2: {  	s2 =	rddreg [dreg:$0x1];
	s4 =	srdreg.scid  }
0x3: {  	s1 =	stileid.u32;
	s3 =	simm.s32 $0x0;
	s20 =	simm.s32 $0x1  }
0x4: {  	s21 =	simm.s32 $0x2;
	s28 =	simm.s32 $0x2700;
	s29 =	simm.s32 $0x2780  }
0x5: {  	s30 =	simm.s32 $0x0;
	s5 =	sand.u32 $0x1, s4;
	s8 =	smul.u32 $0x50000, s1  }
0x6: {  	s22 =	sshll.u32 s1, $0x1;
	[smem:$0x7FF] =	sst s3;
	s15 =	smul.u32 $0x12000, s1  }
0x7: {  	s4 =	sadd.s32 $0x18E00, s0;
	s12 =	sadd.s32 $0xEE00, s0;
	s17 =	smul.u32 $0x13C00, s1  }
0x8: {  	s13 =	sadd.s32 $0x4E00, s0;
	s0 =	sadd.s32 $0x40000, s0;
	s19 =	smul.u32 $0x4F000, s1  }
0x9: {  	p0 =	sgt.u32 s1, $0xD;
	s6 =	sor.u32 s5, s22;
	_ =	strace $0x80000050  }
0xa: {  	s7 =	ssub.s32 $0x2, s5;
	s5 =	smul.u32 $0x138800, s5;
	s22 =	simm.s32 $0x80  }
0xb: {  	s6 =	smul.u32 $0x2800, s6;
	s9 =	sshrl.u32 s7, $0x1;
	s23 =	sshrl.u32 s8, $0x2  }
0xc: {  	s15 =	sadd.s32 $0x18800, s15;
	s31 =	sshrl.u32 s19, $0x2;
	s19 =	simm.s32 $0x3  }
0xd: {  	s16 =	ssub.s32 s7, s9;
	s7 =	sadd.s32 s23, s2;
	s18 =	sadd.s32 s5, s15  }
0xe: {  	s5 =	sadd.s32 s17, s5;
	s17 =	simm.s32 $0x1400;
	s23 =	simm.s32 $0x6800  }
0xf: {  	s14 =	sshrl.u32 s6, $0x3;
	s25 =	sadd.s32 $0x4000, s7;
	s9 =	sadd.s32 $0x8000, s7  }
0x10: {  	s10 =	sadd.s32 $0xC000, s7;
	s11 =	sadd.s32 $0x10000, s7;
	s26 =	sshrl.u32 s18, $0x3  }
0x11: {  	s5 =	sshrl.u32 s5, $0x3;
	s6 =	sadd.s32 s12, s14;
	[dreg:$0x5] =	wrdreg s25  }
0x12: {  	s16 =	smax.u32 s16, $0x1;
	s24 =	sadd.s32 s13, s14;
	[dreg:$0x3] =	wrdreg s6  }
0x13: {  	s18 =	simm.s32 $0x2800;
	s14 =	sadd.s32 $0x280, s14;
	[dreg:$0x4] =	wrdreg s24  }
0x14: {  	s12 =	sadd.s32 s12, s14;
	s13 =	sadd.s32 s13, s14;
	s14 =	sadd.s32 s0, s26  }
0x15: {  	s24 =	sadd.s32 s15, s2;
	s15 =	sadd.s32 s0, s5;
	s0 =	sadd.s32 s31, s2  }
0x16: {  	v0 =	vimm.f32 $0.0e+00;
	s26 =	simm.s32 $0x1380;
	s24 =	sshrl.u32 @p0 s24, $0x3;
	s25 =	sshrl.u32 @!p0 s0, $0x3  }
.LBB2_1:
0x17: {  	s0 =	rddreg [dreg:$0x3];
	s8 =	sand.u32 $0xFE00, s3  }
0x18: {  	[tilespmem:s3], [sflag:$0x1] =	stream.linear.gather [hbm4b:s0+s3], $0x1400, $0x38;
	[tilespmem:$0x1E800] =	vst v63  }
0x19: {  	s6 =	rddreg [dreg:$0x4];
	s5 =	sand.u32 $0x70, s3;
	s0 =	sshrl.u32 s8, $0x2  }
0x1a: {  	s31 =	simm.s32 $0x40;
	s5 =	sor.u32 s5, s0;
	s0 =	simm.s32 $0x0  }
0x1b: {  	[tilespmem:s17], [sflag:$0x2] =	stream.linear.gather [hbm4b:s6+s3], $0x1400, $0x38;
	[tilespmem:$0x1E800] =	vst v63  }
.LBB2_2:
0x1c: {  	p1 =	sne.s32 s31, $0xFFC0  }
0x1d: {  	[tilespmem:s5+$0x2800] =	vst v0;
	s0 =	sadd.s32 $0x10, s0;
	s5 =	smov.u32 s31;
	s31 =	sadd.s32 $0x40, s31  }
.Ltmp0:
0x1e: {  	(pc) =	sbr.rel @p1 .LBB2_2-.Ltmp0, $4  }
0x1f: {  	_ = 	snop  }
0x20: {  	s5 =	sand.u32 $0xFE00, s5  }
0x21: {  	s6 =	sand.u32 $0x70, s0;
	s5 =	sshrl.u32 s5, $0x2  }
0x22: {  	s5 =	sor.u32 s6, s5  }
0x23: {  	[tilespmem:s5+$0x2800] =	vst v0  }
0x24: {  	[spmem:s7] =	stream.linear.scatter [tilespmem:s18], [sflag:$0x3], $0x4000, $0x38;
	[tilespmem:$0x1E800] =	vst v63  }
0x25: {  	_ =	swait.ge [sflag:s19], $0x4000  }
0x26: {  	[sflag:s19] =	ssyncset.done $0x0  }
0x27: {  	s0 =	rddreg [dreg:$0x5];
	[sflag:s19] =	ssyncadd.s32 $0xFFFFC000  }
0x28: {  	[spmem:s0] =	stream.linear.scatter [tilespmem:s18], [sflag:$0x3], $0x4000, $0x38;
	[tilespmem:$0x1E800] =	vst v63  }
0x29: {  	_ =	swait.ge [sflag:s19], $0x4000  }
0x2a: {  	[sflag:s19] =	ssyncset.done $0x0  }
0x2b: {  	[sflag:s19] =	ssyncadd.s32 $0xFFFFC000  }
0x2c: {  	[spmem:s9] =	stream.linear.scatter [tilespmem:s18], [sflag:$0x3], $0x4000, $0x38;
	[tilespmem:$0x1E800] =	vst v63  }
0x2d: {  	_ =	swait.ge [sflag:s19], $0x4000  }
0x2e: {  	[sflag:s19] =	ssyncset.done $0x0  }
0x2f: {  	[sflag:s19] =	ssyncadd.s32 $0xFFFFC000  }
0x30: {  	[spmem:s10] =	stream.linear.scatter [tilespmem:s18], [sflag:$0x3], $0x4000, $0x38;
	[tilespmem:$0x1E800] =	vst v63  }
0x31: {  	_ =	swait.ge [sflag:s19], $0x4000  }
0x32: {  	[sflag:s19] =	ssyncset.done $0x0  }
0x33: {  	[sflag:s19] =	ssyncadd.s32 $0xFFFFC000  }
0x34: {  	[spmem:s11] =	stream.linear.scatter [tilespmem:s18], [sflag:$0x3], $0x4000, $0x38;
	[tilespmem:$0x1E800] =	vst v63  }
0x35: {  	_ =	swait.ge [sflag:s19], $0x4000  }
0x36: {  	[sflag:s19] =	ssyncset.done $0x0  }
0x37: {  	[sflag:s19] =	ssyncadd.s32 $0xFFFFC000  }
0x38: {  	_ =	swait.ge [sflag:s20], $0x1400  }
0x39: {  	[sflag:s20] =	ssyncset.done $0x0  }
0x3a: {  	[sflag:s20] =	ssyncadd.s32 $0xFFFFEC00  }
0x3b: {  	_ =	swait.ge [sflag:s21], $0x1400  }
0x3c: {  	[sflag:s21] =	ssyncset.done $0x0  }
0x3d: {  	[sflag:s21] =	ssyncadd.s32 $0xFFFFEC00  }
0x3e: {  	s6 =	simm.s32 $0x0;
	[bflag:$0x0] =	sbarrier.arrive $0xFFFF  }
0x3f: {  	[tilespmem:s18], [sflag:$0x1] =	stream.indirect.gather [hbm4b:s4+s22], $0x80, s6, s22, $0xb8;
	[tilespmem:$0x1E800] =	vst v63  }
0x40: {  	s8 =	simm.s32 $0x80  }
0x41: {  	[tilespmem:s23], [sflag:$0x2] =	stream.indirect.gather [hbm4b:s4+s22], $0x80, s8, s22, $0xb8;
	[tilespmem:$0x1E800] =	vst v63  }
0x42: {  	_ =	swait.ge [sflag:s20], $0x4000  }
0x43: {  	[sflag:s20] =	ssyncset.done $0x0  }
0x44: {  	s5 =	simm.s32 $0x1400;
	[sflag:s20] =	ssyncadd.s32 $0xFFFFC000  }
0x45: {  	[spmem:s2] =	stream.indirect.scatter.add.f32 [tilespmem:s18], [sflag:$0x3], $0x80, s5, s22, $0xb8;
	[tilespmem:$0x1E800] =	vst v63  }
0x46: {  	_ =	swait.ge [sflag:s19], $0x4000  }
0x47: {  	[sflag:s19] =	ssyncset.done $0x0  }
0x48: {  	s6 =	simm.s32 $0x100;
	[sflag:s19] =	ssyncadd.s32 $0xFFFFC000  }
0x49: {  	[tilespmem:s18], [sflag:$0x1] =	stream.indirect.gather [hbm4b:s4+s22], $0x80, s6, s22, $0xb8;
	[tilespmem:$0x1E800] =	vst v63  }
0x4a: {  	_ =	swait.ge [sflag:s21], $0x4000  }
0x4b: {  	[sflag:s21] =	ssyncset.done $0x0  }
0x4c: {  	s8 =	simm.s32 $0x1480;
	[sflag:s21] =	ssyncadd.s32 $0xFFFFC000  }
0x4d: {  	[spmem:s2] =	stream.indirect.scatter.add.f32 [tilespmem:s23], [sflag:$0x3], $0x80, s8, s22, $0xb8;
	[tilespmem:$0x1E800] =	vst v63  }
0x4e: {  	_ =	swait.ge [sflag:s19], $0x4000  }
0x4f: {  	s31 =	simm.s32 $0x100;
	s0 =	simm.s32 $0x800;
	[sflag:s19] =	ssyncset.done $0x0  }
.LBB2_4:
0x50: {  	s5 =	sadd.s32 $0x80, s31  }
0x51: {  	[sflag:s19] =	ssyncadd.s32 $0xFFFFC000;
	s6 =	smov.u32 s0;
	s8 =	sadd.s32 $0x400, s0  }
0x52: {  	[tilespmem:s23], [sflag:$0x2] =	stream.indirect.gather [hbm4b:s4+s22], $0x80, s5, s22, $0xb8;
	[tilespmem:$0x1E800] =	vst v63  }
0x53: {  	p1 =	sne.s32 s0, $0x4800;
	_ =	swait.ge [sflag:s20], $0x4000  }
0x54: {  	[sflag:s20] =	ssyncset.done $0x0  }
0x55: {  	s0 =	sadd.s32 $0x1400, s31;
	[sflag:s20] =	ssyncadd.s32 $0xFFFFC000  }
0x56: {  	[spmem:s2] =	stream.indirect.scatter.add.f32 [tilespmem:s18], [sflag:$0x3], $0x80, s0, s22, $0xb8;
	[tilespmem:$0x1E800] =	vst v63  }
0x57: {  	_ =	swait.ge [sflag:s19], $0x4000  }
0x58: {  	[sflag:s19] =	ssyncset.done $0x0  }
0x59: {  	s0 =	sadd.s32 $0x100, s31;
	[sflag:s19] =	ssyncadd.s32 $0xFFFFC000  }
0x5a: {  	[tilespmem:s18], [sflag:$0x1] =	stream.indirect.gather [hbm4b:s4+s22], $0x80, s0, s22, $0xb8;
	[tilespmem:$0x1E800] =	vst v63  }
0x5b: {  	_ =	swait.ge [sflag:s21], $0x4000  }
.Ltmp1:
0x5c: {  	[sflag:s21] =	ssyncset.done $0x0;
	(pc) =	sbr.rel @p1 .LBB2_4-.Ltmp1, $4  }
0x5d: {  	s0 =	sadd.s32 $0x1480, s31;
	[sflag:s21] =	ssyncadd.s32 $0xFFFFC000  }
0x5e: {  	[spmem:s2] =	stream.indirect.scatter.add.f32 [tilespmem:s23], [sflag:$0x3], $0x80, s0, s22, $0xb8;
	[tilespmem:$0x1E800] =	vst v63  }
0x5f: {  	_ =	swait.ge [sflag:s19], $0x4000  }
0x60: {  	s31 =	sshra.s32 s6, $0x2;
	s0 =	smov.u32 s8;
	[sflag:s19] =	ssyncset.done $0x0  }
0x61: {  	s0 =	sadd.s32 $0x80, s31;
	[sflag:s19] =	ssyncadd.s32 $0xFFFFC000  }
0x62: {  	[tilespmem:s23], [sflag:$0x2] =	stream.indirect.gather [hbm4b:s4+s22], $0x80, s0, s22, $0xb8;
	[tilespmem:$0x1E800] =	vst v63  }
0x63: {  	_ =	swait.ge [sflag:s20], $0x4000  }
0x64: {  	[sflag:s20] =	ssyncset.done $0x0  }
0x65: {  	s6 =	sadd.s32 $0x1400, s31;
	[sflag:s20] =	ssyncadd.s32 $0xFFFFC000  }
0x66: {  	[spmem:s2] =	stream.indirect.scatter.add.f32 [tilespmem:s18], [sflag:$0x3], $0x80, s6, s22, $0xb8;
	[tilespmem:$0x1E800] =	vst v63  }
0x67: {  	_ =	swait.ge [sflag:s19], $0x4000  }
0x68: {  	[sflag:s19] =	ssyncset.done $0x0  }
0x69: {  	s8 =	sadd.s32 $0x100, s31;
	[sflag:s19] =	ssyncadd.s32 $0xFFFFC000  }
0x6a: {  	[tilespmem:s18], [sflag:$0x1] =	stream.indirect.gather [hbm4b:s4+s22], $0x80, s8, s22, $0xb8;
	[tilespmem:$0x1E800] =	vst v63  }
0x6b: {  	_ =	swait.ge [sflag:s21], $0x4000  }
0x6c: {  	[sflag:s21] =	ssyncset.done $0x0  }
0x6d: {  	s5 =	sadd.s32 $0x1480, s31;
	[sflag:s21] =	ssyncadd.s32 $0xFFFFC000  }
0x6e: {  	[spmem:s2] =	stream.indirect.scatter.add.f32 [tilespmem:s23], [sflag:$0x3], $0x80, s5, s22, $0xb8;
	[tilespmem:$0x1E800] =	vst v63  }
0x6f: {  	_ =	swait.ge [sflag:s19], $0x4000  }
0x70: {  	[sflag:s19] =	ssyncset.done $0x0  }
0x71: {  	[sflag:s19] =	ssyncadd.s32 $0xFFFFC000  }
0x72: {  	[tilespmem:s23], [sflag:$0x2] =	stream.indirect.gather [hbm4b:s4+s22], $0x80, s26, s22, $0xb8;
	[tilespmem:$0x1E800] =	vst v63  }
0x73: {  	_ =	swait.ge [sflag:s20], $0x4000  }
0x74: {  	[sflag:s20] =	ssyncset.done $0x0  }
0x75: {  	[sflag:s20] =	ssyncadd.s32 $0xFFFFC000  }
0x76: {  	[spmem:s2] =	stream.indirect.scatter.add.f32 [tilespmem:s18], [sflag:$0x3], $0x80, s28, s22, $0xb8;
	[tilespmem:$0x1E800] =	vst v63  }
0x77: {  	_ =	swait.ge [sflag:s19], $0x4000  }
0x78: {  	[sflag:s19] =	ssyncset.done $0x0  }
0x79: {  	[sflag:s19] =	ssyncadd.s32 $0xFFFFC000  }
0x7a: {  	_ =	swait.ge [sflag:s21], $0x4000  }
0x7b: {  	[sflag:s21] =	ssyncset.done $0x0  }
0x7c: {  	[sflag:s21] =	ssyncadd.s32 $0xFFFFC000  }
0x7d: {  	[spmem:s2] =	stream.indirect.scatter.add.f32 [tilespmem:s23], [sflag:$0x3], $0x80, s29, s22, $0xb8;
	[tilespmem:$0x1E800] =	vst v63  }
0x7e: {  	_ =	swait.ge [sflag:s19], $0x4000  }
0x7f: {  	[sflag:s19] =	ssyncset.done $0x0  }
0x80: {  	s6 =	simm.s32 $0x0;
	[sflag:s19] =	ssyncadd.s32 $0xFFFFC000  }
0x81: {  	[tilespmem:s6], [sflag:$0x3] =	stream.linear.gather [hbm4b:s12+s6], $0x1400, $0x38;
	[tilespmem:$0x1E800] =	vst v63  }
0x82: {  	_ =	swait.ge [sflag:s19], $0x1400  }
0x83: {  	[sflag:s19] =	ssyncset.done $0x0  }
0x84: {  	[sflag:s19] =	ssyncadd.s32 $0xFFFFEC00  }
0x85: {  	[tilespmem:s17], [sflag:$0x3] =	stream.linear.gather [hbm4b:s13+s6], $0x1400, $0x38;
	[tilespmem:$0x1E800] =	vst v63  }
0x86: {  	_ =	swait.ge [sflag:s19], $0x1400  }
0x87: {  	[sflag:s19] =	ssyncset.done $0x0  }
0x88: {  	[sflag:s19] =	ssyncadd.s32 $0xFFFFEC00  }
0x89: {  	[tilespmem:s18], [sflag:$0x1] =	stream.indirect.gather [hbm4b:s4+s22], $0x80, s6, s22, $0xb8;
	[tilespmem:$0x1E800] =	vst v63  }
0x8a: {  	s8 =	simm.s32 $0x80  }
0x8b: {  	[tilespmem:s23], [sflag:$0x2] =	stream.indirect.gather [hbm4b:s4+s22], $0x80, s8, s22, $0xb8;
	[tilespmem:$0x1E800] =	vst v63  }
0x8c: {  	_ =	swait.ge [sflag:s20], $0x4000  }
0x8d: {  	[sflag:s20] =	ssyncset.done $0x0  }
0x8e: {  	s5 =	simm.s32 $0x1400;
	[sflag:s20] =	ssyncadd.s32 $0xFFFFC000  }
0x8f: {  	[spmem:s2] =	stream.indirect.scatter.add.f32 [tilespmem:s18], [sflag:$0x3], $0x80, s5, s22, $0xb8;
	[tilespmem:$0x1E800] =	vst v63  }
0x90: {  	_ =	swait.ge [sflag:s19], $0x4000  }
0x91: {  	[sflag:s19] =	ssyncset.done $0x0  }
0x92: {  	s6 =	simm.s32 $0x100;
	[sflag:s19] =	ssyncadd.s32 $0xFFFFC000  }
0x93: {  	[tilespmem:s18], [sflag:$0x1] =	stream.indirect.gather [hbm4b:s4+s22], $0x80, s6, s22, $0xb8;
	[tilespmem:$0x1E800] =	vst v63  }
0x94: {  	_ =	swait.ge [sflag:s21], $0x4000  }
0x95: {  	[sflag:s21] =	ssyncset.done $0x0  }
0x96: {  	s8 =	simm.s32 $0x1480;
	[sflag:s21] =	ssyncadd.s32 $0xFFFFC000  }
0x97: {  	[spmem:s2] =	stream.indirect.scatter.add.f32 [tilespmem:s23], [sflag:$0x3], $0x80, s8, s22, $0xb8;
	[tilespmem:$0x1E800] =	vst v63  }
0x98: {  	_ =	swait.ge [sflag:s19], $0x4000  }
0x99: {  	s31 =	simm.s32 $0x100;
	s0 =	simm.s32 $0x800;
	[sflag:s19] =	ssyncset.done $0x0  }
.LBB2_6:
0x9a: {  	s5 =	sadd.s32 $0x80, s31  }
0x9b: {  	[sflag:s19] =	ssyncadd.s32 $0xFFFFC000;
	s6 =	smov.u32 s0;
	s8 =	sadd.s32 $0x400, s0  }
0x9c: {  	[tilespmem:s23], [sflag:$0x2] =	stream.indirect.gather [hbm4b:s4+s22], $0x80, s5, s22, $0xb8;
	[tilespmem:$0x1E800] =	vst v63  }
0x9d: {  	p1 =	sne.s32 s0, $0x4800;
	_ =	swait.ge [sflag:s20], $0x4000  }
0x9e: {  	[sflag:s20] =	ssyncset.done $0x0  }
0x9f: {  	s0 =	sadd.s32 $0x1400, s31;
	[sflag:s20] =	ssyncadd.s32 $0xFFFFC000  }
0xa0: {  	[spmem:s2] =	stream.indirect.scatter.add.f32 [tilespmem:s18], [sflag:$0x3], $0x80, s0, s22, $0xb8;
	[tilespmem:$0x1E800] =	vst v63  }
0xa1: {  	_ =	swait.ge [sflag:s19], $0x4000  }
0xa2: {  	[sflag:s19] =	ssyncset.done $0x0  }
0xa3: {  	s0 =	sadd.s32 $0x100, s31;
	[sflag:s19] =	ssyncadd.s32 $0xFFFFC000  }
0xa4: {  	[tilespmem:s18], [sflag:$0x1] =	stream.indirect.gather [hbm4b:s4+s22], $0x80, s0, s22, $0xb8;
	[tilespmem:$0x1E800] =	vst v63  }
0xa5: {  	_ =	swait.ge [sflag:s21], $0x4000  }
.Ltmp2:
0xa6: {  	[sflag:s21] =	ssyncset.done $0x0;
	(pc) =	sbr.rel @p1 .LBB2_6-.Ltmp2, $4  }
0xa7: {  	s0 =	sadd.s32 $0x1480, s31;
	[sflag:s21] =	ssyncadd.s32 $0xFFFFC000  }
0xa8: {  	[spmem:s2] =	stream.indirect.scatter.add.f32 [tilespmem:s23], [sflag:$0x3], $0x80, s0, s22, $0xb8;
	[tilespmem:$0x1E800] =	vst v63  }
0xa9: {  	_ =	swait.ge [sflag:s19], $0x4000  }
0xaa: {  	s31 =	sshra.s32 s6, $0x2;
	s0 =	smov.u32 s8;
	[sflag:s19] =	ssyncset.done $0x0  }
0xab: {  	s0 =	sadd.s32 $0x80, s31;
	[sflag:s19] =	ssyncadd.s32 $0xFFFFC000  }
0xac: {  	[tilespmem:s23], [sflag:$0x2] =	stream.indirect.gather [hbm4b:s4+s22], $0x80, s0, s22, $0xb8;
	[tilespmem:$0x1E800] =	vst v63  }
0xad: {  	_ =	swait.ge [sflag:s20], $0x4000  }
0xae: {  	[sflag:s20] =	ssyncset.done $0x0  }
0xaf: {  	s6 =	sadd.s32 $0x1400, s31;
	[sflag:s20] =	ssyncadd.s32 $0xFFFFC000  }
0xb0: {  	[spmem:s2] =	stream.indirect.scatter.add.f32 [tilespmem:s18], [sflag:$0x3], $0x80, s6, s22, $0xb8;
	[tilespmem:$0x1E800] =	vst v63  }
0xb1: {  	_ =	swait.ge [sflag:s19], $0x4000  }
0xb2: {  	[sflag:s19] =	ssyncset.done $0x0  }
0xb3: {  	s8 =	sadd.s32 $0x100, s31;
	[sflag:s19] =	ssyncadd.s32 $0xFFFFC000  }
0xb4: {  	[tilespmem:s18], [sflag:$0x1] =	stream.indirect.gather [hbm4b:s4+s22], $0x80, s8, s22, $0xb8;
	[tilespmem:$0x1E800] =	vst v63  }
0xb5: {  	_ =	swait.ge [sflag:s21], $0x4000  }
0xb6: {  	[sflag:s21] =	ssyncset.done $0x0  }
0xb7: {  	s31 =	sadd.s32 $0x1480, s31;
	[sflag:s21] =	ssyncadd.s32 $0xFFFFC000  }
0xb8: {  	[spmem:s2] =	stream.indirect.scatter.add.f32 [tilespmem:s23], [sflag:$0x3], $0x80, s31, s22, $0xb8;
	[tilespmem:$0x1E800] =	vst v63  }
0xb9: {  	_ =	swait.ge [sflag:s19], $0x4000  }
0xba: {  	[sflag:s19] =	ssyncset.done $0x0  }
0xbb: {  	[sflag:s19] =	ssyncadd.s32 $0xFFFFC000  }
0xbc: {  	[tilespmem:s23], [sflag:$0x2] =	stream.indirect.gather [hbm4b:s4+s22], $0x80, s26, s22, $0xb8;
	[tilespmem:$0x1E800] =	vst v63  }
0xbd: {  	_ =	swait.ge [sflag:s20], $0x4000  }
0xbe: {  	[sflag:s20] =	ssyncset.done $0x0  }
0xbf: {  	[sflag:s20] =	ssyncadd.s32 $0xFFFFC000  }
0xc0: {  	[spmem:s2] =	stream.indirect.scatter.add.f32 [tilespmem:s18], [sflag:$0x3], $0x80, s28, s22, $0xb8;
	[tilespmem:$0x1E800] =	vst v63  }
0xc1: {  	_ =	swait.ge [sflag:s19], $0x4000  }
0xc2: {  	[sflag:s19] =	ssyncset.done $0x0  }
0xc3: {  	[sflag:s19] =	ssyncadd.s32 $0xFFFFC000  }
0xc4: {  	_ =	swait.ge [sflag:s21], $0x4000  }
0xc5: {  	[sflag:s21] =	ssyncset.done $0x0  }
0xc6: {  	[sflag:s21] =	ssyncadd.s32 $0xFFFFC000  }
0xc7: {  	[spmem:s2] =	stream.indirect.scatter.add.f32 [tilespmem:s23], [sflag:$0x3], $0x80, s29, s22, $0xb8;
	[tilespmem:$0x1E800] =	vst v63  }
0xc8: {  	_ =	swait.ge [sflag:s19], $0x4000  }
0xc9: {  	[sflag:s19] =	ssyncset.done $0x0  }
0xca: {  	s0 =	sshll.u32 @p0 s1, $0x6;
	[sflag:s19] =	ssyncadd.s32 $0xFFFFC000  }
0xcb: {  	s0 =	sor.u32 @p0 $0x1C03, s0;
	[bflag:$0x0] =	sbarrier.arrive $0xFFFF  }
0xcc: {  	[hbm:s14], [sflag:s0] =	dma.local @p0 [spmem:s24], $0x2400  }
0xcd: {  	s0 =	simm.s32 @p0 $0x3  }
0xce: {  	_ =	swait.ge @p0 [sflag:s0], $0x2400  }
0xcf: {  	s5 =	sshll.u32 @!p0 s1, $0x6;
	s30 =	sadd.s32 $0x1, s30;
	[sflag:s0] =	ssyncset.done @p0 $0x0  }
0xd0: {  	p1 =	sne.s32 s30, s16;
	[sflag:s0] =	ssyncadd.s32 @p0 $0xFFFFDC00;
	s0 =	sor.u32 @!p0 $0x1C03, s5  }
0xd1: {  	[hbm:s15], [sflag:s0] =	dma.local @!p0 [spmem:s25], $0x2780  }
.Ltmp3:
0xd2: {  	_ = 	snop;
	(pc) =	sbr.rel @p1 .LBB2_1-.Ltmp3, $4  }
0xd3: {  	s0 =	simm.s32 @!p0 $0x3  }
0xd4: {  	_ =	swait.ge @!p0 [sflag:s0], $0x2780  }
0xd5: {  	[sflag:s0] =	ssyncset.done @!p0 $0x0  }
0xd6: {  	[sflag:s0] =	ssyncadd.s32 @!p0 $0xFFFFD880  }
0xd7: {  	_ =	sfence.sel $0x180000  }
0xd8: {  	[bflag:$0x0] =	sbarrier.arrive $0xFFFF  }
0xd9: {  	_ =	strace $0x90000050  }
0xda: {  	[bflag:$0x2] =	sbarrier.arrive $0xFFFF  }
0xdb: {  	p0 =	sne.s32 s1, $0x0;
	s0 =	rddreg [dreg:$0x2]  }
0xdc: {  	s0 =	sadd.s32 @!p0 $0x100000, s0  }
0xdd: {  	[sflag:s0] =	ssyncadd.tile.s32 @!p0 $0x1;
	_ =	shalt  }
.Lfunc_end2:
_tile_overlayer_lowered:
.L_overlay_start_2:
0xde: {  	(tag) =	ssettag $0x2  }
0xdf: {  	s0 =	rddreg [dreg:$0x0];
	s2 =	stileid.u32  }
0xe0: {  	s1 =	rddreg [dreg:$0x1];
	p0 =	sne.s32 s2, $0x0  }
0xe1: {  	s3 =	rddreg [dreg:$0x2];
	[bflag:$0x3] =	sbarrier.arrive $0xFFFF;
	s2 =	simm.s32 @!p0 $0x1C03  }
0xe2: {  	[timem:s3], [sflag:s2] =	dma.local @!p0 [hbm:s0], s1  }
0xe3: {  	s0 =	simm.s32 @!p0 $0x3  }
0xe4: {  	_ =	swait.ge @!p0 [sflag:s0], s1  }
0xe5: {  	s1 =	ssub.s32 @!p0 $0x0, s1;
	[sflag:s0] =	ssyncset.done @!p0 $0x0  }
0xe6: {  	[sflag:s0] =	ssyncadd.s32 @!p0 s1  }
0xe7: {  	[bflag:$0x3] =	sbarrier.arrive $0xFFFF  }
0xe8: {  	_ =	shalt  }

</sc_bundles>
